<compile_context>
chip_gen: v7x
topology: tpu7x:2x2x1
jax: 0.10.2.dev20260603
libtpu: 0.0.44.dev20260713+nightly
codegen_flags: <defaults>
</compile_context>

<pallas_src>
import functools

import jax
import jax.numpy as jnp
from jax import lax
from jax.experimental import pallas as pl
from jax.experimental.pallas import tpu as pltpu
from jax.experimental.pallas import tpu_sc as plsc

F32 = jnp.float32
W = 160
WG = 256
WS = 128
NB = 1000
EB = 4000
EIB = 4000
CH = 80
NCHUNK = 125


def _dot(a, b):
    return jnp.dot(a, b, preferred_element_type=F32)


def _ln(s, g, b):
    mu = jnp.mean(s, axis=1, keepdims=True)
    var = jnp.mean(jnp.square(s - mu), axis=1, keepdims=True)
    return (s - mu) / jnp.sqrt(var + 1e-5) * g + b


def _vnorm3(hx, hy, hz):
    return jnp.sqrt(jnp.clip(hx * hx + hy * hy + hz * hz, 1e-8, None))


def _vln_v(vx, vy, vz):
    vsq = jnp.clip(vx * vx + vy * vy + vz * vz, 1e-8, None)
    den = jnp.sqrt(jnp.mean(vsq, axis=1, keepdims=True))
    return vx / den, vy / den, vz / den


def _pack_rows(row):
    u = lax.bitcast_convert_type(row, jnp.uint32) + jnp.uint32(0x8000)
    return (u[:, 0:128] >> 16) | (u[:, 128:256] & jnp.uint32(0xFFFF0000))


def _unpack_rows(w):
    lo = lax.bitcast_convert_type(w << 16, F32)
    hi = lax.bitcast_convert_type(w & jnp.uint32(0xFFFF0000), F32)
    return lo, hi


def _node_init_body(s6_ref, v9_ref, g_ref, b_ref, whT_ref, wsTs_ref, wsTv_ref,
                    bs_ref, wvT_ref, wsvT_ref, bsv_ref, asrc_ref, adst_ref,
                    sv_ref, ts_ref):
    s = s6_ref[...]
    vx, vy, vz = v9_ref[:, 0:3], v9_ref[:, 3:6], v9_ref[:, 6:9]
    s = _ln(s, g_ref[...], b_ref[...])
    vx, vy, vz = _vln_v(vx, vy, vz)
    whT = whT_ref[...]
    hx, hy, hz = _dot(vx, whT), _dot(vy, whT), _dot(vz, whT)
    vn = _vnorm3(hx, hy, hz)
    spre = _dot(s, wsTs_ref[...]) + _dot(vn, wsTv_ref[...]) + bs_ref[...]
    gate = jax.nn.sigmoid(_dot(spre, wsvT_ref[...]) + bsv_ref[...])
    wvT = wvT_ref[...]
    ox, oy, oz = _dot(hx, wvT) * gate, _dot(hy, wvT) * gate, _dot(hz, wvT) * gate
    zpad = jnp.zeros((spre.shape[0], W - 148), F32)
    sv_ref[...] = jnp.concatenate([spre, ox, oy, oz, zpad], axis=1)
    gpad = jnp.zeros((spre.shape[0], WG - 248), F32)
    ts_ref[...] = _pack_rows(jnp.concatenate(
        [_dot(spre, asrc_ref[...]), _dot(spre, adst_ref[...]), ox, oy, oz, gpad],
        axis=1))


def _edge_init_body(es_ref, ev_ref, g_ref, b_ref, wh_ref, wsTs_ref, wsTv_ref,
                    bs_ref, wv_ref, wsvT_ref, bsv_ref, ef_ref):
    s = _ln(es_ref[...], g_ref[...], b_ref[...])
    vx, vy, vz = ev_ref[:, 0:1], ev_ref[:, 1:2], ev_ref[:, 2:3]
    vx, vy, vz = _vln_v(vx, vy, vz)
    wh00 = wh_ref[0, 0]
    hx, hy, hz = vx * wh00, vy * wh00, vz * wh00
    vn = _vnorm3(hx, hy, hz)
    spre = _dot(s, wsTs_ref[...]) + vn * wsTv_ref[...] + bs_ref[...]
    gate = jax.nn.sigmoid(_dot(spre, wsvT_ref[...]) + bsv_ref[...])
    wv00 = wv_ref[0, 0]
    ox, oy, oz = hx * wv00 * gate, hy * wv00 * gate, hz * wv00 * gate
    zpad = jnp.zeros((spre.shape[0], 5), F32)
    ef_ref[...] = jnp.concatenate([spre, ox, oy, oz, zpad], axis=1)


def _edge_layer_body(gs_ref, gd_ref, ef_ref,
                     wh0T_ref, wes_ref, wvn_ref, b0_ref, wv0T_ref, wsv0T_ref, bsv0_ref,
                     wh1T_ref, ws1T_ref, b1_ref, wv1T_ref, wsv1T_ref, bsv1_ref,
                     wh2T_ref, ws2T_ref, b2_ref, wv2T_ref, wsv2T_ref, bsv2_ref,
                     msgs_ref, msgv_ref):
    glo_s, ghi_s = _unpack_rows(gs_ref[...])
    glo_d, ghi_d = _unpack_rows(gd_ref[...])
    ef = ef_ref[...]
    ps = glo_s[:, 0:100]
    pd = jnp.concatenate([glo_d[:, 100:128], ghi_d[:, 0:72]], axis=1)
    vsx, vsy, vsz = ghi_s[:, 72:88], ghi_s[:, 88:104], ghi_s[:, 104:120]
    vdx, vdy, vdz = ghi_d[:, 72:88], ghi_d[:, 88:104], ghi_d[:, 104:120]
    es = ef[:, 0:32]
    evx, evy, evz = ef[:, 32:33], ef[:, 33:34], ef[:, 34:35]
    wh0T = wh0T_ref[...]
    a, bb, c = wh0T[0:16, :], wh0T[16:17, :], wh0T[17:33, :]
    hx = _dot(vsx, a) + _dot(evx, bb) + _dot(vdx, c)
    hy = _dot(vsy, a) + _dot(evy, bb) + _dot(vdy, c)
    hz = _dot(vsz, a) + _dot(evz, bb) + _dot(vdz, c)
    vn = _vnorm3(hx, hy, hz)
    s0 = ps + pd + _dot(es, wes_ref[...]) + _dot(vn, wvn_ref[...]) + b0_ref[...]
    g0 = jax.nn.sigmoid(_dot(s0, wsv0T_ref[...]) + bsv0_ref[...])
    wv0T = wv0T_ref[...]
    ux, uy, uz = _dot(hx, wv0T) * g0, _dot(hy, wv0T) * g0, _dot(hz, wv0T) * g0
    m = jax.nn.relu(s0)
    wh1T = wh1T_ref[...]
    hx, hy, hz = _dot(ux, wh1T), _dot(uy, wh1T), _dot(uz, wh1T)
    vn = _vnorm3(hx, hy, hz)
    ws1T = ws1T_ref[...]
    s1 = _dot(m, ws1T[0:100, :]) + _dot(vn, ws1T[100:116, :]) + b1_ref[...]
    g1 = jax.nn.sigmoid(_dot(s1, wsv1T_ref[...]) + bsv1_ref[...])
    wv1T = wv1T_ref[...]
    ux, uy, uz = _dot(hx, wv1T) * g1, _dot(hy, wv1T) * g1, _dot(hz, wv1T) * g1
    m = jax.nn.relu(s1)
    wh2T = wh2T_ref[...]
    hx, hy, hz = _dot(ux, wh2T), _dot(uy, wh2T), _dot(uz, wh2T)
    vn = _vnorm3(hx, hy, hz)
    ws2T = ws2T_ref[...]
    s2 = _dot(m, ws2T[0:100, :]) + _dot(vn, ws2T[100:116, :]) + b2_ref[...]
    g2 = jax.nn.sigmoid(_dot(s2, wsv2T_ref[...]) + bsv2_ref[...])
    wv2T = wv2T_ref[...]
    ux, uy, uz = _dot(hx, wv2T) * g2, _dot(hy, wv2T) * g2, _dot(hz, wv2T) * g2
    n = s2.shape[0]
    msgs_ref[...] = jnp.concatenate(
        [s2, jnp.ones((n, 1), F32), jnp.zeros((n, 27), F32)], axis=1)
    msgv_ref[...] = jnp.concatenate(
        [ux, uy, uz, jnp.zeros((n, 80), F32)], axis=1)


def _node_update_math(parts, partv, sv, g0_ref, c0_ref,
                      fwh0T_ref, fws0Ts_ref, fws0Tv_ref, fb0_ref, fwv0T_ref,
                      fwsv0T_ref, fbsv0_ref,
                      fwh1T_ref, fws1Ts_ref, fws1Tv_ref, fb1_ref, fwv1T_ref,
                      fwsv1T_ref, fbsv1_ref, g1_ref, c1_ref):
    aggs = parts[0] + parts[1]
    aggv = partv[0] + partv[1]
    cnt = jnp.clip(aggs[:, 100:101], 1.0, None)
    s = sv[:, 0:100] + aggs[:, 0:100] / cnt
    vx = sv[:, 100:116] + aggv[:, 0:16] / cnt
    vy = sv[:, 116:132] + aggv[:, 16:32] / cnt
    vz = sv[:, 132:148] + aggv[:, 32:48] / cnt
    s = _ln(s, g0_ref[...], c0_ref[...])
    vx, vy, vz = _vln_v(vx, vy, vz)
    fwh0T = fwh0T_ref[...]
    hx, hy, hz = _dot(vx, fwh0T), _dot(vy, fwh0T), _dot(vz, fwh0T)
    vn = _vnorm3(hx, hy, hz)
    f0 = _dot(s, fws0Ts_ref[...]) + _dot(vn, fws0Tv_ref[...]) + fb0_ref[...]
    gate = jax.nn.sigmoid(_dot(f0, fwsv0T_ref[...]) + fbsv0_ref[...])
    fwv0T = fwv0T_ref[...]
    cx, cy, cz = _dot(hx, fwv0T) * gate, _dot(hy, fwv0T) * gate, _dot(hz, fwv0T) * gate
    f0 = jax.nn.relu(f0)
    fwh1T = fwh1T_ref[...]
    hx, hy, hz = _dot(cx, fwh1T), _dot(cy, fwh1T), _dot(cz, fwh1T)
    vn = _vnorm3(hx, hy, hz)
    f1 = _dot(f0, fws1Ts_ref[...]) + _dot(vn, fws1Tv_ref[...]) + fb1_ref[...]
    gate = jax.nn.sigmoid(_dot(f1, fwsv1T_ref[...]) + fbsv1_ref[...])
    fwv1T = fwv1T_ref[...]
    dx, dy, dz = _dot(hx, fwv1T) * gate, _dot(hy, fwv1T) * gate, _dot(hz, fwv1T) * gate
    s = _ln(s + f1, g1_ref[...], c1_ref[...])
    vx, vy, vz = _vln_v(vx + dx, vy + dy, vz + dz)
    return s, vx, vy, vz


def _node_update_body(parts_ref, partv_ref, sv_ref, g0_ref, c0_ref,
                      fwh0T_ref, fws0Ts_ref, fws0Tv_ref, fb0_ref, fwv0T_ref,
                      fwsv0T_ref, fbsv0_ref,
                      fwh1T_ref, fws1Ts_ref, fws1Tv_ref, fb1_ref, fwv1T_ref,
                      fwsv1T_ref, fbsv1_ref, g1_ref, c1_ref,
                      asrc_ref, adst_ref, sv2_ref, ts_ref):
    s, vx, vy, vz = _node_update_math(
        parts_ref[...], partv_ref[...], sv_ref[...], g0_ref, c0_ref,
        fwh0T_ref, fws0Ts_ref, fws0Tv_ref, fb0_ref, fwv0T_ref, fwsv0T_ref,
        fbsv0_ref, fwh1T_ref, fws1Ts_ref, fws1Tv_ref, fb1_ref, fwv1T_ref,
        fwsv1T_ref, fbsv1_ref, g1_ref, c1_ref)
    zpad = jnp.zeros((s.shape[0], W - 148), F32)
    sv2_ref[...] = jnp.concatenate([s, vx, vy, vz, zpad], axis=1)
    gpad = jnp.zeros((s.shape[0], WG - 248), F32)
    ts_ref[...] = _pack_rows(jnp.concatenate(
        [_dot(s, asrc_ref[...]), _dot(s, adst_ref[...]), vx, vy, vz, gpad], axis=1))


def _node_final_body(parts_ref, partv_ref, sv_ref, g0_ref, c0_ref,
                     fwh0T_ref, fws0Ts_ref, fws0Tv_ref, fb0_ref, fwv0T_ref,
                     fwsv0T_ref, fbsv0_ref,
                     fwh1T_ref, fws1Ts_ref, fws1Tv_ref, fb1_ref, fwv1T_ref,
                     fwsv1T_ref, fbsv1_ref, g1_ref, c1_ref,
                     og_ref, oc_ref, owhT_ref, owsTs_ref, owsTv_ref, ob_ref,
                     dwT_ref, db_ref, out_ref):
    s, vx, vy, vz = _node_update_math(
        parts_ref[...], partv_ref[...], sv_ref[...], g0_ref, c0_ref,
        fwh0T_ref, fws0Ts_ref, fws0Tv_ref, fb0_ref, fwv0T_ref, fwsv0T_ref,
        fbsv0_ref, fwh1T_ref, fws1Ts_ref, fws1Tv_ref, fb1_ref, fwv1T_ref,
        fwsv1T_ref, fbsv1_ref, g1_ref, c1_ref)
    s = _ln(s, og_ref[...], oc_ref[...])
    vx, vy, vz = _vln_v(vx, vy, vz)
    owhT = owhT_ref[...]
    hx, hy, hz = _dot(vx, owhT), _dot(vy, owhT), _dot(vz, owhT)
    vn = _vnorm3(hx, hy, hz)
    s = jax.nn.relu(_dot(s, owsTs_ref[...]) + _dot(vn, owsTv_ref[...]) + ob_ref[...])
    out_ref[...] = jax.nn.relu(_dot(s, dwT_ref[...]) + db_ref[...])


def _sc_gather(ts, src3d, dst3d):
    n_edges = src3d.shape[0] * src3d.shape[1] * src3d.shape[2]
    per_w = NCHUNK * CH
    mesh = plsc.VectorSubcoreMesh(core_axis_name="c", subcore_axis_name="s")

    @functools.partial(
        pl.kernel,
        out_type=[jax.ShapeDtypeStruct((n_edges, WG // 2), jnp.uint32),
                  jax.ShapeDtypeStruct((n_edges, WG // 2), jnp.uint32)],
        mesh=mesh,
        scratch_types=[pltpu.VMEM((NCHUNK, CH), jnp.int32),
                       pltpu.VMEM((NCHUNK, CH), jnp.int32),
                       pltpu.VMEM((CH, WG // 2), jnp.uint32),
                       pltpu.VMEM((CH, WG // 2), jnp.uint32),
                       pltpu.SemaphoreType.DMA,
                       pltpu.SemaphoreType.DMA],
    )
    def k(ts_hbm, src_hbm, dst_hbm, gs_hbm, gd_hbm,
          isrc, idst, bufs, bufd, sems, semd):
        wid = lax.axis_index("s") * 2 + lax.axis_index("c")
        base = wid * per_w
        pltpu.sync_copy(src_hbm.at[wid], isrc)
        pltpu.sync_copy(dst_hbm.at[wid], idst)

        @pl.loop(0, NCHUNK)
        def _(j):
            cs = pltpu.async_copy(ts_hbm.at[isrc.at[j]], bufs, sems)
            cd = pltpu.async_copy(ts_hbm.at[idst.at[j]], bufd, semd)
            cs.wait()
            pltpu.sync_copy(bufs, gs_hbm.at[pl.ds(base + j * CH, CH)])
            cd.wait()
            pltpu.sync_copy(bufd, gd_hbm.at[pl.ds(base + j * CH, CH)])

    return k(ts, src3d, dst3d)


def _sc_scatter(msgs, msgv, dst3d, zeros):
    n_nodes = zeros.shape[0]
    per_w = NCHUNK * CH
    rows_per_tile = n_nodes // 10
    mesh = plsc.VectorSubcoreMesh(core_axis_name="c", subcore_axis_name="s")

    @functools.partial(
        pl.kernel,
        out_type=[jax.ShapeDtypeStruct((2, n_nodes, WS), F32),
                  jax.ShapeDtypeStruct((2, n_nodes, WS), F32)],
        mesh=mesh,
        scratch_types=[pltpu.VMEM((NCHUNK, CH), jnp.int32),
                       pltpu.VMEM((CH, WS), F32),
                       pltpu.VMEM_SHARED((n_nodes, WS), F32),
                       pltpu.SemaphoreType.DMA],
    )
    def k(msgs_hbm, msgv_hbm, dst_hbm, zero_hbm, outs_hbm, outv_hbm,
          idxv, mbuf, accum, sem):
        cid = lax.axis_index("c")
        sid = lax.axis_index("s")
        wid = sid * 2 + cid
        rows = pl.ds(sid * rows_per_tile, rows_per_tile)

        @pl.when(sid < 10)
        def _():
            pltpu.sync_copy(zero_hbm.at[rows], accum.at[rows])

        plsc.subcore_barrier()
        pltpu.sync_copy(dst_hbm.at[wid], idxv)

        @pl.loop(0, NCHUNK)
        def _(j):
            pltpu.sync_copy(msgs_hbm.at[pl.ds(wid * per_w + j * CH, CH)], mbuf)
            pltpu.sync_copy(mbuf, accum.at[idxv.at[j]], add=True)

        plsc.subcore_barrier()

        @pl.when(sid < 10)
        def _():
            pltpu.sync_copy(accum.at[rows], outs_hbm.at[cid].at[rows])
            pltpu.sync_copy(zero_hbm.at[rows], accum.at[rows])

        plsc.subcore_barrier()

        @pl.loop(0, NCHUNK)
        def _(j):
            pltpu.sync_copy(msgv_hbm.at[pl.ds(wid * per_w + j * CH, CH)], mbuf)
            pltpu.sync_copy(mbuf, accum.at[idxv.at[j]], add=True)

        plsc.subcore_barrier()

        @pl.when(sid < 10)
        def _():
            pltpu.sync_copy(accum.at[rows], outv_hbm.at[cid].at[rows])

    return k(msgs, msgv, dst3d, zeros)


def _t(p):
    return jnp.asarray(p, F32).T


def _row(p):
    return jnp.asarray(p, F32).reshape(1, -1)


def _full(shape):
    return pl.BlockSpec(shape, lambda i: tuple(0 for _ in shape))


def kernel(h_V_s, h_V_v, edge_index, h_E_s, h_E_v, params):
    n = h_V_s.shape[0]
    e = h_E_s.shape[0]
    src3d = edge_index[0].astype(jnp.int32).reshape(32, NCHUNK, CH)
    dst3d = edge_index[1].astype(jnp.int32).reshape(32, NCHUNK, CH)
    v9 = jnp.swapaxes(h_V_v, 1, 2).reshape(n, 9)
    ev3 = h_E_v.reshape(e, 3)
    zeros = jnp.zeros((n, WS), F32)
    L0 = params['layers'][0]

    gvp = params['Wv_gvp']
    wsT = _t(gvp['ws']['w'])
    sv, ts = pl.pallas_call(
        _node_init_body,
        grid=(n // NB,),
        out_shape=[jax.ShapeDtypeStruct((n, W), F32),
                   jax.ShapeDtypeStruct((n, WG // 2), jnp.uint32)],
        in_specs=[
            pl.BlockSpec((NB, 6), lambda i: (i, 0)),
            pl.BlockSpec((NB, 9), lambda i: (i, 0)),
            _full((1, 6)), _full((1, 6)),
            _full((3, 16)),
            _full((6, 100)), _full((16, 100)), _full((1, 100)),
            _full((16, 16)), _full((100, 16)), _full((1, 16)),
            _full((100, 100)), _full((100, 100)),
        ],
        out_specs=[pl.BlockSpec((NB, W), lambda i: (i, 0)),
                   pl.BlockSpec((NB, WG // 2), lambda i: (i, 0))],
    )(h_V_s.astype(F32), v9.astype(F32),
      _row(params['Wv_ln']['g']), _row(params['Wv_ln']['b']),
      _t(gvp['wh']), wsT[0:6, :], wsT[6:22, :], _row(gvp['ws']['b']),
      _t(gvp['wv']), _t(gvp['wsv']['w']), _row(gvp['wsv']['b']),
      _t(L0['msg0']['ws']['w'][:, 0:100]), _t(L0['msg0']['ws']['w'][:, 132:232]))

    gvp = params['We_gvp']
    wsT = _t(gvp['ws']['w'])
    ef = pl.pallas_call(
        _edge_init_body,
        grid=(e // EIB,),
        out_shape=jax.ShapeDtypeStruct((e, 40), F32),
        in_specs=[
            pl.BlockSpec((EIB, 32), lambda i: (i, 0)),
            pl.BlockSpec((EIB, 3), lambda i: (i, 0)),
            _full((1, 32)), _full((1, 32)),
            _full((1, 1)),
            _full((32, 32)), _full((1, 32)), _full((1, 32)),
            _full((1, 1)), _full((32, 1)), _full((1, 1)),
        ],
        out_specs=pl.BlockSpec((EIB, 40), lambda i: (i, 0)),
    )(h_E_s.astype(F32), ev3.astype(F32),
      _row(params['We_ln']['g']), _row(params['We_ln']['b']),
      jnp.asarray(gvp['wh'], F32), wsT[0:32, :], wsT[32:33, :],
      _row(gvp['ws']['b']), jnp.asarray(gvp['wv'], F32),
      _t(gvp['wsv']['w']), _row(gvp['wsv']['b']))

    for li, L in enumerate(params['layers']):
        gs, gd = _sc_gather(ts, src3d, dst3d)

        w0 = _t(L['msg0']['ws']['w'])
        msgs, msgv = pl.pallas_call(
            _edge_layer_body,
            grid=(e // EB,),
            out_shape=[jax.ShapeDtypeStruct((e, WS), F32)] * 2,
            in_specs=[
                pl.BlockSpec((EB, WG // 2), lambda i: (i, 0)),
                pl.BlockSpec((EB, WG // 2), lambda i: (i, 0)),
                pl.BlockSpec((EB, 40), lambda i: (i, 0)),
                _full((33, 33)), _full((32, 100)), _full((33, 100)),
                _full((1, 100)), _full((33, 16)), _full((100, 16)), _full((1, 16)),
                _full((16, 16)), _full((116, 100)), _full((1, 100)),
                _full((16, 16)), _full((100, 16)), _full((1, 16)),
                _full((16, 16)), _full((116, 100)), _full((1, 100)),
                _full((16, 16)), _full((100, 16)), _full((1, 16)),
            ],
            out_specs=[pl.BlockSpec((EB, WS), lambda i: (i, 0))] * 2,
        )(gs, gd, ef,
          _t(L['msg0']['wh']), w0[100:132, :], w0[232:265, :],
          _row(L['msg0']['ws']['b']), _t(L['msg0']['wv']),
          _t(L['msg0']['wsv']['w']), _row(L['msg0']['wsv']['b']),
          _t(L['msg1']['wh']), _t(L['msg1']['ws']['w']), _row(L['msg1']['ws']['b']),
          _t(L['msg1']['wv']), _t(L['msg1']['wsv']['w']), _row(L['msg1']['wsv']['b']),
          _t(L['msg2']['wh']), _t(L['msg2']['ws']['w']), _row(L['msg2']['ws']['b']),
          _t(L['msg2']['wv']), _t(L['msg2']['wsv']['w']), _row(L['msg2']['wsv']['b']))

        parts, partv = _sc_scatter(msgs, msgv, dst3d, zeros)

        fws0T = _t(L['ff0']['ws']['w'])
        fws1T = _t(L['ff1']['ws']['w'])
        common_inputs = (
            parts, partv, sv,
            _row(L['norm0']['g']), _row(L['norm0']['b']),
            _t(L['ff0']['wh']), fws0T[0:100, :], fws0T[100:132, :],
            _row(L['ff0']['ws']['b']), _t(L['ff0']['wv']),
            _t(L['ff0']['wsv']['w']), _row(L['ff0']['wsv']['b']),
            _t(L['ff1']['wh']), fws1T[0:400, :], fws1T[400:432, :],
            _row(L['ff1']['ws']['b']), _t(L['ff1']['wv']),
            _t(L['ff1']['wsv']['w']), _row(L['ff1']['wsv']['b']),
            _row(L['norm1']['g']), _row(L['norm1']['b']),
        )
        common_specs = [
            pl.BlockSpec((2, NB, WS), lambda i: (0, i, 0)),
            pl.BlockSpec((2, NB, WS), lambda i: (0, i, 0)),
            pl.BlockSpec((NB, W), lambda i: (i, 0)),
            _full((1, 100)), _full((1, 100)),
            _full((16, 32)), _full((100, 400)), _full((32, 400)),
            _full((1, 400)), _full((32, 32)), _full((400, 32)), _full((1, 32)),
            _full((32, 32)), _full((400, 100)), _full((32, 100)),
            _full((1, 100)), _full((32, 16)), _full((100, 16)), _full((1, 16)),
            _full((1, 100)), _full((1, 100)),
        ]

        if li < 2:
            Ln = params['layers'][li + 1]
            sv, ts = pl.pallas_call(
                _node_update_body,
                grid=(n // NB,),
                out_shape=[jax.ShapeDtypeStruct((n, W), F32),
                           jax.ShapeDtypeStruct((n, WG // 2), jnp.uint32)],
                in_specs=common_specs + [_full((100, 100)), _full((100, 100))],
                out_specs=[pl.BlockSpec((NB, W), lambda i: (i, 0)),
                           pl.BlockSpec((NB, WG // 2), lambda i: (i, 0))],
            )(*common_inputs,
              _t(Ln['msg0']['ws']['w'][:, 0:100]), _t(Ln['msg0']['ws']['w'][:, 132:232]))
        else:
            owsT = _t(params['Wout_gvp']['ws']['w'])
            out = pl.pallas_call(
                _node_final_body,
                grid=(n // NB,),
                out_shape=jax.ShapeDtypeStruct((n, 100), F32),
                in_specs=common_specs + [
                    _full((1, 100)), _full((1, 100)),
                    _full((16, 16)), _full((100, 100)), _full((16, 100)),
                    _full((1, 100)), _full((100, 100)), _full((1, 100)),
                ],
                out_specs=pl.BlockSpec((NB, 100), lambda i: (i, 0)),
            )(*common_inputs,
              _row(params['Wout_ln']['g']), _row(params['Wout_ln']['b']),
              _t(params['Wout_gvp']['wh']), owsT[0:100, :], owsT[100:116, :],
              _row(params['Wout_gvp']['ws']['b']),
              _t(params['dense']['w']), _row(params['dense']['b']))
    return out

# --- scband reference (transcript-rebuilt; emitter-appended) ---
"""Pipeline reference for scband-gvp-encoder-103079215118 (READ-ONLY COPY).

The authoritative reference and input builder live on the scoring server;
editing this copy changes nothing except your own understanding.
"""

import jax, jax.numpy as jnp
import numpy as np

N_NODES = 10000
N_EDGES = 320000

def _norm_no_nan(x, axis=-1, keepdims=False, sqrt=True):
    out = jnp.clip(jnp.sum(jnp.square(x), axis=axis, keepdims=keepdims), 1e-8, None)
    return jnp.sqrt(out) if sqrt else out

def _lin_p(key, i, o, bias=True):
    k1, k2 = jax.random.split(key)
    lim = 1.0 / np.sqrt(i)
    p = {'w': jax.random.uniform(k1, (o, i), minval=-lim, maxval=lim, dtype=jnp.float32)}
    if bias:
        p['b'] = jax.random.uniform(k2, (o,), minval=-lim, maxval=lim, dtype=jnp.float32)
    return p

def _gvp_p(key, si, vi, so, vo):
    ks = jax.random.split(key, 4)
    p = {}
    h = max(vi, vo)
    lim = 1.0 / np.sqrt(vi)
    p['wh'] = jax.random.uniform(ks[0], (h, vi), minval=-lim, maxval=lim, dtype=jnp.float32)
    p['ws'] = _lin_p(ks[1], h + si, so)
    if vo:
        lim2 = 1.0 / np.sqrt(h)
        p['wv'] = jax.random.uniform(ks[2], (vo, h), minval=-lim2, maxval=lim2, dtype=jnp.float32)
        p['wsv'] = _lin_p(ks[3], so, vo)
    return p

def _ln_p(d):
    return {'g': jnp.ones((d,), jnp.float32), 'b': jnp.zeros((d,), jnp.float32)}

def make_params(key):
    ks = iter(jax.random.split(key, 40))
    P = {'Wv_ln': _ln_p(6), 'Wv_gvp': _gvp_p(next(ks), 6, 3, 100, 16),
         'We_ln': _ln_p(32), 'We_gvp': _gvp_p(next(ks), 32, 1, 32, 1)}
    layers = []
    for _ in range(3):
        L = {'msg0': _gvp_p(next(ks), 232, 33, 100, 16),
             'msg1': _gvp_p(next(ks), 100, 16, 100, 16),
             'msg2': _gvp_p(next(ks), 100, 16, 100, 16),
             'norm0': _ln_p(100), 'norm1': _ln_p(100),
             'ff0': _gvp_p(next(ks), 100, 16, 400, 32),
             'ff1': _gvp_p(next(ks), 400, 32, 100, 16)}
        layers.append(L)
    P['layers'] = layers
    P['Wout_ln'] = _ln_p(100)
    P['Wout_gvp'] = _gvp_p(next(ks), 100, 16, 100, 0)
    P['dense'] = _lin_p(next(ks), 100, 100)
    return P

def _linear(p, x):
    y = x @ p['w'].T
    if 'b' in p:
        y = y + p['b']
    return y

def _gvp(p, s, v, vo, scalar_act=None):
    # vector_gate=True, vector_act=None throughout this model
    vt = jnp.swapaxes(v, -1, -2)
    vh = vt @ p['wh'].T
    vn = _norm_no_nan(vh, axis=-2)
    s = _linear(p['ws'], jnp.concatenate([s, vn], axis=-1))
    if vo:
        vout = jnp.swapaxes(vh @ p['wv'].T, -1, -2)
        gate = _linear(p['wsv'], s)
        vout = vout * jax.nn.sigmoid(gate)[..., None]
    else:
        vout = None
    if scalar_act is not None:
        s = scalar_act(s)
    return s, vout

def _vln(p, s, v):
    mu = jnp.mean(s, axis=-1, keepdims=True)
    var = jnp.mean(jnp.square(s - mu), axis=-1, keepdims=True)
    sn = (s - mu) / jnp.sqrt(var + 1e-5) * p['g'] + p['b']
    vn = _norm_no_nan(v, axis=-1, keepdims=True, sqrt=False)
    denom = jnp.sqrt(jnp.mean(vn, axis=-2, keepdims=True))
    return sn, v / denom

def _encoder(params, h_V_s, h_V_v, edge_index, h_E_s, h_E_v):
    relu = jax.nn.relu
    N = h_V_s.shape[0]
    s, v = _vln(params['Wv_ln'], h_V_s, h_V_v)
    s, v = _gvp(params['Wv_gvp'], s, v, 16)
    es, ev = _vln(params['We_ln'], h_E_s, h_E_v)
    es, ev = _gvp(params['We_gvp'], es, ev, 1)
    src = edge_index[0]
    dst = edge_index[1]
    cnt = jnp.clip(jax.ops.segment_sum(jnp.ones((src.shape[0],), jnp.float32), dst, num_segments=N), 1.0, None)
    for L in params['layers']:
        ms = jnp.concatenate([s[src], es, s[dst]], axis=-1)
        mv = jnp.concatenate([v[src], ev, v[dst]], axis=-2)
        ms, mv = _gvp(L['msg0'], ms, mv, 16, scalar_act=relu)
        ms, mv = _gvp(L['msg1'], ms, mv, 16, scalar_act=relu)
        ms, mv = _gvp(L['msg2'], ms, mv, 16)
        ag_s = jax.ops.segment_sum(ms, dst, num_segments=N) / cnt[:, None]
        ag_v = jax.ops.segment_sum(mv, dst, num_segments=N) / cnt[:, None, None]
        s, v = _vln(L['norm0'], s + ag_s, v + ag_v)
        fs, fv = _gvp(L['ff0'], s, v, 32, scalar_act=relu)
        fs, fv = _gvp(L['ff1'], fs, fv, 16)
        s, v = _vln(L['norm1'], s + fs, v + fv)
    s, v = _vln(params['Wout_ln'], s, v)
    out, _ = _gvp(params['Wout_gvp'], s, v, 0, scalar_act=relu)
    return relu(_linear(params['dense'], out))

def setup_inputs(seed: int = 0):
    key = jax.random.key(seed)
    ks = jax.random.split(key, 6)
    h_V_s = jax.random.normal(ks[0], (N_NODES, 6), dtype=jnp.float32)
    h_V_v = jax.random.normal(ks[1], (N_NODES, 3, 3), dtype=jnp.float32)
    edge_index = jax.random.randint(ks[2], (2, N_EDGES), 0, N_NODES)
    h_E_s = jax.random.normal(ks[3], (N_EDGES, 32), dtype=jnp.float32)
    h_E_v = jax.random.normal(ks[4], (N_EDGES, 1, 3), dtype=jnp.float32)
    params = make_params(ks[5])
    return {'h_V_s': h_V_s, 'h_V_v': h_V_v, 'edge_index': edge_index, 'h_E_s': h_E_s, 'h_E_v': h_E_v, 'params': params}

def reference(h_V_s, h_V_v, edge_index, h_E_s, h_E_v, params):
    return _encoder(params, h_V_s, h_V_v, edge_index, h_E_s, h_E_v)

if __name__ == "__main__":
    import jax
    _d = setup_inputs()
    print(jax.jit(kernel)(*tuple(_d.values())))

</pallas_src>

<mosaic_0001>
#map = affine_map<(d0, d1) -> (0, 0)>
#map1 = affine_map<(d0, d1) -> (0, 0, 0)>
module attributes {stable_mosaic.version = 14 : i64} {
  func.func @k(%arg0: i32, %arg1: i32, %arg2: memref<10000x128xi32, #tpu.memory_space<hbm>>, %arg3: memref<32x125x80xi32, #tpu.memory_space<hbm>>, %arg4: memref<32x125x80xi32, #tpu.memory_space<hbm>>, %arg5: memref<320000x128xi32, #tpu.memory_space<hbm>>, %arg6: memref<320000x128xi32, #tpu.memory_space<hbm>>, %arg7: memref<125x80xi32, #tpu.memory_space<vmem>>, %arg8: memref<125x80xi32, #tpu.memory_space<vmem>>, %arg9: memref<80x128xi32, #tpu.memory_space<vmem>>, %arg10: memref<80x128xi32, #tpu.memory_space<vmem>>, %arg11: memref<!tpu.dma_semaphore, #tpu.memory_space<semaphore_mem>>, %arg12: memref<!tpu.dma_semaphore, #tpu.memory_space<semaphore_mem>>) attributes {dimension_semantics = [#tpu.dimension_semantics<core_parallel>, #tpu.dimension_semantics<subcore_parallel>], iteration_bounds = array<i64: 2, 16>, scalar_prefetch = 0 : i64, scratch_operands = 6 : i64, tpu.core_type = #tpu.core_type<sc_vector_subcore>, window_params = [{transform_indices = #map}, {transform_indices = #map1}, {transform_indices = #map1}, {transform_indices = #map}, {transform_indices = #map}]} {
    %mul3A = arith.constant 2 : i32
    %mul3A_0 = arith.muli %arg1, %mul3A : i32
    %add3A = arith.addi %mul3A_0, %arg0 : i32
    %mul3A_1 = arith.constant 10000 : i32
    %mul3A_2 = arith.muli %add3A, %mul3A_1 : i32
    "tpu.region"() ({
      %run_scoped3A = tpu.sem_alloc : memref<!tpu.dma_semaphore, #tpu.memory_space<semaphore_mem>>
      %dma_start3A = arith.constant 0 : i32
      %dma_start3A_7 = arith.constant 0 : i32
      %dma_start3A_8 = tpu.memref_slice %arg3[%add3A, %dma_start3A, %dma_start3A_7] : memref<32x125x80xi32, #tpu.memory_space<hbm>> -> memref<1x125x80xi32, #tpu.memory_space<hbm>>
      %dma_start3A_9 = tpu.memref_squeeze %dma_start3A_8 : memref<1x125x80xi32, #tpu.memory_space<hbm>> -> memref<125x80xi32, #tpu.memory_space<hbm>>
      %dma_start3A_10 = arith.constant 0 : i32
      %dma_start3A_11 = arith.constant 0 : i32
      %dma_start3A_12 = tpu.memref_slice %arg3[%add3A, %dma_start3A_10, %dma_start3A_11] : memref<32x125x80xi32, #tpu.memory_space<hbm>> -> memref<1x125x80xi32, #tpu.memory_space<hbm>>
      %dma_start3A_13 = tpu.memref_squeeze %dma_start3A_12 : memref<1x125x80xi32, #tpu.memory_space<hbm>> -> memref<125x80xi32, #tpu.memory_space<hbm>>
      tpu.enqueue_dma source(%dma_start3A_13 : memref<125x80xi32, #tpu.memory_space<hbm>>) target(%arg7 : memref<125x80xi32, #tpu.memory_space<vmem>>) target_semaphore(%run_scoped3A : memref<!tpu.dma_semaphore, #tpu.memory_space<semaphore_mem>>)
      %dma_wait3A = arith.constant 0 : i32
      %dma_wait3A_14 = arith.constant 0 : i32
      %dma_wait3A_15 = tpu.memref_slice %arg3[%add3A, %dma_wait3A, %dma_wait3A_14] : memref<32x125x80xi32, #tpu.memory_space<hbm>> -> memref<1x125x80xi32, #tpu.memory_space<hbm>>
      %dma_wait3A_16 = tpu.memref_squeeze %dma_wait3A_15 : memref<1x125x80xi32, #tpu.memory_space<hbm>> -> memref<125x80xi32, #tpu.memory_space<hbm>>
      %dma_wait3A_17 = arith.constant 0 : i32
      %dma_wait3A_18 = arith.constant 0 : i32
      %dma_wait3A_19 = tpu.memref_slice %arg3[%add3A, %dma_wait3A_17, %dma_wait3A_18] : memref<32x125x80xi32, #tpu.memory_space<hbm>> -> memref<1x125x80xi32, #tpu.memory_space<hbm>>
      %dma_wait3A_20 = tpu.memref_squeeze %dma_wait3A_19 : memref<1x125x80xi32, #tpu.memory_space<hbm>> -> memref<125x80xi32, #tpu.memory_space<hbm>>
      tpu.wait_dma2 semaphore(%run_scoped3A : memref<!tpu.dma_semaphore, #tpu.memory_space<semaphore_mem>>) src(%dma_wait3A_20 : memref<125x80xi32, #tpu.memory_space<hbm>>) dst(%arg7 : memref<125x80xi32, #tpu.memory_space<vmem>>)
      tpu.yield
    }) : () -> ()
    "tpu.region"() ({
      %run_scoped3A = tpu.sem_alloc : memref<!tpu.dma_semaphore, #tpu.memory_space<semaphore_mem>>
      %dma_start3A = arith.constant 0 : i32
      %dma_start3A_7 = arith.constant 0 : i32
      %dma_start3A_8 = tpu.memref_slice %arg4[%add3A, %dma_start3A, %dma_start3A_7] : memref<32x125x80xi32, #tpu.memory_space<hbm>> -> memref<1x125x80xi32, #tpu.memory_space<hbm>>
      %dma_start3A_9 = tpu.memref_squeeze %dma_start3A_8 : memref<1x125x80xi32, #tpu.memory_space<hbm>> -> memref<125x80xi32, #tpu.memory_space<hbm>>
      %dma_start3A_10 = arith.constant 0 : i32
      %dma_start3A_11 = arith.constant 0 : i32
      %dma_start3A_12 = tpu.memref_slice %arg4[%add3A, %dma_start3A_10, %dma_start3A_11] : memref<32x125x80xi32, #tpu.memory_space<hbm>> -> memref<1x125x80xi32, #tpu.memory_space<hbm>>
      %dma_start3A_13 = tpu.memref_squeeze %dma_start3A_12 : memref<1x125x80xi32, #tpu.memory_space<hbm>> -> memref<125x80xi32, #tpu.memory_space<hbm>>
      tpu.enqueue_dma source(%dma_start3A_13 : memref<125x80xi32, #tpu.memory_space<hbm>>) target(%arg8 : memref<125x80xi32, #tpu.memory_space<vmem>>) target_semaphore(%run_scoped3A : memref<!tpu.dma_semaphore, #tpu.memory_space<semaphore_mem>>)
      %dma_wait3A = arith.constant 0 : i32
      %dma_wait3A_14 = arith.constant 0 : i32
      %dma_wait3A_15 = tpu.memref_slice %arg4[%add3A, %dma_wait3A, %dma_wait3A_14] : memref<32x125x80xi32, #tpu.memory_space<hbm>> -> memref<1x125x80xi32, #tpu.memory_space<hbm>>
      %dma_wait3A_16 = tpu.memref_squeeze %dma_wait3A_15 : memref<1x125x80xi32, #tpu.memory_space<hbm>> -> memref<125x80xi32, #tpu.memory_space<hbm>>
      %dma_wait3A_17 = arith.constant 0 : i32
      %dma_wait3A_18 = arith.constant 0 : i32
      %dma_wait3A_19 = tpu.memref_slice %arg4[%add3A, %dma_wait3A_17, %dma_wait3A_18] : memref<32x125x80xi32, #tpu.memory_space<hbm>> -> memref<1x125x80xi32, #tpu.memory_space<hbm>>
      %dma_wait3A_20 = tpu.memref_squeeze %dma_wait3A_19 : memref<1x125x80xi32, #tpu.memory_space<hbm>> -> memref<125x80xi32, #tpu.memory_space<hbm>>
      tpu.wait_dma2 semaphore(%run_scoped3A : memref<!tpu.dma_semaphore, #tpu.memory_space<semaphore_mem>>) src(%dma_wait3A_20 : memref<125x80xi32, #tpu.memory_space<hbm>>) dst(%arg8 : memref<125x80xi32, #tpu.memory_space<vmem>>)
      tpu.yield
    }) : () -> ()
    %scan3A = arith.constant 0 : i32
    %scan3A_3 = arith.constant 125 : i32
    %scan3A_4 = arith.addi %scan3A, %scan3A_3 : i32
    %scan3A_5 = arith.constant 1 : i32
    scf.for %scan3A_7 = %scan3A to %scan3A_4 step %scan3A_5  : i32 {
      %mul3A_8 = arith.constant 1 : i32
      %mul3A_9 = arith.muli %scan3A_7, %mul3A_8 : i32
      %add3A_10 = arith.constant 0 : i32
      %add3A_11 = arith.addi %add3A_10, %mul3A_9 : i32
      %dma_start3A = arith.constant 0 : i32
      %dma_start3A_12 = tpu.memref_slice %arg7[%add3A_11, %dma_start3A] : memref<125x80xi32, #tpu.memory_space<vmem>> -> memref<1x80xi32, #tpu.memory_space<vmem>>
      %dma_start3A_13 = tpu.memref_squeeze %dma_start3A_12 : memref<1x80xi32, #tpu.memory_space<vmem>> -> memref<80xi32, #tpu.memory_space<vmem>>
      %dma_start3A_14 = arith.constant 0 : i32
      %dma_start3A_15 = arith.constant 0 : i32
      %dma_start3A_16 = tpu.memref_slice %arg2[%dma_start3A_14, %dma_start3A_15] : memref<10000x128xi32, #tpu.memory_space<hbm>> -> memref<10000x128xi32, #tpu.memory_space<hbm>>
      tpu.enqueue_indirect_dma source(%dma_start3A_16 : memref<10000x128xi32, #tpu.memory_space<hbm>>) target(%arg9 : memref<80x128xi32, #tpu.memory_space<vmem>>) offsets(%dma_start3A_13 : memref<80xi32, #tpu.memory_space<vmem>>) semaphore(%arg11 : memref<!tpu.dma_semaphore, #tpu.memory_space<semaphore_mem>>)
      %dma_start3A_17 = arith.constant 0 : i32
      %dma_start3A_18 = tpu.memref_slice %arg8[%add3A_11, %dma_start3A_17] : memref<125x80xi32, #tpu.memory_space<vmem>> -> memref<1x80xi32, #tpu.memory_space<vmem>>
      %dma_start3A_19 = tpu.memref_squeeze %dma_start3A_18 : memref<1x80xi32, #tpu.memory_space<vmem>> -> memref<80xi32, #tpu.memory_space<vmem>>
      %dma_start3A_20 = arith.constant 0 : i32
      %dma_start3A_21 = arith.constant 0 : i32
      %dma_start3A_22 = tpu.memref_slice %arg2[%dma_start3A_20, %dma_start3A_21] : memref<10000x128xi32, #tpu.memory_space<hbm>> -> memref<10000x128xi32, #tpu.memory_space<hbm>>
      tpu.enqueue_indirect_dma source(%dma_start3A_22 : memref<10000x128xi32, #tpu.memory_space<hbm>>) target(%arg10 : memref<80x128xi32, #tpu.memory_space<vmem>>) offsets(%dma_start3A_19 : memref<80xi32, #tpu.memory_space<vmem>>) semaphore(%arg12 : memref<!tpu.dma_semaphore, #tpu.memory_space<semaphore_mem>>)
      %dma_wait3A = arith.constant 0 : i32
      %dma_wait3A_23 = tpu.memref_slice %arg7[%add3A_11, %dma_wait3A] : memref<125x80xi32, #tpu.memory_space<vmem>> -> memref<1x80xi32, #tpu.memory_space<vmem>>
      %dma_wait3A_24 = tpu.memref_squeeze %dma_wait3A_23 : memref<1x80xi32, #tpu.memory_space<vmem>> -> memref<80xi32, #tpu.memory_space<vmem>>
      %dma_wait3A_25 = arith.constant 0 : i32
      %dma_wait3A_26 = arith.constant 0 : i32
      %dma_wait3A_27 = tpu.memref_slice %arg2[%dma_wait3A_25, %dma_wait3A_26] : memref<10000x128xi32, #tpu.memory_space<hbm>> -> memref<10000x128xi32, #tpu.memory_space<hbm>>
      tpu.wait_indirect_dma semaphore(%arg11 : memref<!tpu.dma_semaphore, #tpu.memory_space<semaphore_mem>>) src(%dma_wait3A_27 : memref<10000x128xi32, #tpu.memory_space<hbm>>) dst(%arg9 : memref<80x128xi32, #tpu.memory_space<vmem>>)
      %mul3A_28 = arith.constant 80 : i32
      %mul3A_29 = arith.muli %add3A_11, %mul3A_28 : i32
      %add3A_30 = arith.addi %mul3A_2, %mul3A_29 : i32
      "tpu.region"() ({
        %run_scoped3A = tpu.sem_alloc : memref<!tpu.dma_semaphore, #tpu.memory_space<semaphore_mem>>
        %dma_start3A_40 = arith.constant 0 : i32
        %dma_start3A_41 = tpu.memref_slice %arg5[%add3A_30, %dma_start3A_40] : memref<320000x128xi32, #tpu.memory_space<hbm>> -> memref<80x128xi32, #tpu.memory_space<hbm>>
        %dma_start3A_42 = arith.constant 0 : i32
        %dma_start3A_43 = tpu.memref_slice %arg5[%add3A_30, %dma_start3A_42] : memref<320000x128xi32, #tpu.memory_space<hbm>> -> memref<80x128xi32, #tpu.memory_space<hbm>>
        tpu.enqueue_dma source(%arg9 : memref<80x128xi32, #tpu.memory_space<vmem>>) target(%dma_start3A_43 : memref<80x128xi32, #tpu.memory_space<hbm>>) target_semaphore(%run_scoped3A : memref<!tpu.dma_semaphore, #tpu.memory_space<semaphore_mem>>)
        %dma_wait3A_44 = arith.constant 0 : i32
        %dma_wait3A_45 = tpu.memref_slice %arg5[%add3A_30, %dma_wait3A_44] : memref<320000x128xi32, #tpu.memory_space<hbm>> -> memref<80x128xi32, #tpu.memory_space<hbm>>
        %dma_wait3A_46 = arith.constant 0 : i32
        %dma_wait3A_47 = tpu.memref_slice %arg5[%add3A_30, %dma_wait3A_46] : memref<320000x128xi32, #tpu.memory_space<hbm>> -> memref<80x128xi32, #tpu.memory_space<hbm>>
        tpu.wait_dma2 semaphore(%run_scoped3A : memref<!tpu.dma_semaphore, #tpu.memory_space<semaphore_mem>>) src(%arg9 : memref<80x128xi32, #tpu.memory_space<vmem>>) dst(%dma_wait3A_47 : memref<80x128xi32, #tpu.memory_space<hbm>>)
        tpu.yield
      }) : () -> ()
      %dma_wait3A_31 = arith.constant 0 : i32
      %dma_wait3A_32 = tpu.memref_slice %arg8[%add3A_11, %dma_wait3A_31] : memref<125x80xi32, #tpu.memory_space<vmem>> -> memref<1x80xi32, #tpu.memory_space<vmem>>
      %dma_wait3A_33 = tpu.memref_squeeze %dma_wait3A_32 : memref<1x80xi32, #tpu.memory_space<vmem>> -> memref<80xi32, #tpu.memory_space<vmem>>
      %dma_wait3A_34 = arith.constant 0 : i32
      %dma_wait3A_35 = arith.constant 0 : i32
      %dma_wait3A_36 = tpu.memref_slice %arg2[%dma_wait3A_34, %dma_wait3A_35] : memref<10000x128xi32, #tpu.memory_space<hbm>> -> memref<10000x128xi32, #tpu.memory_space<hbm>>
      tpu.wait_indirect_dma semaphore(%arg12 : memref<!tpu.dma_semaphore, #tpu.memory_space<semaphore_mem>>) src(%dma_wait3A_36 : memref<10000x128xi32, #tpu.memory_space<hbm>>) dst(%arg10 : memref<80x128xi32, #tpu.memory_space<vmem>>)
      %mul3A_37 = arith.constant 80 : i32
      %mul3A_38 = arith.muli %add3A_11, %mul3A_37 : i32
      %add3A_39 = arith.addi %mul3A_2, %mul3A_38 : i32
      "tpu.region"() ({
        %run_scoped3A = tpu.sem_alloc : memref<!tpu.dma_semaphore, #tpu.memory_space<semaphore_mem>>
        %dma_start3A_40 = arith.constant 0 : i32
        %dma_start3A_41 = tpu.memref_slice %arg6[%add3A_39, %dma_start3A_40] : memref<320000x128xi32, #tpu.memory_space<hbm>> -> memref<80x128xi32, #tpu.memory_space<hbm>>
        %dma_start3A_42 = arith.constant 0 : i32
        %dma_start3A_43 = tpu.memref_slice %arg6[%add3A_39, %dma_start3A_42] : memref<320000x128xi32, #tpu.memory_space<hbm>> -> memref<80x128xi32, #tpu.memory_space<hbm>>
        tpu.enqueue_dma source(%arg10 : memref<80x128xi32, #tpu.memory_space<vmem>>) target(%dma_start3A_43 : memref<80x128xi32, #tpu.memory_space<hbm>>) target_semaphore(%run_scoped3A : memref<!tpu.dma_semaphore, #tpu.memory_space<semaphore_mem>>)
        %dma_wait3A_44 = arith.constant 0 : i32
        %dma_wait3A_45 = tpu.memref_slice %arg6[%add3A_39, %dma_wait3A_44] : memref<320000x128xi32, #tpu.memory_space<hbm>> -> memref<80x128xi32, #tpu.memory_space<hbm>>
        %dma_wait3A_46 = arith.constant 0 : i32
        %dma_wait3A_47 = tpu.memref_slice %arg6[%add3A_39, %dma_wait3A_46] : memref<320000x128xi32, #tpu.memory_space<hbm>> -> memref<80x128xi32, #tpu.memory_space<hbm>>
        tpu.wait_dma2 semaphore(%run_scoped3A : memref<!tpu.dma_semaphore, #tpu.memory_space<semaphore_mem>>) src(%arg10 : memref<80x128xi32, #tpu.memory_space<vmem>>) dst(%dma_wait3A_47 : memref<80x128xi32, #tpu.memory_space<hbm>>)
        tpu.yield
      }) : () -> ()
    }
    %scan3A_6 = arith.constant 125 : i32
    return
  }
}

#map = affine_map<(d0, d1) -> (0, 0)>
#map1 = affine_map<(d0, d1) -> (0, 0, 0)>
module attributes {stable_mosaic.version = 14 : i64} {
  func.func @k(%arg0: i32, %arg1: i32, %arg2: memref<320000x128xf32, #tpu.memory_space<hbm>>, %arg3: memref<320000x128xf32, #tpu.memory_space<hbm>>, %arg4: memref<32x125x80xi32, #tpu.memory_space<hbm>>, %arg5: memref<10000x128xf32, #tpu.memory_space<hbm>>, %arg6: memref<2x10000x128xf32, #tpu.memory_space<hbm>>, %arg7: memref<2x10000x128xf32, #tpu.memory_space<hbm>>, %arg8: memref<125x80xi32, #tpu.memory_space<vmem>>, %arg9: memref<80x128xf32, #tpu.memory_space<vmem>>, %arg10: memref<10000x128xf32, #tpu.memory_space<vmem_shared>>, %arg11: memref<!tpu.dma_semaphore, #tpu.memory_space<semaphore_mem>>) attributes {dimension_semantics = [#tpu.dimension_semantics<core_parallel>, #tpu.dimension_semantics<subcore_parallel>], iteration_bounds = array<i64: 2, 16>, scalar_prefetch = 0 : i64, scratch_operands = 4 : i64, tpu.core_type = #tpu.core_type<sc_vector_subcore>, window_params = [{transform_indices = #map}, {transform_indices = #map}, {transform_indices = #map1}, {transform_indices = #map}, {transform_indices = #map1}, {transform_indices = #map1}]} {
    %mul3A = arith.constant 2 : i32
    %mul3A_0 = arith.muli %arg1, %mul3A : i32
    %add3A = arith.addi %mul3A_0, %arg0 : i32
    %mul3A_1 = arith.constant 1000 : i32
    %mul3A_2 = arith.muli %arg1, %mul3A_1 : i32
    %lt3A = arith.constant 10 : i32
    %lt3A_3 = arith.cmpi slt, %arg1, %lt3A : i32
    %convert_element_type3A = arith.extui %lt3A_3 : i1 to i32
    %cond3A = arith.constant 0 : i32
    %cond3A_4 = arith.cmpi ne, %convert_element_type3A, %cond3A : i32
    scf.if %cond3A_4 {
      "tpu.region"() ({
        %run_scoped3A = tpu.sem_alloc : memref<!tpu.dma_semaphore, #tpu.memory_space<semaphore_mem>>
        %dma_start3A = arith.constant 0 : i32
        %dma_start3A_27 = tpu.memref_slice %arg10[%mul3A_2, %dma_start3A] : memref<10000x128xf32, #tpu.memory_space<vmem_shared>> -> memref<1000x128xf32, #tpu.memory_space<vmem_shared>>
        %dma_start3A_28 = arith.constant 0 : i32
        %dma_start3A_29 = tpu.memref_slice %arg5[%mul3A_2, %dma_start3A_28] : memref<10000x128xf32, #tpu.memory_space<hbm>> -> memref<1000x128xf32, #tpu.memory_space<hbm>>
        tpu.enqueue_dma source(%dma_start3A_29 : memref<1000x128xf32, #tpu.memory_space<hbm>>) target(%dma_start3A_27 : memref<1000x128xf32, #tpu.memory_space<vmem_shared>>) target_semaphore(%run_scoped3A : memref<!tpu.dma_semaphore, #tpu.memory_space<semaphore_mem>>)
        %dma_wait3A = arith.constant 0 : i32
        %dma_wait3A_30 = tpu.memref_slice %arg10[%mul3A_2, %dma_wait3A] : memref<10000x128xf32, #tpu.memory_space<vmem_shared>> -> memref<1000x128xf32, #tpu.memory_space<vmem_shared>>
        %dma_wait3A_31 = arith.constant 0 : i32
        %dma_wait3A_32 = tpu.memref_slice %arg5[%mul3A_2, %dma_wait3A_31] : memref<10000x128xf32, #tpu.memory_space<hbm>> -> memref<1000x128xf32, #tpu.memory_space<hbm>>
        tpu.wait_dma2 semaphore(%run_scoped3A : memref<!tpu.dma_semaphore, #tpu.memory_space<semaphore_mem>>) src(%dma_wait3A_32 : memref<1000x128xf32, #tpu.memory_space<hbm>>) dst(%dma_wait3A_30 : memref<1000x128xf32, #tpu.memory_space<vmem_shared>>)
        tpu.yield
      }) : () -> ()
    } else {
    }
    %barrier3A = arith.constant 0 : index
    tpu.barrier barrier_id(%barrier3A)
    "tpu.region"() ({
      %run_scoped3A = tpu.sem_alloc : memref<!tpu.dma_semaphore, #tpu.memory_space<semaphore_mem>>
      %dma_start3A = arith.constant 0 : i32
      %dma_start3A_27 = arith.constant 0 : i32
      %dma_start3A_28 = tpu.memref_slice %arg4[%add3A, %dma_start3A, %dma_start3A_27] : memref<32x125x80xi32, #tpu.memory_space<hbm>> -> memref<1x125x80xi32, #tpu.memory_space<hbm>>
      %dma_start3A_29 = tpu.memref_squeeze %dma_start3A_28 : memref<1x125x80xi32, #tpu.memory_space<hbm>> -> memref<125x80xi32, #tpu.memory_space<hbm>>
      %dma_start3A_30 = arith.constant 0 : i32
      %dma_start3A_31 = arith.constant 0 : i32
      %dma_start3A_32 = tpu.memref_slice %arg4[%add3A, %dma_start3A_30, %dma_start3A_31] : memref<32x125x80xi32, #tpu.memory_space<hbm>> -> memref<1x125x80xi32, #tpu.memory_space<hbm>>
      %dma_start3A_33 = tpu.memref_squeeze %dma_start3A_32 : memref<1x125x80xi32, #tpu.memory_space<hbm>> -> memref<125x80xi32, #tpu.memory_space<hbm>>
      tpu.enqueue_dma source(%dma_start3A_33 : memref<125x80xi32, #tpu.memory_space<hbm>>) target(%arg8 : memref<125x80xi32, #tpu.memory_space<vmem>>) target_semaphore(%run_scoped3A : memref<!tpu.dma_semaphore, #tpu.memory_space<semaphore_mem>>)
      %dma_wait3A = arith.constant 0 : i32
      %dma_wait3A_34 = arith.constant 0 : i32
      %dma_wait3A_35 = tpu.memref_slice %arg4[%add3A, %dma_wait3A, %dma_wait3A_34] : memref<32x125x80xi32, #tpu.memory_space<hbm>> -> memref<1x125x80xi32, #tpu.memory_space<hbm>>
      %dma_wait3A_36 = tpu.memref_squeeze %dma_wait3A_35 : memref<1x125x80xi32, #tpu.memory_space<hbm>> -> memref<125x80xi32, #tpu.memory_space<hbm>>
      %dma_wait3A_37 = arith.constant 0 : i32
      %dma_wait3A_38 = arith.constant 0 : i32
      %dma_wait3A_39 = tpu.memref_slice %arg4[%add3A, %dma_wait3A_37, %dma_wait3A_38] : memref<32x125x80xi32, #tpu.memory_space<hbm>> -> memref<1x125x80xi32, #tpu.memory_space<hbm>>
      %dma_wait3A_40 = tpu.memref_squeeze %dma_wait3A_39 : memref<1x125x80xi32, #tpu.memory_space<hbm>> -> memref<125x80xi32, #tpu.memory_space<hbm>>
      tpu.wait_dma2 semaphore(%run_scoped3A : memref<!tpu.dma_semaphore, #tpu.memory_space<semaphore_mem>>) src(%dma_wait3A_40 : memref<125x80xi32, #tpu.memory_space<hbm>>) dst(%arg8 : memref<125x80xi32, #tpu.memory_space<vmem>>)
      tpu.yield
    }) : () -> ()
    %scan3A = arith.constant 0 : i32
    %scan3A_5 = arith.constant 125 : i32
    %scan3A_6 = arith.addi %scan3A, %scan3A_5 : i32
    %scan3A_7 = arith.constant 1 : i32
    scf.for %scan3A_27 = %scan3A to %scan3A_6 step %scan3A_7  : i32 {
      %mul3A_28 = arith.constant 1 : i32
      %mul3A_29 = arith.muli %scan3A_27, %mul3A_28 : i32
      %add3A_30 = arith.constant 0 : i32
      %add3A_31 = arith.addi %add3A_30, %mul3A_29 : i32
      %mul3A_32 = arith.constant 10000 : i32
      %mul3A_33 = arith.muli %add3A, %mul3A_32 : i32
      %mul3A_34 = arith.constant 80 : i32
      %mul3A_35 = arith.muli %add3A_31, %mul3A_34 : i32
      %add3A_36 = arith.addi %mul3A_33, %mul3A_35 : i32
      "tpu.region"() ({
        %run_scoped3A = tpu.sem_alloc : memref<!tpu.dma_semaphore, #tpu.memory_space<semaphore_mem>>
        %dma_start3A = arith.constant 0 : i32
        %dma_start3A_37 = tpu.memref_slice %arg2[%add3A_36, %dma_start3A] : memref<320000x128xf32, #tpu.memory_space<hbm>> -> memref<80x128xf32, #tpu.memory_space<hbm>>
        %dma_start3A_38 = arith.constant 0 : i32
        %dma_start3A_39 = tpu.memref_slice %arg2[%add3A_36, %dma_start3A_38] : memref<320000x128xf32, #tpu.memory_space<hbm>> -> memref<80x128xf32, #tpu.memory_space<hbm>>
        tpu.enqueue_dma source(%dma_start3A_39 : memref<80x128xf32, #tpu.memory_space<hbm>>) target(%arg9 : memref<80x128xf32, #tpu.memory_space<vmem>>) target_semaphore(%run_scoped3A : memref<!tpu.dma_semaphore, #tpu.memory_space<semaphore_mem>>)
        %dma_wait3A = arith.constant 0 : i32
        %dma_wait3A_40 = tpu.memref_slice %arg2[%add3A_36, %dma_wait3A] : memref<320000x128xf32, #tpu.memory_space<hbm>> -> memref<80x128xf32, #tpu.memory_space<hbm>>
        %dma_wait3A_41 = arith.constant 0 : i32
        %dma_wait3A_42 = tpu.memref_slice %arg2[%add3A_36, %dma_wait3A_41] : memref<320000x128xf32, #tpu.memory_space<hbm>> -> memref<80x128xf32, #tpu.memory_space<hbm>>
        tpu.wait_dma2 semaphore(%run_scoped3A : memref<!tpu.dma_semaphore, #tpu.memory_space<semaphore_mem>>) src(%dma_wait3A_42 : memref<80x128xf32, #tpu.memory_space<hbm>>) dst(%arg9 : memref<80x128xf32, #tpu.memory_space<vmem>>)
        tpu.yield
      }) : () -> ()
      "tpu.region"() ({
        %run_scoped3A = tpu.sem_alloc : memref<!tpu.dma_semaphore, #tpu.memory_space<semaphore_mem>>
        %dma_start3A = arith.constant 0 : i32
        %dma_start3A_37 = tpu.memref_slice %arg8[%add3A_31, %dma_start3A] : memref<125x80xi32, #tpu.memory_space<vmem>> -> memref<1x80xi32, #tpu.memory_space<vmem>>
        %dma_start3A_38 = tpu.memref_squeeze %dma_start3A_37 : memref<1x80xi32, #tpu.memory_space<vmem>> -> memref<80xi32, #tpu.memory_space<vmem>>
        %dma_start3A_39 = arith.constant 0 : i32
        %dma_start3A_40 = arith.constant 0 : i32
        %dma_start3A_41 = tpu.memref_slice %arg10[%dma_start3A_39, %dma_start3A_40] : memref<10000x128xf32, #tpu.memory_space<vmem_shared>> -> memref<10000x128xf32, #tpu.memory_space<vmem_shared>>
        tpu.enqueue_indirect_dma source(%arg9 : memref<80x128xf32, #tpu.memory_space<vmem>>) target(%dma_start3A_41 : memref<10000x128xf32, #tpu.memory_space<vmem_shared>>) offsets(%dma_start3A_38 : memref<80xi32, #tpu.memory_space<vmem>>) semaphore(%run_scoped3A : memref<!tpu.dma_semaphore, #tpu.memory_space<semaphore_mem>>) {add = true}
        %dma_wait3A = arith.constant 0 : i32
        %dma_wait3A_42 = tpu.memref_slice %arg8[%add3A_31, %dma_wait3A] : memref<125x80xi32, #tpu.memory_space<vmem>> -> memref<1x80xi32, #tpu.memory_space<vmem>>
        %dma_wait3A_43 = tpu.memref_squeeze %dma_wait3A_42 : memref<1x80xi32, #tpu.memory_space<vmem>> -> memref<80xi32, #tpu.memory_space<vmem>>
        %dma_wait3A_44 = arith.constant 0 : i32
        %dma_wait3A_45 = arith.constant 0 : i32
        %dma_wait3A_46 = tpu.memref_slice %arg10[%dma_wait3A_44, %dma_wait3A_45] : memref<10000x128xf32, #tpu.memory_space<vmem_shared>> -> memref<10000x128xf32, #tpu.memory_space<vmem_shared>>
        tpu.wait_indirect_dma semaphore(%run_scoped3A : memref<!tpu.dma_semaphore, #tpu.memory_space<semaphore_mem>>) src(%arg9 : memref<80x128xf32, #tpu.memory_space<vmem>>) dst(%dma_wait3A_46 : memref<10000x128xf32, #tpu.memory_space<vmem_shared>>)
        tpu.yield
      }) : () -> ()
    }
    %scan3A_8 = arith.constant 125 : i32
    %barrier3A_9 = arith.constant 0 : index
    tpu.barrier barrier_id(%barrier3A_9)
    %lt3A_10 = arith.constant 10 : i32
    %lt3A_11 = arith.cmpi slt, %arg1, %lt3A_10 : i32
    %convert_element_type3A_12 = arith.extui %lt3A_11 : i1 to i32
    %cond3A_13 = arith.constant 0 : i32
    %cond3A_14 = arith.cmpi ne, %convert_element_type3A_12, %cond3A_13 : i32
    scf.if %cond3A_14 {
      "tpu.region"() ({
        %run_scoped3A = tpu.sem_alloc : memref<!tpu.dma_semaphore, #tpu.memory_space<semaphore_mem>>
        %dma_start3A = arith.constant 0 : i32
        %dma_start3A_27 = arith.constant 0 : i32
        %dma_start3A_28 = tpu.memref_slice %arg6[%arg0, %dma_start3A, %dma_start3A_27] : memref<2x10000x128xf32, #tpu.memory_space<hbm>> -> memref<1x10000x128xf32, #tpu.memory_space<hbm>>
        %dma_start3A_29 = tpu.memref_squeeze %dma_start3A_28 : memref<1x10000x128xf32, #tpu.memory_space<hbm>> -> memref<10000x128xf32, #tpu.memory_space<hbm>>
        %dma_start3A_30 = arith.constant 0 : i32
        %dma_start3A_31 = tpu.memref_slice %dma_start3A_29[%mul3A_2, %dma_start3A_30] : memref<10000x128xf32, #tpu.memory_space<hbm>> -> memref<1000x128xf32, #tpu.memory_space<hbm>>
        %dma_start3A_32 = arith.constant 0 : i32
        %dma_start3A_33 = tpu.memref_slice %arg10[%mul3A_2, %dma_start3A_32] : memref<10000x128xf32, #tpu.memory_space<vmem_shared>> -> memref<1000x128xf32, #tpu.memory_space<vmem_shared>>
        tpu.enqueue_dma source(%dma_start3A_33 : memref<1000x128xf32, #tpu.memory_space<vmem_shared>>) target(%dma_start3A_31 : memref<1000x128xf32, #tpu.memory_space<hbm>>) target_semaphore(%run_scoped3A : memref<!tpu.dma_semaphore, #tpu.memory_space<semaphore_mem>>)
        %dma_wait3A = arith.constant 0 : i32
        %dma_wait3A_34 = arith.constant 0 : i32
        %dma_wait3A_35 = tpu.memref_slice %arg6[%arg0, %dma_wait3A, %dma_wait3A_34] : memref<2x10000x128xf32, #tpu.memory_space<hbm>> -> memref<1x10000x128xf32, #tpu.memory_space<hbm>>
        %dma_wait3A_36 = tpu.memref_squeeze %dma_wait3A_35 : memref<1x10000x128xf32, #tpu.memory_space<hbm>> -> memref<10000x128xf32, #tpu.memory_space<hbm>>
        %dma_wait3A_37 = arith.constant 0 : i32
        %dma_wait3A_38 = tpu.memref_slice %dma_wait3A_36[%mul3A_2, %dma_wait3A_37] : memref<10000x128xf32, #tpu.memory_space<hbm>> -> memref<1000x128xf32, #tpu.memory_space<hbm>>
        %dma_wait3A_39 = arith.constant 0 : i32
        %dma_wait3A_40 = tpu.memref_slice %arg10[%mul3A_2, %dma_wait3A_39] : memref<10000x128xf32, #tpu.memory_space<vmem_shared>> -> memref<1000x128xf32, #tpu.memory_space<vmem_shared>>
        tpu.wait_dma2 semaphore(%run_scoped3A : memref<!tpu.dma_semaphore, #tpu.memory_space<semaphore_mem>>) src(%dma_wait3A_40 : memref<1000x128xf32, #tpu.memory_space<vmem_shared>>) dst(%dma_wait3A_38 : memref<1000x128xf32, #tpu.memory_space<hbm>>)
        tpu.yield
      }) : () -> ()
      "tpu.region"() ({
        %run_scoped3A = tpu.sem_alloc : memref<!tpu.dma_semaphore, #tpu.memory_space<semaphore_mem>>
        %dma_start3A = arith.constant 0 : i32
        %dma_start3A_27 = tpu.memref_slice %arg10[%mul3A_2, %dma_start3A] : memref<10000x128xf32, #tpu.memory_space<vmem_shared>> -> memref<1000x128xf32, #tpu.memory_space<vmem_shared>>
        %dma_start3A_28 = arith.constant 0 : i32
        %dma_start3A_29 = tpu.memref_slice %arg5[%mul3A_2, %dma_start3A_28] : memref<10000x128xf32, #tpu.memory_space<hbm>> -> memref<1000x128xf32, #tpu.memory_space<hbm>>
        tpu.enqueue_dma source(%dma_start3A_29 : memref<1000x128xf32, #tpu.memory_space<hbm>>) target(%dma_start3A_27 : memref<1000x128xf32, #tpu.memory_space<vmem_shared>>) target_semaphore(%run_scoped3A : memref<!tpu.dma_semaphore, #tpu.memory_space<semaphore_mem>>)
        %dma_wait3A = arith.constant 0 : i32
        %dma_wait3A_30 = tpu.memref_slice %arg10[%mul3A_2, %dma_wait3A] : memref<10000x128xf32, #tpu.memory_space<vmem_shared>> -> memref<1000x128xf32, #tpu.memory_space<vmem_shared>>
        %dma_wait3A_31 = arith.constant 0 : i32
        %dma_wait3A_32 = tpu.memref_slice %arg5[%mul3A_2, %dma_wait3A_31] : memref<10000x128xf32, #tpu.memory_space<hbm>> -> memref<1000x128xf32, #tpu.memory_space<hbm>>
        tpu.wait_dma2 semaphore(%run_scoped3A : memref<!tpu.dma_semaphore, #tpu.memory_space<semaphore_mem>>) src(%dma_wait3A_32 : memref<1000x128xf32, #tpu.memory_space<hbm>>) dst(%dma_wait3A_30 : memref<1000x128xf32, #tpu.memory_space<vmem_shared>>)
        tpu.yield
      }) : () -> ()
    } else {
    }
    %barrier3A_15 = arith.constant 0 : index
    tpu.barrier barrier_id(%barrier3A_15)
    %scan3A_16 = arith.constant 0 : i32
    %scan3A_17 = arith.constant 125 : i32
    %scan3A_18 = arith.addi %scan3A_16, %scan3A_17 : i32
    %scan3A_19 = arith.constant 1 : i32
    scf.for %scan3A_27 = %scan3A_16 to %scan3A_18 step %scan3A_19  : i32 {
      %mul3A_28 = arith.constant 1 : i32
      %mul3A_29 = arith.muli %scan3A_27, %mul3A_28 : i32
      %add3A_30 = arith.constant 0 : i32
      %add3A_31 = arith.addi %add3A_30, %mul3A_29 : i32
      %mul3A_32 = arith.constant 10000 : i32
      %mul3A_33 = arith.muli %add3A, %mul3A_32 : i32
      %mul3A_34 = arith.constant 80 : i32
      %mul3A_35 = arith.muli %add3A_31, %mul3A_34 : i32
      %add3A_36 = arith.addi %mul3A_33, %mul3A_35 : i32
      "tpu.region"() ({
        %run_scoped3A = tpu.sem_alloc : memref<!tpu.dma_semaphore, #tpu.memory_space<semaphore_mem>>
        %dma_start3A = arith.constant 0 : i32
        %dma_start3A_37 = tpu.memref_slice %arg3[%add3A_36, %dma_start3A] : memref<320000x128xf32, #tpu.memory_space<hbm>> -> memref<80x128xf32, #tpu.memory_space<hbm>>
        %dma_start3A_38 = arith.constant 0 : i32
        %dma_start3A_39 = tpu.memref_slice %arg3[%add3A_36, %dma_start3A_38] : memref<320000x128xf32, #tpu.memory_space<hbm>> -> memref<80x128xf32, #tpu.memory_space<hbm>>
        tpu.enqueue_dma source(%dma_start3A_39 : memref<80x128xf32, #tpu.memory_space<hbm>>) target(%arg9 : memref<80x128xf32, #tpu.memory_space<vmem>>) target_semaphore(%run_scoped3A : memref<!tpu.dma_semaphore, #tpu.memory_space<semaphore_mem>>)
        %dma_wait3A = arith.constant 0 : i32
        %dma_wait3A_40 = tpu.memref_slice %arg3[%add3A_36, %dma_wait3A] : memref<320000x128xf32, #tpu.memory_space<hbm>> -> memref<80x128xf32, #tpu.memory_space<hbm>>
        %dma_wait3A_41 = arith.constant 0 : i32
        %dma_wait3A_42 = tpu.memref_slice %arg3[%add3A_36, %dma_wait3A_41] : memref<320000x128xf32, #tpu.memory_space<hbm>> -> memref<80x128xf32, #tpu.memory_space<hbm>>
        tpu.wait_dma2 semaphore(%run_scoped3A : memref<!tpu.dma_semaphore, #tpu.memory_space<semaphore_mem>>) src(%dma_wait3A_42 : memref<80x128xf32, #tpu.memory_space<hbm>>) dst(%arg9 : memref<80x128xf32, #tpu.memory_space<vmem>>)
        tpu.yield
      }) : () -> ()
      "tpu.region"() ({
        %run_scoped3A = tpu.sem_alloc : memref<!tpu.dma_semaphore, #tpu.memory_space<semaphore_mem>>
        %dma_start3A = arith.constant 0 : i32
        %dma_start3A_37 = tpu.memref_slice %arg8[%add3A_31, %dma_start3A] : memref<125x80xi32, #tpu.memory_space<vmem>> -> memref<1x80xi32, #tpu.memory_space<vmem>>
        %dma_start3A_38 = tpu.memref_squeeze %dma_start3A_37 : memref<1x80xi32, #tpu.memory_space<vmem>> -> memref<80xi32, #tpu.memory_space<vmem>>
        %dma_start3A_39 = arith.constant 0 : i32
        %dma_start3A_40 = arith.constant 0 : i32
        %dma_start3A_41 = tpu.memref_slice %arg10[%dma_start3A_39, %dma_start3A_40] : memref<10000x128xf32, #tpu.memory_space<vmem_shared>> -> memref<10000x128xf32, #tpu.memory_space<vmem_shared>>
        tpu.enqueue_indirect_dma source(%arg9 : memref<80x128xf32, #tpu.memory_space<vmem>>) target(%dma_start3A_41 : memref<10000x128xf32, #tpu.memory_space<vmem_shared>>) offsets(%dma_start3A_38 : memref<80xi32, #tpu.memory_space<vmem>>) semaphore(%run_scoped3A : memref<!tpu.dma_semaphore, #tpu.memory_space<semaphore_mem>>) {add = true}
        %dma_wait3A = arith.constant 0 : i32
        %dma_wait3A_42 = tpu.memref_slice %arg8[%add3A_31, %dma_wait3A] : memref<125x80xi32, #tpu.memory_space<vmem>> -> memref<1x80xi32, #tpu.memory_space<vmem>>
        %dma_wait3A_43 = tpu.memref_squeeze %dma_wait3A_42 : memref<1x80xi32, #tpu.memory_space<vmem>> -> memref<80xi32, #tpu.memory_space<vmem>>
        %dma_wait3A_44 = arith.constant 0 : i32
        %dma_wait3A_45 = arith.constant 0 : i32
        %dma_wait3A_46 = tpu.memref_slice %arg10[%dma_wait3A_44, %dma_wait3A_45] : memref<10000x128xf32, #tpu.memory_space<vmem_shared>> -> memref<10000x128xf32, #tpu.memory_space<vmem_shared>>
        tpu.wait_indirect_dma semaphore(%run_scoped3A : memref<!tpu.dma_semaphore, #tpu.memory_space<semaphore_mem>>) src(%arg9 : memref<80x128xf32, #tpu.memory_space<vmem>>) dst(%dma_wait3A_46 : memref<10000x128xf32, #tpu.memory_space<vmem_shared>>)
        tpu.yield
      }) : () -> ()
    }
    %scan3A_20 = arith.constant 125 : i32
    %barrier3A_21 = arith.constant 0 : index
    tpu.barrier barrier_id(%barrier3A_21)
    %lt3A_22 = arith.constant 10 : i32
    %lt3A_23 = arith.cmpi slt, %arg1, %lt3A_22 : i32
    %convert_element_type3A_24 = arith.extui %lt3A_23 : i1 to i32
    %cond3A_25 = arith.constant 0 : i32
    %cond3A_26 = arith.cmpi ne, %convert_element_type3A_24, %cond3A_25 : i32
    scf.if %cond3A_26 {
      "tpu.region"() ({
        %run_scoped3A = tpu.sem_alloc : memref<!tpu.dma_semaphore, #tpu.memory_space<semaphore_mem>>
        %dma_start3A = arith.constant 0 : i32
        %dma_start3A_27 = arith.constant 0 : i32
        %dma_start3A_28 = tpu.memref_slice %arg7[%arg0, %dma_start3A, %dma_start3A_27] : memref<2x10000x128xf32, #tpu.memory_space<hbm>> -> memref<1x10000x128xf32, #tpu.memory_space<hbm>>
        %dma_start3A_29 = tpu.memref_squeeze %dma_start3A_28 : memref<1x10000x128xf32, #tpu.memory_space<hbm>> -> memref<10000x128xf32, #tpu.memory_space<hbm>>
        %dma_start3A_30 = arith.constant 0 : i32
        %dma_start3A_31 = tpu.memref_slice %dma_start3A_29[%mul3A_2, %dma_start3A_30] : memref<10000x128xf32, #tpu.memory_space<hbm>> -> memref<1000x128xf32, #tpu.memory_space<hbm>>
        %dma_start3A_32 = arith.constant 0 : i32
        %dma_start3A_33 = tpu.memref_slice %arg10[%mul3A_2, %dma_start3A_32] : memref<10000x128xf32, #tpu.memory_space<vmem_shared>> -> memref<1000x128xf32, #tpu.memory_space<vmem_shared>>
        tpu.enqueue_dma source(%dma_start3A_33 : memref<1000x128xf32, #tpu.memory_space<vmem_shared>>) target(%dma_start3A_31 : memref<1000x128xf32, #tpu.memory_space<hbm>>) target_semaphore(%run_scoped3A : memref<!tpu.dma_semaphore, #tpu.memory_space<semaphore_mem>>)
        %dma_wait3A = arith.constant 0 : i32
        %dma_wait3A_34 = arith.constant 0 : i32
        %dma_wait3A_35 = tpu.memref_slice %arg7[%arg0, %dma_wait3A, %dma_wait3A_34] : memref<2x10000x128xf32, #tpu.memory_space<hbm>> -> memref<1x10000x128xf32, #tpu.memory_space<hbm>>
        %dma_wait3A_36 = tpu.memref_squeeze %dma_wait3A_35 : memref<1x10000x128xf32, #tpu.memory_space<hbm>> -> memref<10000x128xf32, #tpu.memory_space<hbm>>
        %dma_wait3A_37 = arith.constant 0 : i32
        %dma_wait3A_38 = tpu.memref_slice %dma_wait3A_36[%mul3A_2, %dma_wait3A_37] : memref<10000x128xf32, #tpu.memory_space<hbm>> -> memref<1000x128xf32, #tpu.memory_space<hbm>>
        %dma_wait3A_39 = arith.constant 0 : i32
        %dma_wait3A_40 = tpu.memref_slice %arg10[%mul3A_2, %dma_wait3A_39] : memref<10000x128xf32, #tpu.memory_space<vmem_shared>> -> memref<1000x128xf32, #tpu.memory_space<vmem_shared>>
        tpu.wait_dma2 semaphore(%run_scoped3A : memref<!tpu.dma_semaphore, #tpu.memory_space<semaphore_mem>>) src(%dma_wait3A_40 : memref<1000x128xf32, #tpu.memory_space<vmem_shared>>) dst(%dma_wait3A_38 : memref<1000x128xf32, #tpu.memory_space<hbm>>)
        tpu.yield
      }) : () -> ()
    } else {
    }
    return
  }
}

#map = affine_map<(d0, d1) -> (0, 0)>
#map1 = affine_map<(d0, d1) -> (0, 0, 0)>
module attributes {stable_mosaic.version = 14 : i64} {
  func.func @k(%arg0: i32, %arg1: i32, %arg2: memref<10000x128xi32, #tpu.memory_space<hbm>>, %arg3: memref<32x125x80xi32, #tpu.memory_space<hbm>>, %arg4: memref<32x125x80xi32, #tpu.memory_space<hbm>>, %arg5: memref<320000x128xi32, #tpu.memory_space<hbm>>, %arg6: memref<320000x128xi32, #tpu.memory_space<hbm>>, %arg7: memref<125x80xi32, #tpu.memory_space<vmem>>, %arg8: memref<125x80xi32, #tpu.memory_space<vmem>>, %arg9: memref<80x128xi32, #tpu.memory_space<vmem>>, %arg10: memref<80x128xi32, #tpu.memory_space<vmem>>, %arg11: memref<!tpu.dma_semaphore, #tpu.memory_space<semaphore_mem>>, %arg12: memref<!tpu.dma_semaphore, #tpu.memory_space<semaphore_mem>>) attributes {dimension_semantics = [#tpu.dimension_semantics<core_parallel>, #tpu.dimension_semantics<subcore_parallel>], iteration_bounds = array<i64: 2, 16>, scalar_prefetch = 0 : i64, scratch_operands = 6 : i64, tpu.core_type = #tpu.core_type<sc_vector_subcore>, window_params = [{transform_indices = #map}, {transform_indices = #map1}, {transform_indices = #map1}, {transform_indices = #map}, {transform_indices = #map}]} {
    %mul3A = arith.constant 2 : i32
    %mul3A_0 = arith.muli %arg1, %mul3A : i32
    %add3A = arith.addi %mul3A_0, %arg0 : i32
    %mul3A_1 = arith.constant 10000 : i32
    %mul3A_2 = arith.muli %add3A, %mul3A_1 : i32
    "tpu.region"() ({
      %run_scoped3A = tpu.sem_alloc : memref<!tpu.dma_semaphore, #tpu.memory_space<semaphore_mem>>
      %dma_start3A = arith.constant 0 : i32
      %dma_start3A_7 = arith.constant 0 : i32
      %dma_start3A_8 = tpu.memref_slice %arg3[%add3A, %dma_start3A, %dma_start3A_7] : memref<32x125x80xi32, #tpu.memory_space<hbm>> -> memref<1x125x80xi32, #tpu.memory_space<hbm>>
      %dma_start3A_9 = tpu.memref_squeeze %dma_start3A_8 : memref<1x125x80xi32, #tpu.memory_space<hbm>> -> memref<125x80xi32, #tpu.memory_space<hbm>>
      %dma_start3A_10 = arith.constant 0 : i32
      %dma_start3A_11 = arith.constant 0 : i32
      %dma_start3A_12 = tpu.memref_slice %arg3[%add3A, %dma_start3A_10, %dma_start3A_11] : memref<32x125x80xi32, #tpu.memory_space<hbm>> -> memref<1x125x80xi32, #tpu.memory_space<hbm>>
      %dma_start3A_13 = tpu.memref_squeeze %dma_start3A_12 : memref<1x125x80xi32, #tpu.memory_space<hbm>> -> memref<125x80xi32, #tpu.memory_space<hbm>>
      tpu.enqueue_dma source(%dma_start3A_13 : memref<125x80xi32, #tpu.memory_space<hbm>>) target(%arg7 : memref<125x80xi32, #tpu.memory_space<vmem>>) target_semaphore(%run_scoped3A : memref<!tpu.dma_semaphore, #tpu.memory_space<semaphore_mem>>)
      %dma_wait3A = arith.constant 0 : i32
      %dma_wait3A_14 = arith.constant 0 : i32
      %dma_wait3A_15 = tpu.memref_slice %arg3[%add3A, %dma_wait3A, %dma_wait3A_14] : memref<32x125x80xi32, #tpu.memory_space<hbm>> -> memref<1x125x80xi32, #tpu.memory_space<hbm>>
      %dma_wait3A_16 = tpu.memref_squeeze %dma_wait3A_15 : memref<1x125x80xi32, #tpu.memory_space<hbm>> -> memref<125x80xi32, #tpu.memory_space<hbm>>
      %dma_wait3A_17 = arith.constant 0 : i32
      %dma_wait3A_18 = arith.constant 0 : i32
      %dma_wait3A_19 = tpu.memref_slice %arg3[%add3A, %dma_wait3A_17, %dma_wait3A_18] : memref<32x125x80xi32, #tpu.memory_space<hbm>> -> memref<1x125x80xi32, #tpu.memory_space<hbm>>
      %dma_wait3A_20 = tpu.memref_squeeze %dma_wait3A_19 : memref<1x125x80xi32, #tpu.memory_space<hbm>> -> memref<125x80xi32, #tpu.memory_space<hbm>>
      tpu.wait_dma2 semaphore(%run_scoped3A : memref<!tpu.dma_semaphore, #tpu.memory_space<semaphore_mem>>) src(%dma_wait3A_20 : memref<125x80xi32, #tpu.memory_space<hbm>>) dst(%arg7 : memref<125x80xi32, #tpu.memory_space<vmem>>)
      tpu.yield
    }) : () -> ()
    "tpu.region"() ({
      %run_scoped3A = tpu.sem_alloc : memref<!tpu.dma_semaphore, #tpu.memory_space<semaphore_mem>>
      %dma_start3A = arith.constant 0 : i32
      %dma_start3A_7 = arith.constant 0 : i32
      %dma_start3A_8 = tpu.memref_slice %arg4[%add3A, %dma_start3A, %dma_start3A_7] : memref<32x125x80xi32, #tpu.memory_space<hbm>> -> memref<1x125x80xi32, #tpu.memory_space<hbm>>
      %dma_start3A_9 = tpu.memref_squeeze %dma_start3A_8 : memref<1x125x80xi32, #tpu.memory_space<hbm>> -> memref<125x80xi32, #tpu.memory_space<hbm>>
      %dma_start3A_10 = arith.constant 0 : i32
      %dma_start3A_11 = arith.constant 0 : i32
      %dma_start3A_12 = tpu.memref_slice %arg4[%add3A, %dma_start3A_10, %dma_start3A_11] : memref<32x125x80xi32, #tpu.memory_space<hbm>> -> memref<1x125x80xi32, #tpu.memory_space<hbm>>
      %dma_start3A_13 = tpu.memref_squeeze %dma_start3A_12 : memref<1x125x80xi32, #tpu.memory_space<hbm>> -> memref<125x80xi32, #tpu.memory_space<hbm>>
      tpu.enqueue_dma source(%dma_start3A_13 : memref<125x80xi32, #tpu.memory_space<hbm>>) target(%arg8 : memref<125x80xi32, #tpu.memory_space<vmem>>) target_semaphore(%run_scoped3A : memref<!tpu.dma_semaphore, #tpu.memory_space<semaphore_mem>>)
      %dma_wait3A = arith.constant 0 : i32
      %dma_wait3A_14 = arith.constant 0 : i32
      %dma_wait3A_15 = tpu.memref_slice %arg4[%add3A, %dma_wait3A, %dma_wait3A_14] : memref<32x125x80xi32, #tpu.memory_space<hbm>> -> memref<1x125x80xi32, #tpu.memory_space<hbm>>
      %dma_wait3A_16 = tpu.memref_squeeze %dma_wait3A_15 : memref<1x125x80xi32, #tpu.memory_space<hbm>> -> memref<125x80xi32, #tpu.memory_space<hbm>>
      %dma_wait3A_17 = arith.constant 0 : i32
      %dma_wait3A_18 = arith.constant 0 : i32
      %dma_wait3A_19 = tpu.memref_slice %arg4[%add3A, %dma_wait3A_17, %dma_wait3A_18] : memref<32x125x80xi32, #tpu.memory_space<hbm>> -> memref<1x125x80xi32, #tpu.memory_space<hbm>>
      %dma_wait3A_20 = tpu.memref_squeeze %dma_wait3A_19 : memref<1x125x80xi32, #tpu.memory_space<hbm>> -> memref<125x80xi32, #tpu.memory_space<hbm>>
      tpu.wait_dma2 semaphore(%run_scoped3A : memref<!tpu.dma_semaphore, #tpu.memory_space<semaphore_mem>>) src(%dma_wait3A_20 : memref<125x80xi32, #tpu.memory_space<hbm>>) dst(%arg8 : memref<125x80xi32, #tpu.memory_space<vmem>>)
      tpu.yield
    }) : () -> ()
    %scan3A = arith.constant 0 : i32
    %scan3A_3 = arith.constant 125 : i32
    %scan3A_4 = arith.addi %scan3A, %scan3A_3 : i32
    %scan3A_5 = arith.constant 1 : i32
    scf.for %scan3A_7 = %scan3A to %scan3A_4 step %scan3A_5  : i32 {
      %mul3A_8 = arith.constant 1 : i32
      %mul3A_9 = arith.muli %scan3A_7, %mul3A_8 : i32
      %add3A_10 = arith.constant 0 : i32
      %add3A_11 = arith.addi %add3A_10, %mul3A_9 : i32
      %dma_start3A = arith.constant 0 : i32
      %dma_start3A_12 = tpu.memref_slice %arg7[%add3A_11, %dma_start3A] : memref<125x80xi32, #tpu.memory_space<vmem>> -> memref<1x80xi32, #tpu.memory_space<vmem>>
      %dma_start3A_13 = tpu.memref_squeeze %dma_start3A_12 : memref<1x80xi32, #tpu.memory_space<vmem>> -> memref<80xi32, #tpu.memory_space<vmem>>
      %dma_start3A_14 = arith.constant 0 : i32
      %dma_start3A_15 = arith.constant 0 : i32
      %dma_start3A_16 = tpu.memref_slice %arg2[%dma_start3A_14, %dma_start3A_15] : memref<10000x128xi32, #tpu.memory_space<hbm>> -> memref<10000x128xi32, #tpu.memory_space<hbm>>
      tpu.enqueue_indirect_dma source(%dma_start3A_16 : memref<10000x128xi32, #tpu.memory_space<hbm>>) target(%arg9 : memref<80x128xi32, #tpu.memory_space<vmem>>) offsets(%dma_start3A_13 : memref<80xi32, #tpu.memory_space<vmem>>) semaphore(%arg11 : memref<!tpu.dma_semaphore, #tpu.memory_space<semaphore_mem>>)
      %dma_start3A_17 = arith.constant 0 : i32
      %dma_start3A_18 = tpu.memref_slice %arg8[%add3A_11, %dma_start3A_17] : memref<125x80xi32, #tpu.memory_space<vmem>> -> memref<1x80xi32, #tpu.memory_space<vmem>>
      %dma_start3A_19 = tpu.memref_squeeze %dma_start3A_18 : memref<1x80xi32, #tpu.memory_space<vmem>> -> memref<80xi32, #tpu.memory_space<vmem>>
      %dma_start3A_20 = arith.constant 0 : i32
      %dma_start3A_21 = arith.constant 0 : i32
      %dma_start3A_22 = tpu.memref_slice %arg2[%dma_start3A_20, %dma_start3A_21] : memref<10000x128xi32, #tpu.memory_space<hbm>> -> memref<10000x128xi32, #tpu.memory_space<hbm>>
      tpu.enqueue_indirect_dma source(%dma_start3A_22 : memref<10000x128xi32, #tpu.memory_space<hbm>>) target(%arg10 : memref<80x128xi32, #tpu.memory_space<vmem>>) offsets(%dma_start3A_19 : memref<80xi32, #tpu.memory_space<vmem>>) semaphore(%arg12 : memref<!tpu.dma_semaphore, #tpu.memory_space<semaphore_mem>>)
      %dma_wait3A = arith.constant 0 : i32
      %dma_wait3A_23 = tpu.memref_slice %arg7[%add3A_11, %dma_wait3A] : memref<125x80xi32, #tpu.memory_space<vmem>> -> memref<1x80xi32, #tpu.memory_space<vmem>>
      %dma_wait3A_24 = tpu.memref_squeeze %dma_wait3A_23 : memref<1x80xi32, #tpu.memory_space<vmem>> -> memref<80xi32, #tpu.memory_space<vmem>>
      %dma_wait3A_25 = arith.constant 0 : i32
      %dma_wait3A_26 = arith.constant 0 : i32
      %dma_wait3A_27 = tpu.memref_slice %arg2[%dma_wait3A_25, %dma_wait3A_26] : memref<10000x128xi32, #tpu.memory_space<hbm>> -> memref<10000x128xi32, #tpu.memory_space<hbm>>
      tpu.wait_indirect_dma semaphore(%arg11 : memref<!tpu.dma_semaphore, #tpu.memory_space<semaphore_mem>>) src(%dma_wait3A_27 : memref<10000x128xi32, #tpu.memory_space<hbm>>) dst(%arg9 : memref<80x128xi32, #tpu.memory_space<vmem>>)
      %mul3A_28 = arith.constant 80 : i32
      %mul3A_29 = arith.muli %add3A_11, %mul3A_28 : i32
      %add3A_30 = arith.addi %mul3A_2, %mul3A_29 : i32
      "tpu.region"() ({
        %run_scoped3A = tpu.sem_alloc : memref<!tpu.dma_semaphore, #tpu.memory_space<semaphore_mem>>
        %dma_start3A_40 = arith.constant 0 : i32
        %dma_start3A_41 = tpu.memref_slice %arg5[%add3A_30, %dma_start3A_40] : memref<320000x128xi32, #tpu.memory_space<hbm>> -> memref<80x128xi32, #tpu.memory_space<hbm>>
        %dma_start3A_42 = arith.constant 0 : i32
        %dma_start3A_43 = tpu.memref_slice %arg5[%add3A_30, %dma_start3A_42] : memref<320000x128xi32, #tpu.memory_space<hbm>> -> memref<80x128xi32, #tpu.memory_space<hbm>>
        tpu.enqueue_dma source(%arg9 : memref<80x128xi32, #tpu.memory_space<vmem>>) target(%dma_start3A_43 : memref<80x128xi32, #tpu.memory_space<hbm>>) target_semaphore(%run_scoped3A : memref<!tpu.dma_semaphore, #tpu.memory_space<semaphore_mem>>)
        %dma_wait3A_44 = arith.constant 0 : i32
        %dma_wait3A_45 = tpu.memref_slice %arg5[%add3A_30, %dma_wait3A_44] : memref<320000x128xi32, #tpu.memory_space<hbm>> -> memref<80x128xi32, #tpu.memory_space<hbm>>
        %dma_wait3A_46 = arith.constant 0 : i32
        %dma_wait3A_47 = tpu.memref_slice %arg5[%add3A_30, %dma_wait3A_46] : memref<320000x128xi32, #tpu.memory_space<hbm>> -> memref<80x128xi32, #tpu.memory_space<hbm>>
        tpu.wait_dma2 semaphore(%run_scoped3A : memref<!tpu.dma_semaphore, #tpu.memory_space<semaphore_mem>>) src(%arg9 : memref<80x128xi32, #tpu.memory_space<vmem>>) dst(%dma_wait3A_47 : memref<80x128xi32, #tpu.memory_space<hbm>>)
        tpu.yield
      }) : () -> ()
      %dma_wait3A_31 = arith.constant 0 : i32
      %dma_wait3A_32 = tpu.memref_slice %arg8[%add3A_11, %dma_wait3A_31] : memref<125x80xi32, #tpu.memory_space<vmem>> -> memref<1x80xi32, #tpu.memory_space<vmem>>
      %dma_wait3A_33 = tpu.memref_squeeze %dma_wait3A_32 : memref<1x80xi32, #tpu.memory_space<vmem>> -> memref<80xi32, #tpu.memory_space<vmem>>
      %dma_wait3A_34 = arith.constant 0 : i32
      %dma_wait3A_35 = arith.constant 0 : i32
      %dma_wait3A_36 = tpu.memref_slice %arg2[%dma_wait3A_34, %dma_wait3A_35] : memref<10000x128xi32, #tpu.memory_space<hbm>> -> memref<10000x128xi32, #tpu.memory_space<hbm>>
      tpu.wait_indirect_dma semaphore(%arg12 : memref<!tpu.dma_semaphore, #tpu.memory_space<semaphore_mem>>) src(%dma_wait3A_36 : memref<10000x128xi32, #tpu.memory_space<hbm>>) dst(%arg10 : memref<80x128xi32, #tpu.memory_space<vmem>>)
      %mul3A_37 = arith.constant 80 : i32
      %mul3A_38 = arith.muli %add3A_11, %mul3A_37 : i32
      %add3A_39 = arith.addi %mul3A_2, %mul3A_38 : i32
      "tpu.region"() ({
        %run_scoped3A = tpu.sem_alloc : memref<!tpu.dma_semaphore, #tpu.memory_space<semaphore_mem>>
        %dma_start3A_40 = arith.constant 0 : i32
        %dma_start3A_41 = tpu.memref_slice %arg6[%add3A_39, %dma_start3A_40] : memref<320000x128xi32, #tpu.memory_space<hbm>> -> memref<80x128xi32, #tpu.memory_space<hbm>>
        %dma_start3A_42 = arith.constant 0 : i32
        %dma_start3A_43 = tpu.memref_slice %arg6[%add3A_39, %dma_start3A_42] : memref<320000x128xi32, #tpu.memory_space<hbm>> -> memref<80x128xi32, #tpu.memory_space<hbm>>
        tpu.enqueue_dma source(%arg10 : memref<80x128xi32, #tpu.memory_space<vmem>>) target(%dma_start3A_43 : memref<80x128xi32, #tpu.memory_space<hbm>>) target_semaphore(%run_scoped3A : memref<!tpu.dma_semaphore, #tpu.memory_space<semaphore_mem>>)
        %dma_wait3A_44 = arith.constant 0 : i32
        %dma_wait3A_45 = tpu.memref_slice %arg6[%add3A_39, %dma_wait3A_44] : memref<320000x128xi32, #tpu.memory_space<hbm>> -> memref<80x128xi32, #tpu.memory_space<hbm>>
        %dma_wait3A_46 = arith.constant 0 : i32
        %dma_wait3A_47 = tpu.memref_slice %arg6[%add3A_39, %dma_wait3A_46] : memref<320000x128xi32, #tpu.memory_space<hbm>> -> memref<80x128xi32, #tpu.memory_space<hbm>>
        tpu.wait_dma2 semaphore(%run_scoped3A : memref<!tpu.dma_semaphore, #tpu.memory_space<semaphore_mem>>) src(%arg10 : memref<80x128xi32, #tpu.memory_space<vmem>>) dst(%dma_wait3A_47 : memref<80x128xi32, #tpu.memory_space<hbm>>)
        tpu.yield
      }) : () -> ()
    }
    %scan3A_6 = arith.constant 125 : i32
    return
  }
}

#map = affine_map<(d0, d1) -> (0, 0)>
#map1 = affine_map<(d0, d1) -> (0, 0, 0)>
module attributes {stable_mosaic.version = 14 : i64} {
  func.func @k(%arg0: i32, %arg1: i32, %arg2: memref<320000x128xf32, #tpu.memory_space<hbm>>, %arg3: memref<320000x128xf32, #tpu.memory_space<hbm>>, %arg4: memref<32x125x80xi32, #tpu.memory_space<hbm>>, %arg5: memref<10000x128xf32, #tpu.memory_space<hbm>>, %arg6: memref<2x10000x128xf32, #tpu.memory_space<hbm>>, %arg7: memref<2x10000x128xf32, #tpu.memory_space<hbm>>, %arg8: memref<125x80xi32, #tpu.memory_space<vmem>>, %arg9: memref<80x128xf32, #tpu.memory_space<vmem>>, %arg10: memref<10000x128xf32, #tpu.memory_space<vmem_shared>>, %arg11: memref<!tpu.dma_semaphore, #tpu.memory_space<semaphore_mem>>) attributes {dimension_semantics = [#tpu.dimension_semantics<core_parallel>, #tpu.dimension_semantics<subcore_parallel>], iteration_bounds = array<i64: 2, 16>, scalar_prefetch = 0 : i64, scratch_operands = 4 : i64, tpu.core_type = #tpu.core_type<sc_vector_subcore>, window_params = [{transform_indices = #map}, {transform_indices = #map}, {transform_indices = #map1}, {transform_indices = #map}, {transform_indices = #map1}, {transform_indices = #map1}]} {
    %mul3A = arith.constant 2 : i32
    %mul3A_0 = arith.muli %arg1, %mul3A : i32
    %add3A = arith.addi %mul3A_0, %arg0 : i32
    %mul3A_1 = arith.constant 1000 : i32
    %mul3A_2 = arith.muli %arg1, %mul3A_1 : i32
    %lt3A = arith.constant 10 : i32
    %lt3A_3 = arith.cmpi slt, %arg1, %lt3A : i32
    %convert_element_type3A = arith.extui %lt3A_3 : i1 to i32
    %cond3A = arith.constant 0 : i32
    %cond3A_4 = arith.cmpi ne, %convert_element_type3A, %cond3A : i32
    scf.if %cond3A_4 {
      "tpu.region"() ({
        %run_scoped3A = tpu.sem_alloc : memref<!tpu.dma_semaphore, #tpu.memory_space<semaphore_mem>>
        %dma_start3A = arith.constant 0 : i32
        %dma_start3A_27 = tpu.memref_slice %arg10[%mul3A_2, %dma_start3A] : memref<10000x128xf32, #tpu.memory_space<vmem_shared>> -> memref<1000x128xf32, #tpu.memory_space<vmem_shared>>
        %dma_start3A_28 = arith.constant 0 : i32
        %dma_start3A_29 = tpu.memref_slice %arg5[%mul3A_2, %dma_start3A_28] : memref<10000x128xf32, #tpu.memory_space<hbm>> -> memref<1000x128xf32, #tpu.memory_space<hbm>>
        tpu.enqueue_dma source(%dma_start3A_29 : memref<1000x128xf32, #tpu.memory_space<hbm>>) target(%dma_start3A_27 : memref<1000x128xf32, #tpu.memory_space<vmem_shared>>) target_semaphore(%run_scoped3A : memref<!tpu.dma_semaphore, #tpu.memory_space<semaphore_mem>>)
        %dma_wait3A = arith.constant 0 : i32
        %dma_wait3A_30 = tpu.memref_slice %arg10[%mul3A_2, %dma_wait3A] : memref<10000x128xf32, #tpu.memory_space<vmem_shared>> -> memref<1000x128xf32, #tpu.memory_space<vmem_shared>>
        %dma_wait3A_31 = arith.constant 0 : i32
        %dma_wait3A_32 = tpu.memref_slice %arg5[%mul3A_2, %dma_wait3A_31] : memref<10000x128xf32, #tpu.memory_space<hbm>> -> memref<1000x128xf32, #tpu.memory_space<hbm>>
        tpu.wait_dma2 semaphore(%run_scoped3A : memref<!tpu.dma_semaphore, #tpu.memory_space<semaphore_mem>>) src(%dma_wait3A_32 : memref<1000x128xf32, #tpu.memory_space<hbm>>) dst(%dma_wait3A_30 : memref<1000x128xf32, #tpu.memory_space<vmem_shared>>)
        tpu.yield
      }) : () -> ()
    } else {
    }
    %barrier3A = arith.constant 0 : index
    tpu.barrier barrier_id(%barrier3A)
    "tpu.region"() ({
      %run_scoped3A = tpu.sem_alloc : memref<!tpu.dma_semaphore, #tpu.memory_space<semaphore_mem>>
      %dma_start3A = arith.constant 0 : i32
      %dma_start3A_27 = arith.constant 0 : i32
      %dma_start3A_28 = tpu.memref_slice %arg4[%add3A, %dma_start3A, %dma_start3A_27] : memref<32x125x80xi32, #tpu.memory_space<hbm>> -> memref<1x125x80xi32, #tpu.memory_space<hbm>>
      %dma_start3A_29 = tpu.memref_squeeze %dma_start3A_28 : memref<1x125x80xi32, #tpu.memory_space<hbm>> -> memref<125x80xi32, #tpu.memory_space<hbm>>
      %dma_start3A_30 = arith.constant 0 : i32
      %dma_start3A_31 = arith.constant 0 : i32
      %dma_start3A_32 = tpu.memref_slice %arg4[%add3A, %dma_start3A_30, %dma_start3A_31] : memref<32x125x80xi32, #tpu.memory_space<hbm>> -> memref<1x125x80xi32, #tpu.memory_space<hbm>>
      %dma_start3A_33 = tpu.memref_squeeze %dma_start3A_32 : memref<1x125x80xi32, #tpu.memory_space<hbm>> -> memref<125x80xi32, #tpu.memory_space<hbm>>
      tpu.enqueue_dma source(%dma_start3A_33 : memref<125x80xi32, #tpu.memory_space<hbm>>) target(%arg8 : memref<125x80xi32, #tpu.memory_space<vmem>>) target_semaphore(%run_scoped3A : memref<!tpu.dma_semaphore, #tpu.memory_space<semaphore_mem>>)
      %dma_wait3A = arith.constant 0 : i32
      %dma_wait3A_34 = arith.constant 0 : i32
      %dma_wait3A_35 = tpu.memref_slice %arg4[%add3A, %dma_wait3A, %dma_wait3A_34] : memref<32x125x80xi32, #tpu.memory_space<hbm>> -> memref<1x125x80xi32, #tpu.memory_space<hbm>>
      %dma_wait3A_36 = tpu.memref_squeeze %dma_wait3A_35 : memref<1x125x80xi32, #tpu.memory_space<hbm>> -> memref<125x80xi32, #tpu.memory_space<hbm>>
      %dma_wait3A_37 = arith.constant 0 : i32
      %dma_wait3A_38 = arith.constant 0 : i32
      %dma_wait3A_39 = tpu.memref_slice %arg4[%add3A, %dma_wait3A_37, %dma_wait3A_38] : memref<32x125x80xi32, #tpu.memory_space<hbm>> -> memref<1x125x80xi32, #tpu.memory_space<hbm>>
      %dma_wait3A_40 = tpu.memref_squeeze %dma_wait3A_39 : memref<1x125x80xi32, #tpu.memory_space<hbm>> -> memref<125x80xi32, #tpu.memory_space<hbm>>
      tpu.wait_dma2 semaphore(%run_scoped3A : memref<!tpu.dma_semaphore, #tpu.memory_space<semaphore_mem>>) src(%dma_wait3A_40 : memref<125x80xi32, #tpu.memory_space<hbm>>) dst(%arg8 : memref<125x80xi32, #tpu.memory_space<vmem>>)
      tpu.yield
    }) : () -> ()
    %scan3A = arith.constant 0 : i32
    %scan3A_5 = arith.constant 125 : i32
    %scan3A_6 = arith.addi %scan3A, %scan3A_5 : i32
    %scan3A_7 = arith.constant 1 : i32
    scf.for %scan3A_27 = %scan3A to %scan3A_6 step %scan3A_7  : i32 {
      %mul3A_28 = arith.constant 1 : i32
      %mul3A_29 = arith.muli %scan3A_27, %mul3A_28 : i32
      %add3A_30 = arith.constant 0 : i32
      %add3A_31 = arith.addi %add3A_30, %mul3A_29 : i32
      %mul3A_32 = arith.constant 10000 : i32
      %mul3A_33 = arith.muli %add3A, %mul3A_32 : i32
      %mul3A_34 = arith.constant 80 : i32
      %mul3A_35 = arith.muli %add3A_31, %mul3A_34 : i32
      %add3A_36 = arith.addi %mul3A_33, %mul3A_35 : i32
      "tpu.region"() ({
        %run_scoped3A = tpu.sem_alloc : memref<!tpu.dma_semaphore, #tpu.memory_space<semaphore_mem>>
        %dma_start3A = arith.constant 0 : i32
        %dma_start3A_37 = tpu.memref_slice %arg2[%add3A_36, %dma_start3A] : memref<320000x128xf32, #tpu.memory_space<hbm>> -> memref<80x128xf32, #tpu.memory_space<hbm>>
        %dma_start3A_38 = arith.constant 0 : i32
        %dma_start3A_39 = tpu.memref_slice %arg2[%add3A_36, %dma_start3A_38] : memref<320000x128xf32, #tpu.memory_space<hbm>> -> memref<80x128xf32, #tpu.memory_space<hbm>>
        tpu.enqueue_dma source(%dma_start3A_39 : memref<80x128xf32, #tpu.memory_space<hbm>>) target(%arg9 : memref<80x128xf32, #tpu.memory_space<vmem>>) target_semaphore(%run_scoped3A : memref<!tpu.dma_semaphore, #tpu.memory_space<semaphore_mem>>)
        %dma_wait3A = arith.constant 0 : i32
        %dma_wait3A_40 = tpu.memref_slice %arg2[%add3A_36, %dma_wait3A] : memref<320000x128xf32, #tpu.memory_space<hbm>> -> memref<80x128xf32, #tpu.memory_space<hbm>>
        %dma_wait3A_41 = arith.constant 0 : i32
        %dma_wait3A_42 = tpu.memref_slice %arg2[%add3A_36, %dma_wait3A_41] : memref<320000x128xf32, #tpu.memory_space<hbm>> -> memref<80x128xf32, #tpu.memory_space<hbm>>
        tpu.wait_dma2 semaphore(%run_scoped3A : memref<!tpu.dma_semaphore, #tpu.memory_space<semaphore_mem>>) src(%dma_wait3A_42 : memref<80x128xf32, #tpu.memory_space<hbm>>) dst(%arg9 : memref<80x128xf32, #tpu.memory_space<vmem>>)
        tpu.yield
      }) : () -> ()
      "tpu.region"() ({
        %run_scoped3A = tpu.sem_alloc : memref<!tpu.dma_semaphore, #tpu.memory_space<semaphore_mem>>
        %dma_start3A = arith.constant 0 : i32
        %dma_start3A_37 = tpu.memref_slice %arg8[%add3A_31, %dma_start3A] : memref<125x80xi32, #tpu.memory_space<vmem>> -> memref<1x80xi32, #tpu.memory_space<vmem>>
        %dma_start3A_38 = tpu.memref_squeeze %dma_start3A_37 : memref<1x80xi32, #tpu.memory_space<vmem>> -> memref<80xi32, #tpu.memory_space<vmem>>
        %dma_start3A_39 = arith.constant 0 : i32
        %dma_start3A_40 = arith.constant 0 : i32
        %dma_start3A_41 = tpu.memref_slice %arg10[%dma_start3A_39, %dma_start3A_40] : memref<10000x128xf32, #tpu.memory_space<vmem_shared>> -> memref<10000x128xf32, #tpu.memory_space<vmem_shared>>
        tpu.enqueue_indirect_dma source(%arg9 : memref<80x128xf32, #tpu.memory_space<vmem>>) target(%dma_start3A_41 : memref<10000x128xf32, #tpu.memory_space<vmem_shared>>) offsets(%dma_start3A_38 : memref<80xi32, #tpu.memory_space<vmem>>) semaphore(%run_scoped3A : memref<!tpu.dma_semaphore, #tpu.memory_space<semaphore_mem>>) {add = true}
        %dma_wait3A = arith.constant 0 : i32
        %dma_wait3A_42 = tpu.memref_slice %arg8[%add3A_31, %dma_wait3A] : memref<125x80xi32, #tpu.memory_space<vmem>> -> memref<1x80xi32, #tpu.memory_space<vmem>>
        %dma_wait3A_43 = tpu.memref_squeeze %dma_wait3A_42 : memref<1x80xi32, #tpu.memory_space<vmem>> -> memref<80xi32, #tpu.memory_space<vmem>>
        %dma_wait3A_44 = arith.constant 0 : i32
        %dma_wait3A_45 = arith.constant 0 : i32
        %dma_wait3A_46 = tpu.memref_slice %arg10[%dma_wait3A_44, %dma_wait3A_45] : memref<10000x128xf32, #tpu.memory_space<vmem_shared>> -> memref<10000x128xf32, #tpu.memory_space<vmem_shared>>
        tpu.wait_indirect_dma semaphore(%run_scoped3A : memref<!tpu.dma_semaphore, #tpu.memory_space<semaphore_mem>>) src(%arg9 : memref<80x128xf32, #tpu.memory_space<vmem>>) dst(%dma_wait3A_46 : memref<10000x128xf32, #tpu.memory_space<vmem_shared>>)
        tpu.yield
      }) : () -> ()
    }
    %scan3A_8 = arith.constant 125 : i32
    %barrier3A_9 = arith.constant 0 : index
    tpu.barrier barrier_id(%barrier3A_9)
    %lt3A_10 = arith.constant 10 : i32
    %lt3A_11 = arith.cmpi slt, %arg1, %lt3A_10 : i32
    %convert_element_type3A_12 = arith.extui %lt3A_11 : i1 to i32
    %cond3A_13 = arith.constant 0 : i32
    %cond3A_14 = arith.cmpi ne, %convert_element_type3A_12, %cond3A_13 : i32
    scf.if %cond3A_14 {
      "tpu.region"() ({
        %run_scoped3A = tpu.sem_alloc : memref<!tpu.dma_semaphore, #tpu.memory_space<semaphore_mem>>
        %dma_start3A = arith.constant 0 : i32
        %dma_start3A_27 = arith.constant 0 : i32
        %dma_start3A_28 = tpu.memref_slice %arg6[%arg0, %dma_start3A, %dma_start3A_27] : memref<2x10000x128xf32, #tpu.memory_space<hbm>> -> memref<1x10000x128xf32, #tpu.memory_space<hbm>>
        %dma_start3A_29 = tpu.memref_squeeze %dma_start3A_28 : memref<1x10000x128xf32, #tpu.memory_space<hbm>> -> memref<10000x128xf32, #tpu.memory_space<hbm>>
        %dma_start3A_30 = arith.constant 0 : i32
        %dma_start3A_31 = tpu.memref_slice %dma_start3A_29[%mul3A_2, %dma_start3A_30] : memref<10000x128xf32, #tpu.memory_space<hbm>> -> memref<1000x128xf32, #tpu.memory_space<hbm>>
        %dma_start3A_32 = arith.constant 0 : i32
        %dma_start3A_33 = tpu.memref_slice %arg10[%mul3A_2, %dma_start3A_32] : memref<10000x128xf32, #tpu.memory_space<vmem_shared>> -> memref<1000x128xf32, #tpu.memory_space<vmem_shared>>
        tpu.enqueue_dma source(%dma_start3A_33 : memref<1000x128xf32, #tpu.memory_space<vmem_shared>>) target(%dma_start3A_31 : memref<1000x128xf32, #tpu.memory_space<hbm>>) target_semaphore(%run_scoped3A : memref<!tpu.dma_semaphore, #tpu.memory_space<semaphore_mem>>)
        %dma_wait3A = arith.constant 0 : i32
        %dma_wait3A_34 = arith.constant 0 : i32
        %dma_wait3A_35 = tpu.memref_slice %arg6[%arg0, %dma_wait3A, %dma_wait3A_34] : memref<2x10000x128xf32, #tpu.memory_space<hbm>> -> memref<1x10000x128xf32, #tpu.memory_space<hbm>>
        %dma_wait3A_36 = tpu.memref_squeeze %dma_wait3A_35 : memref<1x10000x128xf32, #tpu.memory_space<hbm>> -> memref<10000x128xf32, #tpu.memory_space<hbm>>
        %dma_wait3A_37 = arith.constant 0 : i32
        %dma_wait3A_38 = tpu.memref_slice %dma_wait3A_36[%mul3A_2, %dma_wait3A_37] : memref<10000x128xf32, #tpu.memory_space<hbm>> -> memref<1000x128xf32, #tpu.memory_space<hbm>>
        %dma_wait3A_39 = arith.constant 0 : i32
        %dma_wait3A_40 = tpu.memref_slice %arg10[%mul3A_2, %dma_wait3A_39] : memref<10000x128xf32, #tpu.memory_space<vmem_shared>> -> memref<1000x128xf32, #tpu.memory_space<vmem_shared>>
        tpu.wait_dma2 semaphore(%run_scoped3A : memref<!tpu.dma_semaphore, #tpu.memory_space<semaphore_mem>>) src(%dma_wait3A_40 : memref<1000x128xf32, #tpu.memory_space<vmem_shared>>) dst(%dma_wait3A_38 : memref<1000x128xf32, #tpu.memory_space<hbm>>)
        tpu.yield
      }) : () -> ()
      "tpu.region"() ({
        %run_scoped3A = tpu.sem_alloc : memref<!tpu.dma_semaphore, #tpu.memory_space<semaphore_mem>>
        %dma_start3A = arith.constant 0 : i32
        %dma_start3A_27 = tpu.memref_slice %arg10[%mul3A_2, %dma_start3A] : memref<10000x128xf32, #tpu.memory_space<vmem_shared>> -> memref<1000x128xf32, #tpu.memory_space<vmem_shared>>
        %dma_start3A_28 = arith.constant 0 : i32
        %dma_start3A_29 = tpu.memref_slice %arg5[%mul3A_2, %dma_start3A_28] : memref<10000x128xf32, #tpu.memory_space<hbm>> -> memref<1000x128xf32, #tpu.memory_space<hbm>>
        tpu.enqueue_dma source(%dma_start3A_29 : memref<1000x128xf32, #tpu.memory_space<hbm>>) target(%dma_start3A_27 : memref<1000x128xf32, #tpu.memory_space<vmem_shared>>) target_semaphore(%run_scoped3A : memref<!tpu.dma_semaphore, #tpu.memory_space<semaphore_mem>>)
        %dma_wait3A = arith.constant 0 : i32
        %dma_wait3A_30 = tpu.memref_slice %arg10[%mul3A_2, %dma_wait3A] : memref<10000x128xf32, #tpu.memory_space<vmem_shared>> -> memref<1000x128xf32, #tpu.memory_space<vmem_shared>>
        %dma_wait3A_31 = arith.constant 0 : i32
        %dma_wait3A_32 = tpu.memref_slice %arg5[%mul3A_2, %dma_wait3A_31] : memref<10000x128xf32, #tpu.memory_space<hbm>> -> memref<1000x128xf32, #tpu.memory_space<hbm>>
        tpu.wait_dma2 semaphore(%run_scoped3A : memref<!tpu.dma_semaphore, #tpu.memory_space<semaphore_mem>>) src(%dma_wait3A_32 : memref<1000x128xf32, #tpu.memory_space<hbm>>) dst(%dma_wait3A_30 : memref<1000x128xf32, #tpu.memory_space<vmem_shared>>)
        tpu.yield
      }) : () -> ()
    } else {
    }
    %barrier3A_15 = arith.constant 0 : index
    tpu.barrier barrier_id(%barrier3A_15)
    %scan3A_16 = arith.constant 0 : i32
    %scan3A_17 = arith.constant 125 : i32
    %scan3A_18 = arith.addi %scan3A_16, %scan3A_17 : i32
    %scan3A_19 = arith.constant 1 : i32
    scf.for %scan3A_27 = %scan3A_16 to %scan3A_18 step %scan3A_19  : i32 {
      %mul3A_28 = arith.constant 1 : i32
      %mul3A_29 = arith.muli %scan3A_27, %mul3A_28 : i32
      %add3A_30 = arith.constant 0 : i32
      %add3A_31 = arith.addi %add3A_30, %mul3A_29 : i32
      %mul3A_32 = arith.constant 10000 : i32
      %mul3A_33 = arith.muli %add3A, %mul3A_32 : i32
      %mul3A_34 = arith.constant 80 : i32
      %mul3A_35 = arith.muli %add3A_31, %mul3A_34 : i32
      %add3A_36 = arith.addi %mul3A_33, %mul3A_35 : i32
      "tpu.region"() ({
        %run_scoped3A = tpu.sem_alloc : memref<!tpu.dma_semaphore, #tpu.memory_space<semaphore_mem>>
        %dma_start3A = arith.constant 0 : i32
        %dma_start3A_37 = tpu.memref_slice %arg3[%add3A_36, %dma_start3A] : memref<320000x128xf32, #tpu.memory_space<hbm>> -> memref<80x128xf32, #tpu.memory_space<hbm>>
        %dma_start3A_38 = arith.constant 0 : i32
        %dma_start3A_39 = tpu.memref_slice %arg3[%add3A_36, %dma_start3A_38] : memref<320000x128xf32, #tpu.memory_space<hbm>> -> memref<80x128xf32, #tpu.memory_space<hbm>>
        tpu.enqueue_dma source(%dma_start3A_39 : memref<80x128xf32, #tpu.memory_space<hbm>>) target(%arg9 : memref<80x128xf32, #tpu.memory_space<vmem>>) target_semaphore(%run_scoped3A : memref<!tpu.dma_semaphore, #tpu.memory_space<semaphore_mem>>)
        %dma_wait3A = arith.constant 0 : i32
        %dma_wait3A_40 = tpu.memref_slice %arg3[%add3A_36, %dma_wait3A] : memref<320000x128xf32, #tpu.memory_space<hbm>> -> memref<80x128xf32, #tpu.memory_space<hbm>>
        %dma_wait3A_41 = arith.constant 0 : i32
        %dma_wait3A_42 = tpu.memref_slice %arg3[%add3A_36, %dma_wait3A_41] : memref<320000x128xf32, #tpu.memory_space<hbm>> -> memref<80x128xf32, #tpu.memory_space<hbm>>
        tpu.wait_dma2 semaphore(%run_scoped3A : memref<!tpu.dma_semaphore, #tpu.memory_space<semaphore_mem>>) src(%dma_wait3A_42 : memref<80x128xf32, #tpu.memory_space<hbm>>) dst(%arg9 : memref<80x128xf32, #tpu.memory_space<vmem>>)
        tpu.yield
      }) : () -> ()
      "tpu.region"() ({
        %run_scoped3A = tpu.sem_alloc : memref<!tpu.dma_semaphore, #tpu.memory_space<semaphore_mem>>
        %dma_start3A = arith.constant 0 : i32
        %dma_start3A_37 = tpu.memref_slice %arg8[%add3A_31, %dma_start3A] : memref<125x80xi32, #tpu.memory_space<vmem>> -> memref<1x80xi32, #tpu.memory_space<vmem>>
        %dma_start3A_38 = tpu.memref_squeeze %dma_start3A_37 : memref<1x80xi32, #tpu.memory_space<vmem>> -> memref<80xi32, #tpu.memory_space<vmem>>
        %dma_start3A_39 = arith.constant 0 : i32
        %dma_start3A_40 = arith.constant 0 : i32
        %dma_start3A_41 = tpu.memref_slice %arg10[%dma_start3A_39, %dma_start3A_40] : memref<10000x128xf32, #tpu.memory_space<vmem_shared>> -> memref<10000x128xf32, #tpu.memory_space<vmem_shared>>
        tpu.enqueue_indirect_dma source(%arg9 : memref<80x128xf32, #tpu.memory_space<vmem>>) target(%dma_start3A_41 : memref<10000x128xf32, #tpu.memory_space<vmem_shared>>) offsets(%dma_start3A_38 : memref<80xi32, #tpu.memory_space<vmem>>) semaphore(%run_scoped3A : memref<!tpu.dma_semaphore, #tpu.memory_space<semaphore_mem>>) {add = true}
        %dma_wait3A = arith.constant 0 : i32
        %dma_wait3A_42 = tpu.memref_slice %arg8[%add3A_31, %dma_wait3A] : memref<125x80xi32, #tpu.memory_space<vmem>> -> memref<1x80xi32, #tpu.memory_space<vmem>>
        %dma_wait3A_43 = tpu.memref_squeeze %dma_wait3A_42 : memref<1x80xi32, #tpu.memory_space<vmem>> -> memref<80xi32, #tpu.memory_space<vmem>>
        %dma_wait3A_44 = arith.constant 0 : i32
        %dma_wait3A_45 = arith.constant 0 : i32
        %dma_wait3A_46 = tpu.memref_slice %arg10[%dma_wait3A_44, %dma_wait3A_45] : memref<10000x128xf32, #tpu.memory_space<vmem_shared>> -> memref<10000x128xf32, #tpu.memory_space<vmem_shared>>
        tpu.wait_indirect_dma semaphore(%run_scoped3A : memref<!tpu.dma_semaphore, #tpu.memory_space<semaphore_mem>>) src(%arg9 : memref<80x128xf32, #tpu.memory_space<vmem>>) dst(%dma_wait3A_46 : memref<10000x128xf32, #tpu.memory_space<vmem_shared>>)
        tpu.yield
      }) : () -> ()
    }
    %scan3A_20 = arith.constant 125 : i32
    %barrier3A_21 = arith.constant 0 : index
    tpu.barrier barrier_id(%barrier3A_21)
    %lt3A_22 = arith.constant 10 : i32
    %lt3A_23 = arith.cmpi slt, %arg1, %lt3A_22 : i32
    %convert_element_type3A_24 = arith.extui %lt3A_23 : i1 to i32
    %cond3A_25 = arith.constant 0 : i32
    %cond3A_26 = arith.cmpi ne, %convert_element_type3A_24, %cond3A_25 : i32
    scf.if %cond3A_26 {
      "tpu.region"() ({
        %run_scoped3A = tpu.sem_alloc : memref<!tpu.dma_semaphore, #tpu.memory_space<semaphore_mem>>
        %dma_start3A = arith.constant 0 : i32
        %dma_start3A_27 = arith.constant 0 : i32
        %dma_start3A_28 = tpu.memref_slice %arg7[%arg0, %dma_start3A, %dma_start3A_27] : memref<2x10000x128xf32, #tpu.memory_space<hbm>> -> memref<1x10000x128xf32, #tpu.memory_space<hbm>>
        %dma_start3A_29 = tpu.memref_squeeze %dma_start3A_28 : memref<1x10000x128xf32, #tpu.memory_space<hbm>> -> memref<10000x128xf32, #tpu.memory_space<hbm>>
        %dma_start3A_30 = arith.constant 0 : i32
        %dma_start3A_31 = tpu.memref_slice %dma_start3A_29[%mul3A_2, %dma_start3A_30] : memref<10000x128xf32, #tpu.memory_space<hbm>> -> memref<1000x128xf32, #tpu.memory_space<hbm>>
        %dma_start3A_32 = arith.constant 0 : i32
        %dma_start3A_33 = tpu.memref_slice %arg10[%mul3A_2, %dma_start3A_32] : memref<10000x128xf32, #tpu.memory_space<vmem_shared>> -> memref<1000x128xf32, #tpu.memory_space<vmem_shared>>
        tpu.enqueue_dma source(%dma_start3A_33 : memref<1000x128xf32, #tpu.memory_space<vmem_shared>>) target(%dma_start3A_31 : memref<1000x128xf32, #tpu.memory_space<hbm>>) target_semaphore(%run_scoped3A : memref<!tpu.dma_semaphore, #tpu.memory_space<semaphore_mem>>)
        %dma_wait3A = arith.constant 0 : i32
        %dma_wait3A_34 = arith.constant 0 : i32
        %dma_wait3A_35 = tpu.memref_slice %arg7[%arg0, %dma_wait3A, %dma_wait3A_34] : memref<2x10000x128xf32, #tpu.memory_space<hbm>> -> memref<1x10000x128xf32, #tpu.memory_space<hbm>>
        %dma_wait3A_36 = tpu.memref_squeeze %dma_wait3A_35 : memref<1x10000x128xf32, #tpu.memory_space<hbm>> -> memref<10000x128xf32, #tpu.memory_space<hbm>>
        %dma_wait3A_37 = arith.constant 0 : i32
        %dma_wait3A_38 = tpu.memref_slice %dma_wait3A_36[%mul3A_2, %dma_wait3A_37] : memref<10000x128xf32, #tpu.memory_space<hbm>> -> memref<1000x128xf32, #tpu.memory_space<hbm>>
        %dma_wait3A_39 = arith.constant 0 : i32
        %dma_wait3A_40 = tpu.memref_slice %arg10[%mul3A_2, %dma_wait3A_39] : memref<10000x128xf32, #tpu.memory_space<vmem_shared>> -> memref<1000x128xf32, #tpu.memory_space<vmem_shared>>
        tpu.wait_dma2 semaphore(%run_scoped3A : memref<!tpu.dma_semaphore, #tpu.memory_space<semaphore_mem>>) src(%dma_wait3A_40 : memref<1000x128xf32, #tpu.memory_space<vmem_shared>>) dst(%dma_wait3A_38 : memref<1000x128xf32, #tpu.memory_space<hbm>>)
        tpu.yield
      }) : () -> ()
    } else {
    }
    return
  }
}

#map = affine_map<(d0, d1) -> (0, 0)>
#map1 = affine_map<(d0, d1) -> (0, 0, 0)>
module attributes {stable_mosaic.version = 14 : i64} {
  func.func @k(%arg0: i32, %arg1: i32, %arg2: memref<10000x128xi32, #tpu.memory_space<hbm>>, %arg3: memref<32x125x80xi32, #tpu.memory_space<hbm>>, %arg4: memref<32x125x80xi32, #tpu.memory_space<hbm>>, %arg5: memref<320000x128xi32, #tpu.memory_space<hbm>>, %arg6: memref<320000x128xi32, #tpu.memory_space<hbm>>, %arg7: memref<125x80xi32, #tpu.memory_space<vmem>>, %arg8: memref<125x80xi32, #tpu.memory_space<vmem>>, %arg9: memref<80x128xi32, #tpu.memory_space<vmem>>, %arg10: memref<80x128xi32, #tpu.memory_space<vmem>>, %arg11: memref<!tpu.dma_semaphore, #tpu.memory_space<semaphore_mem>>, %arg12: memref<!tpu.dma_semaphore, #tpu.memory_space<semaphore_mem>>) attributes {dimension_semantics = [#tpu.dimension_semantics<core_parallel>, #tpu.dimension_semantics<subcore_parallel>], iteration_bounds = array<i64: 2, 16>, scalar_prefetch = 0 : i64, scratch_operands = 6 : i64, tpu.core_type = #tpu.core_type<sc_vector_subcore>, window_params = [{transform_indices = #map}, {transform_indices = #map1}, {transform_indices = #map1}, {transform_indices = #map}, {transform_indices = #map}]} {
    %mul3A = arith.constant 2 : i32
    %mul3A_0 = arith.muli %arg1, %mul3A : i32
    %add3A = arith.addi %mul3A_0, %arg0 : i32
    %mul3A_1 = arith.constant 10000 : i32
    %mul3A_2 = arith.muli %add3A, %mul3A_1 : i32
    "tpu.region"() ({
      %run_scoped3A = tpu.sem_alloc : memref<!tpu.dma_semaphore, #tpu.memory_space<semaphore_mem>>
      %dma_start3A = arith.constant 0 : i32
      %dma_start3A_7 = arith.constant 0 : i32
      %dma_start3A_8 = tpu.memref_slice %arg3[%add3A, %dma_start3A, %dma_start3A_7] : memref<32x125x80xi32, #tpu.memory_space<hbm>> -> memref<1x125x80xi32, #tpu.memory_space<hbm>>
      %dma_start3A_9 = tpu.memref_squeeze %dma_start3A_8 : memref<1x125x80xi32, #tpu.memory_space<hbm>> -> memref<125x80xi32, #tpu.memory_space<hbm>>
      %dma_start3A_10 = arith.constant 0 : i32
      %dma_start3A_11 = arith.constant 0 : i32
      %dma_start3A_12 = tpu.memref_slice %arg3[%add3A, %dma_start3A_10, %dma_start3A_11] : memref<32x125x80xi32, #tpu.memory_space<hbm>> -> memref<1x125x80xi32, #tpu.memory_space<hbm>>
      %dma_start3A_13 = tpu.memref_squeeze %dma_start3A_12 : memref<1x125x80xi32, #tpu.memory_space<hbm>> -> memref<125x80xi32, #tpu.memory_space<hbm>>
      tpu.enqueue_dma source(%dma_start3A_13 : memref<125x80xi32, #tpu.memory_space<hbm>>) target(%arg7 : memref<125x80xi32, #tpu.memory_space<vmem>>) target_semaphore(%run_scoped3A : memref<!tpu.dma_semaphore, #tpu.memory_space<semaphore_mem>>)
      %dma_wait3A = arith.constant 0 : i32
      %dma_wait3A_14 = arith.constant 0 : i32
      %dma_wait3A_15 = tpu.memref_slice %arg3[%add3A, %dma_wait3A, %dma_wait3A_14] : memref<32x125x80xi32, #tpu.memory_space<hbm>> -> memref<1x125x80xi32, #tpu.memory_space<hbm>>
      %dma_wait3A_16 = tpu.memref_squeeze %dma_wait3A_15 : memref<1x125x80xi32, #tpu.memory_space<hbm>> -> memref<125x80xi32, #tpu.memory_space<hbm>>
      %dma_wait3A_17 = arith.constant 0 : i32
      %dma_wait3A_18 = arith.constant 0 : i32
      %dma_wait3A_19 = tpu.memref_slice %arg3[%add3A, %dma_wait3A_17, %dma_wait3A_18] : memref<32x125x80xi32, #tpu.memory_space<hbm>> -> memref<1x125x80xi32, #tpu.memory_space<hbm>>
      %dma_wait3A_20 = tpu.memref_squeeze %dma_wait3A_19 : memref<1x125x80xi32, #tpu.memory_space<hbm>> -> memref<125x80xi32, #tpu.memory_space<hbm>>
      tpu.wait_dma2 semaphore(%run_scoped3A : memref<!tpu.dma_semaphore, #tpu.memory_space<semaphore_mem>>) src(%dma_wait3A_20 : memref<125x80xi32, #tpu.memory_space<hbm>>) dst(%arg7 : memref<125x80xi32, #tpu.memory_space<vmem>>)
      tpu.yield
    }) : () -> ()
    "tpu.region"() ({
      %run_scoped3A = tpu.sem_alloc : memref<!tpu.dma_semaphore, #tpu.memory_space<semaphore_mem>>
      %dma_start3A = arith.constant 0 : i32
      %dma_start3A_7 = arith.constant 0 : i32
      %dma_start3A_8 = tpu.memref_slice %arg4[%add3A, %dma_start3A, %dma_start3A_7] : memref<32x125x80xi32, #tpu.memory_space<hbm>> -> memref<1x125x80xi32, #tpu.memory_space<hbm>>
      %dma_start3A_9 = tpu.memref_squeeze %dma_start3A_8 : memref<1x125x80xi32, #tpu.memory_space<hbm>> -> memref<125x80xi32, #tpu.memory_space<hbm>>
      %dma_start3A_10 = arith.constant 0 : i32
      %dma_start3A_11 = arith.constant 0 : i32
      %dma_start3A_12 = tpu.memref_slice %arg4[%add3A, %dma_start3A_10, %dma_start3A_11] : memref<32x125x80xi32, #tpu.memory_space<hbm>> -> memref<1x125x80xi32, #tpu.memory_space<hbm>>
      %dma_start3A_13 = tpu.memref_squeeze %dma_start3A_12 : memref<1x125x80xi32, #tpu.memory_space<hbm>> -> memref<125x80xi32, #tpu.memory_space<hbm>>
      tpu.enqueue_dma source(%dma_start3A_13 : memref<125x80xi32, #tpu.memory_space<hbm>>) target(%arg8 : memref<125x80xi32, #tpu.memory_space<vmem>>) target_semaphore(%run_scoped3A : memref<!tpu.dma_semaphore, #tpu.memory_space<semaphore_mem>>)
      %dma_wait3A = arith.constant 0 : i32
      %dma_wait3A_14 = arith.constant 0 : i32
      %dma_wait3A_15 = tpu.memref_slice %arg4[%add3A, %dma_wait3A, %dma_wait3A_14] : memref<32x125x80xi32, #tpu.memory_space<hbm>> -> memref<1x125x80xi32, #tpu.memory_space<hbm>>
      %dma_wait3A_16 = tpu.memref_squeeze %dma_wait3A_15 : memref<1x125x80xi32, #tpu.memory_space<hbm>> -> memref<125x80xi32, #tpu.memory_space<hbm>>
      %dma_wait3A_17 = arith.constant 0 : i32
      %dma_wait3A_18 = arith.constant 0 : i32
      %dma_wait3A_19 = tpu.memref_slice %arg4[%add3A, %dma_wait3A_17, %dma_wait3A_18] : memref<32x125x80xi32, #tpu.memory_space<hbm>> -> memref<1x125x80xi32, #tpu.memory_space<hbm>>
      %dma_wait3A_20 = tpu.memref_squeeze %dma_wait3A_19 : memref<1x125x80xi32, #tpu.memory_space<hbm>> -> memref<125x80xi32, #tpu.memory_space<hbm>>
      tpu.wait_dma2 semaphore(%run_scoped3A : memref<!tpu.dma_semaphore, #tpu.memory_space<semaphore_mem>>) src(%dma_wait3A_20 : memref<125x80xi32, #tpu.memory_space<hbm>>) dst(%arg8 : memref<125x80xi32, #tpu.memory_space<vmem>>)
      tpu.yield
    }) : () -> ()
    %scan3A = arith.constant 0 : i32
    %scan3A_3 = arith.constant 125 : i32
    %scan3A_4 = arith.addi %scan3A, %scan3A_3 : i32
    %scan3A_5 = arith.constant 1 : i32
    scf.for %scan3A_7 = %scan3A to %scan3A_4 step %scan3A_5  : i32 {
      %mul3A_8 = arith.constant 1 : i32
      %mul3A_9 = arith.muli %scan3A_7, %mul3A_8 : i32
      %add3A_10 = arith.constant 0 : i32
      %add3A_11 = arith.addi %add3A_10, %mul3A_9 : i32
      %dma_start3A = arith.constant 0 : i32
      %dma_start3A_12 = tpu.memref_slice %arg7[%add3A_11, %dma_start3A] : memref<125x80xi32, #tpu.memory_space<vmem>> -> memref<1x80xi32, #tpu.memory_space<vmem>>
      %dma_start3A_13 = tpu.memref_squeeze %dma_start3A_12 : memref<1x80xi32, #tpu.memory_space<vmem>> -> memref<80xi32, #tpu.memory_space<vmem>>
      %dma_start3A_14 = arith.constant 0 : i32
      %dma_start3A_15 = arith.constant 0 : i32
      %dma_start3A_16 = tpu.memref_slice %arg2[%dma_start3A_14, %dma_start3A_15] : memref<10000x128xi32, #tpu.memory_space<hbm>> -> memref<10000x128xi32, #tpu.memory_space<hbm>>
      tpu.enqueue_indirect_dma source(%dma_start3A_16 : memref<10000x128xi32, #tpu.memory_space<hbm>>) target(%arg9 : memref<80x128xi32, #tpu.memory_space<vmem>>) offsets(%dma_start3A_13 : memref<80xi32, #tpu.memory_space<vmem>>) semaphore(%arg11 : memref<!tpu.dma_semaphore, #tpu.memory_space<semaphore_mem>>)
      %dma_start3A_17 = arith.constant 0 : i32
      %dma_start3A_18 = tpu.memref_slice %arg8[%add3A_11, %dma_start3A_17] : memref<125x80xi32, #tpu.memory_space<vmem>> -> memref<1x80xi32, #tpu.memory_space<vmem>>
      %dma_start3A_19 = tpu.memref_squeeze %dma_start3A_18 : memref<1x80xi32, #tpu.memory_space<vmem>> -> memref<80xi32, #tpu.memory_space<vmem>>
      %dma_start3A_20 = arith.constant 0 : i32
      %dma_start3A_21 = arith.constant 0 : i32
      %dma_start3A_22 = tpu.memref_slice %arg2[%dma_start3A_20, %dma_start3A_21] : memref<10000x128xi32, #tpu.memory_space<hbm>> -> memref<10000x128xi32, #tpu.memory_space<hbm>>
      tpu.enqueue_indirect_dma source(%dma_start3A_22 : memref<10000x128xi32, #tpu.memory_space<hbm>>) target(%arg10 : memref<80x128xi32, #tpu.memory_space<vmem>>) offsets(%dma_start3A_19 : memref<80xi32, #tpu.memory_space<vmem>>) semaphore(%arg12 : memref<!tpu.dma_semaphore, #tpu.memory_space<semaphore_mem>>)
      %dma_wait3A = arith.constant 0 : i32
      %dma_wait3A_23 = tpu.memref_slice %arg7[%add3A_11, %dma_wait3A] : memref<125x80xi32, #tpu.memory_space<vmem>> -> memref<1x80xi32, #tpu.memory_space<vmem>>
      %dma_wait3A_24 = tpu.memref_squeeze %dma_wait3A_23 : memref<1x80xi32, #tpu.memory_space<vmem>> -> memref<80xi32, #tpu.memory_space<vmem>>
      %dma_wait3A_25 = arith.constant 0 : i32
      %dma_wait3A_26 = arith.constant 0 : i32
      %dma_wait3A_27 = tpu.memref_slice %arg2[%dma_wait3A_25, %dma_wait3A_26] : memref<10000x128xi32, #tpu.memory_space<hbm>> -> memref<10000x128xi32, #tpu.memory_space<hbm>>
      tpu.wait_indirect_dma semaphore(%arg11 : memref<!tpu.dma_semaphore, #tpu.memory_space<semaphore_mem>>) src(%dma_wait3A_27 : memref<10000x128xi32, #tpu.memory_space<hbm>>) dst(%arg9 : memref<80x128xi32, #tpu.memory_space<vmem>>)
      %mul3A_28 = arith.constant 80 : i32
      %mul3A_29 = arith.muli %add3A_11, %mul3A_28 : i32
      %add3A_30 = arith.addi %mul3A_2, %mul3A_29 : i32
      "tpu.region"() ({
        %run_scoped3A = tpu.sem_alloc : memref<!tpu.dma_semaphore, #tpu.memory_space<semaphore_mem>>
        %dma_start3A_40 = arith.constant 0 : i32
        %dma_start3A_41 = tpu.memref_slice %arg5[%add3A_30, %dma_start3A_40] : memref<320000x128xi32, #tpu.memory_space<hbm>> -> memref<80x128xi32, #tpu.memory_space<hbm>>
        %dma_start3A_42 = arith.constant 0 : i32
        %dma_start3A_43 = tpu.memref_slice %arg5[%add3A_30, %dma_start3A_42] : memref<320000x128xi32, #tpu.memory_space<hbm>> -> memref<80x128xi32, #tpu.memory_space<hbm>>
        tpu.enqueue_dma source(%arg9 : memref<80x128xi32, #tpu.memory_space<vmem>>) target(%dma_start3A_43 : memref<80x128xi32, #tpu.memory_space<hbm>>) target_semaphore(%run_scoped3A : memref<!tpu.dma_semaphore, #tpu.memory_space<semaphore_mem>>)
        %dma_wait3A_44 = arith.constant 0 : i32
        %dma_wait3A_45 = tpu.memref_slice %arg5[%add3A_30, %dma_wait3A_44] : memref<320000x128xi32, #tpu.memory_space<hbm>> -> memref<80x128xi32, #tpu.memory_space<hbm>>
        %dma_wait3A_46 = arith.constant 0 : i32
        %dma_wait3A_47 = tpu.memref_slice %arg5[%add3A_30, %dma_wait3A_46] : memref<320000x128xi32, #tpu.memory_space<hbm>> -> memref<80x128xi32, #tpu.memory_space<hbm>>
        tpu.wait_dma2 semaphore(%run_scoped3A : memref<!tpu.dma_semaphore, #tpu.memory_space<semaphore_mem>>) src(%arg9 : memref<80x128xi32, #tpu.memory_space<vmem>>) dst(%dma_wait3A_47 : memref<80x128xi32, #tpu.memory_space<hbm>>)
        tpu.yield
      }) : () -> ()
      %dma_wait3A_31 = arith.constant 0 : i32
      %dma_wait3A_32 = tpu.memref_slice %arg8[%add3A_11, %dma_wait3A_31] : memref<125x80xi32, #tpu.memory_space<vmem>> -> memref<1x80xi32, #tpu.memory_space<vmem>>
      %dma_wait3A_33 = tpu.memref_squeeze %dma_wait3A_32 : memref<1x80xi32, #tpu.memory_space<vmem>> -> memref<80xi32, #tpu.memory_space<vmem>>
      %dma_wait3A_34 = arith.constant 0 : i32
      %dma_wait3A_35 = arith.constant 0 : i32
      %dma_wait3A_36 = tpu.memref_slice %arg2[%dma_wait3A_34, %dma_wait3A_35] : memref<10000x128xi32, #tpu.memory_space<hbm>> -> memref<10000x128xi32, #tpu.memory_space<hbm>>
      tpu.wait_indirect_dma semaphore(%arg12 : memref<!tpu.dma_semaphore, #tpu.memory_space<semaphore_mem>>) src(%dma_wait3A_36 : memref<10000x128xi32, #tpu.memory_space<hbm>>) dst(%arg10 : memref<80x128xi32, #tpu.memory_space<vmem>>)
      %mul3A_37 = arith.constant 80 : i32
      %mul3A_38 = arith.muli %add3A_11, %mul3A_37 : i32
      %add3A_39 = arith.addi %mul3A_2, %mul3A_38 : i32
      "tpu.region"() ({
        %run_scoped3A = tpu.sem_alloc : memref<!tpu.dma_semaphore, #tpu.memory_space<semaphore_mem>>
        %dma_start3A_40 = arith.constant 0 : i32
        %dma_start3A_41 = tpu.memref_slice %arg6[%add3A_39, %dma_start3A_40] : memref<320000x128xi32, #tpu.memory_space<hbm>> -> memref<80x128xi32, #tpu.memory_space<hbm>>
        %dma_start3A_42 = arith.constant 0 : i32
        %dma_start3A_43 = tpu.memref_slice %arg6[%add3A_39, %dma_start3A_42] : memref<320000x128xi32, #tpu.memory_space<hbm>> -> memref<80x128xi32, #tpu.memory_space<hbm>>
        tpu.enqueue_dma source(%arg10 : memref<80x128xi32, #tpu.memory_space<vmem>>) target(%dma_start3A_43 : memref<80x128xi32, #tpu.memory_space<hbm>>) target_semaphore(%run_scoped3A : memref<!tpu.dma_semaphore, #tpu.memory_space<semaphore_mem>>)
        %dma_wait3A_44 = arith.constant 0 : i32
        %dma_wait3A_45 = tpu.memref_slice %arg6[%add3A_39, %dma_wait3A_44] : memref<320000x128xi32, #tpu.memory_space<hbm>> -> memref<80x128xi32, #tpu.memory_space<hbm>>
        %dma_wait3A_46 = arith.constant 0 : i32
        %dma_wait3A_47 = tpu.memref_slice %arg6[%add3A_39, %dma_wait3A_46] : memref<320000x128xi32, #tpu.memory_space<hbm>> -> memref<80x128xi32, #tpu.memory_space<hbm>>
        tpu.wait_dma2 semaphore(%run_scoped3A : memref<!tpu.dma_semaphore, #tpu.memory_space<semaphore_mem>>) src(%arg10 : memref<80x128xi32, #tpu.memory_space<vmem>>) dst(%dma_wait3A_47 : memref<80x128xi32, #tpu.memory_space<hbm>>)
        tpu.yield
      }) : () -> ()
    }
    %scan3A_6 = arith.constant 125 : i32
    return
  }
}

#map = affine_map<(d0, d1) -> (0, 0)>
#map1 = affine_map<(d0, d1) -> (0, 0, 0)>
module attributes {stable_mosaic.version = 14 : i64} {
  func.func @k(%arg0: i32, %arg1: i32, %arg2: memref<320000x128xf32, #tpu.memory_space<hbm>>, %arg3: memref<320000x128xf32, #tpu.memory_space<hbm>>, %arg4: memref<32x125x80xi32, #tpu.memory_space<hbm>>, %arg5: memref<10000x128xf32, #tpu.memory_space<hbm>>, %arg6: memref<2x10000x128xf32, #tpu.memory_space<hbm>>, %arg7: memref<2x10000x128xf32, #tpu.memory_space<hbm>>, %arg8: memref<125x80xi32, #tpu.memory_space<vmem>>, %arg9: memref<80x128xf32, #tpu.memory_space<vmem>>, %arg10: memref<10000x128xf32, #tpu.memory_space<vmem_shared>>, %arg11: memref<!tpu.dma_semaphore, #tpu.memory_space<semaphore_mem>>) attributes {dimension_semantics = [#tpu.dimension_semantics<core_parallel>, #tpu.dimension_semantics<subcore_parallel>], iteration_bounds = array<i64: 2, 16>, scalar_prefetch = 0 : i64, scratch_operands = 4 : i64, tpu.core_type = #tpu.core_type<sc_vector_subcore>, window_params = [{transform_indices = #map}, {transform_indices = #map}, {transform_indices = #map1}, {transform_indices = #map}, {transform_indices = #map1}, {transform_indices = #map1}]} {
    %mul3A = arith.constant 2 : i32
    %mul3A_0 = arith.muli %arg1, %mul3A : i32
    %add3A = arith.addi %mul3A_0, %arg0 : i32
    %mul3A_1 = arith.constant 1000 : i32
    %mul3A_2 = arith.muli %arg1, %mul3A_1 : i32
    %lt3A = arith.constant 10 : i32
    %lt3A_3 = arith.cmpi slt, %arg1, %lt3A : i32
    %convert_element_type3A = arith.extui %lt3A_3 : i1 to i32
    %cond3A = arith.constant 0 : i32
    %cond3A_4 = arith.cmpi ne, %convert_element_type3A, %cond3A : i32
    scf.if %cond3A_4 {
      "tpu.region"() ({
        %run_scoped3A = tpu.sem_alloc : memref<!tpu.dma_semaphore, #tpu.memory_space<semaphore_mem>>
        %dma_start3A = arith.constant 0 : i32
        %dma_start3A_27 = tpu.memref_slice %arg10[%mul3A_2, %dma_start3A] : memref<10000x128xf32, #tpu.memory_space<vmem_shared>> -> memref<1000x128xf32, #tpu.memory_space<vmem_shared>>
        %dma_start3A_28 = arith.constant 0 : i32
        %dma_start3A_29 = tpu.memref_slice %arg5[%mul3A_2, %dma_start3A_28] : memref<10000x128xf32, #tpu.memory_space<hbm>> -> memref<1000x128xf32, #tpu.memory_space<hbm>>
        tpu.enqueue_dma source(%dma_start3A_29 : memref<1000x128xf32, #tpu.memory_space<hbm>>) target(%dma_start3A_27 : memref<1000x128xf32, #tpu.memory_space<vmem_shared>>) target_semaphore(%run_scoped3A : memref<!tpu.dma_semaphore, #tpu.memory_space<semaphore_mem>>)
        %dma_wait3A = arith.constant 0 : i32
        %dma_wait3A_30 = tpu.memref_slice %arg10[%mul3A_2, %dma_wait3A] : memref<10000x128xf32, #tpu.memory_space<vmem_shared>> -> memref<1000x128xf32, #tpu.memory_space<vmem_shared>>
        %dma_wait3A_31 = arith.constant 0 : i32
        %dma_wait3A_32 = tpu.memref_slice %arg5[%mul3A_2, %dma_wait3A_31] : memref<10000x128xf32, #tpu.memory_space<hbm>> -> memref<1000x128xf32, #tpu.memory_space<hbm>>
        tpu.wait_dma2 semaphore(%run_scoped3A : memref<!tpu.dma_semaphore, #tpu.memory_space<semaphore_mem>>) src(%dma_wait3A_32 : memref<1000x128xf32, #tpu.memory_space<hbm>>) dst(%dma_wait3A_30 : memref<1000x128xf32, #tpu.memory_space<vmem_shared>>)
        tpu.yield
      }) : () -> ()
    } else {
    }
    %barrier3A = arith.constant 0 : index
    tpu.barrier barrier_id(%barrier3A)
    "tpu.region"() ({
      %run_scoped3A = tpu.sem_alloc : memref<!tpu.dma_semaphore, #tpu.memory_space<semaphore_mem>>
      %dma_start3A = arith.constant 0 : i32
      %dma_start3A_27 = arith.constant 0 : i32
      %dma_start3A_28 = tpu.memref_slice %arg4[%add3A, %dma_start3A, %dma_start3A_27] : memref<32x125x80xi32, #tpu.memory_space<hbm>> -> memref<1x125x80xi32, #tpu.memory_space<hbm>>
      %dma_start3A_29 = tpu.memref_squeeze %dma_start3A_28 : memref<1x125x80xi32, #tpu.memory_space<hbm>> -> memref<125x80xi32, #tpu.memory_space<hbm>>
      %dma_start3A_30 = arith.constant 0 : i32
      %dma_start3A_31 = arith.constant 0 : i32
      %dma_start3A_32 = tpu.memref_slice %arg4[%add3A, %dma_start3A_30, %dma_start3A_31] : memref<32x125x80xi32, #tpu.memory_space<hbm>> -> memref<1x125x80xi32, #tpu.memory_space<hbm>>
      %dma_start3A_33 = tpu.memref_squeeze %dma_start3A_32 : memref<1x125x80xi32, #tpu.memory_space<hbm>> -> memref<125x80xi32, #tpu.memory_space<hbm>>
      tpu.enqueue_dma source(%dma_start3A_33 : memref<125x80xi32, #tpu.memory_space<hbm>>) target(%arg8 : memref<125x80xi32, #tpu.memory_space<vmem>>) target_semaphore(%run_scoped3A : memref<!tpu.dma_semaphore, #tpu.memory_space<semaphore_mem>>)
      %dma_wait3A = arith.constant 0 : i32
      %dma_wait3A_34 = arith.constant 0 : i32
      %dma_wait3A_35 = tpu.memref_slice %arg4[%add3A, %dma_wait3A, %dma_wait3A_34] : memref<32x125x80xi32, #tpu.memory_space<hbm>> -> memref<1x125x80xi32, #tpu.memory_space<hbm>>
      %dma_wait3A_36 = tpu.memref_squeeze %dma_wait3A_35 : memref<1x125x80xi32, #tpu.memory_space<hbm>> -> memref<125x80xi32, #tpu.memory_space<hbm>>
      %dma_wait3A_37 = arith.constant 0 : i32
      %dma_wait3A_38 = arith.constant 0 : i32
      %dma_wait3A_39 = tpu.memref_slice %arg4[%add3A, %dma_wait3A_37, %dma_wait3A_38] : memref<32x125x80xi32, #tpu.memory_space<hbm>> -> memref<1x125x80xi32, #tpu.memory_space<hbm>>
      %dma_wait3A_40 = tpu.memref_squeeze %dma_wait3A_39 : memref<1x125x80xi32, #tpu.memory_space<hbm>> -> memref<125x80xi32, #tpu.memory_space<hbm>>
      tpu.wait_dma2 semaphore(%run_scoped3A : memref<!tpu.dma_semaphore, #tpu.memory_space<semaphore_mem>>) src(%dma_wait3A_40 : memref<125x80xi32, #tpu.memory_space<hbm>>) dst(%arg8 : memref<125x80xi32, #tpu.memory_space<vmem>>)
      tpu.yield
    }) : () -> ()
    %scan3A = arith.constant 0 : i32
    %scan3A_5 = arith.constant 125 : i32
    %scan3A_6 = arith.addi %scan3A, %scan3A_5 : i32
    %scan3A_7 = arith.constant 1 : i32
    scf.for %scan3A_27 = %scan3A to %scan3A_6 step %scan3A_7  : i32 {
      %mul3A_28 = arith.constant 1 : i32
      %mul3A_29 = arith.muli %scan3A_27, %mul3A_28 : i32
      %add3A_30 = arith.constant 0 : i32
      %add3A_31 = arith.addi %add3A_30, %mul3A_29 : i32
      %mul3A_32 = arith.constant 10000 : i32
      %mul3A_33 = arith.muli %add3A, %mul3A_32 : i32
      %mul3A_34 = arith.constant 80 : i32
      %mul3A_35 = arith.muli %add3A_31, %mul3A_34 : i32
      %add3A_36 = arith.addi %mul3A_33, %mul3A_35 : i32
      "tpu.region"() ({
        %run_scoped3A = tpu.sem_alloc : memref<!tpu.dma_semaphore, #tpu.memory_space<semaphore_mem>>
        %dma_start3A = arith.constant 0 : i32
        %dma_start3A_37 = tpu.memref_slice %arg2[%add3A_36, %dma_start3A] : memref<320000x128xf32, #tpu.memory_space<hbm>> -> memref<80x128xf32, #tpu.memory_space<hbm>>
        %dma_start3A_38 = arith.constant 0 : i32
        %dma_start3A_39 = tpu.memref_slice %arg2[%add3A_36, %dma_start3A_38] : memref<320000x128xf32, #tpu.memory_space<hbm>> -> memref<80x128xf32, #tpu.memory_space<hbm>>
        tpu.enqueue_dma source(%dma_start3A_39 : memref<80x128xf32, #tpu.memory_space<hbm>>) target(%arg9 : memref<80x128xf32, #tpu.memory_space<vmem>>) target_semaphore(%run_scoped3A : memref<!tpu.dma_semaphore, #tpu.memory_space<semaphore_mem>>)
        %dma_wait3A = arith.constant 0 : i32
        %dma_wait3A_40 = tpu.memref_slice %arg2[%add3A_36, %dma_wait3A] : memref<320000x128xf32, #tpu.memory_space<hbm>> -> memref<80x128xf32, #tpu.memory_space<hbm>>
        %dma_wait3A_41 = arith.constant 0 : i32
        %dma_wait3A_42 = tpu.memref_slice %arg2[%add3A_36, %dma_wait3A_41] : memref<320000x128xf32, #tpu.memory_space<hbm>> -> memref<80x128xf32, #tpu.memory_space<hbm>>
        tpu.wait_dma2 semaphore(%run_scoped3A : memref<!tpu.dma_semaphore, #tpu.memory_space<semaphore_mem>>) src(%dma_wait3A_42 : memref<80x128xf32, #tpu.memory_space<hbm>>) dst(%arg9 : memref<80x128xf32, #tpu.memory_space<vmem>>)
        tpu.yield
      }) : () -> ()
      "tpu.region"() ({
        %run_scoped3A = tpu.sem_alloc : memref<!tpu.dma_semaphore, #tpu.memory_space<semaphore_mem>>
        %dma_start3A = arith.constant 0 : i32
        %dma_start3A_37 = tpu.memref_slice %arg8[%add3A_31, %dma_start3A] : memref<125x80xi32, #tpu.memory_space<vmem>> -> memref<1x80xi32, #tpu.memory_space<vmem>>
        %dma_start3A_38 = tpu.memref_squeeze %dma_start3A_37 : memref<1x80xi32, #tpu.memory_space<vmem>> -> memref<80xi32, #tpu.memory_space<vmem>>
        %dma_start3A_39 = arith.constant 0 : i32
        %dma_start3A_40 = arith.constant 0 : i32
        %dma_start3A_41 = tpu.memref_slice %arg10[%dma_start3A_39, %dma_start3A_40] : memref<10000x128xf32, #tpu.memory_space<vmem_shared>> -> memref<10000x128xf32, #tpu.memory_space<vmem_shared>>
        tpu.enqueue_indirect_dma source(%arg9 : memref<80x128xf32, #tpu.memory_space<vmem>>) target(%dma_start3A_41 : memref<10000x128xf32, #tpu.memory_space<vmem_shared>>) offsets(%dma_start3A_38 : memref<80xi32, #tpu.memory_space<vmem>>) semaphore(%run_scoped3A : memref<!tpu.dma_semaphore, #tpu.memory_space<semaphore_mem>>) {add = true}
        %dma_wait3A = arith.constant 0 : i32
        %dma_wait3A_42 = tpu.memref_slice %arg8[%add3A_31, %dma_wait3A] : memref<125x80xi32, #tpu.memory_space<vmem>> -> memref<1x80xi32, #tpu.memory_space<vmem>>
        %dma_wait3A_43 = tpu.memref_squeeze %dma_wait3A_42 : memref<1x80xi32, #tpu.memory_space<vmem>> -> memref<80xi32, #tpu.memory_space<vmem>>
        %dma_wait3A_44 = arith.constant 0 : i32
        %dma_wait3A_45 = arith.constant 0 : i32
        %dma_wait3A_46 = tpu.memref_slice %arg10[%dma_wait3A_44, %dma_wait3A_45] : memref<10000x128xf32, #tpu.memory_space<vmem_shared>> -> memref<10000x128xf32, #tpu.memory_space<vmem_shared>>
        tpu.wait_indirect_dma semaphore(%run_scoped3A : memref<!tpu.dma_semaphore, #tpu.memory_space<semaphore_mem>>) src(%arg9 : memref<80x128xf32, #tpu.memory_space<vmem>>) dst(%dma_wait3A_46 : memref<10000x128xf32, #tpu.memory_space<vmem_shared>>)
        tpu.yield
      }) : () -> ()
    }
    %scan3A_8 = arith.constant 125 : i32
    %barrier3A_9 = arith.constant 0 : index
    tpu.barrier barrier_id(%barrier3A_9)
    %lt3A_10 = arith.constant 10 : i32
    %lt3A_11 = arith.cmpi slt, %arg1, %lt3A_10 : i32
    %convert_element_type3A_12 = arith.extui %lt3A_11 : i1 to i32
    %cond3A_13 = arith.constant 0 : i32
    %cond3A_14 = arith.cmpi ne, %convert_element_type3A_12, %cond3A_13 : i32
    scf.if %cond3A_14 {
      "tpu.region"() ({
        %run_scoped3A = tpu.sem_alloc : memref<!tpu.dma_semaphore, #tpu.memory_space<semaphore_mem>>
        %dma_start3A = arith.constant 0 : i32
        %dma_start3A_27 = arith.constant 0 : i32
        %dma_start3A_28 = tpu.memref_slice %arg6[%arg0, %dma_start3A, %dma_start3A_27] : memref<2x10000x128xf32, #tpu.memory_space<hbm>> -> memref<1x10000x128xf32, #tpu.memory_space<hbm>>
        %dma_start3A_29 = tpu.memref_squeeze %dma_start3A_28 : memref<1x10000x128xf32, #tpu.memory_space<hbm>> -> memref<10000x128xf32, #tpu.memory_space<hbm>>
        %dma_start3A_30 = arith.constant 0 : i32
        %dma_start3A_31 = tpu.memref_slice %dma_start3A_29[%mul3A_2, %dma_start3A_30] : memref<10000x128xf32, #tpu.memory_space<hbm>> -> memref<1000x128xf32, #tpu.memory_space<hbm>>
        %dma_start3A_32 = arith.constant 0 : i32
        %dma_start3A_33 = tpu.memref_slice %arg10[%mul3A_2, %dma_start3A_32] : memref<10000x128xf32, #tpu.memory_space<vmem_shared>> -> memref<1000x128xf32, #tpu.memory_space<vmem_shared>>
        tpu.enqueue_dma source(%dma_start3A_33 : memref<1000x128xf32, #tpu.memory_space<vmem_shared>>) target(%dma_start3A_31 : memref<1000x128xf32, #tpu.memory_space<hbm>>) target_semaphore(%run_scoped3A : memref<!tpu.dma_semaphore, #tpu.memory_space<semaphore_mem>>)
        %dma_wait3A = arith.constant 0 : i32
        %dma_wait3A_34 = arith.constant 0 : i32
        %dma_wait3A_35 = tpu.memref_slice %arg6[%arg0, %dma_wait3A, %dma_wait3A_34] : memref<2x10000x128xf32, #tpu.memory_space<hbm>> -> memref<1x10000x128xf32, #tpu.memory_space<hbm>>
        %dma_wait3A_36 = tpu.memref_squeeze %dma_wait3A_35 : memref<1x10000x128xf32, #tpu.memory_space<hbm>> -> memref<10000x128xf32, #tpu.memory_space<hbm>>
        %dma_wait3A_37 = arith.constant 0 : i32
        %dma_wait3A_38 = tpu.memref_slice %dma_wait3A_36[%mul3A_2, %dma_wait3A_37] : memref<10000x128xf32, #tpu.memory_space<hbm>> -> memref<1000x128xf32, #tpu.memory_space<hbm>>
        %dma_wait3A_39 = arith.constant 0 : i32
        %dma_wait3A_40 = tpu.memref_slice %arg10[%mul3A_2, %dma_wait3A_39] : memref<10000x128xf32, #tpu.memory_space<vmem_shared>> -> memref<1000x128xf32, #tpu.memory_space<vmem_shared>>
        tpu.wait_dma2 semaphore(%run_scoped3A : memref<!tpu.dma_semaphore, #tpu.memory_space<semaphore_mem>>) src(%dma_wait3A_40 : memref<1000x128xf32, #tpu.memory_space<vmem_shared>>) dst(%dma_wait3A_38 : memref<1000x128xf32, #tpu.memory_space<hbm>>)
        tpu.yield
      }) : () -> ()
      "tpu.region"() ({
        %run_scoped3A = tpu.sem_alloc : memref<!tpu.dma_semaphore, #tpu.memory_space<semaphore_mem>>
        %dma_start3A = arith.constant 0 : i32
        %dma_start3A_27 = tpu.memref_slice %arg10[%mul3A_2, %dma_start3A] : memref<10000x128xf32, #tpu.memory_space<vmem_shared>> -> memref<1000x128xf32, #tpu.memory_space<vmem_shared>>
        %dma_start3A_28 = arith.constant 0 : i32
        %dma_start3A_29 = tpu.memref_slice %arg5[%mul3A_2, %dma_start3A_28] : memref<10000x128xf32, #tpu.memory_space<hbm>> -> memref<1000x128xf32, #tpu.memory_space<hbm>>
        tpu.enqueue_dma source(%dma_start3A_29 : memref<1000x128xf32, #tpu.memory_space<hbm>>) target(%dma_start3A_27 : memref<1000x128xf32, #tpu.memory_space<vmem_shared>>) target_semaphore(%run_scoped3A : memref<!tpu.dma_semaphore, #tpu.memory_space<semaphore_mem>>)
        %dma_wait3A = arith.constant 0 : i32
        %dma_wait3A_30 = tpu.memref_slice %arg10[%mul3A_2, %dma_wait3A] : memref<10000x128xf32, #tpu.memory_space<vmem_shared>> -> memref<1000x128xf32, #tpu.memory_space<vmem_shared>>
        %dma_wait3A_31 = arith.constant 0 : i32
        %dma_wait3A_32 = tpu.memref_slice %arg5[%mul3A_2, %dma_wait3A_31] : memref<10000x128xf32, #tpu.memory_space<hbm>> -> memref<1000x128xf32, #tpu.memory_space<hbm>>
        tpu.wait_dma2 semaphore(%run_scoped3A : memref<!tpu.dma_semaphore, #tpu.memory_space<semaphore_mem>>) src(%dma_wait3A_32 : memref<1000x128xf32, #tpu.memory_space<hbm>>) dst(%dma_wait3A_30 : memref<1000x128xf32, #tpu.memory_space<vmem_shared>>)
        tpu.yield
      }) : () -> ()
    } else {
    }
    %barrier3A_15 = arith.constant 0 : index
    tpu.barrier barrier_id(%barrier3A_15)
    %scan3A_16 = arith.constant 0 : i32
    %scan3A_17 = arith.constant 125 : i32
    %scan3A_18 = arith.addi %scan3A_16, %scan3A_17 : i32
    %scan3A_19 = arith.constant 1 : i32
    scf.for %scan3A_27 = %scan3A_16 to %scan3A_18 step %scan3A_19  : i32 {
      %mul3A_28 = arith.constant 1 : i32
      %mul3A_29 = arith.muli %scan3A_27, %mul3A_28 : i32
      %add3A_30 = arith.constant 0 : i32
      %add3A_31 = arith.addi %add3A_30, %mul3A_29 : i32
      %mul3A_32 = arith.constant 10000 : i32
      %mul3A_33 = arith.muli %add3A, %mul3A_32 : i32
      %mul3A_34 = arith.constant 80 : i32
      %mul3A_35 = arith.muli %add3A_31, %mul3A_34 : i32
      %add3A_36 = arith.addi %mul3A_33, %mul3A_35 : i32
      "tpu.region"() ({
        %run_scoped3A = tpu.sem_alloc : memref<!tpu.dma_semaphore, #tpu.memory_space<semaphore_mem>>
        %dma_start3A = arith.constant 0 : i32
        %dma_start3A_37 = tpu.memref_slice %arg3[%add3A_36, %dma_start3A] : memref<320000x128xf32, #tpu.memory_space<hbm>> -> memref<80x128xf32, #tpu.memory_space<hbm>>
        %dma_start3A_38 = arith.constant 0 : i32
        %dma_start3A_39 = tpu.memref_slice %arg3[%add3A_36, %dma_start3A_38] : memref<320000x128xf32, #tpu.memory_space<hbm>> -> memref<80x128xf32, #tpu.memory_space<hbm>>
        tpu.enqueue_dma source(%dma_start3A_39 : memref<80x128xf32, #tpu.memory_space<hbm>>) target(%arg9 : memref<80x128xf32, #tpu.memory_space<vmem>>) target_semaphore(%run_scoped3A : memref<!tpu.dma_semaphore, #tpu.memory_space<semaphore_mem>>)
        %dma_wait3A = arith.constant 0 : i32
        %dma_wait3A_40 = tpu.memref_slice %arg3[%add3A_36, %dma_wait3A] : memref<320000x128xf32, #tpu.memory_space<hbm>> -> memref<80x128xf32, #tpu.memory_space<hbm>>
        %dma_wait3A_41 = arith.constant 0 : i32
        %dma_wait3A_42 = tpu.memref_slice %arg3[%add3A_36, %dma_wait3A_41] : memref<320000x128xf32, #tpu.memory_space<hbm>> -> memref<80x128xf32, #tpu.memory_space<hbm>>
        tpu.wait_dma2 semaphore(%run_scoped3A : memref<!tpu.dma_semaphore, #tpu.memory_space<semaphore_mem>>) src(%dma_wait3A_42 : memref<80x128xf32, #tpu.memory_space<hbm>>) dst(%arg9 : memref<80x128xf32, #tpu.memory_space<vmem>>)
        tpu.yield
      }) : () -> ()
      "tpu.region"() ({
        %run_scoped3A = tpu.sem_alloc : memref<!tpu.dma_semaphore, #tpu.memory_space<semaphore_mem>>
        %dma_start3A = arith.constant 0 : i32
        %dma_start3A_37 = tpu.memref_slice %arg8[%add3A_31, %dma_start3A] : memref<125x80xi32, #tpu.memory_space<vmem>> -> memref<1x80xi32, #tpu.memory_space<vmem>>
        %dma_start3A_38 = tpu.memref_squeeze %dma_start3A_37 : memref<1x80xi32, #tpu.memory_space<vmem>> -> memref<80xi32, #tpu.memory_space<vmem>>
        %dma_start3A_39 = arith.constant 0 : i32
        %dma_start3A_40 = arith.constant 0 : i32
        %dma_start3A_41 = tpu.memref_slice %arg10[%dma_start3A_39, %dma_start3A_40] : memref<10000x128xf32, #tpu.memory_space<vmem_shared>> -> memref<10000x128xf32, #tpu.memory_space<vmem_shared>>
        tpu.enqueue_indirect_dma source(%arg9 : memref<80x128xf32, #tpu.memory_space<vmem>>) target(%dma_start3A_41 : memref<10000x128xf32, #tpu.memory_space<vmem_shared>>) offsets(%dma_start3A_38 : memref<80xi32, #tpu.memory_space<vmem>>) semaphore(%run_scoped3A : memref<!tpu.dma_semaphore, #tpu.memory_space<semaphore_mem>>) {add = true}
        %dma_wait3A = arith.constant 0 : i32
        %dma_wait3A_42 = tpu.memref_slice %arg8[%add3A_31, %dma_wait3A] : memref<125x80xi32, #tpu.memory_space<vmem>> -> memref<1x80xi32, #tpu.memory_space<vmem>>
        %dma_wait3A_43 = tpu.memref_squeeze %dma_wait3A_42 : memref<1x80xi32, #tpu.memory_space<vmem>> -> memref<80xi32, #tpu.memory_space<vmem>>
        %dma_wait3A_44 = arith.constant 0 : i32
        %dma_wait3A_45 = arith.constant 0 : i32
        %dma_wait3A_46 = tpu.memref_slice %arg10[%dma_wait3A_44, %dma_wait3A_45] : memref<10000x128xf32, #tpu.memory_space<vmem_shared>> -> memref<10000x128xf32, #tpu.memory_space<vmem_shared>>
        tpu.wait_indirect_dma semaphore(%run_scoped3A : memref<!tpu.dma_semaphore, #tpu.memory_space<semaphore_mem>>) src(%arg9 : memref<80x128xf32, #tpu.memory_space<vmem>>) dst(%dma_wait3A_46 : memref<10000x128xf32, #tpu.memory_space<vmem_shared>>)
        tpu.yield
      }) : () -> ()
    }
    %scan3A_20 = arith.constant 125 : i32
    %barrier3A_21 = arith.constant 0 : index
    tpu.barrier barrier_id(%barrier3A_21)
    %lt3A_22 = arith.constant 10 : i32
    %lt3A_23 = arith.cmpi slt, %arg1, %lt3A_22 : i32
    %convert_element_type3A_24 = arith.extui %lt3A_23 : i1 to i32
    %cond3A_25 = arith.constant 0 : i32
    %cond3A_26 = arith.cmpi ne, %convert_element_type3A_24, %cond3A_25 : i32
    scf.if %cond3A_26 {
      "tpu.region"() ({
        %run_scoped3A = tpu.sem_alloc : memref<!tpu.dma_semaphore, #tpu.memory_space<semaphore_mem>>
        %dma_start3A = arith.constant 0 : i32
        %dma_start3A_27 = arith.constant 0 : i32
        %dma_start3A_28 = tpu.memref_slice %arg7[%arg0, %dma_start3A, %dma_start3A_27] : memref<2x10000x128xf32, #tpu.memory_space<hbm>> -> memref<1x10000x128xf32, #tpu.memory_space<hbm>>
        %dma_start3A_29 = tpu.memref_squeeze %dma_start3A_28 : memref<1x10000x128xf32, #tpu.memory_space<hbm>> -> memref<10000x128xf32, #tpu.memory_space<hbm>>
        %dma_start3A_30 = arith.constant 0 : i32
        %dma_start3A_31 = tpu.memref_slice %dma_start3A_29[%mul3A_2, %dma_start3A_30] : memref<10000x128xf32, #tpu.memory_space<hbm>> -> memref<1000x128xf32, #tpu.memory_space<hbm>>
        %dma_start3A_32 = arith.constant 0 : i32
        %dma_start3A_33 = tpu.memref_slice %arg10[%mul3A_2, %dma_start3A_32] : memref<10000x128xf32, #tpu.memory_space<vmem_shared>> -> memref<1000x128xf32, #tpu.memory_space<vmem_shared>>
        tpu.enqueue_dma source(%dma_start3A_33 : memref<1000x128xf32, #tpu.memory_space<vmem_shared>>) target(%dma_start3A_31 : memref<1000x128xf32, #tpu.memory_space<hbm>>) target_semaphore(%run_scoped3A : memref<!tpu.dma_semaphore, #tpu.memory_space<semaphore_mem>>)
        %dma_wait3A = arith.constant 0 : i32
        %dma_wait3A_34 = arith.constant 0 : i32
        %dma_wait3A_35 = tpu.memref_slice %arg7[%arg0, %dma_wait3A, %dma_wait3A_34] : memref<2x10000x128xf32, #tpu.memory_space<hbm>> -> memref<1x10000x128xf32, #tpu.memory_space<hbm>>
        %dma_wait3A_36 = tpu.memref_squeeze %dma_wait3A_35 : memref<1x10000x128xf32, #tpu.memory_space<hbm>> -> memref<10000x128xf32, #tpu.memory_space<hbm>>
        %dma_wait3A_37 = arith.constant 0 : i32
        %dma_wait3A_38 = tpu.memref_slice %dma_wait3A_36[%mul3A_2, %dma_wait3A_37] : memref<10000x128xf32, #tpu.memory_space<hbm>> -> memref<1000x128xf32, #tpu.memory_space<hbm>>
        %dma_wait3A_39 = arith.constant 0 : i32
        %dma_wait3A_40 = tpu.memref_slice %arg10[%mul3A_2, %dma_wait3A_39] : memref<10000x128xf32, #tpu.memory_space<vmem_shared>> -> memref<1000x128xf32, #tpu.memory_space<vmem_shared>>
        tpu.wait_dma2 semaphore(%run_scoped3A : memref<!tpu.dma_semaphore, #tpu.memory_space<semaphore_mem>>) src(%dma_wait3A_40 : memref<1000x128xf32, #tpu.memory_space<vmem_shared>>) dst(%dma_wait3A_38 : memref<1000x128xf32, #tpu.memory_space<hbm>>)
        tpu.yield
      }) : () -> ()
    } else {
    }
    return
  }
}

module attributes {stable_mosaic.version = 14 : i64} {
  func.func @_node_init_body(%arg0: i32, %arg1: memref<1000x6xf32, #tpu.memory_space<vmem>>, %arg2: memref<1000x9xf32, #tpu.memory_space<vmem>>, %arg3: memref<1x6xf32, #tpu.memory_space<vmem>>, %arg4: memref<1x6xf32, #tpu.memory_space<vmem>>, %arg5: memref<3x16xf32, #tpu.memory_space<vmem>>, %arg6: memref<6x100xf32, #tpu.memory_space<vmem>>, %arg7: memref<16x100xf32, #tpu.memory_space<vmem>>, %arg8: memref<1x100xf32, #tpu.memory_space<vmem>>, %arg9: memref<16x16xf32, #tpu.memory_space<vmem>>, %arg10: memref<100x16xf32, #tpu.memory_space<vmem>>, %arg11: memref<1x16xf32, #tpu.memory_space<vmem>>, %arg12: memref<100x100xf32, #tpu.memory_space<vmem>>, %arg13: memref<100x100xf32, #tpu.memory_space<vmem>>, %arg14: memref<1000x160xf32, #tpu.memory_space<vmem>>, %arg15: memref<1000x128xi32, #tpu.memory_space<vmem>>) attributes {dimension_semantics = [#tpu.dimension_semantics<arbitrary>], iteration_bounds = array<i64: 10>, scalar_prefetch = 0 : i64, scratch_operands = 0 : i64, tpu.core_type = #tpu.core_type<tc>, window_params = [{transform_indices = @transform_0, window_bounds = array<i64: 1000, 6>}, {transform_indices = @transform_1, window_bounds = array<i64: 1000, 9>}, {pipeline_mode = #tpu.pipeline_mode<synchronous>, transform_indices = @transform_2, window_bounds = array<i64: 1, 6>}, {pipeline_mode = #tpu.pipeline_mode<synchronous>, transform_indices = @transform_3, window_bounds = array<i64: 1, 6>}, {pipeline_mode = #tpu.pipeline_mode<synchronous>, transform_indices = @transform_4, window_bounds = array<i64: 3, 16>}, {pipeline_mode = #tpu.pipeline_mode<synchronous>, transform_indices = @transform_5, window_bounds = array<i64: 6, 100>}, {pipeline_mode = #tpu.pipeline_mode<synchronous>, transform_indices = @transform_6, window_bounds = array<i64: 16, 100>}, {pipeline_mode = #tpu.pipeline_mode<synchronous>, transform_indices = @transform_7, window_bounds = array<i64: 1, 100>}, {pipeline_mode = #tpu.pipeline_mode<synchronous>, transform_indices = @transform_8, window_bounds = array<i64: 16, 16>}, {pipeline_mode = #tpu.pipeline_mode<synchronous>, transform_indices = @transform_9, window_bounds = array<i64: 100, 16>}, {pipeline_mode = #tpu.pipeline_mode<synchronous>, transform_indices = @transform_10, window_bounds = array<i64: 1, 16>}, {pipeline_mode = #tpu.pipeline_mode<synchronous>, transform_indices = @transform_11, window_bounds = array<i64: 100, 100>}, {pipeline_mode = #tpu.pipeline_mode<synchronous>, transform_indices = @transform_12, window_bounds = array<i64: 100, 100>}, {transform_indices = @transform_13, window_bounds = array<i64: 1000, 160>}, {transform_indices = @transform_14, window_bounds = array<i64: 1000, 128>}]} {
    %get3A = arith.constant 0 : index
    %get3A_0 = arith.constant 0 : index
    %get3A_1 = vector.load %arg1[%get3A, %get3A_0] : memref<1000x6xf32, #tpu.memory_space<vmem>>, vector<1000x6xf32>
    %get3A_2 = arith.constant 0 : index
    %get3A_3 = arith.constant 0 : index
    %get3A_4 = vector.load %arg2[%get3A_2, %get3A_3] : memref<1000x9xf32, #tpu.memory_space<vmem>>, vector<1000x3xf32>
    %get3A_5 = arith.constant 0 : index
    %get3A_6 = arith.constant 3 : index
    %get3A_7 = vector.load %arg2[%get3A_5, %get3A_6] : memref<1000x9xf32, #tpu.memory_space<vmem>>, vector<1000x3xf32>
    %get3A_8 = arith.constant 0 : index
    %get3A_9 = arith.constant 6 : index
    %get3A_10 = vector.load %arg2[%get3A_8, %get3A_9] : memref<1000x9xf32, #tpu.memory_space<vmem>>, vector<1000x3xf32>
    %get3A_11 = arith.constant 0 : index
    %get3A_12 = arith.constant 0 : index
    %get3A_13 = vector.load %arg3[%get3A_11, %get3A_12] : memref<1x6xf32, #tpu.memory_space<vmem>>, vector<1x6xf32>
    %get3A_14 = arith.constant 0 : index
    %get3A_15 = arith.constant 0 : index
    %get3A_16 = vector.load %arg4[%get3A_14, %get3A_15] : memref<1x6xf32, #tpu.memory_space<vmem>>, vector<1x6xf32>
    %reduce_sum3A = arith.constant dense<0.000000e+00> : vector<1000xf32>
    %reduce_sum3A_17 = vector.multi_reduction <add>, %get3A_1, %reduce_sum3A [1] : vector<1000x6xf32> to vector<1000xf32>
    %broadcast_in_dim3A = vector.shape_cast %reduce_sum3A_17 : vector<1000xf32> to vector<1000x1xf32>
    %div3A = arith.constant 6.000000e+00 : f32
    %div3A_18 = vector.broadcast %div3A : f32 to vector<1000x1xf32>
    %div3A_19 = arith.divf %broadcast_in_dim3A, %div3A_18 : vector<1000x1xf32>
    %sub3A = vector.broadcast %div3A_19 : vector<1000x1xf32> to vector<1000x6xf32>
    %sub3A_20 = arith.subf %get3A_1, %sub3A : vector<1000x6xf32>
    %square3A = arith.mulf %sub3A_20, %sub3A_20 : vector<1000x6xf32>
    %reduce_sum3A_21 = arith.constant dense<0.000000e+00> : vector<1000xf32>
    %reduce_sum3A_22 = vector.multi_reduction <add>, %square3A, %reduce_sum3A_21 [1] : vector<1000x6xf32> to vector<1000xf32>
    %broadcast_in_dim3A_23 = vector.shape_cast %reduce_sum3A_22 : vector<1000xf32> to vector<1000x1xf32>
    %div3A_24 = arith.constant 6.000000e+00 : f32
    %div3A_25 = vector.broadcast %div3A_24 : f32 to vector<1000x1xf32>
    %div3A_26 = arith.divf %broadcast_in_dim3A_23, %div3A_25 : vector<1000x1xf32>
    %sub3A_27 = vector.broadcast %div3A_19 : vector<1000x1xf32> to vector<1000x6xf32>
    %sub3A_28 = arith.subf %get3A_1, %sub3A_27 : vector<1000x6xf32>
    %add3A = arith.constant 9.99999974E-6 : f32
    %add3A_29 = vector.broadcast %add3A : f32 to vector<1000x1xf32>
    %add3A_30 = arith.addf %div3A_26, %add3A_29 : vector<1000x1xf32>
    %sqrt3A = math.sqrt %add3A_30 : vector<1000x1xf32>
    %div3A_31 = vector.broadcast %sqrt3A : vector<1000x1xf32> to vector<1000x6xf32>
    %div3A_32 = arith.divf %sub3A_28, %div3A_31 : vector<1000x6xf32>
    %mul3A = vector.broadcast %get3A_13 : vector<1x6xf32> to vector<1000x6xf32>
    %mul3A_33 = arith.mulf %div3A_32, %mul3A : vector<1000x6xf32>
    %add3A_34 = vector.broadcast %get3A_16 : vector<1x6xf32> to vector<1000x6xf32>
    %add3A_35 = arith.addf %mul3A_33, %add3A_34 : vector<1000x6xf32>
    %mul3A_36 = arith.mulf %get3A_4, %get3A_4 : vector<1000x3xf32>
    %mul3A_37 = arith.mulf %get3A_7, %get3A_7 : vector<1000x3xf32>
    %add3A_38 = arith.addf %mul3A_36, %mul3A_37 : vector<1000x3xf32>
    %mul3A_39 = arith.mulf %get3A_10, %get3A_10 : vector<1000x3xf32>
    %add3A_40 = arith.addf %add3A_38, %mul3A_39 : vector<1000x3xf32>
    %jit3A = arith.constant 9.99999993E-9 : f32
    %max3A = vector.broadcast %jit3A : f32 to vector<1000x3xf32>
    %max3A_41 = arith.maximumf %max3A, %add3A_40 : vector<1000x3xf32>
    %reduce_sum3A_42 = arith.constant dense<0.000000e+00> : vector<1000xf32>
    %reduce_sum3A_43 = vector.multi_reduction <add>, %max3A_41, %reduce_sum3A_42 [1] : vector<1000x3xf32> to vector<1000xf32>
    %broadcast_in_dim3A_44 = vector.shape_cast %reduce_sum3A_43 : vector<1000xf32> to vector<1000x1xf32>
    %div3A_45 = arith.constant 3.000000e+00 : f32
    %div3A_46 = vector.broadcast %div3A_45 : f32 to vector<1000x1xf32>
    %div3A_47 = arith.divf %broadcast_in_dim3A_44, %div3A_46 : vector<1000x1xf32>
    %sqrt3A_48 = math.sqrt %div3A_47 : vector<1000x1xf32>
    %div3A_49 = vector.broadcast %sqrt3A_48 : vector<1000x1xf32> to vector<1000x3xf32>
    %div3A_50 = arith.divf %get3A_4, %div3A_49 : vector<1000x3xf32>
    %div3A_51 = vector.broadcast %sqrt3A_48 : vector<1000x1xf32> to vector<1000x3xf32>
    %div3A_52 = arith.divf %get3A_7, %div3A_51 : vector<1000x3xf32>
    %div3A_53 = vector.broadcast %sqrt3A_48 : vector<1000x1xf32> to vector<1000x3xf32>
    %div3A_54 = arith.divf %get3A_10, %div3A_53 : vector<1000x3xf32>
    %get3A_55 = arith.constant 0 : index
    %get3A_56 = arith.constant 0 : index
    %get3A_57 = vector.load %arg5[%get3A_55, %get3A_56] : memref<3x16xf32, #tpu.memory_space<vmem>>, vector<3x16xf32>
    %dot_general3A = arith.constant dense<0.000000e+00> : vector<1000x16xf32>
    %dot_general3A_58 = tpu.matmul %div3A_50, %get3A_57, %dot_general3A {dimension_numbers = #tpu.dot_dimension_numbers<[1], [0], [0], [1], [0, 0, 1, 1], [], []>, transpose_lhs_hint = false} : vector<1000x3xf32>, vector<3x16xf32>, vector<1000x16xf32> -> vector<1000x16xf32>
    %dot_general3A_59 = arith.constant dense<0.000000e+00> : vector<1000x16xf32>
    %dot_general3A_60 = tpu.matmul %div3A_52, %get3A_57, %dot_general3A_59 {dimension_numbers = #tpu.dot_dimension_numbers<[1], [0], [0], [1], [0, 0, 1, 1], [], []>, transpose_lhs_hint = false} : vector<1000x3xf32>, vector<3x16xf32>, vector<1000x16xf32> -> vector<1000x16xf32>
    %dot_general3A_61 = arith.constant dense<0.000000e+00> : vector<1000x16xf32>
    %dot_general3A_62 = tpu.matmul %div3A_54, %get3A_57, %dot_general3A_61 {dimension_numbers = #tpu.dot_dimension_numbers<[1], [0], [0], [1], [0, 0, 1, 1], [], []>, transpose_lhs_hint = false} : vector<1000x3xf32>, vector<3x16xf32>, vector<1000x16xf32> -> vector<1000x16xf32>
    %mul3A_63 = arith.mulf %dot_general3A_58, %dot_general3A_58 : vector<1000x16xf32>
    %mul3A_64 = arith.mulf %dot_general3A_60, %dot_general3A_60 : vector<1000x16xf32>
    %add3A_65 = arith.addf %mul3A_63, %mul3A_64 : vector<1000x16xf32>
    %mul3A_66 = arith.mulf %dot_general3A_62, %dot_general3A_62 : vector<1000x16xf32>
    %add3A_67 = arith.addf %add3A_65, %mul3A_66 : vector<1000x16xf32>
    %jit3A_68 = arith.constant 9.99999993E-9 : f32
    %max3A_69 = vector.broadcast %jit3A_68 : f32 to vector<1000x16xf32>
    %max3A_70 = arith.maximumf %max3A_69, %add3A_67 : vector<1000x16xf32>
    %sqrt3A_71 = math.sqrt %max3A_70 : vector<1000x16xf32>
    %get3A_72 = arith.constant 0 : index
    %get3A_73 = arith.constant 0 : index
    %get3A_74 = vector.load %arg6[%get3A_72, %get3A_73] : memref<6x100xf32, #tpu.memory_space<vmem>>, vector<6x100xf32>
    %dot_general3A_75 = arith.constant dense<0.000000e+00> : vector<1000x100xf32>
    %dot_general3A_76 = tpu.matmul %add3A_35, %get3A_74, %dot_general3A_75 {dimension_numbers = #tpu.dot_dimension_numbers<[1], [0], [0], [1], [0, 0, 1, 1], [], []>, transpose_lhs_hint = false} : vector<1000x6xf32>, vector<6x100xf32>, vector<1000x100xf32> -> vector<1000x100xf32>
    %get3A_77 = arith.constant 0 : index
    %get3A_78 = arith.constant 0 : index
    %get3A_79 = vector.load %arg7[%get3A_77, %get3A_78] : memref<16x100xf32, #tpu.memory_space<vmem>>, vector<16x100xf32>
    %dot_general3A_80 = arith.constant dense<0.000000e+00> : vector<1000x100xf32>
    %dot_general3A_81 = tpu.matmul %sqrt3A_71, %get3A_79, %dot_general3A_80 {dimension_numbers = #tpu.dot_dimension_numbers<[1], [0], [0], [1], [0, 0, 1, 1], [], []>, transpose_lhs_hint = false} : vector<1000x16xf32>, vector<16x100xf32>, vector<1000x100xf32> -> vector<1000x100xf32>
    %add3A_82 = arith.addf %dot_general3A_76, %dot_general3A_81 : vector<1000x100xf32>
    %get3A_83 = arith.constant 0 : index
    %get3A_84 = arith.constant 0 : index
    %get3A_85 = vector.load %arg8[%get3A_83, %get3A_84] : memref<1x100xf32, #tpu.memory_space<vmem>>, vector<1x100xf32>
    %add3A_86 = vector.broadcast %get3A_85 : vector<1x100xf32> to vector<1000x100xf32>
    %add3A_87 = arith.addf %add3A_82, %add3A_86 : vector<1000x100xf32>
    %get3A_88 = arith.constant 0 : index
    %get3A_89 = arith.constant 0 : index
    %get3A_90 = vector.load %arg10[%get3A_88, %get3A_89] : memref<100x16xf32, #tpu.memory_space<vmem>>, vector<100x16xf32>
    %dot_general3A_91 = arith.constant dense<0.000000e+00> : vector<1000x16xf32>
    %dot_general3A_92 = tpu.matmul %add3A_87, %get3A_90, %dot_general3A_91 {dimension_numbers = #tpu.dot_dimension_numbers<[1], [0], [0], [1], [0, 0, 1, 1], [], []>, transpose_lhs_hint = false} : vector<1000x100xf32>, vector<100x16xf32>, vector<1000x16xf32> -> vector<1000x16xf32>
    %get3A_93 = arith.constant 0 : index
    %get3A_94 = arith.constant 0 : index
    %get3A_95 = vector.load %arg11[%get3A_93, %get3A_94] : memref<1x16xf32, #tpu.memory_space<vmem>>, vector<1x16xf32>
    %add3A_96 = vector.broadcast %get3A_95 : vector<1x16xf32> to vector<1000x16xf32>
    %add3A_97 = arith.addf %dot_general3A_92, %add3A_96 : vector<1000x16xf32>
    %logistic3A = arith.negf %add3A_97 : vector<1000x16xf32>
    %logistic3A_98 = math.exp %logistic3A : vector<1000x16xf32>
    %logistic3A_99 = arith.constant 1.000000e+00 : f32
    %logistic3A_100 = vector.broadcast %logistic3A_99 : f32 to vector<1000x16xf32>
    %logistic3A_101 = arith.addf %logistic3A_100, %logistic3A_98 : vector<1000x16xf32>
    %logistic3A_102 = arith.divf %logistic3A_100, %logistic3A_101 : vector<1000x16xf32>
    %get3A_103 = arith.constant 0 : index
    %get3A_104 = arith.constant 0 : index
    %get3A_105 = vector.load %arg9[%get3A_103, %get3A_104] : memref<16x16xf32, #tpu.memory_space<vmem>>, vector<16x16xf32>
    %dot_general3A_106 = arith.constant dense<0.000000e+00> : vector<1000x16xf32>
    %dot_general3A_107 = tpu.matmul %dot_general3A_58, %get3A_105, %dot_general3A_106 {dimension_numbers = #tpu.dot_dimension_numbers<[1], [0], [0], [1], [0, 0, 1, 1], [], []>, transpose_lhs_hint = false} : vector<1000x16xf32>, vector<16x16xf32>, vector<1000x16xf32> -> vector<1000x16xf32>
    %mul3A_108 = arith.mulf %dot_general3A_107, %logistic3A_102 : vector<1000x16xf32>
    %dot_general3A_109 = arith.constant dense<0.000000e+00> : vector<1000x16xf32>
    %dot_general3A_110 = tpu.matmul %dot_general3A_60, %get3A_105, %dot_general3A_109 {dimension_numbers = #tpu.dot_dimension_numbers<[1], [0], [0], [1], [0, 0, 1, 1], [], []>, transpose_lhs_hint = false} : vector<1000x16xf32>, vector<16x16xf32>, vector<1000x16xf32> -> vector<1000x16xf32>
    %mul3A_111 = arith.mulf %dot_general3A_110, %logistic3A_102 : vector<1000x16xf32>
    %dot_general3A_112 = arith.constant dense<0.000000e+00> : vector<1000x16xf32>
    %dot_general3A_113 = tpu.matmul %dot_general3A_62, %get3A_105, %dot_general3A_112 {dimension_numbers = #tpu.dot_dimension_numbers<[1], [0], [0], [1], [0, 0, 1, 1], [], []>, transpose_lhs_hint = false} : vector<1000x16xf32>, vector<16x16xf32>, vector<1000x16xf32> -> vector<1000x16xf32>
    %mul3A_114 = arith.mulf %dot_general3A_113, %logistic3A_102 : vector<1000x16xf32>
    %broadcast_in_dim3A_115 = arith.constant 0.000000e+00 : f32
    %broadcast_in_dim3A_116 = vector.broadcast %broadcast_in_dim3A_115 : f32 to vector<1000x12xf32>
    %concatenate3A = tpu.concatenate %add3A_87, %mul3A_108, %mul3A_111, %mul3A_114, %broadcast_in_dim3A_116 in 1 : vector<1000x100xf32>, vector<1000x16xf32>, vector<1000x16xf32>, vector<1000x16xf32>, vector<1000x12xf32> -> vector<1000x160xf32>
    %swap3A = arith.constant 0 : index
    %swap3A_117 = arith.constant 0 : index
    %swap3A_118 = vector.load %arg14[%swap3A, %swap3A_117] : memref<1000x160xf32, #tpu.memory_space<vmem>>, vector<1000x160xf32>
    tpu.vector_store %arg14[%swap3A, %swap3A_117], %concatenate3A {strides = array<i32>} : memref<1000x160xf32, #tpu.memory_space<vmem>>, vector<1000x160xf32>,
    %broadcast_in_dim3A_119 = arith.constant 0.000000e+00 : f32
    %broadcast_in_dim3A_120 = vector.broadcast %broadcast_in_dim3A_119 : f32 to vector<1000x8xf32>
    %get3A_121 = arith.constant 0 : index
    %get3A_122 = arith.constant 0 : index
    %get3A_123 = vector.load %arg12[%get3A_121, %get3A_122] : memref<100x100xf32, #tpu.memory_space<vmem>>, vector<100x100xf32>
    %dot_general3A_124 = arith.constant dense<0.000000e+00> : vector<1000x100xf32>
    %dot_general3A_125 = tpu.matmul %add3A_87, %get3A_123, %dot_general3A_124 {dimension_numbers = #tpu.dot_dimension_numbers<[1], [0], [0], [1], [0, 0, 1, 1], [], []>, transpose_lhs_hint = false} : vector<1000x100xf32>, vector<100x100xf32>, vector<1000x100xf32> -> vector<1000x100xf32>
    %get3A_126 = arith.constant 0 : index
    %get3A_127 = arith.constant 0 : index
    %get3A_128 = vector.load %arg13[%get3A_126, %get3A_127] : memref<100x100xf32, #tpu.memory_space<vmem>>, vector<100x100xf32>
    %dot_general3A_129 = arith.constant dense<0.000000e+00> : vector<1000x100xf32>
    %dot_general3A_130 = tpu.matmul %add3A_87, %get3A_128, %dot_general3A_129 {dimension_numbers = #tpu.dot_dimension_numbers<[1], [0], [0], [1], [0, 0, 1, 1], [], []>, transpose_lhs_hint = false} : vector<1000x100xf32>, vector<100x100xf32>, vector<1000x100xf32> -> vector<1000x100xf32>
    %concatenate3A_131 = tpu.concatenate %dot_general3A_125, %dot_general3A_130, %mul3A_108, %mul3A_111, %mul3A_114, %broadcast_in_dim3A_120 in 1 : vector<1000x100xf32>, vector<1000x100xf32>, vector<1000x16xf32>, vector<1000x16xf32>, vector<1000x16xf32>, vector<1000x8xf32> -> vector<1000x256xf32>
    %bitcast_convert_type3A = tpu.bitcast %concatenate3A_131 : vector<1000x256xf32> -> vector<1000x256xi32>
    %add3A_132 = arith.constant 32768 : i32
    %add3A_133 = vector.broadcast %add3A_132 : i32 to vector<1000x256xi32>
    %add3A_134 = arith.addi %bitcast_convert_type3A, %add3A_133 : vector<1000x256xi32>
    %slice3A = vector.extract_strided_slice %add3A_134 {offsets = [0, 0], sizes = [1000, 128], strides = [1, 1]} : vector<1000x256xi32> to vector<1000x128xi32>
    %shift_right_logical3A = arith.constant 16 : i32
    %shift_right_logical3A_135 = vector.broadcast %shift_right_logical3A : i32 to vector<1000x128xi32>
    %shift_right_logical3A_136 = arith.shrui %slice3A, %shift_right_logical3A_135 : vector<1000x128xi32>
    %slice3A_137 = vector.extract_strided_slice %add3A_134 {offsets = [0, 128], sizes = [1000, 128], strides = [1, 1]} : vector<1000x256xi32> to vector<1000x128xi32>
    %and3A = arith.constant -65536 : i32
    %and3A_138 = vector.broadcast %and3A : i32 to vector<1000x128xi32>
    %and3A_139 = arith.andi %slice3A_137, %and3A_138 : vector<1000x128xi32>
    %or3A = arith.ori %shift_right_logical3A_136, %and3A_139 : vector<1000x128xi32>
    %swap3A_140 = arith.constant 0 : index
    %swap3A_141 = arith.constant 0 : index
    %swap3A_142 = vector.load %arg15[%swap3A_140, %swap3A_141] : memref<1000x128xi32, #tpu.memory_space<vmem>>, vector<1000x128xi32>
    tpu.vector_store %arg15[%swap3A_140, %swap3A_141], %or3A {strides = array<i32>} : memref<1000x128xi32, #tpu.memory_space<vmem>>, vector<1000x128xi32>,
    return
  }
  func.func @transform_0(%arg0: i32) -> (i32, i32) {
    %c0_i32 = arith.constant 0 : i32
    %c0_i32_0 = arith.constant 0 : i32
    return %arg0, %c0_i32 : i32, i32
  }
  func.func @transform_1(%arg0: i32) -> (i32, i32) {
    %c0_i32 = arith.constant 0 : i32
    %c0_i32_0 = arith.constant 0 : i32
    return %arg0, %c0_i32 : i32, i32
  }
  func.func @transform_2(%arg0: i32) -> (i32, i32) {
    %c0_i32 = arith.constant 0 : i32
    %c0_i32_0 = arith.constant 0 : i32
    %c0_i32_1 = arith.constant 0 : i32
    return %c0_i32, %c0_i32_0 : i32, i32
  }
  func.func @transform_3(%arg0: i32) -> (i32, i32) {
    %c0_i32 = arith.constant 0 : i32
    %c0_i32_0 = arith.constant 0 : i32
    %c0_i32_1 = arith.constant 0 : i32
    return %c0_i32, %c0_i32_0 : i32, i32
  }
  func.func @transform_4(%arg0: i32) -> (i32, i32) {
    %c0_i32 = arith.constant 0 : i32
    %c0_i32_0 = arith.constant 0 : i32
    %c0_i32_1 = arith.constant 0 : i32
    return %c0_i32, %c0_i32_0 : i32, i32
  }
  func.func @transform_5(%arg0: i32) -> (i32, i32) {
    %c0_i32 = arith.constant 0 : i32
    %c0_i32_0 = arith.constant 0 : i32
    %c0_i32_1 = arith.constant 0 : i32
    return %c0_i32, %c0_i32_0 : i32, i32
  }
  func.func @transform_6(%arg0: i32) -> (i32, i32) {
    %c0_i32 = arith.constant 0 : i32
    %c0_i32_0 = arith.constant 0 : i32
    %c0_i32_1 = arith.constant 0 : i32
    return %c0_i32, %c0_i32_0 : i32, i32
  }
  func.func @transform_7(%arg0: i32) -> (i32, i32) {
    %c0_i32 = arith.constant 0 : i32
    %c0_i32_0 = arith.constant 0 : i32
    %c0_i32_1 = arith.constant 0 : i32
    return %c0_i32, %c0_i32_0 : i32, i32
  }
  func.func @transform_8(%arg0: i32) -> (i32, i32) {
    %c0_i32 = arith.constant 0 : i32
    %c0_i32_0 = arith.constant 0 : i32
    %c0_i32_1 = arith.constant 0 : i32
    return %c0_i32, %c0_i32_0 : i32, i32
  }
  func.func @transform_9(%arg0: i32) -> (i32, i32) {
    %c0_i32 = arith.constant 0 : i32
    %c0_i32_0 = arith.constant 0 : i32
    %c0_i32_1 = arith.constant 0 : i32
    return %c0_i32, %c0_i32_0 : i32, i32
  }
  func.func @transform_10(%arg0: i32) -> (i32, i32) {
    %c0_i32 = arith.constant 0 : i32
    %c0_i32_0 = arith.constant 0 : i32
    %c0_i32_1 = arith.constant 0 : i32
    return %c0_i32, %c0_i32_0 : i32, i32
  }
  func.func @transform_11(%arg0: i32) -> (i32, i32) {
    %c0_i32 = arith.constant 0 : i32
    %c0_i32_0 = arith.constant 0 : i32
    %c0_i32_1 = arith.constant 0 : i32
    return %c0_i32, %c0_i32_0 : i32, i32
  }
  func.func @transform_12(%arg0: i32) -> (i32, i32) {
    %c0_i32 = arith.constant 0 : i32
    %c0_i32_0 = arith.constant 0 : i32
    %c0_i32_1 = arith.constant 0 : i32
    return %c0_i32, %c0_i32_0 : i32, i32
  }
  func.func @transform_13(%arg0: i32) -> (i32, i32) {
    %c0_i32 = arith.constant 0 : i32
    %c0_i32_0 = arith.constant 0 : i32
    return %arg0, %c0_i32 : i32, i32
  }
  func.func @transform_14(%arg0: i32) -> (i32, i32) {
    %c0_i32 = arith.constant 0 : i32
    %c0_i32_0 = arith.constant 0 : i32
    return %arg0, %c0_i32 : i32, i32
  }
}

module attributes {stable_mosaic.version = 14 : i64} {
  func.func @_edge_init_body(%arg0: i32, %arg1: memref<4000x32xf32, #tpu.memory_space<vmem>>, %arg2: memref<4000x3xf32, #tpu.memory_space<vmem>>, %arg3: memref<1x32xf32, #tpu.memory_space<vmem>>, %arg4: memref<1x32xf32, #tpu.memory_space<vmem>>, %arg5: memref<1x1xf32, #tpu.memory_space<vmem>>, %arg6: memref<32x32xf32, #tpu.memory_space<vmem>>, %arg7: memref<1x32xf32, #tpu.memory_space<vmem>>, %arg8: memref<1x32xf32, #tpu.memory_space<vmem>>, %arg9: memref<1x1xf32, #tpu.memory_space<vmem>>, %arg10: memref<32x1xf32, #tpu.memory_space<vmem>>, %arg11: memref<1x1xf32, #tpu.memory_space<vmem>>, %arg12: memref<4000x40xf32, #tpu.memory_space<vmem>>) attributes {dimension_semantics = [#tpu.dimension_semantics<arbitrary>], iteration_bounds = array<i64: 80>, scalar_prefetch = 0 : i64, scratch_operands = 0 : i64, tpu.core_type = #tpu.core_type<tc>, window_params = [{transform_indices = @transform_0, window_bounds = array<i64: 4000, 32>}, {transform_indices = @transform_1, window_bounds = array<i64: 4000, 3>}, {pipeline_mode = #tpu.pipeline_mode<synchronous>, transform_indices = @transform_2, window_bounds = array<i64: 1, 32>}, {pipeline_mode = #tpu.pipeline_mode<synchronous>, transform_indices = @transform_3, window_bounds = array<i64: 1, 32>}, {pipeline_mode = #tpu.pipeline_mode<synchronous>, transform_indices = @transform_4, window_bounds = array<i64: 1, 1>}, {pipeline_mode = #tpu.pipeline_mode<synchronous>, transform_indices = @transform_5, window_bounds = array<i64: 32, 32>}, {pipeline_mode = #tpu.pipeline_mode<synchronous>, transform_indices = @transform_6, window_bounds = array<i64: 1, 32>}, {pipeline_mode = #tpu.pipeline_mode<synchronous>, transform_indices = @transform_7, window_bounds = array<i64: 1, 32>}, {pipeline_mode = #tpu.pipeline_mode<synchronous>, transform_indices = @transform_8, window_bounds = array<i64: 1, 1>}, {pipeline_mode = #tpu.pipeline_mode<synchronous>, transform_indices = @transform_9, window_bounds = array<i64: 32, 1>}, {pipeline_mode = #tpu.pipeline_mode<synchronous>, transform_indices = @transform_10, window_bounds = array<i64: 1, 1>}, {transform_indices = @transform_11, window_bounds = array<i64: 4000, 40>}]} {
    %get3A = arith.constant 0 : index
    %get3A_0 = arith.constant 0 : index
    %get3A_1 = vector.load %arg1[%get3A, %get3A_0] : memref<4000x32xf32, #tpu.memory_space<vmem>>, vector<4000x32xf32>
    %get3A_2 = arith.constant 0 : index
    %get3A_3 = arith.constant 0 : index
    %get3A_4 = vector.load %arg3[%get3A_2, %get3A_3] : memref<1x32xf32, #tpu.memory_space<vmem>>, vector<1x32xf32>
    %get3A_5 = arith.constant 0 : index
    %get3A_6 = arith.constant 0 : index
    %get3A_7 = vector.load %arg4[%get3A_5, %get3A_6] : memref<1x32xf32, #tpu.memory_space<vmem>>, vector<1x32xf32>
    %reduce_sum3A = arith.constant dense<0.000000e+00> : vector<4000xf32>
    %reduce_sum3A_8 = vector.multi_reduction <add>, %get3A_1, %reduce_sum3A [1] : vector<4000x32xf32> to vector<4000xf32>
    %broadcast_in_dim3A = vector.shape_cast %reduce_sum3A_8 : vector<4000xf32> to vector<4000x1xf32>
    %div3A = arith.constant 3.200000e+01 : f32
    %div3A_9 = vector.broadcast %div3A : f32 to vector<4000x1xf32>
    %div3A_10 = arith.divf %broadcast_in_dim3A, %div3A_9 : vector<4000x1xf32>
    %sub3A = vector.broadcast %div3A_10 : vector<4000x1xf32> to vector<4000x32xf32>
    %sub3A_11 = arith.subf %get3A_1, %sub3A : vector<4000x32xf32>
    %square3A = arith.mulf %sub3A_11, %sub3A_11 : vector<4000x32xf32>
    %reduce_sum3A_12 = arith.constant dense<0.000000e+00> : vector<4000xf32>
    %reduce_sum3A_13 = vector.multi_reduction <add>, %square3A, %reduce_sum3A_12 [1] : vector<4000x32xf32> to vector<4000xf32>
    %broadcast_in_dim3A_14 = vector.shape_cast %reduce_sum3A_13 : vector<4000xf32> to vector<4000x1xf32>
    %div3A_15 = arith.constant 3.200000e+01 : f32
    %div3A_16 = vector.broadcast %div3A_15 : f32 to vector<4000x1xf32>
    %div3A_17 = arith.divf %broadcast_in_dim3A_14, %div3A_16 : vector<4000x1xf32>
    %sub3A_18 = vector.broadcast %div3A_10 : vector<4000x1xf32> to vector<4000x32xf32>
    %sub3A_19 = arith.subf %get3A_1, %sub3A_18 : vector<4000x32xf32>
    %add3A = arith.constant 9.99999974E-6 : f32
    %add3A_20 = vector.broadcast %add3A : f32 to vector<4000x1xf32>
    %add3A_21 = arith.addf %div3A_17, %add3A_20 : vector<4000x1xf32>
    %sqrt3A = math.sqrt %add3A_21 : vector<4000x1xf32>
    %div3A_22 = vector.broadcast %sqrt3A : vector<4000x1xf32> to vector<4000x32xf32>
    %div3A_23 = arith.divf %sub3A_19, %div3A_22 : vector<4000x32xf32>
    %mul3A = vector.broadcast %get3A_4 : vector<1x32xf32> to vector<4000x32xf32>
    %mul3A_24 = arith.mulf %div3A_23, %mul3A : vector<4000x32xf32>
    %add3A_25 = vector.broadcast %get3A_7 : vector<1x32xf32> to vector<4000x32xf32>
    %add3A_26 = arith.addf %mul3A_24, %add3A_25 : vector<4000x32xf32>
    %get3A_27 = arith.constant 0 : index
    %get3A_28 = arith.constant 0 : index
    %get3A_29 = vector.load %arg2[%get3A_27, %get3A_28] : memref<4000x3xf32, #tpu.memory_space<vmem>>, vector<4000x1xf32>
    %get3A_30 = arith.constant 0 : index
    %get3A_31 = arith.constant 1 : index
    %get3A_32 = vector.load %arg2[%get3A_30, %get3A_31] : memref<4000x3xf32, #tpu.memory_space<vmem>>, vector<4000x1xf32>
    %get3A_33 = arith.constant 0 : index
    %get3A_34 = arith.constant 2 : index
    %get3A_35 = vector.load %arg2[%get3A_33, %get3A_34] : memref<4000x3xf32, #tpu.memory_space<vmem>>, vector<4000x1xf32>
    %mul3A_36 = arith.mulf %get3A_29, %get3A_29 : vector<4000x1xf32>
    %mul3A_37 = arith.mulf %get3A_32, %get3A_32 : vector<4000x1xf32>
    %add3A_38 = arith.addf %mul3A_36, %mul3A_37 : vector<4000x1xf32>
    %mul3A_39 = arith.mulf %get3A_35, %get3A_35 : vector<4000x1xf32>
    %add3A_40 = arith.addf %add3A_38, %mul3A_39 : vector<4000x1xf32>
    %jit3A = arith.constant 9.99999993E-9 : f32
    %max3A = vector.broadcast %jit3A : f32 to vector<4000x1xf32>
    %max3A_41 = arith.maximumf %max3A, %add3A_40 : vector<4000x1xf32>
    %reduce_sum3A_42 = arith.constant dense<0.000000e+00> : vector<4000xf32>
    %reduce_sum3A_43 = vector.multi_reduction <add>, %max3A_41, %reduce_sum3A_42 [1] : vector<4000x1xf32> to vector<4000xf32>
    %broadcast_in_dim3A_44 = vector.shape_cast %reduce_sum3A_43 : vector<4000xf32> to vector<4000x1xf32>
    %div3A_45 = arith.constant 1.000000e+00 : f32
    %div3A_46 = vector.broadcast %div3A_45 : f32 to vector<4000x1xf32>
    %div3A_47 = arith.divf %broadcast_in_dim3A_44, %div3A_46 : vector<4000x1xf32>
    %sqrt3A_48 = math.sqrt %div3A_47 : vector<4000x1xf32>
    %div3A_49 = arith.divf %get3A_29, %sqrt3A_48 : vector<4000x1xf32>
    %div3A_50 = arith.divf %get3A_32, %sqrt3A_48 : vector<4000x1xf32>
    %div3A_51 = arith.divf %get3A_35, %sqrt3A_48 : vector<4000x1xf32>
    %get3A_52 = arith.constant 0 : index
    %get3A_53 = arith.constant 0 : index
    %get3A_54 = vector.load %arg5[%get3A_52, %get3A_53] : memref<1x1xf32, #tpu.memory_space<vmem>>, vector<1x1xf32>
    %get3A_55 = vector.extract %get3A_54[0, 0] : f32 from vector<1x1xf32>
    %mul3A_56 = vector.broadcast %get3A_55 : f32 to vector<4000x1xf32>
    %mul3A_57 = arith.mulf %div3A_49, %mul3A_56 : vector<4000x1xf32>
    %mul3A_58 = vector.broadcast %get3A_55 : f32 to vector<4000x1xf32>
    %mul3A_59 = arith.mulf %div3A_50, %mul3A_58 : vector<4000x1xf32>
    %mul3A_60 = vector.broadcast %get3A_55 : f32 to vector<4000x1xf32>
    %mul3A_61 = arith.mulf %div3A_51, %mul3A_60 : vector<4000x1xf32>
    %mul3A_62 = arith.mulf %mul3A_57, %mul3A_57 : vector<4000x1xf32>
    %mul3A_63 = arith.mulf %mul3A_59, %mul3A_59 : vector<4000x1xf32>
    %add3A_64 = arith.addf %mul3A_62, %mul3A_63 : vector<4000x1xf32>
    %mul3A_65 = arith.mulf %mul3A_61, %mul3A_61 : vector<4000x1xf32>
    %add3A_66 = arith.addf %add3A_64, %mul3A_65 : vector<4000x1xf32>
    %jit3A_67 = arith.constant 9.99999993E-9 : f32
    %max3A_68 = vector.broadcast %jit3A_67 : f32 to vector<4000x1xf32>
    %max3A_69 = arith.maximumf %max3A_68, %add3A_66 : vector<4000x1xf32>
    %sqrt3A_70 = math.sqrt %max3A_69 : vector<4000x1xf32>
    %get3A_71 = arith.constant 0 : index
    %get3A_72 = arith.constant 0 : index
    %get3A_73 = vector.load %arg6[%get3A_71, %get3A_72] : memref<32x32xf32, #tpu.memory_space<vmem>>, vector<32x32xf32>
    %dot_general3A = arith.constant dense<0.000000e+00> : vector<4000x32xf32>
    %dot_general3A_74 = tpu.matmul %add3A_26, %get3A_73, %dot_general3A {dimension_numbers = #tpu.dot_dimension_numbers<[1], [0], [0], [1], [0, 0, 1, 1], [], []>, transpose_lhs_hint = false} : vector<4000x32xf32>, vector<32x32xf32>, vector<4000x32xf32> -> vector<4000x32xf32>
    %get3A_75 = arith.constant 0 : index
    %get3A_76 = arith.constant 0 : index
    %get3A_77 = vector.load %arg7[%get3A_75, %get3A_76] : memref<1x32xf32, #tpu.memory_space<vmem>>, vector<1x32xf32>
    %mul3A_78 = vector.broadcast %sqrt3A_70 : vector<4000x1xf32> to vector<4000x32xf32>
    %mul3A_79 = vector.broadcast %get3A_77 : vector<1x32xf32> to vector<4000x32xf32>
    %mul3A_80 = arith.mulf %mul3A_78, %mul3A_79 : vector<4000x32xf32>
    %add3A_81 = arith.addf %dot_general3A_74, %mul3A_80 : vector<4000x32xf32>
    %get3A_82 = arith.constant 0 : index
    %get3A_83 = arith.constant 0 : index
    %get3A_84 = vector.load %arg8[%get3A_82, %get3A_83] : memref<1x32xf32, #tpu.memory_space<vmem>>, vector<1x32xf32>
    %add3A_85 = vector.broadcast %get3A_84 : vector<1x32xf32> to vector<4000x32xf32>
    %add3A_86 = arith.addf %add3A_81, %add3A_85 : vector<4000x32xf32>
    %get3A_87 = arith.constant 0 : index
    %get3A_88 = arith.constant 0 : index
    %get3A_89 = vector.load %arg10[%get3A_87, %get3A_88] : memref<32x1xf32, #tpu.memory_space<vmem>>, vector<32x1xf32>
    %dot_general3A_90 = arith.constant dense<0.000000e+00> : vector<4000x1xf32>
    %dot_general3A_91 = tpu.matmul %add3A_86, %get3A_89, %dot_general3A_90 {dimension_numbers = #tpu.dot_dimension_numbers<[1], [0], [0], [1], [0, 0, 1, 1], [], []>, transpose_lhs_hint = false} : vector<4000x32xf32>, vector<32x1xf32>, vector<4000x1xf32> -> vector<4000x1xf32>
    %get3A_92 = arith.constant 0 : index
    %get3A_93 = arith.constant 0 : index
    %get3A_94 = vector.load %arg11[%get3A_92, %get3A_93] : memref<1x1xf32, #tpu.memory_space<vmem>>, vector<1x1xf32>
    %add3A_95 = vector.broadcast %get3A_94 : vector<1x1xf32> to vector<4000x1xf32>
    %add3A_96 = arith.addf %dot_general3A_91, %add3A_95 : vector<4000x1xf32>
    %logistic3A = arith.negf %add3A_96 : vector<4000x1xf32>
    %logistic3A_97 = math.exp %logistic3A : vector<4000x1xf32>
    %logistic3A_98 = arith.constant 1.000000e+00 : f32
    %logistic3A_99 = vector.broadcast %logistic3A_98 : f32 to vector<4000x1xf32>
    %logistic3A_100 = arith.addf %logistic3A_99, %logistic3A_97 : vector<4000x1xf32>
    %logistic3A_101 = arith.divf %logistic3A_99, %logistic3A_100 : vector<4000x1xf32>
    %get3A_102 = arith.constant 0 : index
    %get3A_103 = arith.constant 0 : index
    %get3A_104 = vector.load %arg9[%get3A_102, %get3A_103] : memref<1x1xf32, #tpu.memory_space<vmem>>, vector<1x1xf32>
    %get3A_105 = vector.extract %get3A_104[0, 0] : f32 from vector<1x1xf32>
    %mul3A_106 = vector.broadcast %get3A_105 : f32 to vector<4000x1xf32>
    %mul3A_107 = arith.mulf %mul3A_57, %mul3A_106 : vector<4000x1xf32>
    %mul3A_108 = arith.mulf %mul3A_107, %logistic3A_101 : vector<4000x1xf32>
    %mul3A_109 = vector.broadcast %get3A_105 : f32 to vector<4000x1xf32>
    %mul3A_110 = arith.mulf %mul3A_59, %mul3A_109 : vector<4000x1xf32>
    %mul3A_111 = arith.mulf %mul3A_110, %logistic3A_101 : vector<4000x1xf32>
    %mul3A_112 = vector.broadcast %get3A_105 : f32 to vector<4000x1xf32>
    %mul3A_113 = arith.mulf %mul3A_61, %mul3A_112 : vector<4000x1xf32>
    %mul3A_114 = arith.mulf %mul3A_113, %logistic3A_101 : vector<4000x1xf32>
    %broadcast_in_dim3A_115 = arith.constant 0.000000e+00 : f32
    %broadcast_in_dim3A_116 = vector.broadcast %broadcast_in_dim3A_115 : f32 to vector<4000x5xf32>
    %concatenate3A = tpu.concatenate %add3A_86, %mul3A_108, %mul3A_111, %mul3A_114, %broadcast_in_dim3A_116 in 1 : vector<4000x32xf32>, vector<4000x1xf32>, vector<4000x1xf32>, vector<4000x1xf32>, vector<4000x5xf32> -> vector<4000x40xf32>
    %swap3A = arith.constant 0 : index
    %swap3A_117 = arith.constant 0 : index
    %swap3A_118 = vector.load %arg12[%swap3A, %swap3A_117] : memref<4000x40xf32, #tpu.memory_space<vmem>>, vector<4000x40xf32>
    tpu.vector_store %arg12[%swap3A, %swap3A_117], %concatenate3A {strides = array<i32>} : memref<4000x40xf32, #tpu.memory_space<vmem>>, vector<4000x40xf32>,
    return
  }
  func.func @transform_0(%arg0: i32) -> (i32, i32) {
    %c0_i32 = arith.constant 0 : i32
    %c0_i32_0 = arith.constant 0 : i32
    return %arg0, %c0_i32 : i32, i32
  }
  func.func @transform_1(%arg0: i32) -> (i32, i32) {
    %c0_i32 = arith.constant 0 : i32
    %c0_i32_0 = arith.constant 0 : i32
    return %arg0, %c0_i32 : i32, i32
  }
  func.func @transform_2(%arg0: i32) -> (i32, i32) {
    %c0_i32 = arith.constant 0 : i32
    %c0_i32_0 = arith.constant 0 : i32
    %c0_i32_1 = arith.constant 0 : i32
    return %c0_i32, %c0_i32_0 : i32, i32
  }
  func.func @transform_3(%arg0: i32) -> (i32, i32) {
    %c0_i32 = arith.constant 0 : i32
    %c0_i32_0 = arith.constant 0 : i32
    %c0_i32_1 = arith.constant 0 : i32
    return %c0_i32, %c0_i32_0 : i32, i32
  }
  func.func @transform_4(%arg0: i32) -> (i32, i32) {
    %c0_i32 = arith.constant 0 : i32
    %c0_i32_0 = arith.constant 0 : i32
    %c0_i32_1 = arith.constant 0 : i32
    return %c0_i32, %c0_i32_0 : i32, i32
  }
  func.func @transform_5(%arg0: i32) -> (i32, i32) {
    %c0_i32 = arith.constant 0 : i32
    %c0_i32_0 = arith.constant 0 : i32
    %c0_i32_1 = arith.constant 0 : i32
    return %c0_i32, %c0_i32_0 : i32, i32
  }
  func.func @transform_6(%arg0: i32) -> (i32, i32) {
    %c0_i32 = arith.constant 0 : i32
    %c0_i32_0 = arith.constant 0 : i32
    %c0_i32_1 = arith.constant 0 : i32
    return %c0_i32, %c0_i32_0 : i32, i32
  }
  func.func @transform_7(%arg0: i32) -> (i32, i32) {
    %c0_i32 = arith.constant 0 : i32
    %c0_i32_0 = arith.constant 0 : i32
    %c0_i32_1 = arith.constant 0 : i32
    return %c0_i32, %c0_i32_0 : i32, i32
  }
  func.func @transform_8(%arg0: i32) -> (i32, i32) {
    %c0_i32 = arith.constant 0 : i32
    %c0_i32_0 = arith.constant 0 : i32
    %c0_i32_1 = arith.constant 0 : i32
    return %c0_i32, %c0_i32_0 : i32, i32
  }
  func.func @transform_9(%arg0: i32) -> (i32, i32) {
    %c0_i32 = arith.constant 0 : i32
    %c0_i32_0 = arith.constant 0 : i32
    %c0_i32_1 = arith.constant 0 : i32
    return %c0_i32, %c0_i32_0 : i32, i32
  }
  func.func @transform_10(%arg0: i32) -> (i32, i32) {
    %c0_i32 = arith.constant 0 : i32
    %c0_i32_0 = arith.constant 0 : i32
    %c0_i32_1 = arith.constant 0 : i32
    return %c0_i32, %c0_i32_0 : i32, i32
  }
  func.func @transform_11(%arg0: i32) -> (i32, i32) {
    %c0_i32 = arith.constant 0 : i32
    %c0_i32_0 = arith.constant 0 : i32
    return %arg0, %c0_i32 : i32, i32
  }
}

module attributes {stable_mosaic.version = 14 : i64} {
  func.func @_edge_layer_body(%arg0: i32, %arg1: memref<4000x128xi32, #tpu.memory_space<vmem>>, %arg2: memref<4000x128xi32, #tpu.memory_space<vmem>>, %arg3: memref<4000x40xf32, #tpu.memory_space<vmem>>, %arg4: memref<33x33xf32, #tpu.memory_space<vmem>>, %arg5: memref<32x100xf32, #tpu.memory_space<vmem>>, %arg6: memref<33x100xf32, #tpu.memory_space<vmem>>, %arg7: memref<1x100xf32, #tpu.memory_space<vmem>>, %arg8: memref<33x16xf32, #tpu.memory_space<vmem>>, %arg9: memref<100x16xf32, #tpu.memory_space<vmem>>, %arg10: memref<1x16xf32, #tpu.memory_space<vmem>>, %arg11: memref<16x16xf32, #tpu.memory_space<vmem>>, %arg12: memref<116x100xf32, #tpu.memory_space<vmem>>, %arg13: memref<1x100xf32, #tpu.memory_space<vmem>>, %arg14: memref<16x16xf32, #tpu.memory_space<vmem>>, %arg15: memref<100x16xf32, #tpu.memory_space<vmem>>, %arg16: memref<1x16xf32, #tpu.memory_space<vmem>>, %arg17: memref<16x16xf32, #tpu.memory_space<vmem>>, %arg18: memref<116x100xf32, #tpu.memory_space<vmem>>, %arg19: memref<1x100xf32, #tpu.memory_space<vmem>>, %arg20: memref<16x16xf32, #tpu.memory_space<vmem>>, %arg21: memref<100x16xf32, #tpu.memory_space<vmem>>, %arg22: memref<1x16xf32, #tpu.memory_space<vmem>>, %arg23: memref<4000x128xf32, #tpu.memory_space<vmem>>, %arg24: memref<4000x128xf32, #tpu.memory_space<vmem>>) attributes {dimension_semantics = [#tpu.dimension_semantics<arbitrary>], iteration_bounds = array<i64: 80>, scalar_prefetch = 0 : i64, scratch_operands = 0 : i64, tpu.core_type = #tpu.core_type<tc>, window_params = [{transform_indices = @transform_0, window_bounds = array<i64: 4000, 128>}, {transform_indices = @transform_1, window_bounds = array<i64: 4000, 128>}, {transform_indices = @transform_2, window_bounds = array<i64: 4000, 40>}, {pipeline_mode = #tpu.pipeline_mode<synchronous>, transform_indices = @transform_3, window_bounds = array<i64: 33, 33>}, {pipeline_mode = #tpu.pipeline_mode<synchronous>, transform_indices = @transform_4, window_bounds = array<i64: 32, 100>}, {pipeline_mode = #tpu.pipeline_mode<synchronous>, transform_indices = @transform_5, window_bounds = array<i64: 33, 100>}, {pipeline_mode = #tpu.pipeline_mode<synchronous>, transform_indices = @transform_6, window_bounds = array<i64: 1, 100>}, {pipeline_mode = #tpu.pipeline_mode<synchronous>, transform_indices = @transform_7, window_bounds = array<i64: 33, 16>}, {pipeline_mode = #tpu.pipeline_mode<synchronous>, transform_indices = @transform_8, window_bounds = array<i64: 100, 16>}, {pipeline_mode = #tpu.pipeline_mode<synchronous>, transform_indices = @transform_9, window_bounds = array<i64: 1, 16>}, {pipeline_mode = #tpu.pipeline_mode<synchronous>, transform_indices = @transform_10, window_bounds = array<i64: 16, 16>}, {pipeline_mode = #tpu.pipeline_mode<synchronous>, transform_indices = @transform_11, window_bounds = array<i64: 116, 100>}, {pipeline_mode = #tpu.pipeline_mode<synchronous>, transform_indices = @transform_12, window_bounds = array<i64: 1, 100>}, {pipeline_mode = #tpu.pipeline_mode<synchronous>, transform_indices = @transform_13, window_bounds = array<i64: 16, 16>}, {pipeline_mode = #tpu.pipeline_mode<synchronous>, transform_indices = @transform_14, window_bounds = array<i64: 100, 16>}, {pipeline_mode = #tpu.pipeline_mode<synchronous>, transform_indices = @transform_15, window_bounds = array<i64: 1, 16>}, {pipeline_mode = #tpu.pipeline_mode<synchronous>, transform_indices = @transform_16, window_bounds = array<i64: 16, 16>}, {pipeline_mode = #tpu.pipeline_mode<synchronous>, transform_indices = @transform_17, window_bounds = array<i64: 116, 100>}, {pipeline_mode = #tpu.pipeline_mode<synchronous>, transform_indices = @transform_18, window_bounds = array<i64: 1, 100>}, {pipeline_mode = #tpu.pipeline_mode<synchronous>, transform_indices = @transform_19, window_bounds = array<i64: 16, 16>}, {pipeline_mode = #tpu.pipeline_mode<synchronous>, transform_indices = @transform_20, window_bounds = array<i64: 100, 16>}, {pipeline_mode = #tpu.pipeline_mode<synchronous>, transform_indices = @transform_21, window_bounds = array<i64: 1, 16>}, {transform_indices = @transform_22, window_bounds = array<i64: 4000, 128>}, {transform_indices = @transform_23, window_bounds = array<i64: 4000, 128>}]} {
    %get3A = arith.constant 0 : index
    %get3A_0 = arith.constant 0 : index
    %get3A_1 = vector.load %arg1[%get3A, %get3A_0] : memref<4000x128xi32, #tpu.memory_space<vmem>>, vector<4000x128xi32>
    %shift_left3A = arith.constant 16 : i32
    %shift_left3A_2 = vector.broadcast %shift_left3A : i32 to vector<4000x128xi32>
    %shift_left3A_3 = arith.shli %get3A_1, %shift_left3A_2 : vector<4000x128xi32>
    %bitcast_convert_type3A = tpu.bitcast %shift_left3A_3 : vector<4000x128xi32> -> vector<4000x128xf32>
    %and3A = arith.constant -65536 : i32
    %and3A_4 = vector.broadcast %and3A : i32 to vector<4000x128xi32>
    %and3A_5 = arith.andi %get3A_1, %and3A_4 : vector<4000x128xi32>
    %bitcast_convert_type3A_6 = tpu.bitcast %and3A_5 : vector<4000x128xi32> -> vector<4000x128xf32>
    %get3A_7 = arith.constant 0 : index
    %get3A_8 = arith.constant 0 : index
    %get3A_9 = vector.load %arg2[%get3A_7, %get3A_8] : memref<4000x128xi32, #tpu.memory_space<vmem>>, vector<4000x128xi32>
    %shift_left3A_10 = arith.constant 16 : i32
    %shift_left3A_11 = vector.broadcast %shift_left3A_10 : i32 to vector<4000x128xi32>
    %shift_left3A_12 = arith.shli %get3A_9, %shift_left3A_11 : vector<4000x128xi32>
    %bitcast_convert_type3A_13 = tpu.bitcast %shift_left3A_12 : vector<4000x128xi32> -> vector<4000x128xf32>
    %and3A_14 = arith.constant -65536 : i32
    %and3A_15 = vector.broadcast %and3A_14 : i32 to vector<4000x128xi32>
    %and3A_16 = arith.andi %get3A_9, %and3A_15 : vector<4000x128xi32>
    %bitcast_convert_type3A_17 = tpu.bitcast %and3A_16 : vector<4000x128xi32> -> vector<4000x128xf32>
    %get3A_18 = arith.constant 0 : index
    %get3A_19 = arith.constant 0 : index
    %get3A_20 = vector.load %arg3[%get3A_18, %get3A_19] : memref<4000x40xf32, #tpu.memory_space<vmem>>, vector<4000x40xf32>
    %slice3A = vector.extract_strided_slice %bitcast_convert_type3A {offsets = [0, 0], sizes = [4000, 100], strides = [1, 1]} : vector<4000x128xf32> to vector<4000x100xf32>
    %slice3A_21 = vector.extract_strided_slice %bitcast_convert_type3A_13 {offsets = [0, 100], sizes = [4000, 28], strides = [1, 1]} : vector<4000x128xf32> to vector<4000x28xf32>
    %slice3A_22 = vector.extract_strided_slice %bitcast_convert_type3A_17 {offsets = [0, 0], sizes = [4000, 72], strides = [1, 1]} : vector<4000x128xf32> to vector<4000x72xf32>
    %concatenate3A = tpu.concatenate %slice3A_21, %slice3A_22 in 1 : vector<4000x28xf32>, vector<4000x72xf32> -> vector<4000x100xf32>
    %slice3A_23 = vector.extract_strided_slice %bitcast_convert_type3A_6 {offsets = [0, 72], sizes = [4000, 16], strides = [1, 1]} : vector<4000x128xf32> to vector<4000x16xf32>
    %slice3A_24 = vector.extract_strided_slice %bitcast_convert_type3A_6 {offsets = [0, 88], sizes = [4000, 16], strides = [1, 1]} : vector<4000x128xf32> to vector<4000x16xf32>
    %slice3A_25 = vector.extract_strided_slice %bitcast_convert_type3A_6 {offsets = [0, 104], sizes = [4000, 16], strides = [1, 1]} : vector<4000x128xf32> to vector<4000x16xf32>
    %slice3A_26 = vector.extract_strided_slice %bitcast_convert_type3A_17 {offsets = [0, 72], sizes = [4000, 16], strides = [1, 1]} : vector<4000x128xf32> to vector<4000x16xf32>
    %slice3A_27 = vector.extract_strided_slice %bitcast_convert_type3A_17 {offsets = [0, 88], sizes = [4000, 16], strides = [1, 1]} : vector<4000x128xf32> to vector<4000x16xf32>
    %slice3A_28 = vector.extract_strided_slice %bitcast_convert_type3A_17 {offsets = [0, 104], sizes = [4000, 16], strides = [1, 1]} : vector<4000x128xf32> to vector<4000x16xf32>
    %slice3A_29 = vector.extract_strided_slice %get3A_20 {offsets = [0, 0], sizes = [4000, 32], strides = [1, 1]} : vector<4000x40xf32> to vector<4000x32xf32>
    %slice3A_30 = vector.extract_strided_slice %get3A_20 {offsets = [0, 32], sizes = [4000, 1], strides = [1, 1]} : vector<4000x40xf32> to vector<4000x1xf32>
    %slice3A_31 = vector.extract_strided_slice %get3A_20 {offsets = [0, 33], sizes = [4000, 1], strides = [1, 1]} : vector<4000x40xf32> to vector<4000x1xf32>
    %slice3A_32 = vector.extract_strided_slice %get3A_20 {offsets = [0, 34], sizes = [4000, 1], strides = [1, 1]} : vector<4000x40xf32> to vector<4000x1xf32>
    %get3A_33 = arith.constant 0 : index
    %get3A_34 = arith.constant 0 : index
    %get3A_35 = vector.load %arg4[%get3A_33, %get3A_34] : memref<33x33xf32, #tpu.memory_space<vmem>>, vector<33x33xf32>
    %slice3A_36 = vector.extract_strided_slice %get3A_35 {offsets = [0, 0], sizes = [16, 33], strides = [1, 1]} : vector<33x33xf32> to vector<16x33xf32>
    %slice3A_37 = vector.extract_strided_slice %get3A_35 {offsets = [16, 0], sizes = [1, 33], strides = [1, 1]} : vector<33x33xf32> to vector<1x33xf32>
    %slice3A_38 = vector.extract_strided_slice %get3A_35 {offsets = [17, 0], sizes = [16, 33], strides = [1, 1]} : vector<33x33xf32> to vector<16x33xf32>
    %dot_general3A = arith.constant dense<0.000000e+00> : vector<4000x33xf32>
    %dot_general3A_39 = tpu.matmul %slice3A_23, %slice3A_36, %dot_general3A {dimension_numbers = #tpu.dot_dimension_numbers<[1], [0], [0], [1], [0, 0, 1, 1], [], []>, transpose_lhs_hint = false} : vector<4000x16xf32>, vector<16x33xf32>, vector<4000x33xf32> -> vector<4000x33xf32>
    %dot_general3A_40 = arith.constant dense<0.000000e+00> : vector<4000x33xf32>
    %dot_general3A_41 = tpu.matmul %slice3A_30, %slice3A_37, %dot_general3A_40 {dimension_numbers = #tpu.dot_dimension_numbers<[1], [0], [0], [1], [0, 0, 1, 1], [], []>, transpose_lhs_hint = false} : vector<4000x1xf32>, vector<1x33xf32>, vector<4000x33xf32> -> vector<4000x33xf32>
    %add3A = arith.addf %dot_general3A_39, %dot_general3A_41 : vector<4000x33xf32>
    %dot_general3A_42 = arith.constant dense<0.000000e+00> : vector<4000x33xf32>
    %dot_general3A_43 = tpu.matmul %slice3A_26, %slice3A_38, %dot_general3A_42 {dimension_numbers = #tpu.dot_dimension_numbers<[1], [0], [0], [1], [0, 0, 1, 1], [], []>, transpose_lhs_hint = false} : vector<4000x16xf32>, vector<16x33xf32>, vector<4000x33xf32> -> vector<4000x33xf32>
    %add3A_44 = arith.addf %add3A, %dot_general3A_43 : vector<4000x33xf32>
    %dot_general3A_45 = arith.constant dense<0.000000e+00> : vector<4000x33xf32>
    %dot_general3A_46 = tpu.matmul %slice3A_24, %slice3A_36, %dot_general3A_45 {dimension_numbers = #tpu.dot_dimension_numbers<[1], [0], [0], [1], [0, 0, 1, 1], [], []>, transpose_lhs_hint = false} : vector<4000x16xf32>, vector<16x33xf32>, vector<4000x33xf32> -> vector<4000x33xf32>
    %dot_general3A_47 = arith.constant dense<0.000000e+00> : vector<4000x33xf32>
    %dot_general3A_48 = tpu.matmul %slice3A_31, %slice3A_37, %dot_general3A_47 {dimension_numbers = #tpu.dot_dimension_numbers<[1], [0], [0], [1], [0, 0, 1, 1], [], []>, transpose_lhs_hint = false} : vector<4000x1xf32>, vector<1x33xf32>, vector<4000x33xf32> -> vector<4000x33xf32>
    %add3A_49 = arith.addf %dot_general3A_46, %dot_general3A_48 : vector<4000x33xf32>
    %dot_general3A_50 = arith.constant dense<0.000000e+00> : vector<4000x33xf32>
    %dot_general3A_51 = tpu.matmul %slice3A_27, %slice3A_38, %dot_general3A_50 {dimension_numbers = #tpu.dot_dimension_numbers<[1], [0], [0], [1], [0, 0, 1, 1], [], []>, transpose_lhs_hint = false} : vector<4000x16xf32>, vector<16x33xf32>, vector<4000x33xf32> -> vector<4000x33xf32>
    %add3A_52 = arith.addf %add3A_49, %dot_general3A_51 : vector<4000x33xf32>
    %dot_general3A_53 = arith.constant dense<0.000000e+00> : vector<4000x33xf32>
    %dot_general3A_54 = tpu.matmul %slice3A_25, %slice3A_36, %dot_general3A_53 {dimension_numbers = #tpu.dot_dimension_numbers<[1], [0], [0], [1], [0, 0, 1, 1], [], []>, transpose_lhs_hint = false} : vector<4000x16xf32>, vector<16x33xf32>, vector<4000x33xf32> -> vector<4000x33xf32>
    %dot_general3A_55 = arith.constant dense<0.000000e+00> : vector<4000x33xf32>
    %dot_general3A_56 = tpu.matmul %slice3A_32, %slice3A_37, %dot_general3A_55 {dimension_numbers = #tpu.dot_dimension_numbers<[1], [0], [0], [1], [0, 0, 1, 1], [], []>, transpose_lhs_hint = false} : vector<4000x1xf32>, vector<1x33xf32>, vector<4000x33xf32> -> vector<4000x33xf32>
    %add3A_57 = arith.addf %dot_general3A_54, %dot_general3A_56 : vector<4000x33xf32>
    %dot_general3A_58 = arith.constant dense<0.000000e+00> : vector<4000x33xf32>
    %dot_general3A_59 = tpu.matmul %slice3A_28, %slice3A_38, %dot_general3A_58 {dimension_numbers = #tpu.dot_dimension_numbers<[1], [0], [0], [1], [0, 0, 1, 1], [], []>, transpose_lhs_hint = false} : vector<4000x16xf32>, vector<16x33xf32>, vector<4000x33xf32> -> vector<4000x33xf32>
    %add3A_60 = arith.addf %add3A_57, %dot_general3A_59 : vector<4000x33xf32>
    %mul3A = arith.mulf %add3A_44, %add3A_44 : vector<4000x33xf32>
    %mul3A_61 = arith.mulf %add3A_52, %add3A_52 : vector<4000x33xf32>
    %add3A_62 = arith.addf %mul3A, %mul3A_61 : vector<4000x33xf32>
    %mul3A_63 = arith.mulf %add3A_60, %add3A_60 : vector<4000x33xf32>
    %add3A_64 = arith.addf %add3A_62, %mul3A_63 : vector<4000x33xf32>
    %jit3A = arith.constant 9.99999993E-9 : f32
    %max3A = vector.broadcast %jit3A : f32 to vector<4000x33xf32>
    %max3A_65 = arith.maximumf %max3A, %add3A_64 : vector<4000x33xf32>
    %sqrt3A = math.sqrt %max3A_65 : vector<4000x33xf32>
    %add3A_66 = arith.addf %slice3A, %concatenate3A : vector<4000x100xf32>
    %get3A_67 = arith.constant 0 : index
    %get3A_68 = arith.constant 0 : index
    %get3A_69 = vector.load %arg5[%get3A_67, %get3A_68] : memref<32x100xf32, #tpu.memory_space<vmem>>, vector<32x100xf32>
    %dot_general3A_70 = arith.constant dense<0.000000e+00> : vector<4000x100xf32>
    %dot_general3A_71 = tpu.matmul %slice3A_29, %get3A_69, %dot_general3A_70 {dimension_numbers = #tpu.dot_dimension_numbers<[1], [0], [0], [1], [0, 0, 1, 1], [], []>, transpose_lhs_hint = false} : vector<4000x32xf32>, vector<32x100xf32>, vector<4000x100xf32> -> vector<4000x100xf32>
    %add3A_72 = arith.addf %add3A_66, %dot_general3A_71 : vector<4000x100xf32>
    %get3A_73 = arith.constant 0 : index
    %get3A_74 = arith.constant 0 : index
    %get3A_75 = vector.load %arg6[%get3A_73, %get3A_74] : memref<33x100xf32, #tpu.memory_space<vmem>>, vector<33x100xf32>
    %dot_general3A_76 = arith.constant dense<0.000000e+00> : vector<4000x100xf32>
    %dot_general3A_77 = tpu.matmul %sqrt3A, %get3A_75, %dot_general3A_76 {dimension_numbers = #tpu.dot_dimension_numbers<[1], [0], [0], [1], [0, 0, 1, 1], [], []>, transpose_lhs_hint = false} : vector<4000x33xf32>, vector<33x100xf32>, vector<4000x100xf32> -> vector<4000x100xf32>
    %add3A_78 = arith.addf %add3A_72, %dot_general3A_77 : vector<4000x100xf32>
    %get3A_79 = arith.constant 0 : index
    %get3A_80 = arith.constant 0 : index
    %get3A_81 = vector.load %arg7[%get3A_79, %get3A_80] : memref<1x100xf32, #tpu.memory_space<vmem>>, vector<1x100xf32>
    %add3A_82 = vector.broadcast %get3A_81 : vector<1x100xf32> to vector<4000x100xf32>
    %add3A_83 = arith.addf %add3A_78, %add3A_82 : vector<4000x100xf32>
    %get3A_84 = arith.constant 0 : index
    %get3A_85 = arith.constant 0 : index
    %get3A_86 = vector.load %arg9[%get3A_84, %get3A_85] : memref<100x16xf32, #tpu.memory_space<vmem>>, vector<100x16xf32>
    %dot_general3A_87 = arith.constant dense<0.000000e+00> : vector<4000x16xf32>
    %dot_general3A_88 = tpu.matmul %add3A_83, %get3A_86, %dot_general3A_87 {dimension_numbers = #tpu.dot_dimension_numbers<[1], [0], [0], [1], [0, 0, 1, 1], [], []>, transpose_lhs_hint = false} : vector<4000x100xf32>, vector<100x16xf32>, vector<4000x16xf32> -> vector<4000x16xf32>
    %get3A_89 = arith.constant 0 : index
    %get3A_90 = arith.constant 0 : index
    %get3A_91 = vector.load %arg10[%get3A_89, %get3A_90] : memref<1x16xf32, #tpu.memory_space<vmem>>, vector<1x16xf32>
    %add3A_92 = vector.broadcast %get3A_91 : vector<1x16xf32> to vector<4000x16xf32>
    %add3A_93 = arith.addf %dot_general3A_88, %add3A_92 : vector<4000x16xf32>
    %logistic3A = arith.negf %add3A_93 : vector<4000x16xf32>
    %logistic3A_94 = math.exp %logistic3A : vector<4000x16xf32>
    %logistic3A_95 = arith.constant 1.000000e+00 : f32
    %logistic3A_96 = vector.broadcast %logistic3A_95 : f32 to vector<4000x16xf32>
    %logistic3A_97 = arith.addf %logistic3A_96, %logistic3A_94 : vector<4000x16xf32>
    %logistic3A_98 = arith.divf %logistic3A_96, %logistic3A_97 : vector<4000x16xf32>
    %get3A_99 = arith.constant 0 : index
    %get3A_100 = arith.constant 0 : index
    %get3A_101 = vector.load %arg8[%get3A_99, %get3A_100] : memref<33x16xf32, #tpu.memory_space<vmem>>, vector<33x16xf32>
    %dot_general3A_102 = arith.constant dense<0.000000e+00> : vector<4000x16xf32>
    %dot_general3A_103 = tpu.matmul %add3A_44, %get3A_101, %dot_general3A_102 {dimension_numbers = #tpu.dot_dimension_numbers<[1], [0], [0], [1], [0, 0, 1, 1], [], []>, transpose_lhs_hint = false} : vector<4000x33xf32>, vector<33x16xf32>, vector<4000x16xf32> -> vector<4000x16xf32>
    %mul3A_104 = arith.mulf %dot_general3A_103, %logistic3A_98 : vector<4000x16xf32>
    %dot_general3A_105 = arith.constant dense<0.000000e+00> : vector<4000x16xf32>
    %dot_general3A_106 = tpu.matmul %add3A_52, %get3A_101, %dot_general3A_105 {dimension_numbers = #tpu.dot_dimension_numbers<[1], [0], [0], [1], [0, 0, 1, 1], [], []>, transpose_lhs_hint = false} : vector<4000x33xf32>, vector<33x16xf32>, vector<4000x16xf32> -> vector<4000x16xf32>
    %mul3A_107 = arith.mulf %dot_general3A_106, %logistic3A_98 : vector<4000x16xf32>
    %dot_general3A_108 = arith.constant dense<0.000000e+00> : vector<4000x16xf32>
    %dot_general3A_109 = tpu.matmul %add3A_60, %get3A_101, %dot_general3A_108 {dimension_numbers = #tpu.dot_dimension_numbers<[1], [0], [0], [1], [0, 0, 1, 1], [], []>, transpose_lhs_hint = false} : vector<4000x33xf32>, vector<33x16xf32>, vector<4000x16xf32> -> vector<4000x16xf32>
    %mul3A_110 = arith.mulf %dot_general3A_109, %logistic3A_98 : vector<4000x16xf32>
    %max3A_111 = arith.constant 0.000000e+00 : f32
    %max3A_112 = vector.broadcast %max3A_111 : f32 to vector<4000x100xf32>
    %max3A_113 = arith.maximumf %add3A_83, %max3A_112 : vector<4000x100xf32>
    %get3A_114 = arith.constant 0 : index
    %get3A_115 = arith.constant 0 : index
    %get3A_116 = vector.load %arg11[%get3A_114, %get3A_115] : memref<16x16xf32, #tpu.memory_space<vmem>>, vector<16x16xf32>
    %dot_general3A_117 = arith.constant dense<0.000000e+00> : vector<4000x16xf32>
    %dot_general3A_118 = tpu.matmul %mul3A_104, %get3A_116, %dot_general3A_117 {dimension_numbers = #tpu.dot_dimension_numbers<[1], [0], [0], [1], [0, 0, 1, 1], [], []>, transpose_lhs_hint = false} : vector<4000x16xf32>, vector<16x16xf32>, vector<4000x16xf32> -> vector<4000x16xf32>
    %dot_general3A_119 = arith.constant dense<0.000000e+00> : vector<4000x16xf32>
    %dot_general3A_120 = tpu.matmul %mul3A_107, %get3A_116, %dot_general3A_119 {dimension_numbers = #tpu.dot_dimension_numbers<[1], [0], [0], [1], [0, 0, 1, 1], [], []>, transpose_lhs_hint = false} : vector<4000x16xf32>, vector<16x16xf32>, vector<4000x16xf32> -> vector<4000x16xf32>
    %dot_general3A_121 = arith.constant dense<0.000000e+00> : vector<4000x16xf32>
    %dot_general3A_122 = tpu.matmul %mul3A_110, %get3A_116, %dot_general3A_121 {dimension_numbers = #tpu.dot_dimension_numbers<[1], [0], [0], [1], [0, 0, 1, 1], [], []>, transpose_lhs_hint = false} : vector<4000x16xf32>, vector<16x16xf32>, vector<4000x16xf32> -> vector<4000x16xf32>
    %mul3A_123 = arith.mulf %dot_general3A_118, %dot_general3A_118 : vector<4000x16xf32>
    %mul3A_124 = arith.mulf %dot_general3A_120, %dot_general3A_120 : vector<4000x16xf32>
    %add3A_125 = arith.addf %mul3A_123, %mul3A_124 : vector<4000x16xf32>
    %mul3A_126 = arith.mulf %dot_general3A_122, %dot_general3A_122 : vector<4000x16xf32>
    %add3A_127 = arith.addf %add3A_125, %mul3A_126 : vector<4000x16xf32>
    %jit3A_128 = arith.constant 9.99999993E-9 : f32
    %max3A_129 = vector.broadcast %jit3A_128 : f32 to vector<4000x16xf32>
    %max3A_130 = arith.maximumf %max3A_129, %add3A_127 : vector<4000x16xf32>
    %sqrt3A_131 = math.sqrt %max3A_130 : vector<4000x16xf32>
    %get3A_132 = arith.constant 0 : index
    %get3A_133 = arith.constant 0 : index
    %get3A_134 = vector.load %arg12[%get3A_132, %get3A_133] : memref<116x100xf32, #tpu.memory_space<vmem>>, vector<116x100xf32>
    %slice3A_135 = vector.extract_strided_slice %get3A_134 {offsets = [0, 0], sizes = [100, 100], strides = [1, 1]} : vector<116x100xf32> to vector<100x100xf32>
    %dot_general3A_136 = arith.constant dense<0.000000e+00> : vector<4000x100xf32>
    %dot_general3A_137 = tpu.matmul %max3A_113, %slice3A_135, %dot_general3A_136 {dimension_numbers = #tpu.dot_dimension_numbers<[1], [0], [0], [1], [0, 0, 1, 1], [], []>, transpose_lhs_hint = false} : vector<4000x100xf32>, vector<100x100xf32>, vector<4000x100xf32> -> vector<4000x100xf32>
    %slice3A_138 = vector.extract_strided_slice %get3A_134 {offsets = [100, 0], sizes = [16, 100], strides = [1, 1]} : vector<116x100xf32> to vector<16x100xf32>
    %dot_general3A_139 = arith.constant dense<0.000000e+00> : vector<4000x100xf32>
    %dot_general3A_140 = tpu.matmul %sqrt3A_131, %slice3A_138, %dot_general3A_139 {dimension_numbers = #tpu.dot_dimension_numbers<[1], [0], [0], [1], [0, 0, 1, 1], [], []>, transpose_lhs_hint = false} : vector<4000x16xf32>, vector<16x100xf32>, vector<4000x100xf32> -> vector<4000x100xf32>
    %add3A_141 = arith.addf %dot_general3A_137, %dot_general3A_140 : vector<4000x100xf32>
    %get3A_142 = arith.constant 0 : index
    %get3A_143 = arith.constant 0 : index
    %get3A_144 = vector.load %arg13[%get3A_142, %get3A_143] : memref<1x100xf32, #tpu.memory_space<vmem>>, vector<1x100xf32>
    %add3A_145 = vector.broadcast %get3A_144 : vector<1x100xf32> to vector<4000x100xf32>
    %add3A_146 = arith.addf %add3A_141, %add3A_145 : vector<4000x100xf32>
    %get3A_147 = arith.constant 0 : index
    %get3A_148 = arith.constant 0 : index
    %get3A_149 = vector.load %arg15[%get3A_147, %get3A_148] : memref<100x16xf32, #tpu.memory_space<vmem>>, vector<100x16xf32>
    %dot_general3A_150 = arith.constant dense<0.000000e+00> : vector<4000x16xf32>
    %dot_general3A_151 = tpu.matmul %add3A_146, %get3A_149, %dot_general3A_150 {dimension_numbers = #tpu.dot_dimension_numbers<[1], [0], [0], [1], [0, 0, 1, 1], [], []>, transpose_lhs_hint = false} : vector<4000x100xf32>, vector<100x16xf32>, vector<4000x16xf32> -> vector<4000x16xf32>
    %get3A_152 = arith.constant 0 : index
    %get3A_153 = arith.constant 0 : index
    %get3A_154 = vector.load %arg16[%get3A_152, %get3A_153] : memref<1x16xf32, #tpu.memory_space<vmem>>, vector<1x16xf32>
    %add3A_155 = vector.broadcast %get3A_154 : vector<1x16xf32> to vector<4000x16xf32>
    %add3A_156 = arith.addf %dot_general3A_151, %add3A_155 : vector<4000x16xf32>
    %logistic3A_157 = arith.negf %add3A_156 : vector<4000x16xf32>
    %logistic3A_158 = math.exp %logistic3A_157 : vector<4000x16xf32>
    %logistic3A_159 = arith.constant 1.000000e+00 : f32
    %logistic3A_160 = vector.broadcast %logistic3A_159 : f32 to vector<4000x16xf32>
    %logistic3A_161 = arith.addf %logistic3A_160, %logistic3A_158 : vector<4000x16xf32>
    %logistic3A_162 = arith.divf %logistic3A_160, %logistic3A_161 : vector<4000x16xf32>
    %get3A_163 = arith.constant 0 : index
    %get3A_164 = arith.constant 0 : index
    %get3A_165 = vector.load %arg14[%get3A_163, %get3A_164] : memref<16x16xf32, #tpu.memory_space<vmem>>, vector<16x16xf32>
    %dot_general3A_166 = arith.constant dense<0.000000e+00> : vector<4000x16xf32>
    %dot_general3A_167 = tpu.matmul %dot_general3A_118, %get3A_165, %dot_general3A_166 {dimension_numbers = #tpu.dot_dimension_numbers<[1], [0], [0], [1], [0, 0, 1, 1], [], []>, transpose_lhs_hint = false} : vector<4000x16xf32>, vector<16x16xf32>, vector<4000x16xf32> -> vector<4000x16xf32>
    %mul3A_168 = arith.mulf %dot_general3A_167, %logistic3A_162 : vector<4000x16xf32>
    %dot_general3A_169 = arith.constant dense<0.000000e+00> : vector<4000x16xf32>
    %dot_general3A_170 = tpu.matmul %dot_general3A_120, %get3A_165, %dot_general3A_169 {dimension_numbers = #tpu.dot_dimension_numbers<[1], [0], [0], [1], [0, 0, 1, 1], [], []>, transpose_lhs_hint = false} : vector<4000x16xf32>, vector<16x16xf32>, vector<4000x16xf32> -> vector<4000x16xf32>
    %mul3A_171 = arith.mulf %dot_general3A_170, %logistic3A_162 : vector<4000x16xf32>
    %dot_general3A_172 = arith.constant dense<0.000000e+00> : vector<4000x16xf32>
    %dot_general3A_173 = tpu.matmul %dot_general3A_122, %get3A_165, %dot_general3A_172 {dimension_numbers = #tpu.dot_dimension_numbers<[1], [0], [0], [1], [0, 0, 1, 1], [], []>, transpose_lhs_hint = false} : vector<4000x16xf32>, vector<16x16xf32>, vector<4000x16xf32> -> vector<4000x16xf32>
    %mul3A_174 = arith.mulf %dot_general3A_173, %logistic3A_162 : vector<4000x16xf32>
    %max3A_175 = arith.constant 0.000000e+00 : f32
    %max3A_176 = vector.broadcast %max3A_175 : f32 to vector<4000x100xf32>
    %max3A_177 = arith.maximumf %add3A_146, %max3A_176 : vector<4000x100xf32>
    %get3A_178 = arith.constant 0 : index
    %get3A_179 = arith.constant 0 : index
    %get3A_180 = vector.load %arg17[%get3A_178, %get3A_179] : memref<16x16xf32, #tpu.memory_space<vmem>>, vector<16x16xf32>
    %dot_general3A_181 = arith.constant dense<0.000000e+00> : vector<4000x16xf32>
    %dot_general3A_182 = tpu.matmul %mul3A_168, %get3A_180, %dot_general3A_181 {dimension_numbers = #tpu.dot_dimension_numbers<[1], [0], [0], [1], [0, 0, 1, 1], [], []>, transpose_lhs_hint = false} : vector<4000x16xf32>, vector<16x16xf32>, vector<4000x16xf32> -> vector<4000x16xf32>
    %dot_general3A_183 = arith.constant dense<0.000000e+00> : vector<4000x16xf32>
    %dot_general3A_184 = tpu.matmul %mul3A_171, %get3A_180, %dot_general3A_183 {dimension_numbers = #tpu.dot_dimension_numbers<[1], [0], [0], [1], [0, 0, 1, 1], [], []>, transpose_lhs_hint = false} : vector<4000x16xf32>, vector<16x16xf32>, vector<4000x16xf32> -> vector<4000x16xf32>
    %dot_general3A_185 = arith.constant dense<0.000000e+00> : vector<4000x16xf32>
    %dot_general3A_186 = tpu.matmul %mul3A_174, %get3A_180, %dot_general3A_185 {dimension_numbers = #tpu.dot_dimension_numbers<[1], [0], [0], [1], [0, 0, 1, 1], [], []>, transpose_lhs_hint = false} : vector<4000x16xf32>, vector<16x16xf32>, vector<4000x16xf32> -> vector<4000x16xf32>
    %mul3A_187 = arith.mulf %dot_general3A_182, %dot_general3A_182 : vector<4000x16xf32>
    %mul3A_188 = arith.mulf %dot_general3A_184, %dot_general3A_184 : vector<4000x16xf32>
    %add3A_189 = arith.addf %mul3A_187, %mul3A_188 : vector<4000x16xf32>
    %mul3A_190 = arith.mulf %dot_general3A_186, %dot_general3A_186 : vector<4000x16xf32>
    %add3A_191 = arith.addf %add3A_189, %mul3A_190 : vector<4000x16xf32>
    %jit3A_192 = arith.constant 9.99999993E-9 : f32
    %max3A_193 = vector.broadcast %jit3A_192 : f32 to vector<4000x16xf32>
    %max3A_194 = arith.maximumf %max3A_193, %add3A_191 : vector<4000x16xf32>
    %sqrt3A_195 = math.sqrt %max3A_194 : vector<4000x16xf32>
    %get3A_196 = arith.constant 0 : index
    %get3A_197 = arith.constant 0 : index
    %get3A_198 = vector.load %arg18[%get3A_196, %get3A_197] : memref<116x100xf32, #tpu.memory_space<vmem>>, vector<116x100xf32>
    %slice3A_199 = vector.extract_strided_slice %get3A_198 {offsets = [0, 0], sizes = [100, 100], strides = [1, 1]} : vector<116x100xf32> to vector<100x100xf32>
    %dot_general3A_200 = arith.constant dense<0.000000e+00> : vector<4000x100xf32>
    %dot_general3A_201 = tpu.matmul %max3A_177, %slice3A_199, %dot_general3A_200 {dimension_numbers = #tpu.dot_dimension_numbers<[1], [0], [0], [1], [0, 0, 1, 1], [], []>, transpose_lhs_hint = false} : vector<4000x100xf32>, vector<100x100xf32>, vector<4000x100xf32> -> vector<4000x100xf32>
    %slice3A_202 = vector.extract_strided_slice %get3A_198 {offsets = [100, 0], sizes = [16, 100], strides = [1, 1]} : vector<116x100xf32> to vector<16x100xf32>
    %dot_general3A_203 = arith.constant dense<0.000000e+00> : vector<4000x100xf32>
    %dot_general3A_204 = tpu.matmul %sqrt3A_195, %slice3A_202, %dot_general3A_203 {dimension_numbers = #tpu.dot_dimension_numbers<[1], [0], [0], [1], [0, 0, 1, 1], [], []>, transpose_lhs_hint = false} : vector<4000x16xf32>, vector<16x100xf32>, vector<4000x100xf32> -> vector<4000x100xf32>
    %add3A_205 = arith.addf %dot_general3A_201, %dot_general3A_204 : vector<4000x100xf32>
    %get3A_206 = arith.constant 0 : index
    %get3A_207 = arith.constant 0 : index
    %get3A_208 = vector.load %arg19[%get3A_206, %get3A_207] : memref<1x100xf32, #tpu.memory_space<vmem>>, vector<1x100xf32>
    %add3A_209 = vector.broadcast %get3A_208 : vector<1x100xf32> to vector<4000x100xf32>
    %add3A_210 = arith.addf %add3A_205, %add3A_209 : vector<4000x100xf32>
    %get3A_211 = arith.constant 0 : index
    %get3A_212 = arith.constant 0 : index
    %get3A_213 = vector.load %arg21[%get3A_211, %get3A_212] : memref<100x16xf32, #tpu.memory_space<vmem>>, vector<100x16xf32>
    %dot_general3A_214 = arith.constant dense<0.000000e+00> : vector<4000x16xf32>
    %dot_general3A_215 = tpu.matmul %add3A_210, %get3A_213, %dot_general3A_214 {dimension_numbers = #tpu.dot_dimension_numbers<[1], [0], [0], [1], [0, 0, 1, 1], [], []>, transpose_lhs_hint = false} : vector<4000x100xf32>, vector<100x16xf32>, vector<4000x16xf32> -> vector<4000x16xf32>
    %get3A_216 = arith.constant 0 : index
    %get3A_217 = arith.constant 0 : index
    %get3A_218 = vector.load %arg22[%get3A_216, %get3A_217] : memref<1x16xf32, #tpu.memory_space<vmem>>, vector<1x16xf32>
    %add3A_219 = vector.broadcast %get3A_218 : vector<1x16xf32> to vector<4000x16xf32>
    %add3A_220 = arith.addf %dot_general3A_215, %add3A_219 : vector<4000x16xf32>
    %logistic3A_221 = arith.negf %add3A_220 : vector<4000x16xf32>
    %logistic3A_222 = math.exp %logistic3A_221 : vector<4000x16xf32>
    %logistic3A_223 = arith.constant 1.000000e+00 : f32
    %logistic3A_224 = vector.broadcast %logistic3A_223 : f32 to vector<4000x16xf32>
    %logistic3A_225 = arith.addf %logistic3A_224, %logistic3A_222 : vector<4000x16xf32>
    %logistic3A_226 = arith.divf %logistic3A_224, %logistic3A_225 : vector<4000x16xf32>
    %get3A_227 = arith.constant 0 : index
    %get3A_228 = arith.constant 0 : index
    %get3A_229 = vector.load %arg20[%get3A_227, %get3A_228] : memref<16x16xf32, #tpu.memory_space<vmem>>, vector<16x16xf32>
    %dot_general3A_230 = arith.constant dense<0.000000e+00> : vector<4000x16xf32>
    %dot_general3A_231 = tpu.matmul %dot_general3A_182, %get3A_229, %dot_general3A_230 {dimension_numbers = #tpu.dot_dimension_numbers<[1], [0], [0], [1], [0, 0, 1, 1], [], []>, transpose_lhs_hint = false} : vector<4000x16xf32>, vector<16x16xf32>, vector<4000x16xf32> -> vector<4000x16xf32>
    %mul3A_232 = arith.mulf %dot_general3A_231, %logistic3A_226 : vector<4000x16xf32>
    %dot_general3A_233 = arith.constant dense<0.000000e+00> : vector<4000x16xf32>
    %dot_general3A_234 = tpu.matmul %dot_general3A_184, %get3A_229, %dot_general3A_233 {dimension_numbers = #tpu.dot_dimension_numbers<[1], [0], [0], [1], [0, 0, 1, 1], [], []>, transpose_lhs_hint = false} : vector<4000x16xf32>, vector<16x16xf32>, vector<4000x16xf32> -> vector<4000x16xf32>
    %mul3A_235 = arith.mulf %dot_general3A_234, %logistic3A_226 : vector<4000x16xf32>
    %dot_general3A_236 = arith.constant dense<0.000000e+00> : vector<4000x16xf32>
    %dot_general3A_237 = tpu.matmul %dot_general3A_186, %get3A_229, %dot_general3A_236 {dimension_numbers = #tpu.dot_dimension_numbers<[1], [0], [0], [1], [0, 0, 1, 1], [], []>, transpose_lhs_hint = false} : vector<4000x16xf32>, vector<16x16xf32>, vector<4000x16xf32> -> vector<4000x16xf32>
    %mul3A_238 = arith.mulf %dot_general3A_237, %logistic3A_226 : vector<4000x16xf32>
    %broadcast_in_dim3A = arith.constant 1.000000e+00 : f32
    %broadcast_in_dim3A_239 = vector.broadcast %broadcast_in_dim3A : f32 to vector<4000x1xf32>
    %broadcast_in_dim3A_240 = arith.constant 0.000000e+00 : f32
    %broadcast_in_dim3A_241 = vector.broadcast %broadcast_in_dim3A_240 : f32 to vector<4000x27xf32>
    %concatenate3A_242 = tpu.concatenate %add3A_210, %broadcast_in_dim3A_239, %broadcast_in_dim3A_241 in 1 : vector<4000x100xf32>, vector<4000x1xf32>, vector<4000x27xf32> -> vector<4000x128xf32>
    %swap3A = arith.constant 0 : index
    %swap3A_243 = arith.constant 0 : index
    %swap3A_244 = vector.load %arg23[%swap3A, %swap3A_243] : memref<4000x128xf32, #tpu.memory_space<vmem>>, vector<4000x128xf32>
    tpu.vector_store %arg23[%swap3A, %swap3A_243], %concatenate3A_242 {strides = array<i32>} : memref<4000x128xf32, #tpu.memory_space<vmem>>, vector<4000x128xf32>,
    %broadcast_in_dim3A_245 = arith.constant 0.000000e+00 : f32
    %broadcast_in_dim3A_246 = vector.broadcast %broadcast_in_dim3A_245 : f32 to vector<4000x80xf32>
    %concatenate3A_247 = tpu.concatenate %mul3A_232, %mul3A_235, %mul3A_238, %broadcast_in_dim3A_246 in 1 : vector<4000x16xf32>, vector<4000x16xf32>, vector<4000x16xf32>, vector<4000x80xf32> -> vector<4000x128xf32>
    %swap3A_248 = arith.constant 0 : index
    %swap3A_249 = arith.constant 0 : index
    %swap3A_250 = vector.load %arg24[%swap3A_248, %swap3A_249] : memref<4000x128xf32, #tpu.memory_space<vmem>>, vector<4000x128xf32>
    tpu.vector_store %arg24[%swap3A_248, %swap3A_249], %concatenate3A_247 {strides = array<i32>} : memref<4000x128xf32, #tpu.memory_space<vmem>>, vector<4000x128xf32>,
    return
  }
  func.func @transform_0(%arg0: i32) -> (i32, i32) {
    %c0_i32 = arith.constant 0 : i32
    %c0_i32_0 = arith.constant 0 : i32
    return %arg0, %c0_i32 : i32, i32
  }
  func.func @transform_1(%arg0: i32) -> (i32, i32) {
    %c0_i32 = arith.constant 0 : i32
    %c0_i32_0 = arith.constant 0 : i32
    return %arg0, %c0_i32 : i32, i32
  }
  func.func @transform_2(%arg0: i32) -> (i32, i32) {
    %c0_i32 = arith.constant 0 : i32
    %c0_i32_0 = arith.constant 0 : i32
    return %arg0, %c0_i32 : i32, i32
  }
  func.func @transform_3(%arg0: i32) -> (i32, i32) {
    %c0_i32 = arith.constant 0 : i32
    %c0_i32_0 = arith.constant 0 : i32
    %c0_i32_1 = arith.constant 0 : i32
    return %c0_i32, %c0_i32_0 : i32, i32
  }
  func.func @transform_4(%arg0: i32) -> (i32, i32) {
    %c0_i32 = arith.constant 0 : i32
    %c0_i32_0 = arith.constant 0 : i32
    %c0_i32_1 = arith.constant 0 : i32
    return %c0_i32, %c0_i32_0 : i32, i32
  }
  func.func @transform_5(%arg0: i32) -> (i32, i32) {
    %c0_i32 = arith.constant 0 : i32
    %c0_i32_0 = arith.constant 0 : i32
    %c0_i32_1 = arith.constant 0 : i32
    return %c0_i32, %c0_i32_0 : i32, i32
  }
  func.func @transform_6(%arg0: i32) -> (i32, i32) {
    %c0_i32 = arith.constant 0 : i32
    %c0_i32_0 = arith.constant 0 : i32
    %c0_i32_1 = arith.constant 0 : i32
    return %c0_i32, %c0_i32_0 : i32, i32
  }
  func.func @transform_7(%arg0: i32) -> (i32, i32) {
    %c0_i32 = arith.constant 0 : i32
    %c0_i32_0 = arith.constant 0 : i32
    %c0_i32_1 = arith.constant 0 : i32
    return %c0_i32, %c0_i32_0 : i32, i32
  }
  func.func @transform_8(%arg0: i32) -> (i32, i32) {
    %c0_i32 = arith.constant 0 : i32
    %c0_i32_0 = arith.constant 0 : i32
    %c0_i32_1 = arith.constant 0 : i32
    return %c0_i32, %c0_i32_0 : i32, i32
  }
  func.func @transform_9(%arg0: i32) -> (i32, i32) {
    %c0_i32 = arith.constant 0 : i32
    %c0_i32_0 = arith.constant 0 : i32
    %c0_i32_1 = arith.constant 0 : i32
    return %c0_i32, %c0_i32_0 : i32, i32
  }
  func.func @transform_10(%arg0: i32) -> (i32, i32) {
    %c0_i32 = arith.constant 0 : i32
    %c0_i32_0 = arith.constant 0 : i32
    %c0_i32_1 = arith.constant 0 : i32
    return %c0_i32, %c0_i32_0 : i32, i32
  }
  func.func @transform_11(%arg0: i32) -> (i32, i32) {
    %c0_i32 = arith.constant 0 : i32
    %c0_i32_0 = arith.constant 0 : i32
    %c0_i32_1 = arith.constant 0 : i32
    return %c0_i32, %c0_i32_0 : i32, i32
  }
  func.func @transform_12(%arg0: i32) -> (i32, i32) {
    %c0_i32 = arith.constant 0 : i32
    %c0_i32_0 = arith.constant 0 : i32
    %c0_i32_1 = arith.constant 0 : i32
    return %c0_i32, %c0_i32_0 : i32, i32
  }
  func.func @transform_13(%arg0: i32) -> (i32, i32) {
    %c0_i32 = arith.constant 0 : i32
    %c0_i32_0 = arith.constant 0 : i32
    %c0_i32_1 = arith.constant 0 : i32
    return %c0_i32, %c0_i32_0 : i32, i32
  }
  func.func @transform_14(%arg0: i32) -> (i32, i32) {
    %c0_i32 = arith.constant 0 : i32
    %c0_i32_0 = arith.constant 0 : i32
    %c0_i32_1 = arith.constant 0 : i32
    return %c0_i32, %c0_i32_0 : i32, i32
  }
  func.func @transform_15(%arg0: i32) -> (i32, i32) {
    %c0_i32 = arith.constant 0 : i32
    %c0_i32_0 = arith.constant 0 : i32
    %c0_i32_1 = arith.constant 0 : i32
    return %c0_i32, %c0_i32_0 : i32, i32
  }
  func.func @transform_16(%arg0: i32) -> (i32, i32) {
    %c0_i32 = arith.constant 0 : i32
    %c0_i32_0 = arith.constant 0 : i32
    %c0_i32_1 = arith.constant 0 : i32
    return %c0_i32, %c0_i32_0 : i32, i32
  }
  func.func @transform_17(%arg0: i32) -> (i32, i32) {
    %c0_i32 = arith.constant 0 : i32
    %c0_i32_0 = arith.constant 0 : i32
    %c0_i32_1 = arith.constant 0 : i32
    return %c0_i32, %c0_i32_0 : i32, i32
  }
  func.func @transform_18(%arg0: i32) -> (i32, i32) {
    %c0_i32 = arith.constant 0 : i32
    %c0_i32_0 = arith.constant 0 : i32
    %c0_i32_1 = arith.constant 0 : i32
    return %c0_i32, %c0_i32_0 : i32, i32
  }
  func.func @transform_19(%arg0: i32) -> (i32, i32) {
    %c0_i32 = arith.constant 0 : i32
    %c0_i32_0 = arith.constant 0 : i32
    %c0_i32_1 = arith.constant 0 : i32
    return %c0_i32, %c0_i32_0 : i32, i32
  }
  func.func @transform_20(%arg0: i32) -> (i32, i32) {
    %c0_i32 = arith.constant 0 : i32
    %c0_i32_0 = arith.constant 0 : i32
    %c0_i32_1 = arith.constant 0 : i32
    return %c0_i32, %c0_i32_0 : i32, i32
  }
  func.func @transform_21(%arg0: i32) -> (i32, i32) {
    %c0_i32 = arith.constant 0 : i32
    %c0_i32_0 = arith.constant 0 : i32
    %c0_i32_1 = arith.constant 0 : i32
    return %c0_i32, %c0_i32_0 : i32, i32
  }
  func.func @transform_22(%arg0: i32) -> (i32, i32) {
    %c0_i32 = arith.constant 0 : i32
    %c0_i32_0 = arith.constant 0 : i32
    return %arg0, %c0_i32 : i32, i32
  }
  func.func @transform_23(%arg0: i32) -> (i32, i32) {
    %c0_i32 = arith.constant 0 : i32
    %c0_i32_0 = arith.constant 0 : i32
    return %arg0, %c0_i32 : i32, i32
  }
}

module attributes {stable_mosaic.version = 14 : i64} {
  func.func @_node_update_body(%arg0: i32, %arg1: memref<2x1000x128xf32, #tpu.memory_space<vmem>>, %arg2: memref<2x1000x128xf32, #tpu.memory_space<vmem>>, %arg3: memref<1000x160xf32, #tpu.memory_space<vmem>>, %arg4: memref<1x100xf32, #tpu.memory_space<vmem>>, %arg5: memref<1x100xf32, #tpu.memory_space<vmem>>, %arg6: memref<16x32xf32, #tpu.memory_space<vmem>>, %arg7: memref<100x400xf32, #tpu.memory_space<vmem>>, %arg8: memref<32x400xf32, #tpu.memory_space<vmem>>, %arg9: memref<1x400xf32, #tpu.memory_space<vmem>>, %arg10: memref<32x32xf32, #tpu.memory_space<vmem>>, %arg11: memref<400x32xf32, #tpu.memory_space<vmem>>, %arg12: memref<1x32xf32, #tpu.memory_space<vmem>>, %arg13: memref<32x32xf32, #tpu.memory_space<vmem>>, %arg14: memref<400x100xf32, #tpu.memory_space<vmem>>, %arg15: memref<32x100xf32, #tpu.memory_space<vmem>>, %arg16: memref<1x100xf32, #tpu.memory_space<vmem>>, %arg17: memref<32x16xf32, #tpu.memory_space<vmem>>, %arg18: memref<100x16xf32, #tpu.memory_space<vmem>>, %arg19: memref<1x16xf32, #tpu.memory_space<vmem>>, %arg20: memref<1x100xf32, #tpu.memory_space<vmem>>, %arg21: memref<1x100xf32, #tpu.memory_space<vmem>>, %arg22: memref<100x100xf32, #tpu.memory_space<vmem>>, %arg23: memref<100x100xf32, #tpu.memory_space<vmem>>, %arg24: memref<1000x160xf32, #tpu.memory_space<vmem>>, %arg25: memref<1000x128xi32, #tpu.memory_space<vmem>>) attributes {dimension_semantics = [#tpu.dimension_semantics<arbitrary>], iteration_bounds = array<i64: 10>, scalar_prefetch = 0 : i64, scratch_operands = 0 : i64, tpu.core_type = #tpu.core_type<tc>, window_params = [{transform_indices = @transform_0, window_bounds = array<i64: 2, 1000, 128>}, {transform_indices = @transform_1, window_bounds = array<i64: 2, 1000, 128>}, {transform_indices = @transform_2, window_bounds = array<i64: 1000, 160>}, {pipeline_mode = #tpu.pipeline_mode<synchronous>, transform_indices = @transform_3, window_bounds = array<i64: 1, 100>}, {pipeline_mode = #tpu.pipeline_mode<synchronous>, transform_indices = @transform_4, window_bounds = array<i64: 1, 100>}, {pipeline_mode = #tpu.pipeline_mode<synchronous>, transform_indices = @transform_5, window_bounds = array<i64: 16, 32>}, {pipeline_mode = #tpu.pipeline_mode<synchronous>, transform_indices = @transform_6, window_bounds = array<i64: 100, 400>}, {pipeline_mode = #tpu.pipeline_mode<synchronous>, transform_indices = @transform_7, window_bounds = array<i64: 32, 400>}, {pipeline_mode = #tpu.pipeline_mode<synchronous>, transform_indices = @transform_8, window_bounds = array<i64: 1, 400>}, {pipeline_mode = #tpu.pipeline_mode<synchronous>, transform_indices = @transform_9, window_bounds = array<i64: 32, 32>}, {pipeline_mode = #tpu.pipeline_mode<synchronous>, transform_indices = @transform_10, window_bounds = array<i64: 400, 32>}, {pipeline_mode = #tpu.pipeline_mode<synchronous>, transform_indices = @transform_11, window_bounds = array<i64: 1, 32>}, {pipeline_mode = #tpu.pipeline_mode<synchronous>, transform_indices = @transform_12, window_bounds = array<i64: 32, 32>}, {pipeline_mode = #tpu.pipeline_mode<synchronous>, transform_indices = @transform_13, window_bounds = array<i64: 400, 100>}, {pipeline_mode = #tpu.pipeline_mode<synchronous>, transform_indices = @transform_14, window_bounds = array<i64: 32, 100>}, {pipeline_mode = #tpu.pipeline_mode<synchronous>, transform_indices = @transform_15, window_bounds = array<i64: 1, 100>}, {pipeline_mode = #tpu.pipeline_mode<synchronous>, transform_indices = @transform_16, window_bounds = array<i64: 32, 16>}, {pipeline_mode = #tpu.pipeline_mode<synchronous>, transform_indices = @transform_17, window_bounds = array<i64: 100, 16>}, {pipeline_mode = #tpu.pipeline_mode<synchronous>, transform_indices = @transform_18, window_bounds = array<i64: 1, 16>}, {pipeline_mode = #tpu.pipeline_mode<synchronous>, transform_indices = @transform_19, window_bounds = array<i64: 1, 100>}, {pipeline_mode = #tpu.pipeline_mode<synchronous>, transform_indices = @transform_20, window_bounds = array<i64: 1, 100>}, {pipeline_mode = #tpu.pipeline_mode<synchronous>, transform_indices = @transform_21, window_bounds = array<i64: 100, 100>}, {pipeline_mode = #tpu.pipeline_mode<synchronous>, transform_indices = @transform_22, window_bounds = array<i64: 100, 100>}, {transform_indices = @transform_23, window_bounds = array<i64: 1000, 160>}, {transform_indices = @transform_24, window_bounds = array<i64: 1000, 128>}]} {
    %get3A = arith.constant 0 : index
    %get3A_0 = arith.constant 0 : index
    %get3A_1 = arith.constant 0 : index
    %get3A_2 = vector.load %arg1[%get3A, %get3A_0, %get3A_1] : memref<2x1000x128xf32, #tpu.memory_space<vmem>>, vector<2x1000x128xf32>
    %get3A_3 = arith.constant 0 : index
    %get3A_4 = arith.constant 0 : index
    %get3A_5 = arith.constant 0 : index
    %get3A_6 = vector.load %arg2[%get3A_3, %get3A_4, %get3A_5] : memref<2x1000x128xf32, #tpu.memory_space<vmem>>, vector<2x1000x128xf32>
    %get3A_7 = arith.constant 0 : index
    %get3A_8 = arith.constant 0 : index
    %get3A_9 = vector.load %arg3[%get3A_7, %get3A_8] : memref<1000x160xf32, #tpu.memory_space<vmem>>, vector<1000x160xf32>
    %slice3A = vector.extract_strided_slice %get3A_2 {offsets = [0, 0, 0], sizes = [1, 1000, 128], strides = [1, 1, 1]} : vector<2x1000x128xf32> to vector<1x1000x128xf32>
    %squeeze3A = vector.shape_cast %slice3A : vector<1x1000x128xf32> to vector<1000x128xf32>
    %slice3A_10 = vector.extract_strided_slice %get3A_2 {offsets = [1, 0, 0], sizes = [1, 1000, 128], strides = [1, 1, 1]} : vector<2x1000x128xf32> to vector<1x1000x128xf32>
    %squeeze3A_11 = vector.shape_cast %slice3A_10 : vector<1x1000x128xf32> to vector<1000x128xf32>
    %add3A = arith.addf %squeeze3A, %squeeze3A_11 : vector<1000x128xf32>
    %slice3A_12 = vector.extract_strided_slice %get3A_6 {offsets = [0, 0, 0], sizes = [1, 1000, 128], strides = [1, 1, 1]} : vector<2x1000x128xf32> to vector<1x1000x128xf32>
    %squeeze3A_13 = vector.shape_cast %slice3A_12 : vector<1x1000x128xf32> to vector<1000x128xf32>
    %slice3A_14 = vector.extract_strided_slice %get3A_6 {offsets = [1, 0, 0], sizes = [1, 1000, 128], strides = [1, 1, 1]} : vector<2x1000x128xf32> to vector<1x1000x128xf32>
    %squeeze3A_15 = vector.shape_cast %slice3A_14 : vector<1x1000x128xf32> to vector<1000x128xf32>
    %add3A_16 = arith.addf %squeeze3A_13, %squeeze3A_15 : vector<1000x128xf32>
    %slice3A_17 = vector.extract_strided_slice %add3A {offsets = [0, 100], sizes = [1000, 1], strides = [1, 1]} : vector<1000x128xf32> to vector<1000x1xf32>
    %jit3A = arith.constant 1.000000e+00 : f32
    %max3A = vector.broadcast %jit3A : f32 to vector<1000x1xf32>
    %max3A_18 = arith.maximumf %max3A, %slice3A_17 : vector<1000x1xf32>
    %slice3A_19 = vector.extract_strided_slice %get3A_9 {offsets = [0, 0], sizes = [1000, 100], strides = [1, 1]} : vector<1000x160xf32> to vector<1000x100xf32>
    %slice3A_20 = vector.extract_strided_slice %add3A {offsets = [0, 0], sizes = [1000, 100], strides = [1, 1]} : vector<1000x128xf32> to vector<1000x100xf32>
    %div3A = vector.broadcast %max3A_18 : vector<1000x1xf32> to vector<1000x100xf32>
    %div3A_21 = arith.divf %slice3A_20, %div3A : vector<1000x100xf32>
    %add3A_22 = arith.addf %slice3A_19, %div3A_21 : vector<1000x100xf32>
    %slice3A_23 = vector.extract_strided_slice %get3A_9 {offsets = [0, 100], sizes = [1000, 16], strides = [1, 1]} : vector<1000x160xf32> to vector<1000x16xf32>
    %slice3A_24 = vector.extract_strided_slice %add3A_16 {offsets = [0, 0], sizes = [1000, 16], strides = [1, 1]} : vector<1000x128xf32> to vector<1000x16xf32>
    %div3A_25 = vector.broadcast %max3A_18 : vector<1000x1xf32> to vector<1000x16xf32>
    %div3A_26 = arith.divf %slice3A_24, %div3A_25 : vector<1000x16xf32>
    %add3A_27 = arith.addf %slice3A_23, %div3A_26 : vector<1000x16xf32>
    %slice3A_28 = vector.extract_strided_slice %get3A_9 {offsets = [0, 116], sizes = [1000, 16], strides = [1, 1]} : vector<1000x160xf32> to vector<1000x16xf32>
    %slice3A_29 = vector.extract_strided_slice %add3A_16 {offsets = [0, 16], sizes = [1000, 16], strides = [1, 1]} : vector<1000x128xf32> to vector<1000x16xf32>
    %div3A_30 = vector.broadcast %max3A_18 : vector<1000x1xf32> to vector<1000x16xf32>
    %div3A_31 = arith.divf %slice3A_29, %div3A_30 : vector<1000x16xf32>
    %add3A_32 = arith.addf %slice3A_28, %div3A_31 : vector<1000x16xf32>
    %slice3A_33 = vector.extract_strided_slice %get3A_9 {offsets = [0, 132], sizes = [1000, 16], strides = [1, 1]} : vector<1000x160xf32> to vector<1000x16xf32>
    %slice3A_34 = vector.extract_strided_slice %add3A_16 {offsets = [0, 32], sizes = [1000, 16], strides = [1, 1]} : vector<1000x128xf32> to vector<1000x16xf32>
    %div3A_35 = vector.broadcast %max3A_18 : vector<1000x1xf32> to vector<1000x16xf32>
    %div3A_36 = arith.divf %slice3A_34, %div3A_35 : vector<1000x16xf32>
    %add3A_37 = arith.addf %slice3A_33, %div3A_36 : vector<1000x16xf32>
    %get3A_38 = arith.constant 0 : index
    %get3A_39 = arith.constant 0 : index
    %get3A_40 = vector.load %arg4[%get3A_38, %get3A_39] : memref<1x100xf32, #tpu.memory_space<vmem>>, vector<1x100xf32>
    %get3A_41 = arith.constant 0 : index
    %get3A_42 = arith.constant 0 : index
    %get3A_43 = vector.load %arg5[%get3A_41, %get3A_42] : memref<1x100xf32, #tpu.memory_space<vmem>>, vector<1x100xf32>
    %reduce_sum3A = arith.constant dense<0.000000e+00> : vector<1000xf32>
    %reduce_sum3A_44 = vector.multi_reduction <add>, %add3A_22, %reduce_sum3A [1] : vector<1000x100xf32> to vector<1000xf32>
    %broadcast_in_dim3A = vector.shape_cast %reduce_sum3A_44 : vector<1000xf32> to vector<1000x1xf32>
    %div3A_45 = arith.constant 1.000000e+02 : f32
    %div3A_46 = vector.broadcast %div3A_45 : f32 to vector<1000x1xf32>
    %div3A_47 = arith.divf %broadcast_in_dim3A, %div3A_46 : vector<1000x1xf32>
    %sub3A = vector.broadcast %div3A_47 : vector<1000x1xf32> to vector<1000x100xf32>
    %sub3A_48 = arith.subf %add3A_22, %sub3A : vector<1000x100xf32>
    %square3A = arith.mulf %sub3A_48, %sub3A_48 : vector<1000x100xf32>
    %reduce_sum3A_49 = arith.constant dense<0.000000e+00> : vector<1000xf32>
    %reduce_sum3A_50 = vector.multi_reduction <add>, %square3A, %reduce_sum3A_49 [1] : vector<1000x100xf32> to vector<1000xf32>
    %broadcast_in_dim3A_51 = vector.shape_cast %reduce_sum3A_50 : vector<1000xf32> to vector<1000x1xf32>
    %div3A_52 = arith.constant 1.000000e+02 : f32
    %div3A_53 = vector.broadcast %div3A_52 : f32 to vector<1000x1xf32>
    %div3A_54 = arith.divf %broadcast_in_dim3A_51, %div3A_53 : vector<1000x1xf32>
    %sub3A_55 = vector.broadcast %div3A_47 : vector<1000x1xf32> to vector<1000x100xf32>
    %sub3A_56 = arith.subf %add3A_22, %sub3A_55 : vector<1000x100xf32>
    %add3A_57 = arith.constant 9.99999974E-6 : f32
    %add3A_58 = vector.broadcast %add3A_57 : f32 to vector<1000x1xf32>
    %add3A_59 = arith.addf %div3A_54, %add3A_58 : vector<1000x1xf32>
    %sqrt3A = math.sqrt %add3A_59 : vector<1000x1xf32>
    %div3A_60 = vector.broadcast %sqrt3A : vector<1000x1xf32> to vector<1000x100xf32>
    %div3A_61 = arith.divf %sub3A_56, %div3A_60 : vector<1000x100xf32>
    %mul3A = vector.broadcast %get3A_40 : vector<1x100xf32> to vector<1000x100xf32>
    %mul3A_62 = arith.mulf %div3A_61, %mul3A : vector<1000x100xf32>
    %add3A_63 = vector.broadcast %get3A_43 : vector<1x100xf32> to vector<1000x100xf32>
    %add3A_64 = arith.addf %mul3A_62, %add3A_63 : vector<1000x100xf32>
    %mul3A_65 = arith.mulf %add3A_27, %add3A_27 : vector<1000x16xf32>
    %mul3A_66 = arith.mulf %add3A_32, %add3A_32 : vector<1000x16xf32>
    %add3A_67 = arith.addf %mul3A_65, %mul3A_66 : vector<1000x16xf32>
    %mul3A_68 = arith.mulf %add3A_37, %add3A_37 : vector<1000x16xf32>
    %add3A_69 = arith.addf %add3A_67, %mul3A_68 : vector<1000x16xf32>
    %jit3A_70 = arith.constant 9.99999993E-9 : f32
    %max3A_71 = vector.broadcast %jit3A_70 : f32 to vector<1000x16xf32>
    %max3A_72 = arith.maximumf %max3A_71, %add3A_69 : vector<1000x16xf32>
    %reduce_sum3A_73 = arith.constant dense<0.000000e+00> : vector<1000xf32>
    %reduce_sum3A_74 = vector.multi_reduction <add>, %max3A_72, %reduce_sum3A_73 [1] : vector<1000x16xf32> to vector<1000xf32>
    %broadcast_in_dim3A_75 = vector.shape_cast %reduce_sum3A_74 : vector<1000xf32> to vector<1000x1xf32>
    %div3A_76 = arith.constant 1.600000e+01 : f32
    %div3A_77 = vector.broadcast %div3A_76 : f32 to vector<1000x1xf32>
    %div3A_78 = arith.divf %broadcast_in_dim3A_75, %div3A_77 : vector<1000x1xf32>
    %sqrt3A_79 = math.sqrt %div3A_78 : vector<1000x1xf32>
    %div3A_80 = vector.broadcast %sqrt3A_79 : vector<1000x1xf32> to vector<1000x16xf32>
    %div3A_81 = arith.divf %add3A_27, %div3A_80 : vector<1000x16xf32>
    %div3A_82 = vector.broadcast %sqrt3A_79 : vector<1000x1xf32> to vector<1000x16xf32>
    %div3A_83 = arith.divf %add3A_32, %div3A_82 : vector<1000x16xf32>
    %div3A_84 = vector.broadcast %sqrt3A_79 : vector<1000x1xf32> to vector<1000x16xf32>
    %div3A_85 = arith.divf %add3A_37, %div3A_84 : vector<1000x16xf32>
    %get3A_86 = arith.constant 0 : index
    %get3A_87 = arith.constant 0 : index
    %get3A_88 = vector.load %arg6[%get3A_86, %get3A_87] : memref<16x32xf32, #tpu.memory_space<vmem>>, vector<16x32xf32>
    %dot_general3A = arith.constant dense<0.000000e+00> : vector<1000x32xf32>
    %dot_general3A_89 = tpu.matmul %div3A_81, %get3A_88, %dot_general3A {dimension_numbers = #tpu.dot_dimension_numbers<[1], [0], [0], [1], [0, 0, 1, 1], [], []>, transpose_lhs_hint = false} : vector<1000x16xf32>, vector<16x32xf32>, vector<1000x32xf32> -> vector<1000x32xf32>
    %dot_general3A_90 = arith.constant dense<0.000000e+00> : vector<1000x32xf32>
    %dot_general3A_91 = tpu.matmul %div3A_83, %get3A_88, %dot_general3A_90 {dimension_numbers = #tpu.dot_dimension_numbers<[1], [0], [0], [1], [0, 0, 1, 1], [], []>, transpose_lhs_hint = false} : vector<1000x16xf32>, vector<16x32xf32>, vector<1000x32xf32> -> vector<1000x32xf32>
    %dot_general3A_92 = arith.constant dense<0.000000e+00> : vector<1000x32xf32>
    %dot_general3A_93 = tpu.matmul %div3A_85, %get3A_88, %dot_general3A_92 {dimension_numbers = #tpu.dot_dimension_numbers<[1], [0], [0], [1], [0, 0, 1, 1], [], []>, transpose_lhs_hint = false} : vector<1000x16xf32>, vector<16x32xf32>, vector<1000x32xf32> -> vector<1000x32xf32>
    %mul3A_94 = arith.mulf %dot_general3A_89, %dot_general3A_89 : vector<1000x32xf32>
    %mul3A_95 = arith.mulf %dot_general3A_91, %dot_general3A_91 : vector<1000x32xf32>
    %add3A_96 = arith.addf %mul3A_94, %mul3A_95 : vector<1000x32xf32>
    %mul3A_97 = arith.mulf %dot_general3A_93, %dot_general3A_93 : vector<1000x32xf32>
    %add3A_98 = arith.addf %add3A_96, %mul3A_97 : vector<1000x32xf32>
    %jit3A_99 = arith.constant 9.99999993E-9 : f32
    %max3A_100 = vector.broadcast %jit3A_99 : f32 to vector<1000x32xf32>
    %max3A_101 = arith.maximumf %max3A_100, %add3A_98 : vector<1000x32xf32>
    %sqrt3A_102 = math.sqrt %max3A_101 : vector<1000x32xf32>
    %get3A_103 = arith.constant 0 : index
    %get3A_104 = arith.constant 0 : index
    %get3A_105 = vector.load %arg7[%get3A_103, %get3A_104] : memref<100x400xf32, #tpu.memory_space<vmem>>, vector<100x400xf32>
    %dot_general3A_106 = arith.constant dense<0.000000e+00> : vector<1000x400xf32>
    %dot_general3A_107 = tpu.matmul %add3A_64, %get3A_105, %dot_general3A_106 {dimension_numbers = #tpu.dot_dimension_numbers<[1], [0], [0], [1], [0, 0, 1, 1], [], []>, transpose_lhs_hint = false} : vector<1000x100xf32>, vector<100x400xf32>, vector<1000x400xf32> -> vector<1000x400xf32>
    %get3A_108 = arith.constant 0 : index
    %get3A_109 = arith.constant 0 : index
    %get3A_110 = vector.load %arg8[%get3A_108, %get3A_109] : memref<32x400xf32, #tpu.memory_space<vmem>>, vector<32x400xf32>
    %dot_general3A_111 = arith.constant dense<0.000000e+00> : vector<1000x400xf32>
    %dot_general3A_112 = tpu.matmul %sqrt3A_102, %get3A_110, %dot_general3A_111 {dimension_numbers = #tpu.dot_dimension_numbers<[1], [0], [0], [1], [0, 0, 1, 1], [], []>, transpose_lhs_hint = false} : vector<1000x32xf32>, vector<32x400xf32>, vector<1000x400xf32> -> vector<1000x400xf32>
    %add3A_113 = arith.addf %dot_general3A_107, %dot_general3A_112 : vector<1000x400xf32>
    %get3A_114 = arith.constant 0 : index
    %get3A_115 = arith.constant 0 : index
    %get3A_116 = vector.load %arg9[%get3A_114, %get3A_115] : memref<1x400xf32, #tpu.memory_space<vmem>>, vector<1x400xf32>
    %add3A_117 = vector.broadcast %get3A_116 : vector<1x400xf32> to vector<1000x400xf32>
    %add3A_118 = arith.addf %add3A_113, %add3A_117 : vector<1000x400xf32>
    %get3A_119 = arith.constant 0 : index
    %get3A_120 = arith.constant 0 : index
    %get3A_121 = vector.load %arg11[%get3A_119, %get3A_120] : memref<400x32xf32, #tpu.memory_space<vmem>>, vector<400x32xf32>
    %dot_general3A_122 = arith.constant dense<0.000000e+00> : vector<1000x32xf32>
    %dot_general3A_123 = tpu.matmul %add3A_118, %get3A_121, %dot_general3A_122 {dimension_numbers = #tpu.dot_dimension_numbers<[1], [0], [0], [1], [0, 0, 1, 1], [], []>, transpose_lhs_hint = false} : vector<1000x400xf32>, vector<400x32xf32>, vector<1000x32xf32> -> vector<1000x32xf32>
    %get3A_124 = arith.constant 0 : index
    %get3A_125 = arith.constant 0 : index
    %get3A_126 = vector.load %arg12[%get3A_124, %get3A_125] : memref<1x32xf32, #tpu.memory_space<vmem>>, vector<1x32xf32>
    %add3A_127 = vector.broadcast %get3A_126 : vector<1x32xf32> to vector<1000x32xf32>
    %add3A_128 = arith.addf %dot_general3A_123, %add3A_127 : vector<1000x32xf32>
    %logistic3A = arith.negf %add3A_128 : vector<1000x32xf32>
    %logistic3A_129 = math.exp %logistic3A : vector<1000x32xf32>
    %logistic3A_130 = arith.constant 1.000000e+00 : f32
    %logistic3A_131 = vector.broadcast %logistic3A_130 : f32 to vector<1000x32xf32>
    %logistic3A_132 = arith.addf %logistic3A_131, %logistic3A_129 : vector<1000x32xf32>
    %logistic3A_133 = arith.divf %logistic3A_131, %logistic3A_132 : vector<1000x32xf32>
    %get3A_134 = arith.constant 0 : index
    %get3A_135 = arith.constant 0 : index
    %get3A_136 = vector.load %arg10[%get3A_134, %get3A_135] : memref<32x32xf32, #tpu.memory_space<vmem>>, vector<32x32xf32>
    %dot_general3A_137 = arith.constant dense<0.000000e+00> : vector<1000x32xf32>
    %dot_general3A_138 = tpu.matmul %dot_general3A_89, %get3A_136, %dot_general3A_137 {dimension_numbers = #tpu.dot_dimension_numbers<[1], [0], [0], [1], [0, 0, 1, 1], [], []>, transpose_lhs_hint = false} : vector<1000x32xf32>, vector<32x32xf32>, vector<1000x32xf32> -> vector<1000x32xf32>
    %mul3A_139 = arith.mulf %dot_general3A_138, %logistic3A_133 : vector<1000x32xf32>
    %dot_general3A_140 = arith.constant dense<0.000000e+00> : vector<1000x32xf32>
    %dot_general3A_141 = tpu.matmul %dot_general3A_91, %get3A_136, %dot_general3A_140 {dimension_numbers = #tpu.dot_dimension_numbers<[1], [0], [0], [1], [0, 0, 1, 1], [], []>, transpose_lhs_hint = false} : vector<1000x32xf32>, vector<32x32xf32>, vector<1000x32xf32> -> vector<1000x32xf32>
    %mul3A_142 = arith.mulf %dot_general3A_141, %logistic3A_133 : vector<1000x32xf32>
    %dot_general3A_143 = arith.constant dense<0.000000e+00> : vector<1000x32xf32>
    %dot_general3A_144 = tpu.matmul %dot_general3A_93, %get3A_136, %dot_general3A_143 {dimension_numbers = #tpu.dot_dimension_numbers<[1], [0], [0], [1], [0, 0, 1, 1], [], []>, transpose_lhs_hint = false} : vector<1000x32xf32>, vector<32x32xf32>, vector<1000x32xf32> -> vector<1000x32xf32>
    %mul3A_145 = arith.mulf %dot_general3A_144, %logistic3A_133 : vector<1000x32xf32>
    %max3A_146 = arith.constant 0.000000e+00 : f32
    %max3A_147 = vector.broadcast %max3A_146 : f32 to vector<1000x400xf32>
    %max3A_148 = arith.maximumf %add3A_118, %max3A_147 : vector<1000x400xf32>
    %get3A_149 = arith.constant 0 : index
    %get3A_150 = arith.constant 0 : index
    %get3A_151 = vector.load %arg13[%get3A_149, %get3A_150] : memref<32x32xf32, #tpu.memory_space<vmem>>, vector<32x32xf32>
    %dot_general3A_152 = arith.constant dense<0.000000e+00> : vector<1000x32xf32>
    %dot_general3A_153 = tpu.matmul %mul3A_139, %get3A_151, %dot_general3A_152 {dimension_numbers = #tpu.dot_dimension_numbers<[1], [0], [0], [1], [0, 0, 1, 1], [], []>, transpose_lhs_hint = false} : vector<1000x32xf32>, vector<32x32xf32>, vector<1000x32xf32> -> vector<1000x32xf32>
    %dot_general3A_154 = arith.constant dense<0.000000e+00> : vector<1000x32xf32>
    %dot_general3A_155 = tpu.matmul %mul3A_142, %get3A_151, %dot_general3A_154 {dimension_numbers = #tpu.dot_dimension_numbers<[1], [0], [0], [1], [0, 0, 1, 1], [], []>, transpose_lhs_hint = false} : vector<1000x32xf32>, vector<32x32xf32>, vector<1000x32xf32> -> vector<1000x32xf32>
    %dot_general3A_156 = arith.constant dense<0.000000e+00> : vector<1000x32xf32>
    %dot_general3A_157 = tpu.matmul %mul3A_145, %get3A_151, %dot_general3A_156 {dimension_numbers = #tpu.dot_dimension_numbers<[1], [0], [0], [1], [0, 0, 1, 1], [], []>, transpose_lhs_hint = false} : vector<1000x32xf32>, vector<32x32xf32>, vector<1000x32xf32> -> vector<1000x32xf32>
    %mul3A_158 = arith.mulf %dot_general3A_153, %dot_general3A_153 : vector<1000x32xf32>
    %mul3A_159 = arith.mulf %dot_general3A_155, %dot_general3A_155 : vector<1000x32xf32>
    %add3A_160 = arith.addf %mul3A_158, %mul3A_159 : vector<1000x32xf32>
    %mul3A_161 = arith.mulf %dot_general3A_157, %dot_general3A_157 : vector<1000x32xf32>
    %add3A_162 = arith.addf %add3A_160, %mul3A_161 : vector<1000x32xf32>
    %jit3A_163 = arith.constant 9.99999993E-9 : f32
    %max3A_164 = vector.broadcast %jit3A_163 : f32 to vector<1000x32xf32>
    %max3A_165 = arith.maximumf %max3A_164, %add3A_162 : vector<1000x32xf32>
    %sqrt3A_166 = math.sqrt %max3A_165 : vector<1000x32xf32>
    %get3A_167 = arith.constant 0 : index
    %get3A_168 = arith.constant 0 : index
    %get3A_169 = vector.load %arg14[%get3A_167, %get3A_168] : memref<400x100xf32, #tpu.memory_space<vmem>>, vector<400x100xf32>
    %dot_general3A_170 = arith.constant dense<0.000000e+00> : vector<1000x100xf32>
    %dot_general3A_171 = tpu.matmul %max3A_148, %get3A_169, %dot_general3A_170 {dimension_numbers = #tpu.dot_dimension_numbers<[1], [0], [0], [1], [0, 0, 1, 1], [], []>, transpose_lhs_hint = false} : vector<1000x400xf32>, vector<400x100xf32>, vector<1000x100xf32> -> vector<1000x100xf32>
    %get3A_172 = arith.constant 0 : index
    %get3A_173 = arith.constant 0 : index
    %get3A_174 = vector.load %arg15[%get3A_172, %get3A_173] : memref<32x100xf32, #tpu.memory_space<vmem>>, vector<32x100xf32>
    %dot_general3A_175 = arith.constant dense<0.000000e+00> : vector<1000x100xf32>
    %dot_general3A_176 = tpu.matmul %sqrt3A_166, %get3A_174, %dot_general3A_175 {dimension_numbers = #tpu.dot_dimension_numbers<[1], [0], [0], [1], [0, 0, 1, 1], [], []>, transpose_lhs_hint = false} : vector<1000x32xf32>, vector<32x100xf32>, vector<1000x100xf32> -> vector<1000x100xf32>
    %add3A_177 = arith.addf %dot_general3A_171, %dot_general3A_176 : vector<1000x100xf32>
    %get3A_178 = arith.constant 0 : index
    %get3A_179 = arith.constant 0 : index
    %get3A_180 = vector.load %arg16[%get3A_178, %get3A_179] : memref<1x100xf32, #tpu.memory_space<vmem>>, vector<1x100xf32>
    %add3A_181 = vector.broadcast %get3A_180 : vector<1x100xf32> to vector<1000x100xf32>
    %add3A_182 = arith.addf %add3A_177, %add3A_181 : vector<1000x100xf32>
    %get3A_183 = arith.constant 0 : index
    %get3A_184 = arith.constant 0 : index
    %get3A_185 = vector.load %arg18[%get3A_183, %get3A_184] : memref<100x16xf32, #tpu.memory_space<vmem>>, vector<100x16xf32>
    %dot_general3A_186 = arith.constant dense<0.000000e+00> : vector<1000x16xf32>
    %dot_general3A_187 = tpu.matmul %add3A_182, %get3A_185, %dot_general3A_186 {dimension_numbers = #tpu.dot_dimension_numbers<[1], [0], [0], [1], [0, 0, 1, 1], [], []>, transpose_lhs_hint = false} : vector<1000x100xf32>, vector<100x16xf32>, vector<1000x16xf32> -> vector<1000x16xf32>
    %get3A_188 = arith.constant 0 : index
    %get3A_189 = arith.constant 0 : index
    %get3A_190 = vector.load %arg19[%get3A_188, %get3A_189] : memref<1x16xf32, #tpu.memory_space<vmem>>, vector<1x16xf32>
    %add3A_191 = vector.broadcast %get3A_190 : vector<1x16xf32> to vector<1000x16xf32>
    %add3A_192 = arith.addf %dot_general3A_187, %add3A_191 : vector<1000x16xf32>
    %logistic3A_193 = arith.negf %add3A_192 : vector<1000x16xf32>
    %logistic3A_194 = math.exp %logistic3A_193 : vector<1000x16xf32>
    %logistic3A_195 = arith.constant 1.000000e+00 : f32
    %logistic3A_196 = vector.broadcast %logistic3A_195 : f32 to vector<1000x16xf32>
    %logistic3A_197 = arith.addf %logistic3A_196, %logistic3A_194 : vector<1000x16xf32>
    %logistic3A_198 = arith.divf %logistic3A_196, %logistic3A_197 : vector<1000x16xf32>
    %get3A_199 = arith.constant 0 : index
    %get3A_200 = arith.constant 0 : index
    %get3A_201 = vector.load %arg17[%get3A_199, %get3A_200] : memref<32x16xf32, #tpu.memory_space<vmem>>, vector<32x16xf32>
    %dot_general3A_202 = arith.constant dense<0.000000e+00> : vector<1000x16xf32>
    %dot_general3A_203 = tpu.matmul %dot_general3A_153, %get3A_201, %dot_general3A_202 {dimension_numbers = #tpu.dot_dimension_numbers<[1], [0], [0], [1], [0, 0, 1, 1], [], []>, transpose_lhs_hint = false} : vector<1000x32xf32>, vector<32x16xf32>, vector<1000x16xf32> -> vector<1000x16xf32>
    %mul3A_204 = arith.mulf %dot_general3A_203, %logistic3A_198 : vector<1000x16xf32>
    %dot_general3A_205 = arith.constant dense<0.000000e+00> : vector<1000x16xf32>
    %dot_general3A_206 = tpu.matmul %dot_general3A_155, %get3A_201, %dot_general3A_205 {dimension_numbers = #tpu.dot_dimension_numbers<[1], [0], [0], [1], [0, 0, 1, 1], [], []>, transpose_lhs_hint = false} : vector<1000x32xf32>, vector<32x16xf32>, vector<1000x16xf32> -> vector<1000x16xf32>
    %mul3A_207 = arith.mulf %dot_general3A_206, %logistic3A_198 : vector<1000x16xf32>
    %dot_general3A_208 = arith.constant dense<0.000000e+00> : vector<1000x16xf32>
    %dot_general3A_209 = tpu.matmul %dot_general3A_157, %get3A_201, %dot_general3A_208 {dimension_numbers = #tpu.dot_dimension_numbers<[1], [0], [0], [1], [0, 0, 1, 1], [], []>, transpose_lhs_hint = false} : vector<1000x32xf32>, vector<32x16xf32>, vector<1000x16xf32> -> vector<1000x16xf32>
    %mul3A_210 = arith.mulf %dot_general3A_209, %logistic3A_198 : vector<1000x16xf32>
    %add3A_211 = arith.addf %add3A_64, %add3A_182 : vector<1000x100xf32>
    %get3A_212 = arith.constant 0 : index
    %get3A_213 = arith.constant 0 : index
    %get3A_214 = vector.load %arg20[%get3A_212, %get3A_213] : memref<1x100xf32, #tpu.memory_space<vmem>>, vector<1x100xf32>
    %get3A_215 = arith.constant 0 : index
    %get3A_216 = arith.constant 0 : index
    %get3A_217 = vector.load %arg21[%get3A_215, %get3A_216] : memref<1x100xf32, #tpu.memory_space<vmem>>, vector<1x100xf32>
    %reduce_sum3A_218 = arith.constant dense<0.000000e+00> : vector<1000xf32>
    %reduce_sum3A_219 = vector.multi_reduction <add>, %add3A_211, %reduce_sum3A_218 [1] : vector<1000x100xf32> to vector<1000xf32>
    %broadcast_in_dim3A_220 = vector.shape_cast %reduce_sum3A_219 : vector<1000xf32> to vector<1000x1xf32>
    %div3A_221 = arith.constant 1.000000e+02 : f32
    %div3A_222 = vector.broadcast %div3A_221 : f32 to vector<1000x1xf32>
    %div3A_223 = arith.divf %broadcast_in_dim3A_220, %div3A_222 : vector<1000x1xf32>
    %sub3A_224 = vector.broadcast %div3A_223 : vector<1000x1xf32> to vector<1000x100xf32>
    %sub3A_225 = arith.subf %add3A_211, %sub3A_224 : vector<1000x100xf32>
    %square3A_226 = arith.mulf %sub3A_225, %sub3A_225 : vector<1000x100xf32>
    %reduce_sum3A_227 = arith.constant dense<0.000000e+00> : vector<1000xf32>
    %reduce_sum3A_228 = vector.multi_reduction <add>, %square3A_226, %reduce_sum3A_227 [1] : vector<1000x100xf32> to vector<1000xf32>
    %broadcast_in_dim3A_229 = vector.shape_cast %reduce_sum3A_228 : vector<1000xf32> to vector<1000x1xf32>
    %div3A_230 = arith.constant 1.000000e+02 : f32
    %div3A_231 = vector.broadcast %div3A_230 : f32 to vector<1000x1xf32>
    %div3A_232 = arith.divf %broadcast_in_dim3A_229, %div3A_231 : vector<1000x1xf32>
    %sub3A_233 = vector.broadcast %div3A_223 : vector<1000x1xf32> to vector<1000x100xf32>
    %sub3A_234 = arith.subf %add3A_211, %sub3A_233 : vector<1000x100xf32>
    %add3A_235 = arith.constant 9.99999974E-6 : f32
    %add3A_236 = vector.broadcast %add3A_235 : f32 to vector<1000x1xf32>
    %add3A_237 = arith.addf %div3A_232, %add3A_236 : vector<1000x1xf32>
    %sqrt3A_238 = math.sqrt %add3A_237 : vector<1000x1xf32>
    %div3A_239 = vector.broadcast %sqrt3A_238 : vector<1000x1xf32> to vector<1000x100xf32>
    %div3A_240 = arith.divf %sub3A_234, %div3A_239 : vector<1000x100xf32>
    %mul3A_241 = vector.broadcast %get3A_214 : vector<1x100xf32> to vector<1000x100xf32>
    %mul3A_242 = arith.mulf %div3A_240, %mul3A_241 : vector<1000x100xf32>
    %add3A_243 = vector.broadcast %get3A_217 : vector<1x100xf32> to vector<1000x100xf32>
    %add3A_244 = arith.addf %mul3A_242, %add3A_243 : vector<1000x100xf32>
    %add3A_245 = arith.addf %div3A_81, %mul3A_204 : vector<1000x16xf32>
    %add3A_246 = arith.addf %div3A_83, %mul3A_207 : vector<1000x16xf32>
    %add3A_247 = arith.addf %div3A_85, %mul3A_210 : vector<1000x16xf32>
    %mul3A_248 = arith.mulf %add3A_245, %add3A_245 : vector<1000x16xf32>
    %mul3A_249 = arith.mulf %add3A_246, %add3A_246 : vector<1000x16xf32>
    %add3A_250 = arith.addf %mul3A_248, %mul3A_249 : vector<1000x16xf32>
    %mul3A_251 = arith.mulf %add3A_247, %add3A_247 : vector<1000x16xf32>
    %add3A_252 = arith.addf %add3A_250, %mul3A_251 : vector<1000x16xf32>
    %jit3A_253 = arith.constant 9.99999993E-9 : f32
    %max3A_254 = vector.broadcast %jit3A_253 : f32 to vector<1000x16xf32>
    %max3A_255 = arith.maximumf %max3A_254, %add3A_252 : vector<1000x16xf32>
    %reduce_sum3A_256 = arith.constant dense<0.000000e+00> : vector<1000xf32>
    %reduce_sum3A_257 = vector.multi_reduction <add>, %max3A_255, %reduce_sum3A_256 [1] : vector<1000x16xf32> to vector<1000xf32>
    %broadcast_in_dim3A_258 = vector.shape_cast %reduce_sum3A_257 : vector<1000xf32> to vector<1000x1xf32>
    %div3A_259 = arith.constant 1.600000e+01 : f32
    %div3A_260 = vector.broadcast %div3A_259 : f32 to vector<1000x1xf32>
    %div3A_261 = arith.divf %broadcast_in_dim3A_258, %div3A_260 : vector<1000x1xf32>
    %sqrt3A_262 = math.sqrt %div3A_261 : vector<1000x1xf32>
    %div3A_263 = vector.broadcast %sqrt3A_262 : vector<1000x1xf32> to vector<1000x16xf32>
    %div3A_264 = arith.divf %add3A_245, %div3A_263 : vector<1000x16xf32>
    %div3A_265 = vector.broadcast %sqrt3A_262 : vector<1000x1xf32> to vector<1000x16xf32>
    %div3A_266 = arith.divf %add3A_246, %div3A_265 : vector<1000x16xf32>
    %div3A_267 = vector.broadcast %sqrt3A_262 : vector<1000x1xf32> to vector<1000x16xf32>
    %div3A_268 = arith.divf %add3A_247, %div3A_267 : vector<1000x16xf32>
    %broadcast_in_dim3A_269 = arith.constant 0.000000e+00 : f32
    %broadcast_in_dim3A_270 = vector.broadcast %broadcast_in_dim3A_269 : f32 to vector<1000x12xf32>
    %concatenate3A = tpu.concatenate %add3A_244, %div3A_264, %div3A_266, %div3A_268, %broadcast_in_dim3A_270 in 1 : vector<1000x100xf32>, vector<1000x16xf32>, vector<1000x16xf32>, vector<1000x16xf32>, vector<1000x12xf32> -> vector<1000x160xf32>
    %swap3A = arith.constant 0 : index
    %swap3A_271 = arith.constant 0 : index
    %swap3A_272 = vector.load %arg24[%swap3A, %swap3A_271] : memref<1000x160xf32, #tpu.memory_space<vmem>>, vector<1000x160xf32>
    tpu.vector_store %arg24[%swap3A, %swap3A_271], %concatenate3A {strides = array<i32>} : memref<1000x160xf32, #tpu.memory_space<vmem>>, vector<1000x160xf32>,
    %broadcast_in_dim3A_273 = arith.constant 0.000000e+00 : f32
    %broadcast_in_dim3A_274 = vector.broadcast %broadcast_in_dim3A_273 : f32 to vector<1000x8xf32>
    %get3A_275 = arith.constant 0 : index
    %get3A_276 = arith.constant 0 : index
    %get3A_277 = vector.load %arg22[%get3A_275, %get3A_276] : memref<100x100xf32, #tpu.memory_space<vmem>>, vector<100x100xf32>
    %dot_general3A_278 = arith.constant dense<0.000000e+00> : vector<1000x100xf32>
    %dot_general3A_279 = tpu.matmul %add3A_244, %get3A_277, %dot_general3A_278 {dimension_numbers = #tpu.dot_dimension_numbers<[1], [0], [0], [1], [0, 0, 1, 1], [], []>, transpose_lhs_hint = false} : vector<1000x100xf32>, vector<100x100xf32>, vector<1000x100xf32> -> vector<1000x100xf32>
    %get3A_280 = arith.constant 0 : index
    %get3A_281 = arith.constant 0 : index
    %get3A_282 = vector.load %arg23[%get3A_280, %get3A_281] : memref<100x100xf32, #tpu.memory_space<vmem>>, vector<100x100xf32>
    %dot_general3A_283 = arith.constant dense<0.000000e+00> : vector<1000x100xf32>
    %dot_general3A_284 = tpu.matmul %add3A_244, %get3A_282, %dot_general3A_283 {dimension_numbers = #tpu.dot_dimension_numbers<[1], [0], [0], [1], [0, 0, 1, 1], [], []>, transpose_lhs_hint = false} : vector<1000x100xf32>, vector<100x100xf32>, vector<1000x100xf32> -> vector<1000x100xf32>
    %concatenate3A_285 = tpu.concatenate %dot_general3A_279, %dot_general3A_284, %div3A_264, %div3A_266, %div3A_268, %broadcast_in_dim3A_274 in 1 : vector<1000x100xf32>, vector<1000x100xf32>, vector<1000x16xf32>, vector<1000x16xf32>, vector<1000x16xf32>, vector<1000x8xf32> -> vector<1000x256xf32>
    %bitcast_convert_type3A = tpu.bitcast %concatenate3A_285 : vector<1000x256xf32> -> vector<1000x256xi32>
    %add3A_286 = arith.constant 32768 : i32
    %add3A_287 = vector.broadcast %add3A_286 : i32 to vector<1000x256xi32>
    %add3A_288 = arith.addi %bitcast_convert_type3A, %add3A_287 : vector<1000x256xi32>
    %slice3A_289 = vector.extract_strided_slice %add3A_288 {offsets = [0, 0], sizes = [1000, 128], strides = [1, 1]} : vector<1000x256xi32> to vector<1000x128xi32>
    %shift_right_logical3A = arith.constant 16 : i32
    %shift_right_logical3A_290 = vector.broadcast %shift_right_logical3A : i32 to vector<1000x128xi32>
    %shift_right_logical3A_291 = arith.shrui %slice3A_289, %shift_right_logical3A_290 : vector<1000x128xi32>
    %slice3A_292 = vector.extract_strided_slice %add3A_288 {offsets = [0, 128], sizes = [1000, 128], strides = [1, 1]} : vector<1000x256xi32> to vector<1000x128xi32>
    %and3A = arith.constant -65536 : i32
    %and3A_293 = vector.broadcast %and3A : i32 to vector<1000x128xi32>
    %and3A_294 = arith.andi %slice3A_292, %and3A_293 : vector<1000x128xi32>
    %or3A = arith.ori %shift_right_logical3A_291, %and3A_294 : vector<1000x128xi32>
    %swap3A_295 = arith.constant 0 : index
    %swap3A_296 = arith.constant 0 : index
    %swap3A_297 = vector.load %arg25[%swap3A_295, %swap3A_296] : memref<1000x128xi32, #tpu.memory_space<vmem>>, vector<1000x128xi32>
    tpu.vector_store %arg25[%swap3A_295, %swap3A_296], %or3A {strides = array<i32>} : memref<1000x128xi32, #tpu.memory_space<vmem>>, vector<1000x128xi32>,
    return
  }
  func.func @transform_0(%arg0: i32) -> (i32, i32, i32) {
    %c0_i32 = arith.constant 0 : i32
    %c0_i32_0 = arith.constant 0 : i32
    %c0_i32_1 = arith.constant 0 : i32
    return %c0_i32, %arg0, %c0_i32_0 : i32, i32, i32
  }
  func.func @transform_1(%arg0: i32) -> (i32, i32, i32) {
    %c0_i32 = arith.constant 0 : i32
    %c0_i32_0 = arith.constant 0 : i32
    %c0_i32_1 = arith.constant 0 : i32
    return %c0_i32, %arg0, %c0_i32_0 : i32, i32, i32
  }
  func.func @transform_2(%arg0: i32) -> (i32, i32) {
    %c0_i32 = arith.constant 0 : i32
    %c0_i32_0 = arith.constant 0 : i32
    return %arg0, %c0_i32 : i32, i32
  }
  func.func @transform_3(%arg0: i32) -> (i32, i32) {
    %c0_i32 = arith.constant 0 : i32
    %c0_i32_0 = arith.constant 0 : i32
    %c0_i32_1 = arith.constant 0 : i32
    return %c0_i32, %c0_i32_0 : i32, i32
  }
  func.func @transform_4(%arg0: i32) -> (i32, i32) {
    %c0_i32 = arith.constant 0 : i32
    %c0_i32_0 = arith.constant 0 : i32
    %c0_i32_1 = arith.constant 0 : i32
    return %c0_i32, %c0_i32_0 : i32, i32
  }
  func.func @transform_5(%arg0: i32) -> (i32, i32) {
    %c0_i32 = arith.constant 0 : i32
    %c0_i32_0 = arith.constant 0 : i32
    %c0_i32_1 = arith.constant 0 : i32
    return %c0_i32, %c0_i32_0 : i32, i32
  }
  func.func @transform_6(%arg0: i32) -> (i32, i32) {
    %c0_i32 = arith.constant 0 : i32
    %c0_i32_0 = arith.constant 0 : i32
    %c0_i32_1 = arith.constant 0 : i32
    return %c0_i32, %c0_i32_0 : i32, i32
  }
  func.func @transform_7(%arg0: i32) -> (i32, i32) {
    %c0_i32 = arith.constant 0 : i32
    %c0_i32_0 = arith.constant 0 : i32
    %c0_i32_1 = arith.constant 0 : i32
    return %c0_i32, %c0_i32_0 : i32, i32
  }
  func.func @transform_8(%arg0: i32) -> (i32, i32) {
    %c0_i32 = arith.constant 0 : i32
    %c0_i32_0 = arith.constant 0 : i32
    %c0_i32_1 = arith.constant 0 : i32
    return %c0_i32, %c0_i32_0 : i32, i32
  }
  func.func @transform_9(%arg0: i32) -> (i32, i32) {
    %c0_i32 = arith.constant 0 : i32
    %c0_i32_0 = arith.constant 0 : i32
    %c0_i32_1 = arith.constant 0 : i32
    return %c0_i32, %c0_i32_0 : i32, i32
  }
  func.func @transform_10(%arg0: i32) -> (i32, i32) {
    %c0_i32 = arith.constant 0 : i32
    %c0_i32_0 = arith.constant 0 : i32
    %c0_i32_1 = arith.constant 0 : i32
    return %c0_i32, %c0_i32_0 : i32, i32
  }
  func.func @transform_11(%arg0: i32) -> (i32, i32) {
    %c0_i32 = arith.constant 0 : i32
    %c0_i32_0 = arith.constant 0 : i32
    %c0_i32_1 = arith.constant 0 : i32
    return %c0_i32, %c0_i32_0 : i32, i32
  }
  func.func @transform_12(%arg0: i32) -> (i32, i32) {
    %c0_i32 = arith.constant 0 : i32
    %c0_i32_0 = arith.constant 0 : i32
    %c0_i32_1 = arith.constant 0 : i32
    return %c0_i32, %c0_i32_0 : i32, i32
  }
  func.func @transform_13(%arg0: i32) -> (i32, i32) {
    %c0_i32 = arith.constant 0 : i32
    %c0_i32_0 = arith.constant 0 : i32
    %c0_i32_1 = arith.constant 0 : i32
    return %c0_i32, %c0_i32_0 : i32, i32
  }
  func.func @transform_14(%arg0: i32) -> (i32, i32) {
    %c0_i32 = arith.constant 0 : i32
    %c0_i32_0 = arith.constant 0 : i32
    %c0_i32_1 = arith.constant 0 : i32
    return %c0_i32, %c0_i32_0 : i32, i32
  }
  func.func @transform_15(%arg0: i32) -> (i32, i32) {
    %c0_i32 = arith.constant 0 : i32
    %c0_i32_0 = arith.constant 0 : i32
    %c0_i32_1 = arith.constant 0 : i32
    return %c0_i32, %c0_i32_0 : i32, i32
  }
  func.func @transform_16(%arg0: i32) -> (i32, i32) {
    %c0_i32 = arith.constant 0 : i32
    %c0_i32_0 = arith.constant 0 : i32
    %c0_i32_1 = arith.constant 0 : i32
    return %c0_i32, %c0_i32_0 : i32, i32
  }
  func.func @transform_17(%arg0: i32) -> (i32, i32) {
    %c0_i32 = arith.constant 0 : i32
    %c0_i32_0 = arith.constant 0 : i32
    %c0_i32_1 = arith.constant 0 : i32
    return %c0_i32, %c0_i32_0 : i32, i32
  }
  func.func @transform_18(%arg0: i32) -> (i32, i32) {
    %c0_i32 = arith.constant 0 : i32
    %c0_i32_0 = arith.constant 0 : i32
    %c0_i32_1 = arith.constant 0 : i32
    return %c0_i32, %c0_i32_0 : i32, i32
  }
  func.func @transform_19(%arg0: i32) -> (i32, i32) {
    %c0_i32 = arith.constant 0 : i32
    %c0_i32_0 = arith.constant 0 : i32
    %c0_i32_1 = arith.constant 0 : i32
    return %c0_i32, %c0_i32_0 : i32, i32
  }
  func.func @transform_20(%arg0: i32) -> (i32, i32) {
    %c0_i32 = arith.constant 0 : i32
    %c0_i32_0 = arith.constant 0 : i32
    %c0_i32_1 = arith.constant 0 : i32
    return %c0_i32, %c0_i32_0 : i32, i32
  }
  func.func @transform_21(%arg0: i32) -> (i32, i32) {
    %c0_i32 = arith.constant 0 : i32
    %c0_i32_0 = arith.constant 0 : i32
    %c0_i32_1 = arith.constant 0 : i32
    return %c0_i32, %c0_i32_0 : i32, i32
  }
  func.func @transform_22(%arg0: i32) -> (i32, i32) {
    %c0_i32 = arith.constant 0 : i32
    %c0_i32_0 = arith.constant 0 : i32
    %c0_i32_1 = arith.constant 0 : i32
    return %c0_i32, %c0_i32_0 : i32, i32
  }
  func.func @transform_23(%arg0: i32) -> (i32, i32) {
    %c0_i32 = arith.constant 0 : i32
    %c0_i32_0 = arith.constant 0 : i32
    return %arg0, %c0_i32 : i32, i32
  }
  func.func @transform_24(%arg0: i32) -> (i32, i32) {
    %c0_i32 = arith.constant 0 : i32
    %c0_i32_0 = arith.constant 0 : i32
    return %arg0, %c0_i32 : i32, i32
  }
}

module attributes {stable_mosaic.version = 14 : i64} {
  func.func @_node_final_body(%arg0: i32, %arg1: memref<2x1000x128xf32, #tpu.memory_space<vmem>>, %arg2: memref<2x1000x128xf32, #tpu.memory_space<vmem>>, %arg3: memref<1000x160xf32, #tpu.memory_space<vmem>>, %arg4: memref<1x100xf32, #tpu.memory_space<vmem>>, %arg5: memref<1x100xf32, #tpu.memory_space<vmem>>, %arg6: memref<16x32xf32, #tpu.memory_space<vmem>>, %arg7: memref<100x400xf32, #tpu.memory_space<vmem>>, %arg8: memref<32x400xf32, #tpu.memory_space<vmem>>, %arg9: memref<1x400xf32, #tpu.memory_space<vmem>>, %arg10: memref<32x32xf32, #tpu.memory_space<vmem>>, %arg11: memref<400x32xf32, #tpu.memory_space<vmem>>, %arg12: memref<1x32xf32, #tpu.memory_space<vmem>>, %arg13: memref<32x32xf32, #tpu.memory_space<vmem>>, %arg14: memref<400x100xf32, #tpu.memory_space<vmem>>, %arg15: memref<32x100xf32, #tpu.memory_space<vmem>>, %arg16: memref<1x100xf32, #tpu.memory_space<vmem>>, %arg17: memref<32x16xf32, #tpu.memory_space<vmem>>, %arg18: memref<100x16xf32, #tpu.memory_space<vmem>>, %arg19: memref<1x16xf32, #tpu.memory_space<vmem>>, %arg20: memref<1x100xf32, #tpu.memory_space<vmem>>, %arg21: memref<1x100xf32, #tpu.memory_space<vmem>>, %arg22: memref<1x100xf32, #tpu.memory_space<vmem>>, %arg23: memref<1x100xf32, #tpu.memory_space<vmem>>, %arg24: memref<16x16xf32, #tpu.memory_space<vmem>>, %arg25: memref<100x100xf32, #tpu.memory_space<vmem>>, %arg26: memref<16x100xf32, #tpu.memory_space<vmem>>, %arg27: memref<1x100xf32, #tpu.memory_space<vmem>>, %arg28: memref<100x100xf32, #tpu.memory_space<vmem>>, %arg29: memref<1x100xf32, #tpu.memory_space<vmem>>, %arg30: memref<1000x100xf32, #tpu.memory_space<vmem>>) attributes {dimension_semantics = [#tpu.dimension_semantics<arbitrary>], iteration_bounds = array<i64: 10>, scalar_prefetch = 0 : i64, scratch_operands = 0 : i64, tpu.core_type = #tpu.core_type<tc>, window_params = [{transform_indices = @transform_0, window_bounds = array<i64: 2, 1000, 128>}, {transform_indices = @transform_1, window_bounds = array<i64: 2, 1000, 128>}, {transform_indices = @transform_2, window_bounds = array<i64: 1000, 160>}, {pipeline_mode = #tpu.pipeline_mode<synchronous>, transform_indices = @transform_3, window_bounds = array<i64: 1, 100>}, {pipeline_mode = #tpu.pipeline_mode<synchronous>, transform_indices = @transform_4, window_bounds = array<i64: 1, 100>}, {pipeline_mode = #tpu.pipeline_mode<synchronous>, transform_indices = @transform_5, window_bounds = array<i64: 16, 32>}, {pipeline_mode = #tpu.pipeline_mode<synchronous>, transform_indices = @transform_6, window_bounds = array<i64: 100, 400>}, {pipeline_mode = #tpu.pipeline_mode<synchronous>, transform_indices = @transform_7, window_bounds = array<i64: 32, 400>}, {pipeline_mode = #tpu.pipeline_mode<synchronous>, transform_indices = @transform_8, window_bounds = array<i64: 1, 400>}, {pipeline_mode = #tpu.pipeline_mode<synchronous>, transform_indices = @transform_9, window_bounds = array<i64: 32, 32>}, {pipeline_mode = #tpu.pipeline_mode<synchronous>, transform_indices = @transform_10, window_bounds = array<i64: 400, 32>}, {pipeline_mode = #tpu.pipeline_mode<synchronous>, transform_indices = @transform_11, window_bounds = array<i64: 1, 32>}, {pipeline_mode = #tpu.pipeline_mode<synchronous>, transform_indices = @transform_12, window_bounds = array<i64: 32, 32>}, {pipeline_mode = #tpu.pipeline_mode<synchronous>, transform_indices = @transform_13, window_bounds = array<i64: 400, 100>}, {pipeline_mode = #tpu.pipeline_mode<synchronous>, transform_indices = @transform_14, window_bounds = array<i64: 32, 100>}, {pipeline_mode = #tpu.pipeline_mode<synchronous>, transform_indices = @transform_15, window_bounds = array<i64: 1, 100>}, {pipeline_mode = #tpu.pipeline_mode<synchronous>, transform_indices = @transform_16, window_bounds = array<i64: 32, 16>}, {pipeline_mode = #tpu.pipeline_mode<synchronous>, transform_indices = @transform_17, window_bounds = array<i64: 100, 16>}, {pipeline_mode = #tpu.pipeline_mode<synchronous>, transform_indices = @transform_18, window_bounds = array<i64: 1, 16>}, {pipeline_mode = #tpu.pipeline_mode<synchronous>, transform_indices = @transform_19, window_bounds = array<i64: 1, 100>}, {pipeline_mode = #tpu.pipeline_mode<synchronous>, transform_indices = @transform_20, window_bounds = array<i64: 1, 100>}, {pipeline_mode = #tpu.pipeline_mode<synchronous>, transform_indices = @transform_21, window_bounds = array<i64: 1, 100>}, {pipeline_mode = #tpu.pipeline_mode<synchronous>, transform_indices = @transform_22, window_bounds = array<i64: 1, 100>}, {pipeline_mode = #tpu.pipeline_mode<synchronous>, transform_indices = @transform_23, window_bounds = array<i64: 16, 16>}, {pipeline_mode = #tpu.pipeline_mode<synchronous>, transform_indices = @transform_24, window_bounds = array<i64: 100, 100>}, {pipeline_mode = #tpu.pipeline_mode<synchronous>, transform_indices = @transform_25, window_bounds = array<i64: 16, 100>}, {pipeline_mode = #tpu.pipeline_mode<synchronous>, transform_indices = @transform_26, window_bounds = array<i64: 1, 100>}, {pipeline_mode = #tpu.pipeline_mode<synchronous>, transform_indices = @transform_27, window_bounds = array<i64: 100, 100>}, {pipeline_mode = #tpu.pipeline_mode<synchronous>, transform_indices = @transform_28, window_bounds = array<i64: 1, 100>}, {transform_indices = @transform_29, window_bounds = array<i64: 1000, 100>}]} {
    %get3A = arith.constant 0 : index
    %get3A_0 = arith.constant 0 : index
    %get3A_1 = arith.constant 0 : index
    %get3A_2 = vector.load %arg1[%get3A, %get3A_0, %get3A_1] : memref<2x1000x128xf32, #tpu.memory_space<vmem>>, vector<2x1000x128xf32>
    %get3A_3 = arith.constant 0 : index
    %get3A_4 = arith.constant 0 : index
    %get3A_5 = arith.constant 0 : index
    %get3A_6 = vector.load %arg2[%get3A_3, %get3A_4, %get3A_5] : memref<2x1000x128xf32, #tpu.memory_space<vmem>>, vector<2x1000x128xf32>
    %get3A_7 = arith.constant 0 : index
    %get3A_8 = arith.constant 0 : index
    %get3A_9 = vector.load %arg3[%get3A_7, %get3A_8] : memref<1000x160xf32, #tpu.memory_space<vmem>>, vector<1000x160xf32>
    %slice3A = vector.extract_strided_slice %get3A_2 {offsets = [0, 0, 0], sizes = [1, 1000, 128], strides = [1, 1, 1]} : vector<2x1000x128xf32> to vector<1x1000x128xf32>
    %squeeze3A = vector.shape_cast %slice3A : vector<1x1000x128xf32> to vector<1000x128xf32>
    %slice3A_10 = vector.extract_strided_slice %get3A_2 {offsets = [1, 0, 0], sizes = [1, 1000, 128], strides = [1, 1, 1]} : vector<2x1000x128xf32> to vector<1x1000x128xf32>
    %squeeze3A_11 = vector.shape_cast %slice3A_10 : vector<1x1000x128xf32> to vector<1000x128xf32>
    %add3A = arith.addf %squeeze3A, %squeeze3A_11 : vector<1000x128xf32>
    %slice3A_12 = vector.extract_strided_slice %get3A_6 {offsets = [0, 0, 0], sizes = [1, 1000, 128], strides = [1, 1, 1]} : vector<2x1000x128xf32> to vector<1x1000x128xf32>
    %squeeze3A_13 = vector.shape_cast %slice3A_12 : vector<1x1000x128xf32> to vector<1000x128xf32>
    %slice3A_14 = vector.extract_strided_slice %get3A_6 {offsets = [1, 0, 0], sizes = [1, 1000, 128], strides = [1, 1, 1]} : vector<2x1000x128xf32> to vector<1x1000x128xf32>
    %squeeze3A_15 = vector.shape_cast %slice3A_14 : vector<1x1000x128xf32> to vector<1000x128xf32>
    %add3A_16 = arith.addf %squeeze3A_13, %squeeze3A_15 : vector<1000x128xf32>
    %slice3A_17 = vector.extract_strided_slice %add3A {offsets = [0, 100], sizes = [1000, 1], strides = [1, 1]} : vector<1000x128xf32> to vector<1000x1xf32>
    %jit3A = arith.constant 1.000000e+00 : f32
    %max3A = vector.broadcast %jit3A : f32 to vector<1000x1xf32>
    %max3A_18 = arith.maximumf %max3A, %slice3A_17 : vector<1000x1xf32>
    %slice3A_19 = vector.extract_strided_slice %get3A_9 {offsets = [0, 0], sizes = [1000, 100], strides = [1, 1]} : vector<1000x160xf32> to vector<1000x100xf32>
    %slice3A_20 = vector.extract_strided_slice %add3A {offsets = [0, 0], sizes = [1000, 100], strides = [1, 1]} : vector<1000x128xf32> to vector<1000x100xf32>
    %div3A = vector.broadcast %max3A_18 : vector<1000x1xf32> to vector<1000x100xf32>
    %div3A_21 = arith.divf %slice3A_20, %div3A : vector<1000x100xf32>
    %add3A_22 = arith.addf %slice3A_19, %div3A_21 : vector<1000x100xf32>
    %slice3A_23 = vector.extract_strided_slice %get3A_9 {offsets = [0, 100], sizes = [1000, 16], strides = [1, 1]} : vector<1000x160xf32> to vector<1000x16xf32>
    %slice3A_24 = vector.extract_strided_slice %add3A_16 {offsets = [0, 0], sizes = [1000, 16], strides = [1, 1]} : vector<1000x128xf32> to vector<1000x16xf32>
    %div3A_25 = vector.broadcast %max3A_18 : vector<1000x1xf32> to vector<1000x16xf32>
    %div3A_26 = arith.divf %slice3A_24, %div3A_25 : vector<1000x16xf32>
    %add3A_27 = arith.addf %slice3A_23, %div3A_26 : vector<1000x16xf32>
    %slice3A_28 = vector.extract_strided_slice %get3A_9 {offsets = [0, 116], sizes = [1000, 16], strides = [1, 1]} : vector<1000x160xf32> to vector<1000x16xf32>
    %slice3A_29 = vector.extract_strided_slice %add3A_16 {offsets = [0, 16], sizes = [1000, 16], strides = [1, 1]} : vector<1000x128xf32> to vector<1000x16xf32>
    %div3A_30 = vector.broadcast %max3A_18 : vector<1000x1xf32> to vector<1000x16xf32>
    %div3A_31 = arith.divf %slice3A_29, %div3A_30 : vector<1000x16xf32>
    %add3A_32 = arith.addf %slice3A_28, %div3A_31 : vector<1000x16xf32>
    %slice3A_33 = vector.extract_strided_slice %get3A_9 {offsets = [0, 132], sizes = [1000, 16], strides = [1, 1]} : vector<1000x160xf32> to vector<1000x16xf32>
    %slice3A_34 = vector.extract_strided_slice %add3A_16 {offsets = [0, 32], sizes = [1000, 16], strides = [1, 1]} : vector<1000x128xf32> to vector<1000x16xf32>
    %div3A_35 = vector.broadcast %max3A_18 : vector<1000x1xf32> to vector<1000x16xf32>
    %div3A_36 = arith.divf %slice3A_34, %div3A_35 : vector<1000x16xf32>
    %add3A_37 = arith.addf %slice3A_33, %div3A_36 : vector<1000x16xf32>
    %get3A_38 = arith.constant 0 : index
    %get3A_39 = arith.constant 0 : index
    %get3A_40 = vector.load %arg4[%get3A_38, %get3A_39] : memref<1x100xf32, #tpu.memory_space<vmem>>, vector<1x100xf32>
    %get3A_41 = arith.constant 0 : index
    %get3A_42 = arith.constant 0 : index
    %get3A_43 = vector.load %arg5[%get3A_41, %get3A_42] : memref<1x100xf32, #tpu.memory_space<vmem>>, vector<1x100xf32>
    %reduce_sum3A = arith.constant dense<0.000000e+00> : vector<1000xf32>
    %reduce_sum3A_44 = vector.multi_reduction <add>, %add3A_22, %reduce_sum3A [1] : vector<1000x100xf32> to vector<1000xf32>
    %broadcast_in_dim3A = vector.shape_cast %reduce_sum3A_44 : vector<1000xf32> to vector<1000x1xf32>
    %div3A_45 = arith.constant 1.000000e+02 : f32
    %div3A_46 = vector.broadcast %div3A_45 : f32 to vector<1000x1xf32>
    %div3A_47 = arith.divf %broadcast_in_dim3A, %div3A_46 : vector<1000x1xf32>
    %sub3A = vector.broadcast %div3A_47 : vector<1000x1xf32> to vector<1000x100xf32>
    %sub3A_48 = arith.subf %add3A_22, %sub3A : vector<1000x100xf32>
    %square3A = arith.mulf %sub3A_48, %sub3A_48 : vector<1000x100xf32>
    %reduce_sum3A_49 = arith.constant dense<0.000000e+00> : vector<1000xf32>
    %reduce_sum3A_50 = vector.multi_reduction <add>, %square3A, %reduce_sum3A_49 [1] : vector<1000x100xf32> to vector<1000xf32>
    %broadcast_in_dim3A_51 = vector.shape_cast %reduce_sum3A_50 : vector<1000xf32> to vector<1000x1xf32>
    %div3A_52 = arith.constant 1.000000e+02 : f32
    %div3A_53 = vector.broadcast %div3A_52 : f32 to vector<1000x1xf32>
    %div3A_54 = arith.divf %broadcast_in_dim3A_51, %div3A_53 : vector<1000x1xf32>
    %sub3A_55 = vector.broadcast %div3A_47 : vector<1000x1xf32> to vector<1000x100xf32>
    %sub3A_56 = arith.subf %add3A_22, %sub3A_55 : vector<1000x100xf32>
    %add3A_57 = arith.constant 9.99999974E-6 : f32
    %add3A_58 = vector.broadcast %add3A_57 : f32 to vector<1000x1xf32>
    %add3A_59 = arith.addf %div3A_54, %add3A_58 : vector<1000x1xf32>
    %sqrt3A = math.sqrt %add3A_59 : vector<1000x1xf32>
    %div3A_60 = vector.broadcast %sqrt3A : vector<1000x1xf32> to vector<1000x100xf32>
    %div3A_61 = arith.divf %sub3A_56, %div3A_60 : vector<1000x100xf32>
    %mul3A = vector.broadcast %get3A_40 : vector<1x100xf32> to vector<1000x100xf32>
    %mul3A_62 = arith.mulf %div3A_61, %mul3A : vector<1000x100xf32>
    %add3A_63 = vector.broadcast %get3A_43 : vector<1x100xf32> to vector<1000x100xf32>
    %add3A_64 = arith.addf %mul3A_62, %add3A_63 : vector<1000x100xf32>
    %mul3A_65 = arith.mulf %add3A_27, %add3A_27 : vector<1000x16xf32>
    %mul3A_66 = arith.mulf %add3A_32, %add3A_32 : vector<1000x16xf32>
    %add3A_67 = arith.addf %mul3A_65, %mul3A_66 : vector<1000x16xf32>
    %mul3A_68 = arith.mulf %add3A_37, %add3A_37 : vector<1000x16xf32>
    %add3A_69 = arith.addf %add3A_67, %mul3A_68 : vector<1000x16xf32>
    %jit3A_70 = arith.constant 9.99999993E-9 : f32
    %max3A_71 = vector.broadcast %jit3A_70 : f32 to vector<1000x16xf32>
    %max3A_72 = arith.maximumf %max3A_71, %add3A_69 : vector<1000x16xf32>
    %reduce_sum3A_73 = arith.constant dense<0.000000e+00> : vector<1000xf32>
    %reduce_sum3A_74 = vector.multi_reduction <add>, %max3A_72, %reduce_sum3A_73 [1] : vector<1000x16xf32> to vector<1000xf32>
    %broadcast_in_dim3A_75 = vector.shape_cast %reduce_sum3A_74 : vector<1000xf32> to vector<1000x1xf32>
    %div3A_76 = arith.constant 1.600000e+01 : f32
    %div3A_77 = vector.broadcast %div3A_76 : f32 to vector<1000x1xf32>
    %div3A_78 = arith.divf %broadcast_in_dim3A_75, %div3A_77 : vector<1000x1xf32>
    %sqrt3A_79 = math.sqrt %div3A_78 : vector<1000x1xf32>
    %div3A_80 = vector.broadcast %sqrt3A_79 : vector<1000x1xf32> to vector<1000x16xf32>
    %div3A_81 = arith.divf %add3A_27, %div3A_80 : vector<1000x16xf32>
    %div3A_82 = vector.broadcast %sqrt3A_79 : vector<1000x1xf32> to vector<1000x16xf32>
    %div3A_83 = arith.divf %add3A_32, %div3A_82 : vector<1000x16xf32>
    %div3A_84 = vector.broadcast %sqrt3A_79 : vector<1000x1xf32> to vector<1000x16xf32>
    %div3A_85 = arith.divf %add3A_37, %div3A_84 : vector<1000x16xf32>
    %get3A_86 = arith.constant 0 : index
    %get3A_87 = arith.constant 0 : index
    %get3A_88 = vector.load %arg6[%get3A_86, %get3A_87] : memref<16x32xf32, #tpu.memory_space<vmem>>, vector<16x32xf32>
    %dot_general3A = arith.constant dense<0.000000e+00> : vector<1000x32xf32>
    %dot_general3A_89 = tpu.matmul %div3A_81, %get3A_88, %dot_general3A {dimension_numbers = #tpu.dot_dimension_numbers<[1], [0], [0], [1], [0, 0, 1, 1], [], []>, transpose_lhs_hint = false} : vector<1000x16xf32>, vector<16x32xf32>, vector<1000x32xf32> -> vector<1000x32xf32>
    %dot_general3A_90 = arith.constant dense<0.000000e+00> : vector<1000x32xf32>
    %dot_general3A_91 = tpu.matmul %div3A_83, %get3A_88, %dot_general3A_90 {dimension_numbers = #tpu.dot_dimension_numbers<[1], [0], [0], [1], [0, 0, 1, 1], [], []>, transpose_lhs_hint = false} : vector<1000x16xf32>, vector<16x32xf32>, vector<1000x32xf32> -> vector<1000x32xf32>
    %dot_general3A_92 = arith.constant dense<0.000000e+00> : vector<1000x32xf32>
    %dot_general3A_93 = tpu.matmul %div3A_85, %get3A_88, %dot_general3A_92 {dimension_numbers = #tpu.dot_dimension_numbers<[1], [0], [0], [1], [0, 0, 1, 1], [], []>, transpose_lhs_hint = false} : vector<1000x16xf32>, vector<16x32xf32>, vector<1000x32xf32> -> vector<1000x32xf32>
    %mul3A_94 = arith.mulf %dot_general3A_89, %dot_general3A_89 : vector<1000x32xf32>
    %mul3A_95 = arith.mulf %dot_general3A_91, %dot_general3A_91 : vector<1000x32xf32>
    %add3A_96 = arith.addf %mul3A_94, %mul3A_95 : vector<1000x32xf32>
    %mul3A_97 = arith.mulf %dot_general3A_93, %dot_general3A_93 : vector<1000x32xf32>
    %add3A_98 = arith.addf %add3A_96, %mul3A_97 : vector<1000x32xf32>
    %jit3A_99 = arith.constant 9.99999993E-9 : f32
    %max3A_100 = vector.broadcast %jit3A_99 : f32 to vector<1000x32xf32>
    %max3A_101 = arith.maximumf %max3A_100, %add3A_98 : vector<1000x32xf32>
    %sqrt3A_102 = math.sqrt %max3A_101 : vector<1000x32xf32>
    %get3A_103 = arith.constant 0 : index
    %get3A_104 = arith.constant 0 : index
    %get3A_105 = vector.load %arg7[%get3A_103, %get3A_104] : memref<100x400xf32, #tpu.memory_space<vmem>>, vector<100x400xf32>
    %dot_general3A_106 = arith.constant dense<0.000000e+00> : vector<1000x400xf32>
    %dot_general3A_107 = tpu.matmul %add3A_64, %get3A_105, %dot_general3A_106 {dimension_numbers = #tpu.dot_dimension_numbers<[1], [0], [0], [1], [0, 0, 1, 1], [], []>, transpose_lhs_hint = false} : vector<1000x100xf32>, vector<100x400xf32>, vector<1000x400xf32> -> vector<1000x400xf32>
    %get3A_108 = arith.constant 0 : index
    %get3A_109 = arith.constant 0 : index
    %get3A_110 = vector.load %arg8[%get3A_108, %get3A_109] : memref<32x400xf32, #tpu.memory_space<vmem>>, vector<32x400xf32>
    %dot_general3A_111 = arith.constant dense<0.000000e+00> : vector<1000x400xf32>
    %dot_general3A_112 = tpu.matmul %sqrt3A_102, %get3A_110, %dot_general3A_111 {dimension_numbers = #tpu.dot_dimension_numbers<[1], [0], [0], [1], [0, 0, 1, 1], [], []>, transpose_lhs_hint = false} : vector<1000x32xf32>, vector<32x400xf32>, vector<1000x400xf32> -> vector<1000x400xf32>
    %add3A_113 = arith.addf %dot_general3A_107, %dot_general3A_112 : vector<1000x400xf32>
    %get3A_114 = arith.constant 0 : index
    %get3A_115 = arith.constant 0 : index
    %get3A_116 = vector.load %arg9[%get3A_114, %get3A_115] : memref<1x400xf32, #tpu.memory_space<vmem>>, vector<1x400xf32>
    %add3A_117 = vector.broadcast %get3A_116 : vector<1x400xf32> to vector<1000x400xf32>
    %add3A_118 = arith.addf %add3A_113, %add3A_117 : vector<1000x400xf32>
    %get3A_119 = arith.constant 0 : index
    %get3A_120 = arith.constant 0 : index
    %get3A_121 = vector.load %arg11[%get3A_119, %get3A_120] : memref<400x32xf32, #tpu.memory_space<vmem>>, vector<400x32xf32>
    %dot_general3A_122 = arith.constant dense<0.000000e+00> : vector<1000x32xf32>
    %dot_general3A_123 = tpu.matmul %add3A_118, %get3A_121, %dot_general3A_122 {dimension_numbers = #tpu.dot_dimension_numbers<[1], [0], [0], [1], [0, 0, 1, 1], [], []>, transpose_lhs_hint = false} : vector<1000x400xf32>, vector<400x32xf32>, vector<1000x32xf32> -> vector<1000x32xf32>
    %get3A_124 = arith.constant 0 : index
    %get3A_125 = arith.constant 0 : index
    %get3A_126 = vector.load %arg12[%get3A_124, %get3A_125] : memref<1x32xf32, #tpu.memory_space<vmem>>, vector<1x32xf32>
    %add3A_127 = vector.broadcast %get3A_126 : vector<1x32xf32> to vector<1000x32xf32>
    %add3A_128 = arith.addf %dot_general3A_123, %add3A_127 : vector<1000x32xf32>
    %logistic3A = arith.negf %add3A_128 : vector<1000x32xf32>
    %logistic3A_129 = math.exp %logistic3A : vector<1000x32xf32>
    %logistic3A_130 = arith.constant 1.000000e+00 : f32
    %logistic3A_131 = vector.broadcast %logistic3A_130 : f32 to vector<1000x32xf32>
    %logistic3A_132 = arith.addf %logistic3A_131, %logistic3A_129 : vector<1000x32xf32>
    %logistic3A_133 = arith.divf %logistic3A_131, %logistic3A_132 : vector<1000x32xf32>
    %get3A_134 = arith.constant 0 : index
    %get3A_135 = arith.constant 0 : index
    %get3A_136 = vector.load %arg10[%get3A_134, %get3A_135] : memref<32x32xf32, #tpu.memory_space<vmem>>, vector<32x32xf32>
    %dot_general3A_137 = arith.constant dense<0.000000e+00> : vector<1000x32xf32>
    %dot_general3A_138 = tpu.matmul %dot_general3A_89, %get3A_136, %dot_general3A_137 {dimension_numbers = #tpu.dot_dimension_numbers<[1], [0], [0], [1], [0, 0, 1, 1], [], []>, transpose_lhs_hint = false} : vector<1000x32xf32>, vector<32x32xf32>, vector<1000x32xf32> -> vector<1000x32xf32>
    %mul3A_139 = arith.mulf %dot_general3A_138, %logistic3A_133 : vector<1000x32xf32>
    %dot_general3A_140 = arith.constant dense<0.000000e+00> : vector<1000x32xf32>
    %dot_general3A_141 = tpu.matmul %dot_general3A_91, %get3A_136, %dot_general3A_140 {dimension_numbers = #tpu.dot_dimension_numbers<[1], [0], [0], [1], [0, 0, 1, 1], [], []>, transpose_lhs_hint = false} : vector<1000x32xf32>, vector<32x32xf32>, vector<1000x32xf32> -> vector<1000x32xf32>
    %mul3A_142 = arith.mulf %dot_general3A_141, %logistic3A_133 : vector<1000x32xf32>
    %dot_general3A_143 = arith.constant dense<0.000000e+00> : vector<1000x32xf32>
    %dot_general3A_144 = tpu.matmul %dot_general3A_93, %get3A_136, %dot_general3A_143 {dimension_numbers = #tpu.dot_dimension_numbers<[1], [0], [0], [1], [0, 0, 1, 1], [], []>, transpose_lhs_hint = false} : vector<1000x32xf32>, vector<32x32xf32>, vector<1000x32xf32> -> vector<1000x32xf32>
    %mul3A_145 = arith.mulf %dot_general3A_144, %logistic3A_133 : vector<1000x32xf32>
    %max3A_146 = arith.constant 0.000000e+00 : f32
    %max3A_147 = vector.broadcast %max3A_146 : f32 to vector<1000x400xf32>
    %max3A_148 = arith.maximumf %add3A_118, %max3A_147 : vector<1000x400xf32>
    %get3A_149 = arith.constant 0 : index
    %get3A_150 = arith.constant 0 : index
    %get3A_151 = vector.load %arg13[%get3A_149, %get3A_150] : memref<32x32xf32, #tpu.memory_space<vmem>>, vector<32x32xf32>
    %dot_general3A_152 = arith.constant dense<0.000000e+00> : vector<1000x32xf32>
    %dot_general3A_153 = tpu.matmul %mul3A_139, %get3A_151, %dot_general3A_152 {dimension_numbers = #tpu.dot_dimension_numbers<[1], [0], [0], [1], [0, 0, 1, 1], [], []>, transpose_lhs_hint = false} : vector<1000x32xf32>, vector<32x32xf32>, vector<1000x32xf32> -> vector<1000x32xf32>
    %dot_general3A_154 = arith.constant dense<0.000000e+00> : vector<1000x32xf32>
    %dot_general3A_155 = tpu.matmul %mul3A_142, %get3A_151, %dot_general3A_154 {dimension_numbers = #tpu.dot_dimension_numbers<[1], [0], [0], [1], [0, 0, 1, 1], [], []>, transpose_lhs_hint = false} : vector<1000x32xf32>, vector<32x32xf32>, vector<1000x32xf32> -> vector<1000x32xf32>
    %dot_general3A_156 = arith.constant dense<0.000000e+00> : vector<1000x32xf32>
    %dot_general3A_157 = tpu.matmul %mul3A_145, %get3A_151, %dot_general3A_156 {dimension_numbers = #tpu.dot_dimension_numbers<[1], [0], [0], [1], [0, 0, 1, 1], [], []>, transpose_lhs_hint = false} : vector<1000x32xf32>, vector<32x32xf32>, vector<1000x32xf32> -> vector<1000x32xf32>
    %mul3A_158 = arith.mulf %dot_general3A_153, %dot_general3A_153 : vector<1000x32xf32>
    %mul3A_159 = arith.mulf %dot_general3A_155, %dot_general3A_155 : vector<1000x32xf32>
    %add3A_160 = arith.addf %mul3A_158, %mul3A_159 : vector<1000x32xf32>
    %mul3A_161 = arith.mulf %dot_general3A_157, %dot_general3A_157 : vector<1000x32xf32>
    %add3A_162 = arith.addf %add3A_160, %mul3A_161 : vector<1000x32xf32>
    %jit3A_163 = arith.constant 9.99999993E-9 : f32
    %max3A_164 = vector.broadcast %jit3A_163 : f32 to vector<1000x32xf32>
    %max3A_165 = arith.maximumf %max3A_164, %add3A_162 : vector<1000x32xf32>
    %sqrt3A_166 = math.sqrt %max3A_165 : vector<1000x32xf32>
    %get3A_167 = arith.constant 0 : index
    %get3A_168 = arith.constant 0 : index
    %get3A_169 = vector.load %arg14[%get3A_167, %get3A_168] : memref<400x100xf32, #tpu.memory_space<vmem>>, vector<400x100xf32>
    %dot_general3A_170 = arith.constant dense<0.000000e+00> : vector<1000x100xf32>
    %dot_general3A_171 = tpu.matmul %max3A_148, %get3A_169, %dot_general3A_170 {dimension_numbers = #tpu.dot_dimension_numbers<[1], [0], [0], [1], [0, 0, 1, 1], [], []>, transpose_lhs_hint = false} : vector<1000x400xf32>, vector<400x100xf32>, vector<1000x100xf32> -> vector<1000x100xf32>
    %get3A_172 = arith.constant 0 : index
    %get3A_173 = arith.constant 0 : index
    %get3A_174 = vector.load %arg15[%get3A_172, %get3A_173] : memref<32x100xf32, #tpu.memory_space<vmem>>, vector<32x100xf32>
    %dot_general3A_175 = arith.constant dense<0.000000e+00> : vector<1000x100xf32>
    %dot_general3A_176 = tpu.matmul %sqrt3A_166, %get3A_174, %dot_general3A_175 {dimension_numbers = #tpu.dot_dimension_numbers<[1], [0], [0], [1], [0, 0, 1, 1], [], []>, transpose_lhs_hint = false} : vector<1000x32xf32>, vector<32x100xf32>, vector<1000x100xf32> -> vector<1000x100xf32>
    %add3A_177 = arith.addf %dot_general3A_171, %dot_general3A_176 : vector<1000x100xf32>
    %get3A_178 = arith.constant 0 : index
    %get3A_179 = arith.constant 0 : index
    %get3A_180 = vector.load %arg16[%get3A_178, %get3A_179] : memref<1x100xf32, #tpu.memory_space<vmem>>, vector<1x100xf32>
    %add3A_181 = vector.broadcast %get3A_180 : vector<1x100xf32> to vector<1000x100xf32>
    %add3A_182 = arith.addf %add3A_177, %add3A_181 : vector<1000x100xf32>
    %get3A_183 = arith.constant 0 : index
    %get3A_184 = arith.constant 0 : index
    %get3A_185 = vector.load %arg18[%get3A_183, %get3A_184] : memref<100x16xf32, #tpu.memory_space<vmem>>, vector<100x16xf32>
    %dot_general3A_186 = arith.constant dense<0.000000e+00> : vector<1000x16xf32>
    %dot_general3A_187 = tpu.matmul %add3A_182, %get3A_185, %dot_general3A_186 {dimension_numbers = #tpu.dot_dimension_numbers<[1], [0], [0], [1], [0, 0, 1, 1], [], []>, transpose_lhs_hint = false} : vector<1000x100xf32>, vector<100x16xf32>, vector<1000x16xf32> -> vector<1000x16xf32>
    %get3A_188 = arith.constant 0 : index
    %get3A_189 = arith.constant 0 : index
    %get3A_190 = vector.load %arg19[%get3A_188, %get3A_189] : memref<1x16xf32, #tpu.memory_space<vmem>>, vector<1x16xf32>
    %add3A_191 = vector.broadcast %get3A_190 : vector<1x16xf32> to vector<1000x16xf32>
    %add3A_192 = arith.addf %dot_general3A_187, %add3A_191 : vector<1000x16xf32>
    %logistic3A_193 = arith.negf %add3A_192 : vector<1000x16xf32>
    %logistic3A_194 = math.exp %logistic3A_193 : vector<1000x16xf32>
    %logistic3A_195 = arith.constant 1.000000e+00 : f32
    %logistic3A_196 = vector.broadcast %logistic3A_195 : f32 to vector<1000x16xf32>
    %logistic3A_197 = arith.addf %logistic3A_196, %logistic3A_194 : vector<1000x16xf32>
    %logistic3A_198 = arith.divf %logistic3A_196, %logistic3A_197 : vector<1000x16xf32>
    %get3A_199 = arith.constant 0 : index
    %get3A_200 = arith.constant 0 : index
    %get3A_201 = vector.load %arg17[%get3A_199, %get3A_200] : memref<32x16xf32, #tpu.memory_space<vmem>>, vector<32x16xf32>
    %dot_general3A_202 = arith.constant dense<0.000000e+00> : vector<1000x16xf32>
    %dot_general3A_203 = tpu.matmul %dot_general3A_153, %get3A_201, %dot_general3A_202 {dimension_numbers = #tpu.dot_dimension_numbers<[1], [0], [0], [1], [0, 0, 1, 1], [], []>, transpose_lhs_hint = false} : vector<1000x32xf32>, vector<32x16xf32>, vector<1000x16xf32> -> vector<1000x16xf32>
    %mul3A_204 = arith.mulf %dot_general3A_203, %logistic3A_198 : vector<1000x16xf32>
    %dot_general3A_205 = arith.constant dense<0.000000e+00> : vector<1000x16xf32>
    %dot_general3A_206 = tpu.matmul %dot_general3A_155, %get3A_201, %dot_general3A_205 {dimension_numbers = #tpu.dot_dimension_numbers<[1], [0], [0], [1], [0, 0, 1, 1], [], []>, transpose_lhs_hint = false} : vector<1000x32xf32>, vector<32x16xf32>, vector<1000x16xf32> -> vector<1000x16xf32>
    %mul3A_207 = arith.mulf %dot_general3A_206, %logistic3A_198 : vector<1000x16xf32>
    %dot_general3A_208 = arith.constant dense<0.000000e+00> : vector<1000x16xf32>
    %dot_general3A_209 = tpu.matmul %dot_general3A_157, %get3A_201, %dot_general3A_208 {dimension_numbers = #tpu.dot_dimension_numbers<[1], [0], [0], [1], [0, 0, 1, 1], [], []>, transpose_lhs_hint = false} : vector<1000x32xf32>, vector<32x16xf32>, vector<1000x16xf32> -> vector<1000x16xf32>
    %mul3A_210 = arith.mulf %dot_general3A_209, %logistic3A_198 : vector<1000x16xf32>
    %add3A_211 = arith.addf %add3A_64, %add3A_182 : vector<1000x100xf32>
    %get3A_212 = arith.constant 0 : index
    %get3A_213 = arith.constant 0 : index
    %get3A_214 = vector.load %arg20[%get3A_212, %get3A_213] : memref<1x100xf32, #tpu.memory_space<vmem>>, vector<1x100xf32>
    %get3A_215 = arith.constant 0 : index
    %get3A_216 = arith.constant 0 : index
    %get3A_217 = vector.load %arg21[%get3A_215, %get3A_216] : memref<1x100xf32, #tpu.memory_space<vmem>>, vector<1x100xf32>
    %reduce_sum3A_218 = arith.constant dense<0.000000e+00> : vector<1000xf32>
    %reduce_sum3A_219 = vector.multi_reduction <add>, %add3A_211, %reduce_sum3A_218 [1] : vector<1000x100xf32> to vector<1000xf32>
    %broadcast_in_dim3A_220 = vector.shape_cast %reduce_sum3A_219 : vector<1000xf32> to vector<1000x1xf32>
    %div3A_221 = arith.constant 1.000000e+02 : f32
    %div3A_222 = vector.broadcast %div3A_221 : f32 to vector<1000x1xf32>
    %div3A_223 = arith.divf %broadcast_in_dim3A_220, %div3A_222 : vector<1000x1xf32>
    %sub3A_224 = vector.broadcast %div3A_223 : vector<1000x1xf32> to vector<1000x100xf32>
    %sub3A_225 = arith.subf %add3A_211, %sub3A_224 : vector<1000x100xf32>
    %square3A_226 = arith.mulf %sub3A_225, %sub3A_225 : vector<1000x100xf32>
    %reduce_sum3A_227 = arith.constant dense<0.000000e+00> : vector<1000xf32>
    %reduce_sum3A_228 = vector.multi_reduction <add>, %square3A_226, %reduce_sum3A_227 [1] : vector<1000x100xf32> to vector<1000xf32>
    %broadcast_in_dim3A_229 = vector.shape_cast %reduce_sum3A_228 : vector<1000xf32> to vector<1000x1xf32>
    %div3A_230 = arith.constant 1.000000e+02 : f32
    %div3A_231 = vector.broadcast %div3A_230 : f32 to vector<1000x1xf32>
    %div3A_232 = arith.divf %broadcast_in_dim3A_229, %div3A_231 : vector<1000x1xf32>
    %sub3A_233 = vector.broadcast %div3A_223 : vector<1000x1xf32> to vector<1000x100xf32>
    %sub3A_234 = arith.subf %add3A_211, %sub3A_233 : vector<1000x100xf32>
    %add3A_235 = arith.constant 9.99999974E-6 : f32
    %add3A_236 = vector.broadcast %add3A_235 : f32 to vector<1000x1xf32>
    %add3A_237 = arith.addf %div3A_232, %add3A_236 : vector<1000x1xf32>
    %sqrt3A_238 = math.sqrt %add3A_237 : vector<1000x1xf32>
    %div3A_239 = vector.broadcast %sqrt3A_238 : vector<1000x1xf32> to vector<1000x100xf32>
    %div3A_240 = arith.divf %sub3A_234, %div3A_239 : vector<1000x100xf32>
    %mul3A_241 = vector.broadcast %get3A_214 : vector<1x100xf32> to vector<1000x100xf32>
    %mul3A_242 = arith.mulf %div3A_240, %mul3A_241 : vector<1000x100xf32>
    %add3A_243 = vector.broadcast %get3A_217 : vector<1x100xf32> to vector<1000x100xf32>
    %add3A_244 = arith.addf %mul3A_242, %add3A_243 : vector<1000x100xf32>
    %add3A_245 = arith.addf %div3A_81, %mul3A_204 : vector<1000x16xf32>
    %add3A_246 = arith.addf %div3A_83, %mul3A_207 : vector<1000x16xf32>
    %add3A_247 = arith.addf %div3A_85, %mul3A_210 : vector<1000x16xf32>
    %mul3A_248 = arith.mulf %add3A_245, %add3A_245 : vector<1000x16xf32>
    %mul3A_249 = arith.mulf %add3A_246, %add3A_246 : vector<1000x16xf32>
    %add3A_250 = arith.addf %mul3A_248, %mul3A_249 : vector<1000x16xf32>
    %mul3A_251 = arith.mulf %add3A_247, %add3A_247 : vector<1000x16xf32>
    %add3A_252 = arith.addf %add3A_250, %mul3A_251 : vector<1000x16xf32>
    %jit3A_253 = arith.constant 9.99999993E-9 : f32
    %max3A_254 = vector.broadcast %jit3A_253 : f32 to vector<1000x16xf32>
    %max3A_255 = arith.maximumf %max3A_254, %add3A_252 : vector<1000x16xf32>
    %reduce_sum3A_256 = arith.constant dense<0.000000e+00> : vector<1000xf32>
    %reduce_sum3A_257 = vector.multi_reduction <add>, %max3A_255, %reduce_sum3A_256 [1] : vector<1000x16xf32> to vector<1000xf32>
    %broadcast_in_dim3A_258 = vector.shape_cast %reduce_sum3A_257 : vector<1000xf32> to vector<1000x1xf32>
    %div3A_259 = arith.constant 1.600000e+01 : f32
    %div3A_260 = vector.broadcast %div3A_259 : f32 to vector<1000x1xf32>
    %div3A_261 = arith.divf %broadcast_in_dim3A_258, %div3A_260 : vector<1000x1xf32>
    %sqrt3A_262 = math.sqrt %div3A_261 : vector<1000x1xf32>
    %div3A_263 = vector.broadcast %sqrt3A_262 : vector<1000x1xf32> to vector<1000x16xf32>
    %div3A_264 = arith.divf %add3A_245, %div3A_263 : vector<1000x16xf32>
    %div3A_265 = vector.broadcast %sqrt3A_262 : vector<1000x1xf32> to vector<1000x16xf32>
    %div3A_266 = arith.divf %add3A_246, %div3A_265 : vector<1000x16xf32>
    %div3A_267 = vector.broadcast %sqrt3A_262 : vector<1000x1xf32> to vector<1000x16xf32>
    %div3A_268 = arith.divf %add3A_247, %div3A_267 : vector<1000x16xf32>
    %get3A_269 = arith.constant 0 : index
    %get3A_270 = arith.constant 0 : index
    %get3A_271 = vector.load %arg22[%get3A_269, %get3A_270] : memref<1x100xf32, #tpu.memory_space<vmem>>, vector<1x100xf32>
    %get3A_272 = arith.constant 0 : index
    %get3A_273 = arith.constant 0 : index
    %get3A_274 = vector.load %arg23[%get3A_272, %get3A_273] : memref<1x100xf32, #tpu.memory_space<vmem>>, vector<1x100xf32>
    %reduce_sum3A_275 = arith.constant dense<0.000000e+00> : vector<1000xf32>
    %reduce_sum3A_276 = vector.multi_reduction <add>, %add3A_244, %reduce_sum3A_275 [1] : vector<1000x100xf32> to vector<1000xf32>
    %broadcast_in_dim3A_277 = vector.shape_cast %reduce_sum3A_276 : vector<1000xf32> to vector<1000x1xf32>
    %div3A_278 = arith.constant 1.000000e+02 : f32
    %div3A_279 = vector.broadcast %div3A_278 : f32 to vector<1000x1xf32>
    %div3A_280 = arith.divf %broadcast_in_dim3A_277, %div3A_279 : vector<1000x1xf32>
    %sub3A_281 = vector.broadcast %div3A_280 : vector<1000x1xf32> to vector<1000x100xf32>
    %sub3A_282 = arith.subf %add3A_244, %sub3A_281 : vector<1000x100xf32>
    %square3A_283 = arith.mulf %sub3A_282, %sub3A_282 : vector<1000x100xf32>
    %reduce_sum3A_284 = arith.constant dense<0.000000e+00> : vector<1000xf32>
    %reduce_sum3A_285 = vector.multi_reduction <add>, %square3A_283, %reduce_sum3A_284 [1] : vector<1000x100xf32> to vector<1000xf32>
    %broadcast_in_dim3A_286 = vector.shape_cast %reduce_sum3A_285 : vector<1000xf32> to vector<1000x1xf32>
    %div3A_287 = arith.constant 1.000000e+02 : f32
    %div3A_288 = vector.broadcast %div3A_287 : f32 to vector<1000x1xf32>
    %div3A_289 = arith.divf %broadcast_in_dim3A_286, %div3A_288 : vector<1000x1xf32>
    %sub3A_290 = vector.broadcast %div3A_280 : vector<1000x1xf32> to vector<1000x100xf32>
    %sub3A_291 = arith.subf %add3A_244, %sub3A_290 : vector<1000x100xf32>
    %add3A_292 = arith.constant 9.99999974E-6 : f32
    %add3A_293 = vector.broadcast %add3A_292 : f32 to vector<1000x1xf32>
    %add3A_294 = arith.addf %div3A_289, %add3A_293 : vector<1000x1xf32>
    %sqrt3A_295 = math.sqrt %add3A_294 : vector<1000x1xf32>
    %div3A_296 = vector.broadcast %sqrt3A_295 : vector<1000x1xf32> to vector<1000x100xf32>
    %div3A_297 = arith.divf %sub3A_291, %div3A_296 : vector<1000x100xf32>
    %mul3A_298 = vector.broadcast %get3A_271 : vector<1x100xf32> to vector<1000x100xf32>
    %mul3A_299 = arith.mulf %div3A_297, %mul3A_298 : vector<1000x100xf32>
    %add3A_300 = vector.broadcast %get3A_274 : vector<1x100xf32> to vector<1000x100xf32>
    %add3A_301 = arith.addf %mul3A_299, %add3A_300 : vector<1000x100xf32>
    %mul3A_302 = arith.mulf %div3A_264, %div3A_264 : vector<1000x16xf32>
    %mul3A_303 = arith.mulf %div3A_266, %div3A_266 : vector<1000x16xf32>
    %add3A_304 = arith.addf %mul3A_302, %mul3A_303 : vector<1000x16xf32>
    %mul3A_305 = arith.mulf %div3A_268, %div3A_268 : vector<1000x16xf32>
    %add3A_306 = arith.addf %add3A_304, %mul3A_305 : vector<1000x16xf32>
    %jit3A_307 = arith.constant 9.99999993E-9 : f32
    %max3A_308 = vector.broadcast %jit3A_307 : f32 to vector<1000x16xf32>
    %max3A_309 = arith.maximumf %max3A_308, %add3A_306 : vector<1000x16xf32>
    %reduce_sum3A_310 = arith.constant dense<0.000000e+00> : vector<1000xf32>
    %reduce_sum3A_311 = vector.multi_reduction <add>, %max3A_309, %reduce_sum3A_310 [1] : vector<1000x16xf32> to vector<1000xf32>
    %broadcast_in_dim3A_312 = vector.shape_cast %reduce_sum3A_311 : vector<1000xf32> to vector<1000x1xf32>
    %div3A_313 = arith.constant 1.600000e+01 : f32
    %div3A_314 = vector.broadcast %div3A_313 : f32 to vector<1000x1xf32>
    %div3A_315 = arith.divf %broadcast_in_dim3A_312, %div3A_314 : vector<1000x1xf32>
    %sqrt3A_316 = math.sqrt %div3A_315 : vector<1000x1xf32>
    %div3A_317 = vector.broadcast %sqrt3A_316 : vector<1000x1xf32> to vector<1000x16xf32>
    %div3A_318 = arith.divf %div3A_264, %div3A_317 : vector<1000x16xf32>
    %div3A_319 = vector.broadcast %sqrt3A_316 : vector<1000x1xf32> to vector<1000x16xf32>
    %div3A_320 = arith.divf %div3A_266, %div3A_319 : vector<1000x16xf32>
    %div3A_321 = vector.broadcast %sqrt3A_316 : vector<1000x1xf32> to vector<1000x16xf32>
    %div3A_322 = arith.divf %div3A_268, %div3A_321 : vector<1000x16xf32>
    %get3A_323 = arith.constant 0 : index
    %get3A_324 = arith.constant 0 : index
    %get3A_325 = vector.load %arg24[%get3A_323, %get3A_324] : memref<16x16xf32, #tpu.memory_space<vmem>>, vector<16x16xf32>
    %dot_general3A_326 = arith.constant dense<0.000000e+00> : vector<1000x16xf32>
    %dot_general3A_327 = tpu.matmul %div3A_318, %get3A_325, %dot_general3A_326 {dimension_numbers = #tpu.dot_dimension_numbers<[1], [0], [0], [1], [0, 0, 1, 1], [], []>, transpose_lhs_hint = false} : vector<1000x16xf32>, vector<16x16xf32>, vector<1000x16xf32> -> vector<1000x16xf32>
    %dot_general3A_328 = arith.constant dense<0.000000e+00> : vector<1000x16xf32>
    %dot_general3A_329 = tpu.matmul %div3A_320, %get3A_325, %dot_general3A_328 {dimension_numbers = #tpu.dot_dimension_numbers<[1], [0], [0], [1], [0, 0, 1, 1], [], []>, transpose_lhs_hint = false} : vector<1000x16xf32>, vector<16x16xf32>, vector<1000x16xf32> -> vector<1000x16xf32>
    %dot_general3A_330 = arith.constant dense<0.000000e+00> : vector<1000x16xf32>
    %dot_general3A_331 = tpu.matmul %div3A_322, %get3A_325, %dot_general3A_330 {dimension_numbers = #tpu.dot_dimension_numbers<[1], [0], [0], [1], [0, 0, 1, 1], [], []>, transpose_lhs_hint = false} : vector<1000x16xf32>, vector<16x16xf32>, vector<1000x16xf32> -> vector<1000x16xf32>
    %mul3A_332 = arith.mulf %dot_general3A_327, %dot_general3A_327 : vector<1000x16xf32>
    %mul3A_333 = arith.mulf %dot_general3A_329, %dot_general3A_329 : vector<1000x16xf32>
    %add3A_334 = arith.addf %mul3A_332, %mul3A_333 : vector<1000x16xf32>
    %mul3A_335 = arith.mulf %dot_general3A_331, %dot_general3A_331 : vector<1000x16xf32>
    %add3A_336 = arith.addf %add3A_334, %mul3A_335 : vector<1000x16xf32>
    %jit3A_337 = arith.constant 9.99999993E-9 : f32
    %max3A_338 = vector.broadcast %jit3A_337 : f32 to vector<1000x16xf32>
    %max3A_339 = arith.maximumf %max3A_338, %add3A_336 : vector<1000x16xf32>
    %sqrt3A_340 = math.sqrt %max3A_339 : vector<1000x16xf32>
    %get3A_341 = arith.constant 0 : index
    %get3A_342 = arith.constant 0 : index
    %get3A_343 = vector.load %arg25[%get3A_341, %get3A_342] : memref<100x100xf32, #tpu.memory_space<vmem>>, vector<100x100xf32>
    %dot_general3A_344 = arith.constant dense<0.000000e+00> : vector<1000x100xf32>
    %dot_general3A_345 = tpu.matmul %add3A_301, %get3A_343, %dot_general3A_344 {dimension_numbers = #tpu.dot_dimension_numbers<[1], [0], [0], [1], [0, 0, 1, 1], [], []>, transpose_lhs_hint = false} : vector<1000x100xf32>, vector<100x100xf32>, vector<1000x100xf32> -> vector<1000x100xf32>
    %get3A_346 = arith.constant 0 : index
    %get3A_347 = arith.constant 0 : index
    %get3A_348 = vector.load %arg26[%get3A_346, %get3A_347] : memref<16x100xf32, #tpu.memory_space<vmem>>, vector<16x100xf32>
    %dot_general3A_349 = arith.constant dense<0.000000e+00> : vector<1000x100xf32>
    %dot_general3A_350 = tpu.matmul %sqrt3A_340, %get3A_348, %dot_general3A_349 {dimension_numbers = #tpu.dot_dimension_numbers<[1], [0], [0], [1], [0, 0, 1, 1], [], []>, transpose_lhs_hint = false} : vector<1000x16xf32>, vector<16x100xf32>, vector<1000x100xf32> -> vector<1000x100xf32>
    %add3A_351 = arith.addf %dot_general3A_345, %dot_general3A_350 : vector<1000x100xf32>
    %get3A_352 = arith.constant 0 : index
    %get3A_353 = arith.constant 0 : index
    %get3A_354 = vector.load %arg27[%get3A_352, %get3A_353] : memref<1x100xf32, #tpu.memory_space<vmem>>, vector<1x100xf32>
    %add3A_355 = vector.broadcast %get3A_354 : vector<1x100xf32> to vector<1000x100xf32>
    %add3A_356 = arith.addf %add3A_351, %add3A_355 : vector<1000x100xf32>
    %max3A_357 = arith.constant 0.000000e+00 : f32
    %max3A_358 = vector.broadcast %max3A_357 : f32 to vector<1000x100xf32>
    %max3A_359 = arith.maximumf %add3A_356, %max3A_358 : vector<1000x100xf32>
    %get3A_360 = arith.constant 0 : index
    %get3A_361 = arith.constant 0 : index
    %get3A_362 = vector.load %arg28[%get3A_360, %get3A_361] : memref<100x100xf32, #tpu.memory_space<vmem>>, vector<100x100xf32>
    %dot_general3A_363 = arith.constant dense<0.000000e+00> : vector<1000x100xf32>
    %dot_general3A_364 = tpu.matmul %max3A_359, %get3A_362, %dot_general3A_363 {dimension_numbers = #tpu.dot_dimension_numbers<[1], [0], [0], [1], [0, 0, 1, 1], [], []>, transpose_lhs_hint = false} : vector<1000x100xf32>, vector<100x100xf32>, vector<1000x100xf32> -> vector<1000x100xf32>
    %get3A_365 = arith.constant 0 : index
    %get3A_366 = arith.constant 0 : index
    %get3A_367 = vector.load %arg29[%get3A_365, %get3A_366] : memref<1x100xf32, #tpu.memory_space<vmem>>, vector<1x100xf32>
    %add3A_368 = vector.broadcast %get3A_367 : vector<1x100xf32> to vector<1000x100xf32>
    %add3A_369 = arith.addf %dot_general3A_364, %add3A_368 : vector<1000x100xf32>
    %max3A_370 = arith.constant 0.000000e+00 : f32
    %max3A_371 = vector.broadcast %max3A_370 : f32 to vector<1000x100xf32>
    %max3A_372 = arith.maximumf %add3A_369, %max3A_371 : vector<1000x100xf32>
    %swap3A = arith.constant 0 : index
    %swap3A_373 = arith.constant 0 : index
    %swap3A_374 = vector.load %arg30[%swap3A, %swap3A_373] : memref<1000x100xf32, #tpu.memory_space<vmem>>, vector<1000x100xf32>
    tpu.vector_store %arg30[%swap3A, %swap3A_373], %max3A_372 {strides = array<i32>} : memref<1000x100xf32, #tpu.memory_space<vmem>>, vector<1000x100xf32>,
    return
  }
  func.func @transform_0(%arg0: i32) -> (i32, i32, i32) {
    %c0_i32 = arith.constant 0 : i32
    %c0_i32_0 = arith.constant 0 : i32
    %c0_i32_1 = arith.constant 0 : i32
    return %c0_i32, %arg0, %c0_i32_0 : i32, i32, i32
  }
  func.func @transform_1(%arg0: i32) -> (i32, i32, i32) {
    %c0_i32 = arith.constant 0 : i32
    %c0_i32_0 = arith.constant 0 : i32
    %c0_i32_1 = arith.constant 0 : i32
    return %c0_i32, %arg0, %c0_i32_0 : i32, i32, i32
  }
  func.func @transform_2(%arg0: i32) -> (i32, i32) {
    %c0_i32 = arith.constant 0 : i32
    %c0_i32_0 = arith.constant 0 : i32
    return %arg0, %c0_i32 : i32, i32
  }
  func.func @transform_3(%arg0: i32) -> (i32, i32) {
    %c0_i32 = arith.constant 0 : i32
    %c0_i32_0 = arith.constant 0 : i32
    %c0_i32_1 = arith.constant 0 : i32
    return %c0_i32, %c0_i32_0 : i32, i32
  }
  func.func @transform_4(%arg0: i32) -> (i32, i32) {
    %c0_i32 = arith.constant 0 : i32
    %c0_i32_0 = arith.constant 0 : i32
    %c0_i32_1 = arith.constant 0 : i32
    return %c0_i32, %c0_i32_0 : i32, i32
  }
  func.func @transform_5(%arg0: i32) -> (i32, i32) {
    %c0_i32 = arith.constant 0 : i32
    %c0_i32_0 = arith.constant 0 : i32
    %c0_i32_1 = arith.constant 0 : i32
    return %c0_i32, %c0_i32_0 : i32, i32
  }
  func.func @transform_6(%arg0: i32) -> (i32, i32) {
    %c0_i32 = arith.constant 0 : i32
    %c0_i32_0 = arith.constant 0 : i32
    %c0_i32_1 = arith.constant 0 : i32
    return %c0_i32, %c0_i32_0 : i32, i32
  }
  func.func @transform_7(%arg0: i32) -> (i32, i32) {
    %c0_i32 = arith.constant 0 : i32
    %c0_i32_0 = arith.constant 0 : i32
    %c0_i32_1 = arith.constant 0 : i32
    return %c0_i32, %c0_i32_0 : i32, i32
  }
  func.func @transform_8(%arg0: i32) -> (i32, i32) {
    %c0_i32 = arith.constant 0 : i32
    %c0_i32_0 = arith.constant 0 : i32
    %c0_i32_1 = arith.constant 0 : i32
    return %c0_i32, %c0_i32_0 : i32, i32
  }
  func.func @transform_9(%arg0: i32) -> (i32, i32) {
    %c0_i32 = arith.constant 0 : i32
    %c0_i32_0 = arith.constant 0 : i32
    %c0_i32_1 = arith.constant 0 : i32
    return %c0_i32, %c0_i32_0 : i32, i32
  }
  func.func @transform_10(%arg0: i32) -> (i32, i32) {
    %c0_i32 = arith.constant 0 : i32
    %c0_i32_0 = arith.constant 0 : i32
    %c0_i32_1 = arith.constant 0 : i32
    return %c0_i32, %c0_i32_0 : i32, i32
  }
  func.func @transform_11(%arg0: i32) -> (i32, i32) {
    %c0_i32 = arith.constant 0 : i32
    %c0_i32_0 = arith.constant 0 : i32
    %c0_i32_1 = arith.constant 0 : i32
    return %c0_i32, %c0_i32_0 : i32, i32
  }
  func.func @transform_12(%arg0: i32) -> (i32, i32) {
    %c0_i32 = arith.constant 0 : i32
    %c0_i32_0 = arith.constant 0 : i32
    %c0_i32_1 = arith.constant 0 : i32
    return %c0_i32, %c0_i32_0 : i32, i32
  }
  func.func @transform_13(%arg0: i32) -> (i32, i32) {
    %c0_i32 = arith.constant 0 : i32
    %c0_i32_0 = arith.constant 0 : i32
    %c0_i32_1 = arith.constant 0 : i32
    return %c0_i32, %c0_i32_0 : i32, i32
  }
  func.func @transform_14(%arg0: i32) -> (i32, i32) {
    %c0_i32 = arith.constant 0 : i32
    %c0_i32_0 = arith.constant 0 : i32
    %c0_i32_1 = arith.constant 0 : i32
    return %c0_i32, %c0_i32_0 : i32, i32
  }
  func.func @transform_15(%arg0: i32) -> (i32, i32) {
    %c0_i32 = arith.constant 0 : i32
    %c0_i32_0 = arith.constant 0 : i32
    %c0_i32_1 = arith.constant 0 : i32
    return %c0_i32, %c0_i32_0 : i32, i32
  }
  func.func @transform_16(%arg0: i32) -> (i32, i32) {
    %c0_i32 = arith.constant 0 : i32
    %c0_i32_0 = arith.constant 0 : i32
    %c0_i32_1 = arith.constant 0 : i32
    return %c0_i32, %c0_i32_0 : i32, i32
  }
  func.func @transform_17(%arg0: i32) -> (i32, i32) {
    %c0_i32 = arith.constant 0 : i32
    %c0_i32_0 = arith.constant 0 : i32
    %c0_i32_1 = arith.constant 0 : i32
    return %c0_i32, %c0_i32_0 : i32, i32
  }
  func.func @transform_18(%arg0: i32) -> (i32, i32) {
    %c0_i32 = arith.constant 0 : i32
    %c0_i32_0 = arith.constant 0 : i32
    %c0_i32_1 = arith.constant 0 : i32
    return %c0_i32, %c0_i32_0 : i32, i32
  }
  func.func @transform_19(%arg0: i32) -> (i32, i32) {
    %c0_i32 = arith.constant 0 : i32
    %c0_i32_0 = arith.constant 0 : i32
    %c0_i32_1 = arith.constant 0 : i32
    return %c0_i32, %c0_i32_0 : i32, i32
  }
  func.func @transform_20(%arg0: i32) -> (i32, i32) {
    %c0_i32 = arith.constant 0 : i32
    %c0_i32_0 = arith.constant 0 : i32
    %c0_i32_1 = arith.constant 0 : i32
    return %c0_i32, %c0_i32_0 : i32, i32
  }
  func.func @transform_21(%arg0: i32) -> (i32, i32) {
    %c0_i32 = arith.constant 0 : i32
    %c0_i32_0 = arith.constant 0 : i32
    %c0_i32_1 = arith.constant 0 : i32
    return %c0_i32, %c0_i32_0 : i32, i32
  }
  func.func @transform_22(%arg0: i32) -> (i32, i32) {
    %c0_i32 = arith.constant 0 : i32
    %c0_i32_0 = arith.constant 0 : i32
    %c0_i32_1 = arith.constant 0 : i32
    return %c0_i32, %c0_i32_0 : i32, i32
  }
  func.func @transform_23(%arg0: i32) -> (i32, i32) {
    %c0_i32 = arith.constant 0 : i32
    %c0_i32_0 = arith.constant 0 : i32
    %c0_i32_1 = arith.constant 0 : i32
    return %c0_i32, %c0_i32_0 : i32, i32
  }
  func.func @transform_24(%arg0: i32) -> (i32, i32) {
    %c0_i32 = arith.constant 0 : i32
    %c0_i32_0 = arith.constant 0 : i32
    %c0_i32_1 = arith.constant 0 : i32
    return %c0_i32, %c0_i32_0 : i32, i32
  }
  func.func @transform_25(%arg0: i32) -> (i32, i32) {
    %c0_i32 = arith.constant 0 : i32
    %c0_i32_0 = arith.constant 0 : i32
    %c0_i32_1 = arith.constant 0 : i32
    return %c0_i32, %c0_i32_0 : i32, i32
  }
  func.func @transform_26(%arg0: i32) -> (i32, i32) {
    %c0_i32 = arith.constant 0 : i32
    %c0_i32_0 = arith.constant 0 : i32
    %c0_i32_1 = arith.constant 0 : i32
    return %c0_i32, %c0_i32_0 : i32, i32
  }
  func.func @transform_27(%arg0: i32) -> (i32, i32) {
    %c0_i32 = arith.constant 0 : i32
    %c0_i32_0 = arith.constant 0 : i32
    %c0_i32_1 = arith.constant 0 : i32
    return %c0_i32, %c0_i32_0 : i32, i32
  }
  func.func @transform_28(%arg0: i32) -> (i32, i32) {
    %c0_i32 = arith.constant 0 : i32
    %c0_i32_0 = arith.constant 0 : i32
    %c0_i32_1 = arith.constant 0 : i32
    return %c0_i32, %c0_i32_0 : i32, i32
  }
  func.func @transform_29(%arg0: i32) -> (i32, i32) {
    %c0_i32 = arith.constant 0 : i32
    %c0_i32_0 = arith.constant 0 : i32
    return %arg0, %c0_i32 : i32, i32
  }
}

</mosaic_0001>

<sc_bundles>
// kernel: kernel.16.cloned.1.call-start
scs
__scs_entry_jumppad:
0x0: {  	(pc) =	sbr.rel $0x88, $3  }
0x1: {  	(tag) =	ssettag $0x0;
	lr =	simm.s32 $0x1  }
0x2: {  	[smem:$0x3F1F] =	sst lr;
	_ =	strace $0xD0000000  }
0x3: {  	_ = 	snop  }
0x4: {  	_ = 	snop  }
0x5: {  	_ = 	snop  }
0x6: {  	_ = 	snop  }
0x7: {  	_ = 	snop  }
__scs_overlays_trampoline_lowered:
0x8: {  	[smem:$0x3F2E] =	sst s0  }
0x9: {  	[smem:$0x3F2F] =	sst s1  }
0xa: {  	[smem:$0x3F30] =	sst s2  }
0xb: {  	[smem:$0x3F31] =	sst s3  }
0xc: {  	[smem:$0x3F32] =	sst s4  }
0xd: {  	[smem:$0x3F33] =	sst s5  }
0xe: {  	[smem:$0x3F34] =	sst s6  }
0xf: {  	[smem:$0x3F35] =	sst s7  }
0x10: {  	[smem:$0x3F36] =	sst s8  }
0x11: {  	[smem:$0x3F37] =	sst s9;
	s0 =	simm.s32 @!p0 $0x0  }
0x12: {  	s1 =	sld [smem:$0x3F1D];
	s0 =	simm.s32 @p0 $0x1  }
0x13: {  	[smem:$0x3F38] =	sst s0;
	s0 =	simm.s32 @!p1 $0x0  }
0x14: {  	s2 =	sld [smem:$0x3F1C];
	s0 =	simm.s32 @p1 $0x1  }
0x15: {  	[smem:$0x3F39] =	sst s0;
	s0 =	simm.s32 @!p2 $0x0  }
0x16: {  	s3 =	sld [smem:$0x3FDB];
	s0 =	simm.s32 @p2 $0x1  }
0x17: {  	s4 =	simm.s32 $0x1BF5;
	[smem:$0x3F3B] =	sst s0  }
0x18: {  	s0 =	sld [smem:$0x3F1E];
	_ =	swait.ge [sflag:s4], $0x0  }
0x19: {  	s7 =	sld [smem:$0x3F1F]  }
0x1a: {  	s8 =	sadd.s32 $0xFFFFE003, lr  }
0x1b: {  	s9 =	sadd.s32 $0xFFFFFEF7, lr;
	s5 =	simm.s32 $0xFFFFFFFF;
	p2 =	slt.u32 s8, $0xFFFFF086  }
0x1c: {  	p1 =	slt.u32 s9, $0xF7A;
	s5 =	simm.s32 @!p2 $0x0  }
0x1d: {  	s5 =	simm.s32 @p1 $0x1;
	p0 =	seq.s32 s7, s2  }
0x1e: {  	s7 =	smul.u32 @!p0 $0xF7A, s2;
	p2 =	seq.s32 @!p0 s5, $0x0  }
0x1f: {  	s9 =	smul.u32 $0xF7A, s1;
	s8 =	simm.s32 @!p0 $0x1BF5;
	p2 =	por !p2, p0  }
0x20: {  	[sflag:s8] =	ssyncset.s32 @!p0 $0xFFFFF086;
	s6 =	sadd.s32 @!p0 s3, s7;
	s7 =	simm.s32 @!p0 $0x108  }
0x21: {  	s3 =	sadd.s32 s3, s9;
	s6 =	sadd.s32 @!p0 $0x88, s6;
	s7 =	simm.s32 @p2 $0x1082  }
0x22: {  	[simem:s7], [sflag:s8] =	dma.local @!p0 [hbm:s6], $0xF7A  }
0x23: {  	s9 =	sor.u32 $0xD0000000, s2;
	s6 =	simm.s32 $0x108;
	_ =	swait.ge @!p0 [sflag:s8], $0x0  }
0x24: {  	s3 =	sadd.s32 $0x88, s3;
	s6 =	simm.s32 @!p1 $0x1082;
	[sflag:s4] =	ssyncset.s32 $0xFFFFF086  }
0x25: {  	[simem:s6], [sflag:s4] =	dma.local [hbm:s3], $0xF7A  }
0x26: {  	[smem:$0x3F1F] =	sst s1;
	(tag) =	ssettag s2;
	_ =	strace s9  }
0x27: {  	s1 =	sld [smem:$0x3F2F]  }
0x28: {  	s2 =	sld [smem:$0x3F30]  }
0x29: {  	s4 =	sld [smem:$0x3F32]  }
0x2a: {  	p0 =	seq.s32 s5, $0x0;
	s5 =	sld [smem:$0x3F33]  }
0x2b: {  	s6 =	sld [smem:$0x3F34]  }
0x2c: {  	s7 =	sld [smem:$0x3F35]  }
0x2d: {  	s3 =	simm.s32 $0x108;
	s8 =	sld [smem:$0x3F36]  }
0x2e: {  	s3 =	simm.s32 @!p0 $0x1082;
	s9 =	sld [smem:$0x3F37]  }
0x2f: {  	lr =	sadd.s32 s0, s3;
	s0 =	sld [smem:$0x3F2E]  }
0x30: {  	s3 =	sld [smem:$0x3F31]  }
0x31: {  	[smem:$0x3F3A] =	sst s10  }
0x32: {  	s10 =	sld [smem:$0x3F38];
	_ =	sdelay $0x3  }
0x33: {  	p0 =	seq.s32 s10, $0x1;
	s10 =	sld [smem:$0x3F3A];
	_ =	sdelay $0x3  }
0x34: {  	[smem:$0x3F3A] =	sst s10  }
0x35: {  	s10 =	sld [smem:$0x3F39];
	_ =	sdelay $0x3  }
0x36: {  	p1 =	seq.s32 s10, $0x1;
	s10 =	sld [smem:$0x3F3A];
	_ =	sdelay $0x3  }
0x37: {  	[smem:$0x3F3A] =	sst s10  }
0x38: {  	s10 =	sld [smem:$0x3F3B]  }
0x39: {  	_ = 	snop;
	(pc) =	sbr.ind lr, $3  }
0x3a: {  	_ = 	snop  }
0x3b: {  	_ = 	snop  }
0x3c: {  	p2 =	seq.s32 s10, $0x1;
	s10 =	sld [smem:$0x3F3A]  }
0x3d: {  	_ =	shalt  }
0x3e: {  	_ =	shalt  }
0x3f: {  	_ =	shalt  }
0x40: {  	_ =	shalt  }
0x41: {  	_ =	shalt  }
0x42: {  	_ =	shalt  }
0x43: {  	_ =	shalt  }
0x44: {  	_ =	shalt  }
0x45: {  	_ =	shalt  }
0x46: {  	_ =	shalt  }
0x47: {  	_ =	shalt  }
0x48: {  	_ =	shalt  }
0x49: {  	_ =	shalt  }
0x4a: {  	_ =	shalt  }
0x4b: {  	_ =	shalt  }
0x4c: {  	_ =	shalt  }
0x4d: {  	_ =	shalt  }
0x4e: {  	_ =	shalt  }
0x4f: {  	_ =	shalt  }
0x50: {  	_ =	shalt  }
0x51: {  	_ =	shalt  }
0x52: {  	_ =	shalt  }
0x53: {  	_ =	shalt  }
0x54: {  	_ =	shalt  }
0x55: {  	_ =	shalt  }
0x56: {  	_ =	shalt  }
0x57: {  	_ =	shalt  }
0x58: {  	_ =	shalt  }
0x59: {  	_ =	shalt  }
0x5a: {  	_ =	shalt  }
0x5b: {  	_ =	shalt  }
0x5c: {  	_ =	shalt  }
0x5d: {  	_ =	shalt  }
0x5e: {  	_ =	shalt  }
0x5f: {  	_ =	shalt  }
0x60: {  	_ =	shalt  }
0x61: {  	_ =	shalt  }
0x62: {  	_ =	shalt  }
0x63: {  	_ =	shalt  }
0x64: {  	_ =	shalt  }
0x65: {  	_ =	shalt  }
0x66: {  	_ =	shalt  }
0x67: {  	_ =	shalt  }
0x68: {  	_ =	shalt  }
0x69: {  	_ =	shalt  }
0x6a: {  	_ =	shalt  }
0x6b: {  	_ =	shalt  }
0x6c: {  	_ =	shalt  }
0x6d: {  	_ =	shalt  }
0x6e: {  	_ =	shalt  }
0x6f: {  	_ =	shalt  }
0x70: {  	_ =	shalt  }
0x71: {  	_ =	shalt  }
0x72: {  	_ =	shalt  }
0x73: {  	_ =	shalt  }
0x74: {  	_ =	shalt  }
0x75: {  	_ =	shalt  }
0x76: {  	_ =	shalt  }
0x77: {  	_ =	shalt  }
0x78: {  	_ =	shalt  }
0x79: {  	_ =	shalt  }
0x7a: {  	_ =	shalt  }
0x7b: {  	_ =	shalt  }
0x7c: {  	_ =	shalt  }
0x7d: {  	_ =	shalt  }
0x7e: {  	_ =	shalt  }
0x7f: {  	_ =	shalt  }
0x80: {  	_ =	shalt  }
0x81: {  	_ =	shalt  }
0x82: {  	_ =	shalt  }
0x83: {  	_ =	shalt  }
0x84: {  	_ =	shalt  }
0x85: {  	_ =	shalt  }
0x86: {  	_ =	shalt  }
0x87: {  	_ =	shalt  }
.Lfunc_end0:
.L_simem_size_0:
called_computation_lowered:
.L_overlay_start_0:
0x88: {  	s2 =	sld [smem:$0x3FD9]  }
0x89: {  	s3 =	sld [smem:$0x3FFE];
	_ =	sdelay $0x1  }
0x8a: {  	s1 =	srdreg.scid  }
0x8b: {  	s0 =	sand.u32 $0x1, s1  }
0x8c: {  	s17 =	sshll.u32 s0, $0xA;
	s2 =	sadd.s32 s3, s2  }
0x8d: {  	s2 =	sadd.s32 s2, s17  }
0x8e: {  	[smem:$0x3F46] =	sst s2  }
0x8f: {  	_ = 	snop  }
0x90: {  	s2 =	sld [smem:$0x3FD0];
	(tm) =	ssettm $0x1  }
0x91: {  	s18 =	sld [smem:$0x3FFB];
	_ =	sdelay $0x3  }
0x92: {  	_ =	strace s18  }
0x93: {  	s3 =	sld [smem:$0x3FFC];
	_ =	sdelay $0x3  }
0x94: {  	_ =	strace s3  }
0x95: {  	s3 =	sld [smem:$0x3FFD];
	_ =	sdelay $0x3  }
0x96: {  	_ =	strace s3  }
0x97: {  	_ =	strace $0x8FFFFFFF  }
0x98: {  	s19 =	sld [smem:$0x3FDB];
	_ =	sdelay $0x1  }
0x99: {  	s4 =	simm.s32 $_scs_section_size  }
0x9a: {  	s5 =	simm.s32 $_size__tile_overlayer_lowered;
	s6 =	simm.s32 $_tile_overlayer_lowered  }
0x9b: {  	s22 =	simm.s32 $0x1BFF;
	s21 =	sshll.u32 s6, $0x1;
	s3 =	sadd.s32 s4, s19  }
0x9c: {  	s7 =	simm.s32 $0x0;
	s20 =	sshll.u32 s5, $0x1;
	s5 =	sadd.s32 s21, s3  }
0x9d: {  	[timem:s7], [sflag:s22] =	dma.local [hbm:s5], s20  }
0x9e: {  	_ =	swait.ge [sflag:s22], s20  }
0x9f: {  	s4 =	ssub.s32 $0x0, s20;
	[sflag:s22] =	ssyncset.done $0x0  }
0xa0: {  	[sflag:s22] =	ssyncadd.s32 s4;
	_ =	sdelay $0x1  }
0xa1: {  	s23 =	simm.s32 $0x1B8B  }
0xa2: {  	_ =	swait.ge [sflag:s23], $0x1  }
0xa3: {  	[sflag:s23] =	ssyncset.done $0x0  }
0xa4: {  	s25 =	simm.s32 $0x1B8E;
	s24 =	sld [smem:$0x3FFE];
	[sflag:s23] =	ssyncadd.s32 $0xFFFFFFFF  }
0xa5: {  	s26 =	simm.s32 $execute0_lowered;
	[smem:$0x3FD2] =	sst s25  }
0xa6: {  	s5 =	sshll.u32 s26, $0x1;
	_ =	strace $0x80000046;
	[dreg:$0x1] =	wrdreg $0xFFFFFFFF  }
0xa7: {  	s28 =	simm.s32 $_size_execute0_lowered;
	s3 =	sadd.s32 s3, s5;
	[dreg:$0x0] =	wrdreg $0x0  }
0xa8: {  	s5 =	sshll.u32 s28, $0x1;
	[dreg:$0x2] =	wrdreg s3  }
0xa9: {  	[dreg:$0x3] =	wrdreg s5  }
0xaa: {  	[dreg:$0x4] =	wrdreg $0xC0  }
0xab: {  	_ =	task [dreg:s7], $0x5FFFF  }
0xac: {  	[dreg:$0x1] =	wrdreg $0xFFFFFFFF  }
0xad: {  	[dreg:$0x0] =	wrdreg $0x60  }
0xae: {  	[dreg:$0x2] =	wrdreg s24  }
0xaf: {  	[dreg:$0x3] =	wrdreg s2  }
0xb0: {  	[dreg:$0x4] =	wrdreg $0x9  }
0xb1: {  	_ =	task.clear_ibuf [dreg:s7], $0x5FFFF;
	_ =	strace $0x90000046  }
0xb2: {  	s29 =	simm.s32 $0x9;
	_ =	strace $0x80000048  }
0xb3: {  	_ =	swait.ge [sflag:s29], $0x1  }
0xb4: {  	[sflag:s29] =	ssyncadd.s32 $0xFFFFFFFF  }
0xb5: {  	_ =	strace $0x90000048  }
0xb6: {  	_ =	sfence  }
0xb7: {  	s30 =	sld [smem:$0x0];
	_ =	sdelay $0x2  }
0xb8: {  	s31 =	sshll.u32 s1, $0xD;
	s1 =	sshrl.u32 s1, $0x2  }
0xb9: {  	s3 =	sand.u32 $0x4000, s31;
	s1 =	sadd.s32 s1, s30  }
0xba: {  	s0 =	sor.u32 s3, s0;
	s1 =	sshll.u32 s1, $0x11  }
0xbb: {  	s0 =	sor.u32 s1, s0  }
0xbc: {  	s0 =	sadd.s32 $0x8F2B, s0  }
0xbd: {  	[sflag:s0] =	ssyncadd.remote.s32 $0x1  }
0xbe: {  	_ =	sfence.sel $0xFFFF  }
0xbf: {  	[dreg:$0x0] =	wrdreg $0xFFFFFFFF;
	(pc) =	sbr.abs _section_cstart, $3  }
0xc0: {  	[dreg:$0x1] =	wrdreg $0xFFFFFFFF  }
0xc1: {  	_ =	task.clear_ibuf [dreg:s7], $0x2FFFF;
	_ =	strace $0x9FFFFFFF  }
0xc2: {  	(tm) =	ssettm $0x7FFFFFFF  }
0xc3: {  	_ =	shalt  }
tec
execute0_lowered:
.L_overlay_start_1:
0x0: {  	(tag) =	ssettag $0x1  }
0x1: {  	s4 =	rddreg [dreg:$0x0]  }
0x2: {  	s5 =	rddreg [dreg:$0x1]  }
0x3: {  	s0 =	rddreg [dreg:$0x2];
	s1 =	simm.s32 $0x0  }
0x4: {  	s6 =	srdreg.scid;
	s2 =	stileid.u32;
	s11 =	simm.s32 $0x50  }
0x5: {  	s12 =	simm.s32 $0x8000;
	s13 =	simm.s32 $0xA800;
	s14 =	simm.s32 $0x1  }
0x6: {  	s15 =	simm.s32 $0x2;
	s16 =	simm.s32 $0x0;
	[smem:$0x7FF] =	sst s1  }
0x7: {  	s3 =	sadd.s32 $0x72000, s4;
	s6 =	sand.u32 $0x1, s6;
	s7 =	sshll.u32 s2, $0xC  }
0x8: {  	s9 =	smul.u32 $0x4E200, s2;
	_ =	strace $0x80000047;
	s8 =	sshll.u32 s6, $0xB  }
0x9: {  	s30 =	ssub.s32 $0x2, s6;
	s6 =	smul.u32 $0x27100, s6;
	s7 =	sor.u32 s8, s7  }
0xa: {  	s9 =	sadd.s32 s9, s4;
	s31 =	sshrl.u32 s30, $0x1;
	s10 =	sadd.s32 s7, s4  }
0xb: {  	s8 =	ssub.s32 s30, s31;
	s4 =	sadd.s32 s5, s7;
	s9 =	sadd.s32 s6, s9  }
0xc: {  	s5 =	sadd.s32 $0x13E00, s10;
	s6 =	smax.u32 s8, $0x1;
	s7 =	sadd.s32 $0x99200, s9  }
0xd: {  	s8 =	sadd.s32 $0x57B200, s9;
	s9 =	simm.s32 $0x3;
	s10 =	simm.s32 $0x4000  }
.LBB2_1:
0xe: {  	[tilespmem:s1], [sflag:$0x3] =	stream.linear.gather [hbm4b:s4+s1], $0x3E80, $0x38;
	[tilespmem:$0xD000] =	vst v63  }
0xf: {  	_ =	swait.ge [sflag:s9], $0x3E80  }
0x10: {  	[sflag:s9] =	ssyncset.done $0x0  }
0x11: {  	[sflag:s9] =	ssyncadd.s32 $0xFFFFC180  }
0x12: {  	[tilespmem:s10], [sflag:$0x3] =	stream.linear.gather [hbm4b:s5+s1], $0x3E80, $0x38;
	[tilespmem:$0xD000] =	vst v63  }
0x13: {  	_ =	swait.ge [sflag:s9], $0x3E80  }
0x14: {  	[sflag:s9] =	ssyncset.done $0x0  }
0x15: {  	s17 =	simm.s32 $0x0;
	[sflag:s9] =	ssyncadd.s32 $0xFFFFC180  }
0x16: {  	[tilespmem:s12], [sflag:$0x1] =	stream.indirect.gather [hbm4b:s3+s11], $0x80, s17, s11, $0xb8;
	[tilespmem:$0xD000] =	vst v63  }
0x17: {  	s31 =	simm.s32 $0x4000  }
0x18: {  	[tilespmem:s13], [sflag:$0x2] =	stream.indirect.gather [hbm4b:s3+s11], $0x80, s31, s11, $0xb8;
	[tilespmem:$0xD000] =	vst v63  }
0x19: {  	_ =	swait.ge [sflag:s14], $0x2800  }
0x1a: {  	[sflag:s14] =	ssyncset.done $0x0  }
0x1b: {  	[sflag:s14] =	ssyncadd.s32 $0xFFFFD800  }
0x1c: {  	[hbm4b:s7+s1] =	stream.linear.scatter [tilespmem:s12], [sflag:$0x3], $0x2800, $0x38;
	[tilespmem:$0xD000] =	vst v63  }
0x1d: {  	_ =	swait.ge [sflag:s9], $0x2800  }
0x1e: {  	[sflag:s9] =	ssyncset.done $0x0  }
0x1f: {  	[sflag:s9] =	ssyncadd.s32 $0xFFFFD800  }
0x20: {  	_ =	swait.ge [sflag:s15], $0x2800  }
0x21: {  	[sflag:s15] =	ssyncset.done $0x0  }
0x22: {  	[sflag:s15] =	ssyncadd.s32 $0xFFFFD800  }
0x23: {  	[hbm4b:s8+s1] =	stream.linear.scatter [tilespmem:s13], [sflag:$0x3], $0x2800, $0x38;
	[tilespmem:$0xD000] =	vst v63  }
0x24: {  	s19 =	simm.s32 $0x200;
	s20 =	simm.s32 $0x400;
	_ =	swait.ge [sflag:s9], $0x2800  }
0x25: {  	s18 =	sadd.s32 $0x500, s7;
	s17 =	sadd.s32 $0x500, s8;
	[sflag:s9] =	ssyncset.done $0x0  }
.LBB2_2:
0x26: {  	s21 =	sshra.s32 s19, $0x2  }
0x27: {  	[sflag:s9] =	ssyncadd.s32 $0xFFFFD800;
	s19 =	smov.u32 s20;
	s22 =	sadd.s32 $0x200, s20  }
0x28: {  	[tilespmem:s12], [sflag:$0x1] =	stream.indirect.gather [hbm4b:s3+s11], $0x80, s21, s11, $0xb8;
	[tilespmem:$0xD000] =	vst v63  }
0x29: {  	p0 =	sne.s32 s20, $0xF800;
	s20 =	sadd.s32 $0x4000, s21  }
0x2a: {  	[tilespmem:s13], [sflag:$0x2] =	stream.indirect.gather [hbm4b:s3+s11], $0x80, s20, s11, $0xb8;
	[tilespmem:$0xD000] =	vst v63  }
0x2b: {  	_ =	swait.ge [sflag:s14], $0x2800  }
0x2c: {  	[sflag:s14] =	ssyncset.done $0x0  }
0x2d: {  	[sflag:s14] =	ssyncadd.s32 $0xFFFFD800  }
0x2e: {  	[hbm4b:s18+s1] =	stream.linear.scatter [tilespmem:s12], [sflag:$0x3], $0x2800, $0x38;
	[tilespmem:$0xD000] =	vst v63  }
0x2f: {  	_ =	swait.ge [sflag:s9], $0x2800  }
0x30: {  	[sflag:s9] =	ssyncset.done $0x0  }
0x31: {  	[sflag:s9] =	ssyncadd.s32 $0xFFFFD800  }
0x32: {  	_ =	swait.ge [sflag:s15], $0x2800  }
.Ltmp0:
0x33: {  	[sflag:s15] =	ssyncset.done $0x0;
	(pc) =	sbr.rel @p0 .LBB2_2-.Ltmp0, $4  }
0x34: {  	[sflag:s15] =	ssyncadd.s32 $0xFFFFD800  }
0x35: {  	[hbm4b:s17+s1] =	stream.linear.scatter [tilespmem:s13], [sflag:$0x3], $0x2800, $0x38;
	[tilespmem:$0xD000] =	vst v63  }
0x36: {  	s20 =	smov.u32 s22;
	_ =	swait.ge [sflag:s9], $0x2800  }
0x37: {  	s18 =	sadd.s32 $0x500, s18;
	s17 =	sadd.s32 $0x500, s17;
	[sflag:s9] =	ssyncset.done $0x0  }
0x38: {  	s19 =	sshra.s32 s19, $0x2;
	[sflag:s9] =	ssyncadd.s32 $0xFFFFD800  }
0x39: {  	[tilespmem:s12], [sflag:$0x1] =	stream.indirect.gather [hbm4b:s3+s11], $0x80, s19, s11, $0xb8;
	[tilespmem:$0xD000] =	vst v63  }
0x3a: {  	s19 =	sadd.s32 $0x4000, s19  }
0x3b: {  	[tilespmem:s13], [sflag:$0x2] =	stream.indirect.gather [hbm4b:s3+s11], $0x80, s19, s11, $0xb8;
	[tilespmem:$0xD000] =	vst v63  }
0x3c: {  	_ =	swait.ge [sflag:s14], $0x2800  }
0x3d: {  	[sflag:s14] =	ssyncset.done $0x0  }
0x3e: {  	[sflag:s14] =	ssyncadd.s32 $0xFFFFD800  }
0x3f: {  	[hbm4b:s18+s1] =	stream.linear.scatter [tilespmem:s12], [sflag:$0x3], $0x2800, $0x38;
	[tilespmem:$0xD000] =	vst v63  }
0x40: {  	_ =	swait.ge [sflag:s9], $0x2800  }
0x41: {  	[sflag:s9] =	ssyncset.done $0x0  }
0x42: {  	[sflag:s9] =	ssyncadd.s32 $0xFFFFD800  }
0x43: {  	s16 =	sadd.s32 $0x1, s16;
	_ =	swait.ge [sflag:s15], $0x2800  }
0x44: {  	p0 =	sne.s32 s16, s6;
	[sflag:s15] =	ssyncset.done $0x0  }
.Ltmp1:
0x45: {  	[sflag:s15] =	ssyncadd.s32 $0xFFFFD800;
	(pc) =	sbr.rel @p0 .LBB2_1-.Ltmp1, $4  }
0x46: {  	[hbm4b:s17+s1] =	stream.linear.scatter [tilespmem:s13], [sflag:$0x3], $0x2800, $0x38;
	[tilespmem:$0xD000] =	vst v63  }
0x47: {  	_ =	swait.ge [sflag:s9], $0x2800  }
0x48: {  	[sflag:s9] =	ssyncset.done $0x0  }
0x49: {  	[sflag:s9] =	ssyncadd.s32 $0xFFFFD800  }
0x4a: {  	_ =	sfence.sel $0x180000  }
0x4b: {  	[bflag:$0x0] =	sbarrier.arrive $0xFFFF  }
0x4c: {  	p0 =	sne.s32 s2, $0x0;
	_ =	strace $0x90000047  }
0x4d: {  	s0 =	sadd.s32 @!p0 $0x100000, s0;
	[bflag:$0x2] =	sbarrier.arrive $0xFFFF  }
0x4e: {  	[sflag:s0] =	ssyncadd.tile.s32 @!p0 $0x1;
	_ =	shalt  }
.Lfunc_end2:
_tile_overlayer_lowered:
.L_overlay_start_2:
0x4f: {  	(tag) =	ssettag $0x2  }
0x50: {  	s0 =	rddreg [dreg:$0x0];
	s2 =	stileid.u32  }
0x51: {  	s1 =	rddreg [dreg:$0x1];
	p0 =	sne.s32 s2, $0x0  }
0x52: {  	s3 =	rddreg [dreg:$0x2];
	[bflag:$0x3] =	sbarrier.arrive $0xFFFF;
	s2 =	simm.s32 @!p0 $0x1C03  }
0x53: {  	[timem:s3], [sflag:s2] =	dma.local @!p0 [hbm:s0], s1  }
0x54: {  	s0 =	simm.s32 @!p0 $0x3  }
0x55: {  	_ =	swait.ge @!p0 [sflag:s0], s1  }
0x56: {  	s1 =	ssub.s32 @!p0 $0x0, s1;
	[sflag:s0] =	ssyncset.done @!p0 $0x0  }
0x57: {  	[sflag:s0] =	ssyncadd.s32 @!p0 s1  }
0x58: {  	[bflag:$0x3] =	sbarrier.arrive $0xFFFF  }
0x59: {  	_ =	shalt  }

// kernel: kernel.19.cloned.1.call-start
scs
__scs_entry_jumppad:
0x0: {  	(pc) =	sbr.rel $0x88, $3  }
0x1: {  	(tag) =	ssettag $0x0;
	lr =	simm.s32 $0x1  }
0x2: {  	[smem:$0x3F1F] =	sst lr;
	_ =	strace $0xD0000000  }
0x3: {  	_ = 	snop  }
0x4: {  	_ = 	snop  }
0x5: {  	_ = 	snop  }
0x6: {  	_ = 	snop  }
0x7: {  	_ = 	snop  }
__scs_overlays_trampoline_lowered:
0x8: {  	[smem:$0x3F2E] =	sst s0  }
0x9: {  	[smem:$0x3F2F] =	sst s1  }
0xa: {  	[smem:$0x3F30] =	sst s2  }
0xb: {  	[smem:$0x3F31] =	sst s3  }
0xc: {  	[smem:$0x3F32] =	sst s4  }
0xd: {  	[smem:$0x3F33] =	sst s5  }
0xe: {  	[smem:$0x3F34] =	sst s6  }
0xf: {  	[smem:$0x3F35] =	sst s7  }
0x10: {  	[smem:$0x3F36] =	sst s8  }
0x11: {  	[smem:$0x3F37] =	sst s9;
	s0 =	simm.s32 @!p0 $0x0  }
0x12: {  	s1 =	sld [smem:$0x3F1D];
	s0 =	simm.s32 @p0 $0x1  }
0x13: {  	[smem:$0x3F38] =	sst s0;
	s0 =	simm.s32 @!p1 $0x0  }
0x14: {  	s2 =	sld [smem:$0x3F1C];
	s0 =	simm.s32 @p1 $0x1  }
0x15: {  	[smem:$0x3F39] =	sst s0;
	s0 =	simm.s32 @!p2 $0x0  }
0x16: {  	s3 =	sld [smem:$0x3FDB];
	s0 =	simm.s32 @p2 $0x1  }
0x17: {  	s4 =	simm.s32 $0x1BF5;
	[smem:$0x3F3B] =	sst s0  }
0x18: {  	s0 =	sld [smem:$0x3F1E];
	_ =	swait.ge [sflag:s4], $0x0  }
0x19: {  	s7 =	sld [smem:$0x3F1F]  }
0x1a: {  	s8 =	sadd.s32 $0xFFFFE003, lr  }
0x1b: {  	s9 =	sadd.s32 $0xFFFFFEF7, lr;
	s5 =	simm.s32 $0xFFFFFFFF;
	p2 =	slt.u32 s8, $0xFFFFF086  }
0x1c: {  	p1 =	slt.u32 s9, $0xF7A;
	s5 =	simm.s32 @!p2 $0x0  }
0x1d: {  	s5 =	simm.s32 @p1 $0x1;
	p0 =	seq.s32 s7, s2  }
0x1e: {  	s7 =	smul.u32 @!p0 $0xF7A, s2;
	p2 =	seq.s32 @!p0 s5, $0x0  }
0x1f: {  	s9 =	smul.u32 $0xF7A, s1;
	s8 =	simm.s32 @!p0 $0x1BF5;
	p2 =	por !p2, p0  }
0x20: {  	[sflag:s8] =	ssyncset.s32 @!p0 $0xFFFFF086;
	s6 =	sadd.s32 @!p0 s3, s7;
	s7 =	simm.s32 @!p0 $0x108  }
0x21: {  	s3 =	sadd.s32 s3, s9;
	s6 =	sadd.s32 @!p0 $0x88, s6;
	s7 =	simm.s32 @p2 $0x1082  }
0x22: {  	[simem:s7], [sflag:s8] =	dma.local @!p0 [hbm:s6], $0xF7A  }
0x23: {  	s9 =	sor.u32 $0xD0000000, s2;
	s6 =	simm.s32 $0x108;
	_ =	swait.ge @!p0 [sflag:s8], $0x0  }
0x24: {  	s3 =	sadd.s32 $0x88, s3;
	s6 =	simm.s32 @!p1 $0x1082;
	[sflag:s4] =	ssyncset.s32 $0xFFFFF086  }
0x25: {  	[simem:s6], [sflag:s4] =	dma.local [hbm:s3], $0xF7A  }
0x26: {  	[smem:$0x3F1F] =	sst s1;
	(tag) =	ssettag s2;
	_ =	strace s9  }
0x27: {  	s1 =	sld [smem:$0x3F2F]  }
0x28: {  	s2 =	sld [smem:$0x3F30]  }
0x29: {  	s4 =	sld [smem:$0x3F32]  }
0x2a: {  	p0 =	seq.s32 s5, $0x0;
	s5 =	sld [smem:$0x3F33]  }
0x2b: {  	s6 =	sld [smem:$0x3F34]  }
0x2c: {  	s7 =	sld [smem:$0x3F35]  }
0x2d: {  	s3 =	simm.s32 $0x108;
	s8 =	sld [smem:$0x3F36]  }
0x2e: {  	s3 =	simm.s32 @!p0 $0x1082;
	s9 =	sld [smem:$0x3F37]  }
0x2f: {  	lr =	sadd.s32 s0, s3;
	s0 =	sld [smem:$0x3F2E]  }
0x30: {  	s3 =	sld [smem:$0x3F31]  }
0x31: {  	[smem:$0x3F3A] =	sst s10  }
0x32: {  	s10 =	sld [smem:$0x3F38];
	_ =	sdelay $0x3  }
0x33: {  	p0 =	seq.s32 s10, $0x1;
	s10 =	sld [smem:$0x3F3A];
	_ =	sdelay $0x3  }
0x34: {  	[smem:$0x3F3A] =	sst s10  }
0x35: {  	s10 =	sld [smem:$0x3F39];
	_ =	sdelay $0x3  }
0x36: {  	p1 =	seq.s32 s10, $0x1;
	s10 =	sld [smem:$0x3F3A];
	_ =	sdelay $0x3  }
0x37: {  	[smem:$0x3F3A] =	sst s10  }
0x38: {  	s10 =	sld [smem:$0x3F3B]  }
0x39: {  	_ = 	snop;
	(pc) =	sbr.ind lr, $3  }
0x3a: {  	_ = 	snop  }
0x3b: {  	_ = 	snop  }
0x3c: {  	p2 =	seq.s32 s10, $0x1;
	s10 =	sld [smem:$0x3F3A]  }
0x3d: {  	_ =	shalt  }
0x3e: {  	_ =	shalt  }
0x3f: {  	_ =	shalt  }
0x40: {  	_ =	shalt  }
0x41: {  	_ =	shalt  }
0x42: {  	_ =	shalt  }
0x43: {  	_ =	shalt  }
0x44: {  	_ =	shalt  }
0x45: {  	_ =	shalt  }
0x46: {  	_ =	shalt  }
0x47: {  	_ =	shalt  }
0x48: {  	_ =	shalt  }
0x49: {  	_ =	shalt  }
0x4a: {  	_ =	shalt  }
0x4b: {  	_ =	shalt  }
0x4c: {  	_ =	shalt  }
0x4d: {  	_ =	shalt  }
0x4e: {  	_ =	shalt  }
0x4f: {  	_ =	shalt  }
0x50: {  	_ =	shalt  }
0x51: {  	_ =	shalt  }
0x52: {  	_ =	shalt  }
0x53: {  	_ =	shalt  }
0x54: {  	_ =	shalt  }
0x55: {  	_ =	shalt  }
0x56: {  	_ =	shalt  }
0x57: {  	_ =	shalt  }
0x58: {  	_ =	shalt  }
0x59: {  	_ =	shalt  }
0x5a: {  	_ =	shalt  }
0x5b: {  	_ =	shalt  }
0x5c: {  	_ =	shalt  }
0x5d: {  	_ =	shalt  }
0x5e: {  	_ =	shalt  }
0x5f: {  	_ =	shalt  }
0x60: {  	_ =	shalt  }
0x61: {  	_ =	shalt  }
0x62: {  	_ =	shalt  }
0x63: {  	_ =	shalt  }
0x64: {  	_ =	shalt  }
0x65: {  	_ =	shalt  }
0x66: {  	_ =	shalt  }
0x67: {  	_ =	shalt  }
0x68: {  	_ =	shalt  }
0x69: {  	_ =	shalt  }
0x6a: {  	_ =	shalt  }
0x6b: {  	_ =	shalt  }
0x6c: {  	_ =	shalt  }
0x6d: {  	_ =	shalt  }
0x6e: {  	_ =	shalt  }
0x6f: {  	_ =	shalt  }
0x70: {  	_ =	shalt  }
0x71: {  	_ =	shalt  }
0x72: {  	_ =	shalt  }
0x73: {  	_ =	shalt  }
0x74: {  	_ =	shalt  }
0x75: {  	_ =	shalt  }
0x76: {  	_ =	shalt  }
0x77: {  	_ =	shalt  }
0x78: {  	_ =	shalt  }
0x79: {  	_ =	shalt  }
0x7a: {  	_ =	shalt  }
0x7b: {  	_ =	shalt  }
0x7c: {  	_ =	shalt  }
0x7d: {  	_ =	shalt  }
0x7e: {  	_ =	shalt  }
0x7f: {  	_ =	shalt  }
0x80: {  	_ =	shalt  }
0x81: {  	_ =	shalt  }
0x82: {  	_ =	shalt  }
0x83: {  	_ =	shalt  }
0x84: {  	_ =	shalt  }
0x85: {  	_ =	shalt  }
0x86: {  	_ =	shalt  }
0x87: {  	_ =	shalt  }
.Lfunc_end0:
.L_simem_size_0:
called_computation.1_lowered:
.L_overlay_start_0:
0x88: {  	s2 =	sld [smem:$0x3FD9]  }
0x89: {  	s3 =	sld [smem:$0x3FFE];
	_ =	sdelay $0x1  }
0x8a: {  	s1 =	srdreg.scid  }
0x8b: {  	s0 =	sand.u32 $0x1, s1  }
0x8c: {  	s16 =	sshll.u32 s0, $0xA;
	s2 =	sadd.s32 s3, s2  }
0x8d: {  	s2 =	sadd.s32 s2, s16  }
0x8e: {  	[smem:$0x3F46] =	sst s2  }
0x8f: {  	_ = 	snop  }
0x90: {  	(tm) =	ssettm $0x1  }
0x91: {  	s17 =	sld [smem:$0x3FFB];
	_ =	sdelay $0x3  }
0x92: {  	_ =	strace s17  }
0x93: {  	s2 =	sld [smem:$0x3FFC];
	_ =	sdelay $0x3  }
0x94: {  	_ =	strace s2  }
0x95: {  	s2 =	sld [smem:$0x3FFD];
	_ =	sdelay $0x3  }
0x96: {  	_ =	strace s2  }
0x97: {  	_ =	strace $0x8FFFFFFF  }
0x98: {  	s18 =	sld [smem:$0x3FDB];
	_ =	sdelay $0x1  }
0x99: {  	s19 =	simm.s32 $_scs_section_size  }
0x9a: {  	s4 =	simm.s32 $_size__tile_overlayer_lowered;
	s5 =	simm.s32 $_tile_overlayer_lowered  }
0x9b: {  	s22 =	simm.s32 $0x1BFF;
	s21 =	sshll.u32 s5, $0x1;
	s2 =	sadd.s32 s19, s18  }
0x9c: {  	s6 =	simm.s32 $0x0;
	s20 =	sshll.u32 s4, $0x1;
	s4 =	sadd.s32 s21, s2  }
0x9d: {  	[timem:s6], [sflag:s22] =	dma.local [hbm:s4], s20  }
0x9e: {  	_ =	swait.ge [sflag:s22], s20  }
0x9f: {  	s3 =	ssub.s32 $0x0, s20;
	[sflag:s22] =	ssyncset.done $0x0  }
0xa0: {  	[sflag:s22] =	ssyncadd.s32 s3;
	_ =	sdelay $0x1  }
0xa1: {  	s23 =	simm.s32 $0x1B8B  }
0xa2: {  	_ =	swait.ge [sflag:s23], $0x1  }
0xa3: {  	[sflag:s23] =	ssyncset.done $0x0  }
0xa4: {  	s25 =	simm.s32 $0x1B8E;
	s24 =	sld [smem:$0x3FFE];
	[sflag:s23] =	ssyncadd.s32 $0xFFFFFFFF  }
0xa5: {  	s26 =	simm.s32 $execute0_lowered;
	[smem:$0x3FD2] =	sst s25  }
0xa6: {  	s4 =	sshll.u32 s26, $0x1;
	_ =	strace $0x80000049;
	[dreg:$0x1] =	wrdreg $0xFFFFFFFF  }
0xa7: {  	s28 =	simm.s32 $_size_execute0_lowered;
	s2 =	sadd.s32 s2, s4;
	[dreg:$0x0] =	wrdreg $0x0  }
0xa8: {  	s4 =	sshll.u32 s28, $0x1;
	[dreg:$0x2] =	wrdreg s2  }
0xa9: {  	[dreg:$0x3] =	wrdreg s4  }
0xaa: {  	[dreg:$0x4] =	wrdreg $0xC0  }
0xab: {  	_ =	task [dreg:s6], $0x5FFFF  }
0xac: {  	[dreg:$0x1] =	wrdreg $0xFFFFFFFF  }
0xad: {  	[dreg:$0x0] =	wrdreg $0x60  }
0xae: {  	[dreg:$0x2] =	wrdreg s24  }
0xaf: {  	[dreg:$0x3] =	wrdreg $0x68000  }
0xb0: {  	[dreg:$0x4] =	wrdreg $0x9  }
0xb1: {  	_ =	task.clear_ibuf [dreg:s6], $0x5FFFF;
	_ =	strace $0x90000049  }
0xb2: {  	s29 =	simm.s32 $0x9;
	_ =	strace $0x8000004B  }
0xb3: {  	_ =	swait.ge [sflag:s29], $0x1  }
0xb4: {  	[sflag:s29] =	ssyncadd.s32 $0xFFFFFFFF  }
0xb5: {  	_ =	strace $0x9000004B  }
0xb6: {  	_ =	sfence  }
0xb7: {  	s30 =	sld [smem:$0x0];
	_ =	sdelay $0x2  }
0xb8: {  	s31 =	sshll.u32 s1, $0xD;
	s1 =	sshrl.u32 s1, $0x2  }
0xb9: {  	s3 =	sand.u32 $0x4000, s31;
	s1 =	sadd.s32 s1, s30  }
0xba: {  	s0 =	sor.u32 s3, s0;
	s1 =	sshll.u32 s1, $0x11  }
0xbb: {  	s0 =	sor.u32 s1, s0  }
0xbc: {  	s0 =	sadd.s32 $0x8F2B, s0  }
0xbd: {  	[sflag:s0] =	ssyncadd.remote.s32 $0x1  }
0xbe: {  	_ =	sfence.sel $0xFFFF  }
0xbf: {  	[dreg:$0x0] =	wrdreg $0xFFFFFFFF;
	(pc) =	sbr.abs _section_cstart, $3  }
0xc0: {  	[dreg:$0x1] =	wrdreg $0xFFFFFFFF  }
0xc1: {  	_ =	task.clear_ibuf [dreg:s6], $0x2FFFF;
	_ =	strace $0x9FFFFFFF  }
0xc2: {  	(tm) =	ssettm $0x7FFFFFFF  }
0xc3: {  	_ =	shalt  }
tec
execute0_lowered:
.L_overlay_start_1:
0x0: {  	(tag) =	ssettag $0x1  }
0x1: {  	s4 =	rddreg [dreg:$0x0]  }
0x2: {  	s2 =	rddreg [dreg:$0x1]  }
0x3: {  	s0 =	rddreg [dreg:$0x2]  }
0x4: {  	s3 =	simm.s32 $0x0;
	s5 =	srdreg.scid;
	s1 =	stileid.u32  }
0x5: {  	s12 =	simm.s32 $0x4000;
	s13 =	simm.s32 $0x50;
	s15 =	smul.u32 $0x3E80, s1  }
0x6: {  	[smem:$0x7FF] =	sst s3;
	s5 =	sand.u32 $0x1, s5;
	s29 =	smul.u32 $0x7D000, s1  }
0x7: {  	s6 =	sshll.u32 s1, $0xC;
	s31 =	smul.u32 $0x4E200, s1;
	p0 =	sgt.u32 s1, $0x9  }
0x8: {  	s7 =	sshll.u32 s5, $0xB;
	s8 =	smul.u32 $0x27100, s5;
	_ =	strace $0x8000004A  }
0x9: {  	s5 =	ssub.s32 $0x2, s5;
	s6 =	sor.u32 s7, s6;
	s9 =	sadd.s32 s15, s4  }
0xa: {  	s30 =	sshrl.u32 s5, $0x1;
	s7 =	sshrl.u32 s29, $0x2;
	s6 =	sadd.s32 s6, s4  }
0xb: {  	s8 =	sadd.s32 s8, s4;
	s10 =	ssub.s32 s5, s30;
	s11 =	sadd.s32 s7, s2  }
0xc: {  	s4 =	sadd.s32 $0x72000, s9;
	s9 =	sshll.u32 @!p0 s1, $0x6;
	s5 =	sadd.s32 $0x13E00, s6  }
0xd: {  	s14 =	sadd.s32 $0x99200, s8;
	s16 =	sadd.s32 $0xE7400, s8;
	s8 =	sadd.s32 s31, s8  }
0xe: {  	s6 =	smax.u32 s10, $0x1;
	s9 =	sor.u32 @!p0 $0x1C01, s9;
	s10 =	sshrl.u32 @!p0 s11, $0x3  }
0xf: {  	s11 =	simm.s32 $0x1;
	s7 =	sadd.s32 $0xA5D200, s8;
	s8 =	sadd.s32 $0xF3F200, s8  }
0x10: {  	s14 =	sadd.s32 @!p0 s15, s14;
	s15 =	sadd.s32 @!p0 s15, s16;
	s16 =	simm.s32 $0x0  }
.LBB2_1:
0x11: {  	[spmem:s10], [sflag:s9] =	dma.local @!p0 [hbm:s4], $0x3E80  }
0x12: {  	s17 =	simm.s32 @!p0 $0x1  }
0x13: {  	_ =	swait.ge @!p0 [sflag:s17], $0x3E80  }
0x14: {  	[sflag:s17] =	ssyncset.done @!p0 $0x0  }
0x15: {  	[sflag:s17] =	ssyncadd.s32 @!p0 $0xFFFFC180  }
0x16: {  	[bflag:$0x0] =	sbarrier.arrive $0xFFFF  }
0x17: {  	[tilespmem:s3], [sflag:$0x1] =	stream.linear.gather [hbm4b:s5+s3], $0x3E80, $0x38;
	[tilespmem:$0x1A080] =	vst v63  }
0x18: {  	_ =	swait.ge [sflag:s11], $0x3E80  }
0x19: {  	[sflag:s11] =	ssyncset.done $0x0  }
0x1a: {  	[sflag:s11] =	ssyncadd.s32 $0xFFFFC180  }
0x1b: {  	[tilespmem:s12], [sflag:$0x1] =	stream.linear.gather [hbm4b:s7+s3], $0x2800, $0x38;
	[tilespmem:$0x1A080] =	vst v63  }
0x1c: {  	_ =	swait.ge [sflag:s11], $0x2800  }
0x1d: {  	[sflag:s11] =	ssyncset.done $0x0  }
0x1e: {  	s31 =	simm.s32 $0x0;
	[sflag:s11] =	ssyncadd.s32 $0xFFFFD800  }
0x1f: {  	[spmem:s2] =	stream.indirect.scatter.add.f32 [tilespmem:s12], [sflag:$0x1], $0x80, s31, s13, $0xb8;
	[tilespmem:$0x1A080] =	vst v63  }
0x20: {  	_ =	swait.ge [sflag:s11], $0x2800  }
0x21: {  	s18 =	smov.u32 s7;
	s17 =	simm.s32 $0x200;
	[sflag:s11] =	ssyncset.done $0x0  }
.LBB2_2:
0x22: {  	p1 =	sne.s32 s17, $0xF800;
	[sflag:s11] =	ssyncadd.s32 $0xFFFFD800;
	s18 =	sadd.s32 $0x500, s18  }
0x23: {  	[tilespmem:s12], [sflag:$0x1] =	stream.linear.gather [hbm4b:s18+s3], $0x2800, $0x38;
	[tilespmem:$0x1A080] =	vst v63  }
0x24: {  	s19 =	smov.u32 s17;
	s17 =	sadd.s32 $0x200, s17;
	_ =	swait.ge [sflag:s11], $0x2800  }
.Ltmp0:
0x25: {  	[sflag:s11] =	ssyncset.done $0x0;
	(pc) =	sbr.rel @p1 .LBB2_2-.Ltmp0, $4  }
0x26: {  	s19 =	sshra.s32 s19, $0x2;
	[sflag:s11] =	ssyncadd.s32 $0xFFFFD800  }
0x27: {  	[spmem:s2] =	stream.indirect.scatter.add.f32 [tilespmem:s12], [sflag:$0x1], $0x80, s19, s13, $0xb8;
	[tilespmem:$0x1A080] =	vst v63  }
0x28: {  	_ =	swait.ge [sflag:s11], $0x2800  }
0x29: {  	[sflag:s11] =	ssyncset.done $0x0  }
0x2a: {  	[sflag:s11] =	ssyncadd.s32 $0xFFFFD800  }
0x2b: {  	s17 =	simm.s32 @!p0 $0x1;
	[bflag:$0x0] =	sbarrier.arrive $0xFFFF  }
0x2c: {  	[hbm:s14], [sflag:s9] =	dma.local @!p0 [spmem:s10], $0x3E80  }
0x2d: {  	_ =	swait.ge @!p0 [sflag:s17], $0x3E80  }
0x2e: {  	[sflag:s17] =	ssyncset.done @!p0 $0x0  }
0x2f: {  	[sflag:s17] =	ssyncadd.s32 @!p0 $0xFFFFC180  }
0x30: {  	[spmem:s10], [sflag:s9] =	dma.local @!p0 [hbm:s4], $0x3E80  }
0x31: {  	_ =	swait.ge @!p0 [sflag:s17], $0x3E80  }
0x32: {  	[sflag:s17] =	ssyncset.done @!p0 $0x0  }
0x33: {  	[sflag:s17] =	ssyncadd.s32 @!p0 $0xFFFFC180  }
0x34: {  	[bflag:$0x0] =	sbarrier.arrive $0xFFFF  }
0x35: {  	[tilespmem:s12], [sflag:$0x1] =	stream.linear.gather [hbm4b:s8+s3], $0x2800, $0x38;
	[tilespmem:$0x1A080] =	vst v63  }
0x36: {  	_ =	swait.ge [sflag:s11], $0x2800  }
0x37: {  	[sflag:s11] =	ssyncset.done $0x0  }
0x38: {  	s31 =	simm.s32 $0x0;
	[sflag:s11] =	ssyncadd.s32 $0xFFFFD800  }
0x39: {  	[spmem:s2] =	stream.indirect.scatter.add.f32 [tilespmem:s12], [sflag:$0x1], $0x80, s31, s13, $0xb8;
	[tilespmem:$0x1A080] =	vst v63  }
0x3a: {  	_ =	swait.ge [sflag:s11], $0x2800  }
0x3b: {  	s18 =	smov.u32 s8;
	s17 =	simm.s32 $0x200;
	[sflag:s11] =	ssyncset.done $0x0  }
.LBB2_4:
0x3c: {  	p1 =	sne.s32 s17, $0xF800;
	[sflag:s11] =	ssyncadd.s32 $0xFFFFD800;
	s18 =	sadd.s32 $0x500, s18  }
0x3d: {  	[tilespmem:s12], [sflag:$0x1] =	stream.linear.gather [hbm4b:s18+s3], $0x2800, $0x38;
	[tilespmem:$0x1A080] =	vst v63  }
0x3e: {  	s19 =	smov.u32 s17;
	s17 =	sadd.s32 $0x200, s17;
	_ =	swait.ge [sflag:s11], $0x2800  }
.Ltmp1:
0x3f: {  	[sflag:s11] =	ssyncset.done $0x0;
	(pc) =	sbr.rel @p1 .LBB2_4-.Ltmp1, $4  }
0x40: {  	s19 =	sshra.s32 s19, $0x2;
	[sflag:s11] =	ssyncadd.s32 $0xFFFFD800  }
0x41: {  	[spmem:s2] =	stream.indirect.scatter.add.f32 [tilespmem:s12], [sflag:$0x1], $0x80, s19, s13, $0xb8;
	[tilespmem:$0x1A080] =	vst v63  }
0x42: {  	_ =	swait.ge [sflag:s11], $0x2800  }
0x43: {  	[sflag:s11] =	ssyncset.done $0x0  }
0x44: {  	s16 =	sadd.s32 $0x1, s16  }
0x45: {  	[sflag:s11] =	ssyncadd.s32 $0xFFFFD800;
	p1 =	sne.s32 s16, s6  }
.Ltmp2:
0x46: {  	s17 =	simm.s32 @!p0 $0x1;
	[bflag:$0x0] =	sbarrier.arrive $0xFFFF;
	(pc) =	sbr.rel @p1 .LBB2_1-.Ltmp2, $4  }
0x47: {  	[hbm:s15], [sflag:s9] =	dma.local @!p0 [spmem:s10], $0x3E80  }
0x48: {  	_ =	swait.ge @!p0 [sflag:s17], $0x3E80  }
0x49: {  	[sflag:s17] =	ssyncset.done @!p0 $0x0  }
0x4a: {  	[sflag:s17] =	ssyncadd.s32 @!p0 $0xFFFFC180  }
0x4b: {  	_ =	sfence.sel $0x180000  }
0x4c: {  	[bflag:$0x0] =	sbarrier.arrive $0xFFFF  }
0x4d: {  	p0 =	sne.s32 s1, $0x0;
	_ =	strace $0x9000004A  }
0x4e: {  	s0 =	sadd.s32 @!p0 $0x100000, s0;
	[bflag:$0x2] =	sbarrier.arrive $0xFFFF  }
0x4f: {  	[sflag:s0] =	ssyncadd.tile.s32 @!p0 $0x1;
	_ =	shalt  }
.Lfunc_end2:
_tile_overlayer_lowered:
.L_overlay_start_2:
0x50: {  	(tag) =	ssettag $0x2  }
0x51: {  	s0 =	rddreg [dreg:$0x0];
	s2 =	stileid.u32  }
0x52: {  	s1 =	rddreg [dreg:$0x1];
	p0 =	sne.s32 s2, $0x0  }
0x53: {  	s3 =	rddreg [dreg:$0x2];
	[bflag:$0x3] =	sbarrier.arrive $0xFFFF;
	s2 =	simm.s32 @!p0 $0x1C01  }
0x54: {  	[timem:s3], [sflag:s2] =	dma.local @!p0 [hbm:s0], s1  }
0x55: {  	s0 =	simm.s32 @!p0 $0x1  }
0x56: {  	_ =	swait.ge @!p0 [sflag:s0], s1  }
0x57: {  	s1 =	ssub.s32 @!p0 $0x0, s1;
	[sflag:s0] =	ssyncset.done @!p0 $0x0  }
0x58: {  	[sflag:s0] =	ssyncadd.s32 @!p0 s1  }
0x59: {  	[bflag:$0x3] =	sbarrier.arrive $0xFFFF  }
0x5a: {  	_ =	shalt  }

// kernel: kernel.22.cloned.1.call-start
scs
__scs_entry_jumppad:
0x0: {  	(pc) =	sbr.rel $0x88, $3  }
0x1: {  	(tag) =	ssettag $0x0;
	lr =	simm.s32 $0x1  }
0x2: {  	[smem:$0x3F1F] =	sst lr;
	_ =	strace $0xD0000000  }
0x3: {  	_ = 	snop  }
0x4: {  	_ = 	snop  }
0x5: {  	_ = 	snop  }
0x6: {  	_ = 	snop  }
0x7: {  	_ = 	snop  }
__scs_overlays_trampoline_lowered:
0x8: {  	[smem:$0x3F2E] =	sst s0  }
0x9: {  	[smem:$0x3F2F] =	sst s1  }
0xa: {  	[smem:$0x3F30] =	sst s2  }
0xb: {  	[smem:$0x3F31] =	sst s3  }
0xc: {  	[smem:$0x3F32] =	sst s4  }
0xd: {  	[smem:$0x3F33] =	sst s5  }
0xe: {  	[smem:$0x3F34] =	sst s6  }
0xf: {  	[smem:$0x3F35] =	sst s7  }
0x10: {  	[smem:$0x3F36] =	sst s8  }
0x11: {  	[smem:$0x3F37] =	sst s9;
	s0 =	simm.s32 @!p0 $0x0  }
0x12: {  	s1 =	sld [smem:$0x3F1D];
	s0 =	simm.s32 @p0 $0x1  }
0x13: {  	[smem:$0x3F38] =	sst s0;
	s0 =	simm.s32 @!p1 $0x0  }
0x14: {  	s2 =	sld [smem:$0x3F1C];
	s0 =	simm.s32 @p1 $0x1  }
0x15: {  	[smem:$0x3F39] =	sst s0;
	s0 =	simm.s32 @!p2 $0x0  }
0x16: {  	s3 =	sld [smem:$0x3FDB];
	s0 =	simm.s32 @p2 $0x1  }
0x17: {  	s4 =	simm.s32 $0x1BF5;
	[smem:$0x3F3B] =	sst s0  }
0x18: {  	s0 =	sld [smem:$0x3F1E];
	_ =	swait.ge [sflag:s4], $0x0  }
0x19: {  	s7 =	sld [smem:$0x3F1F]  }
0x1a: {  	s8 =	sadd.s32 $0xFFFFE003, lr  }
0x1b: {  	s9 =	sadd.s32 $0xFFFFFEF7, lr;
	s5 =	simm.s32 $0xFFFFFFFF;
	p2 =	slt.u32 s8, $0xFFFFF086  }
0x1c: {  	p1 =	slt.u32 s9, $0xF7A;
	s5 =	simm.s32 @!p2 $0x0  }
0x1d: {  	s5 =	simm.s32 @p1 $0x1;
	p0 =	seq.s32 s7, s2  }
0x1e: {  	s7 =	smul.u32 @!p0 $0xF7A, s2;
	p2 =	seq.s32 @!p0 s5, $0x0  }
0x1f: {  	s9 =	smul.u32 $0xF7A, s1;
	s8 =	simm.s32 @!p0 $0x1BF5;
	p2 =	por !p2, p0  }
0x20: {  	[sflag:s8] =	ssyncset.s32 @!p0 $0xFFFFF086;
	s6 =	sadd.s32 @!p0 s3, s7;
	s7 =	simm.s32 @!p0 $0x108  }
0x21: {  	s3 =	sadd.s32 s3, s9;
	s6 =	sadd.s32 @!p0 $0x88, s6;
	s7 =	simm.s32 @p2 $0x1082  }
0x22: {  	[simem:s7], [sflag:s8] =	dma.local @!p0 [hbm:s6], $0xF7A  }
0x23: {  	s9 =	sor.u32 $0xD0000000, s2;
	s6 =	simm.s32 $0x108;
	_ =	swait.ge @!p0 [sflag:s8], $0x0  }
0x24: {  	s3 =	sadd.s32 $0x88, s3;
	s6 =	simm.s32 @!p1 $0x1082;
	[sflag:s4] =	ssyncset.s32 $0xFFFFF086  }
0x25: {  	[simem:s6], [sflag:s4] =	dma.local [hbm:s3], $0xF7A  }
0x26: {  	[smem:$0x3F1F] =	sst s1;
	(tag) =	ssettag s2;
	_ =	strace s9  }
0x27: {  	s1 =	sld [smem:$0x3F2F]  }
0x28: {  	s2 =	sld [smem:$0x3F30]  }
0x29: {  	s4 =	sld [smem:$0x3F32]  }
0x2a: {  	p0 =	seq.s32 s5, $0x0;
	s5 =	sld [smem:$0x3F33]  }
0x2b: {  	s6 =	sld [smem:$0x3F34]  }
0x2c: {  	s7 =	sld [smem:$0x3F35]  }
0x2d: {  	s3 =	simm.s32 $0x108;
	s8 =	sld [smem:$0x3F36]  }
0x2e: {  	s3 =	simm.s32 @!p0 $0x1082;
	s9 =	sld [smem:$0x3F37]  }
0x2f: {  	lr =	sadd.s32 s0, s3;
	s0 =	sld [smem:$0x3F2E]  }
0x30: {  	s3 =	sld [smem:$0x3F31]  }
0x31: {  	[smem:$0x3F3A] =	sst s10  }
0x32: {  	s10 =	sld [smem:$0x3F38];
	_ =	sdelay $0x3  }
0x33: {  	p0 =	seq.s32 s10, $0x1;
	s10 =	sld [smem:$0x3F3A];
	_ =	sdelay $0x3  }
0x34: {  	[smem:$0x3F3A] =	sst s10  }
0x35: {  	s10 =	sld [smem:$0x3F39];
	_ =	sdelay $0x3  }
0x36: {  	p1 =	seq.s32 s10, $0x1;
	s10 =	sld [smem:$0x3F3A];
	_ =	sdelay $0x3  }
0x37: {  	[smem:$0x3F3A] =	sst s10  }
0x38: {  	s10 =	sld [smem:$0x3F3B]  }
0x39: {  	_ = 	snop;
	(pc) =	sbr.ind lr, $3  }
0x3a: {  	_ = 	snop  }
0x3b: {  	_ = 	snop  }
0x3c: {  	p2 =	seq.s32 s10, $0x1;
	s10 =	sld [smem:$0x3F3A]  }
0x3d: {  	_ =	shalt  }
0x3e: {  	_ =	shalt  }
0x3f: {  	_ =	shalt  }
0x40: {  	_ =	shalt  }
0x41: {  	_ =	shalt  }
0x42: {  	_ =	shalt  }
0x43: {  	_ =	shalt  }
0x44: {  	_ =	shalt  }
0x45: {  	_ =	shalt  }
0x46: {  	_ =	shalt  }
0x47: {  	_ =	shalt  }
0x48: {  	_ =	shalt  }
0x49: {  	_ =	shalt  }
0x4a: {  	_ =	shalt  }
0x4b: {  	_ =	shalt  }
0x4c: {  	_ =	shalt  }
0x4d: {  	_ =	shalt  }
0x4e: {  	_ =	shalt  }
0x4f: {  	_ =	shalt  }
0x50: {  	_ =	shalt  }
0x51: {  	_ =	shalt  }
0x52: {  	_ =	shalt  }
0x53: {  	_ =	shalt  }
0x54: {  	_ =	shalt  }
0x55: {  	_ =	shalt  }
0x56: {  	_ =	shalt  }
0x57: {  	_ =	shalt  }
0x58: {  	_ =	shalt  }
0x59: {  	_ =	shalt  }
0x5a: {  	_ =	shalt  }
0x5b: {  	_ =	shalt  }
0x5c: {  	_ =	shalt  }
0x5d: {  	_ =	shalt  }
0x5e: {  	_ =	shalt  }
0x5f: {  	_ =	shalt  }
0x60: {  	_ =	shalt  }
0x61: {  	_ =	shalt  }
0x62: {  	_ =	shalt  }
0x63: {  	_ =	shalt  }
0x64: {  	_ =	shalt  }
0x65: {  	_ =	shalt  }
0x66: {  	_ =	shalt  }
0x67: {  	_ =	shalt  }
0x68: {  	_ =	shalt  }
0x69: {  	_ =	shalt  }
0x6a: {  	_ =	shalt  }
0x6b: {  	_ =	shalt  }
0x6c: {  	_ =	shalt  }
0x6d: {  	_ =	shalt  }
0x6e: {  	_ =	shalt  }
0x6f: {  	_ =	shalt  }
0x70: {  	_ =	shalt  }
0x71: {  	_ =	shalt  }
0x72: {  	_ =	shalt  }
0x73: {  	_ =	shalt  }
0x74: {  	_ =	shalt  }
0x75: {  	_ =	shalt  }
0x76: {  	_ =	shalt  }
0x77: {  	_ =	shalt  }
0x78: {  	_ =	shalt  }
0x79: {  	_ =	shalt  }
0x7a: {  	_ =	shalt  }
0x7b: {  	_ =	shalt  }
0x7c: {  	_ =	shalt  }
0x7d: {  	_ =	shalt  }
0x7e: {  	_ =	shalt  }
0x7f: {  	_ =	shalt  }
0x80: {  	_ =	shalt  }
0x81: {  	_ =	shalt  }
0x82: {  	_ =	shalt  }
0x83: {  	_ =	shalt  }
0x84: {  	_ =	shalt  }
0x85: {  	_ =	shalt  }
0x86: {  	_ =	shalt  }
0x87: {  	_ =	shalt  }
.Lfunc_end0:
.L_simem_size_0:
called_computation.2_lowered:
.L_overlay_start_0:
0x88: {  	s2 =	sld [smem:$0x3FD9]  }
0x89: {  	s3 =	sld [smem:$0x3FFE];
	_ =	sdelay $0x1  }
0x8a: {  	s1 =	srdreg.scid  }
0x8b: {  	s0 =	sand.u32 $0x1, s1  }
0x8c: {  	s17 =	sshll.u32 s0, $0xA;
	s2 =	sadd.s32 s3, s2  }
0x8d: {  	s2 =	sadd.s32 s2, s17  }
0x8e: {  	[smem:$0x3F46] =	sst s2  }
0x8f: {  	_ = 	snop  }
0x90: {  	s2 =	sld [smem:$0x3FD0];
	(tm) =	ssettm $0x1  }
0x91: {  	s18 =	sld [smem:$0x3FFB];
	_ =	sdelay $0x3  }
0x92: {  	_ =	strace s18  }
0x93: {  	s3 =	sld [smem:$0x3FFC];
	_ =	sdelay $0x3  }
0x94: {  	_ =	strace s3  }
0x95: {  	s3 =	sld [smem:$0x3FFD];
	_ =	sdelay $0x3  }
0x96: {  	_ =	strace s3  }
0x97: {  	_ =	strace $0x8FFFFFFF  }
0x98: {  	s19 =	sld [smem:$0x3FDB];
	_ =	sdelay $0x1  }
0x99: {  	s4 =	simm.s32 $_scs_section_size  }
0x9a: {  	s5 =	simm.s32 $_size__tile_overlayer_lowered;
	s6 =	simm.s32 $_tile_overlayer_lowered  }
0x9b: {  	s22 =	simm.s32 $0x1BFF;
	s21 =	sshll.u32 s6, $0x1;
	s3 =	sadd.s32 s4, s19  }
0x9c: {  	s7 =	simm.s32 $0x0;
	s20 =	sshll.u32 s5, $0x1;
	s5 =	sadd.s32 s21, s3  }
0x9d: {  	[timem:s7], [sflag:s22] =	dma.local [hbm:s5], s20  }
0x9e: {  	_ =	swait.ge [sflag:s22], s20  }
0x9f: {  	s4 =	ssub.s32 $0x0, s20;
	[sflag:s22] =	ssyncset.done $0x0  }
0xa0: {  	[sflag:s22] =	ssyncadd.s32 s4;
	_ =	sdelay $0x1  }
0xa1: {  	s23 =	simm.s32 $0x1B8B  }
0xa2: {  	_ =	swait.ge [sflag:s23], $0x1  }
0xa3: {  	[sflag:s23] =	ssyncset.done $0x0  }
0xa4: {  	s25 =	simm.s32 $0x1B8E;
	s24 =	sld [smem:$0x3FFE];
	[sflag:s23] =	ssyncadd.s32 $0xFFFFFFFF  }
0xa5: {  	s26 =	simm.s32 $execute0_lowered;
	[smem:$0x3FD2] =	sst s25  }
0xa6: {  	s5 =	sshll.u32 s26, $0x1;
	_ =	strace $0x8000004C;
	[dreg:$0x1] =	wrdreg $0xFFFFFFFF  }
0xa7: {  	s28 =	simm.s32 $_size_execute0_lowered;
	s3 =	sadd.s32 s3, s5;
	[dreg:$0x0] =	wrdreg $0x0  }
0xa8: {  	s5 =	sshll.u32 s28, $0x1;
	[dreg:$0x2] =	wrdreg s3  }
0xa9: {  	[dreg:$0x3] =	wrdreg s5  }
0xaa: {  	[dreg:$0x4] =	wrdreg $0xC0  }
0xab: {  	_ =	task [dreg:s7], $0x5FFFF  }
0xac: {  	[dreg:$0x1] =	wrdreg $0xFFFFFFFF  }
0xad: {  	[dreg:$0x0] =	wrdreg $0x60  }
0xae: {  	[dreg:$0x2] =	wrdreg s24  }
0xaf: {  	[dreg:$0x3] =	wrdreg s2  }
0xb0: {  	[dreg:$0x4] =	wrdreg $0x9  }
0xb1: {  	_ =	task.clear_ibuf [dreg:s7], $0x5FFFF;
	_ =	strace $0x9000004C  }
0xb2: {  	s29 =	simm.s32 $0x9;
	_ =	strace $0x8000004E  }
0xb3: {  	_ =	swait.ge [sflag:s29], $0x1  }
0xb4: {  	[sflag:s29] =	ssyncadd.s32 $0xFFFFFFFF  }
0xb5: {  	_ =	strace $0x9000004E  }
0xb6: {  	_ =	sfence  }
0xb7: {  	s30 =	sld [smem:$0x0];
	_ =	sdelay $0x2  }
0xb8: {  	s31 =	sshll.u32 s1, $0xD;
	s1 =	sshrl.u32 s1, $0x2  }
0xb9: {  	s3 =	sand.u32 $0x4000, s31;
	s1 =	sadd.s32 s1, s30  }
0xba: {  	s0 =	sor.u32 s3, s0;
	s1 =	sshll.u32 s1, $0x11  }
0xbb: {  	s0 =	sor.u32 s1, s0  }
0xbc: {  	s0 =	sadd.s32 $0x8F2B, s0  }
0xbd: {  	[sflag:s0] =	ssyncadd.remote.s32 $0x1  }
0xbe: {  	_ =	sfence.sel $0xFFFF  }
0xbf: {  	[dreg:$0x0] =	wrdreg $0xFFFFFFFF;
	(pc) =	sbr.abs _section_cstart, $3  }
0xc0: {  	[dreg:$0x1] =	wrdreg $0xFFFFFFFF  }
0xc1: {  	_ =	task.clear_ibuf [dreg:s7], $0x2FFFF;
	_ =	strace $0x9FFFFFFF  }
0xc2: {  	(tm) =	ssettm $0x7FFFFFFF  }
0xc3: {  	_ =	shalt  }
tec
execute0_lowered:
.L_overlay_start_1:
0x0: {  	(tag) =	ssettag $0x1  }
0x1: {  	s4 =	rddreg [dreg:$0x0]  }
0x2: {  	s5 =	rddreg [dreg:$0x1]  }
0x3: {  	s0 =	rddreg [dreg:$0x2];
	s1 =	simm.s32 $0x0  }
0x4: {  	s6 =	srdreg.scid;
	s2 =	stileid.u32;
	s11 =	simm.s32 $0x50  }
0x5: {  	s12 =	simm.s32 $0x8000;
	s13 =	simm.s32 $0xA800;
	s14 =	simm.s32 $0x1  }
0x6: {  	s15 =	simm.s32 $0x2;
	s16 =	simm.s32 $0x0;
	[smem:$0x7FF] =	sst s1  }
0x7: {  	s3 =	sadd.s32 $0x23E00, s4;
	s6 =	sand.u32 $0x1, s6;
	s7 =	sshll.u32 s2, $0xC  }
0x8: {  	s9 =	smul.u32 $0x4E200, s2;
	_ =	strace $0x8000004D;
	s8 =	sshll.u32 s6, $0xB  }
0x9: {  	s30 =	ssub.s32 $0x2, s6;
	s6 =	smul.u32 $0x27100, s6;
	s7 =	sor.u32 s8, s7  }
0xa: {  	s9 =	sadd.s32 s9, s4;
	s31 =	sshrl.u32 s30, $0x1;
	s10 =	sadd.s32 s7, s4  }
0xb: {  	s8 =	ssub.s32 s30, s31;
	s4 =	sadd.s32 s5, s7;
	s9 =	sadd.s32 s6, s9  }
0xc: {  	s5 =	sadd.s32 $0x13E00, s10;
	s6 =	smax.u32 s8, $0x1;
	s7 =	sadd.s32 $0xE7400, s9  }
0xd: {  	s8 =	sadd.s32 $0x5C9400, s9;
	s9 =	simm.s32 $0x3;
	s10 =	simm.s32 $0x4000  }
.LBB2_1:
0xe: {  	[tilespmem:s1], [sflag:$0x3] =	stream.linear.gather [hbm4b:s4+s1], $0x3E80, $0x38;
	[tilespmem:$0xD000] =	vst v63  }
0xf: {  	_ =	swait.ge [sflag:s9], $0x3E80  }
0x10: {  	[sflag:s9] =	ssyncset.done $0x0  }
0x11: {  	[sflag:s9] =	ssyncadd.s32 $0xFFFFC180  }
0x12: {  	[tilespmem:s10], [sflag:$0x3] =	stream.linear.gather [hbm4b:s5+s1], $0x3E80, $0x38;
	[tilespmem:$0xD000] =	vst v63  }
0x13: {  	_ =	swait.ge [sflag:s9], $0x3E80  }
0x14: {  	[sflag:s9] =	ssyncset.done $0x0  }
0x15: {  	s17 =	simm.s32 $0x0;
	[sflag:s9] =	ssyncadd.s32 $0xFFFFC180  }
0x16: {  	[tilespmem:s12], [sflag:$0x1] =	stream.indirect.gather [hbm4b:s3+s11], $0x80, s17, s11, $0xb8;
	[tilespmem:$0xD000] =	vst v63  }
0x17: {  	s31 =	simm.s32 $0x4000  }
0x18: {  	[tilespmem:s13], [sflag:$0x2] =	stream.indirect.gather [hbm4b:s3+s11], $0x80, s31, s11, $0xb8;
	[tilespmem:$0xD000] =	vst v63  }
0x19: {  	_ =	swait.ge [sflag:s14], $0x2800  }
0x1a: {  	[sflag:s14] =	ssyncset.done $0x0  }
0x1b: {  	[sflag:s14] =	ssyncadd.s32 $0xFFFFD800  }
0x1c: {  	[hbm4b:s7+s1] =	stream.linear.scatter [tilespmem:s12], [sflag:$0x3], $0x2800, $0x38;
	[tilespmem:$0xD000] =	vst v63  }
0x1d: {  	_ =	swait.ge [sflag:s9], $0x2800  }
0x1e: {  	[sflag:s9] =	ssyncset.done $0x0  }
0x1f: {  	[sflag:s9] =	ssyncadd.s32 $0xFFFFD800  }
0x20: {  	_ =	swait.ge [sflag:s15], $0x2800  }
0x21: {  	[sflag:s15] =	ssyncset.done $0x0  }
0x22: {  	[sflag:s15] =	ssyncadd.s32 $0xFFFFD800  }
0x23: {  	[hbm4b:s8+s1] =	stream.linear.scatter [tilespmem:s13], [sflag:$0x3], $0x2800, $0x38;
	[tilespmem:$0xD000] =	vst v63  }
0x24: {  	s19 =	simm.s32 $0x200;
	s20 =	simm.s32 $0x400;
	_ =	swait.ge [sflag:s9], $0x2800  }
0x25: {  	s18 =	sadd.s32 $0x500, s7;
	s17 =	sadd.s32 $0x500, s8;
	[sflag:s9] =	ssyncset.done $0x0  }
.LBB2_2:
0x26: {  	s21 =	sshra.s32 s19, $0x2  }
0x27: {  	[sflag:s9] =	ssyncadd.s32 $0xFFFFD800;
	s19 =	smov.u32 s20;
	s22 =	sadd.s32 $0x200, s20  }
0x28: {  	[tilespmem:s12], [sflag:$0x1] =	stream.indirect.gather [hbm4b:s3+s11], $0x80, s21, s11, $0xb8;
	[tilespmem:$0xD000] =	vst v63  }
0x29: {  	p0 =	sne.s32 s20, $0xF800;
	s20 =	sadd.s32 $0x4000, s21  }
0x2a: {  	[tilespmem:s13], [sflag:$0x2] =	stream.indirect.gather [hbm4b:s3+s11], $0x80, s20, s11, $0xb8;
	[tilespmem:$0xD000] =	vst v63  }
0x2b: {  	_ =	swait.ge [sflag:s14], $0x2800  }
0x2c: {  	[sflag:s14] =	ssyncset.done $0x0  }
0x2d: {  	[sflag:s14] =	ssyncadd.s32 $0xFFFFD800  }
0x2e: {  	[hbm4b:s18+s1] =	stream.linear.scatter [tilespmem:s12], [sflag:$0x3], $0x2800, $0x38;
	[tilespmem:$0xD000] =	vst v63  }
0x2f: {  	_ =	swait.ge [sflag:s9], $0x2800  }
0x30: {  	[sflag:s9] =	ssyncset.done $0x0  }
0x31: {  	[sflag:s9] =	ssyncadd.s32 $0xFFFFD800  }
0x32: {  	_ =	swait.ge [sflag:s15], $0x2800  }
.Ltmp0:
0x33: {  	[sflag:s15] =	ssyncset.done $0x0;
	(pc) =	sbr.rel @p0 .LBB2_2-.Ltmp0, $4  }
0x34: {  	[sflag:s15] =	ssyncadd.s32 $0xFFFFD800  }
0x35: {  	[hbm4b:s17+s1] =	stream.linear.scatter [tilespmem:s13], [sflag:$0x3], $0x2800, $0x38;
	[tilespmem:$0xD000] =	vst v63  }
0x36: {  	s20 =	smov.u32 s22;
	_ =	swait.ge [sflag:s9], $0x2800  }
0x37: {  	s18 =	sadd.s32 $0x500, s18;
	s17 =	sadd.s32 $0x500, s17;
	[sflag:s9] =	ssyncset.done $0x0  }
0x38: {  	s19 =	sshra.s32 s19, $0x2;
	[sflag:s9] =	ssyncadd.s32 $0xFFFFD800  }
0x39: {  	[tilespmem:s12], [sflag:$0x1] =	stream.indirect.gather [hbm4b:s3+s11], $0x80, s19, s11, $0xb8;
	[tilespmem:$0xD000] =	vst v63  }
0x3a: {  	s19 =	sadd.s32 $0x4000, s19  }
0x3b: {  	[tilespmem:s13], [sflag:$0x2] =	stream.indirect.gather [hbm4b:s3+s11], $0x80, s19, s11, $0xb8;
	[tilespmem:$0xD000] =	vst v63  }
0x3c: {  	_ =	swait.ge [sflag:s14], $0x2800  }
0x3d: {  	[sflag:s14] =	ssyncset.done $0x0  }
0x3e: {  	[sflag:s14] =	ssyncadd.s32 $0xFFFFD800  }
0x3f: {  	[hbm4b:s18+s1] =	stream.linear.scatter [tilespmem:s12], [sflag:$0x3], $0x2800, $0x38;
	[tilespmem:$0xD000] =	vst v63  }
0x40: {  	_ =	swait.ge [sflag:s9], $0x2800  }
0x41: {  	[sflag:s9] =	ssyncset.done $0x0  }
0x42: {  	[sflag:s9] =	ssyncadd.s32 $0xFFFFD800  }
0x43: {  	s16 =	sadd.s32 $0x1, s16;
	_ =	swait.ge [sflag:s15], $0x2800  }
0x44: {  	p0 =	sne.s32 s16, s6;
	[sflag:s15] =	ssyncset.done $0x0  }
.Ltmp1:
0x45: {  	[sflag:s15] =	ssyncadd.s32 $0xFFFFD800;
	(pc) =	sbr.rel @p0 .LBB2_1-.Ltmp1, $4  }
0x46: {  	[hbm4b:s17+s1] =	stream.linear.scatter [tilespmem:s13], [sflag:$0x3], $0x2800, $0x38;
	[tilespmem:$0xD000] =	vst v63  }
0x47: {  	_ =	swait.ge [sflag:s9], $0x2800  }
0x48: {  	[sflag:s9] =	ssyncset.done $0x0  }
0x49: {  	[sflag:s9] =	ssyncadd.s32 $0xFFFFD800  }
0x4a: {  	_ =	sfence.sel $0x180000  }
0x4b: {  	[bflag:$0x0] =	sbarrier.arrive $0xFFFF  }
0x4c: {  	p0 =	sne.s32 s2, $0x0;
	_ =	strace $0x9000004D  }
0x4d: {  	s0 =	sadd.s32 @!p0 $0x100000, s0;
	[bflag:$0x2] =	sbarrier.arrive $0xFFFF  }
0x4e: {  	[sflag:s0] =	ssyncadd.tile.s32 @!p0 $0x1;
	_ =	shalt  }
.Lfunc_end2:
_tile_overlayer_lowered:
.L_overlay_start_2:
0x4f: {  	(tag) =	ssettag $0x2  }
0x50: {  	s0 =	rddreg [dreg:$0x0];
	s2 =	stileid.u32  }
0x51: {  	s1 =	rddreg [dreg:$0x1];
	p0 =	sne.s32 s2, $0x0  }
0x52: {  	s3 =	rddreg [dreg:$0x2];
	[bflag:$0x3] =	sbarrier.arrive $0xFFFF;
	s2 =	simm.s32 @!p0 $0x1C03  }
0x53: {  	[timem:s3], [sflag:s2] =	dma.local @!p0 [hbm:s0], s1  }
0x54: {  	s0 =	simm.s32 @!p0 $0x3  }
0x55: {  	_ =	swait.ge @!p0 [sflag:s0], s1  }
0x56: {  	s1 =	ssub.s32 @!p0 $0x0, s1;
	[sflag:s0] =	ssyncset.done @!p0 $0x0  }
0x57: {  	[sflag:s0] =	ssyncadd.s32 @!p0 s1  }
0x58: {  	[bflag:$0x3] =	sbarrier.arrive $0xFFFF  }
0x59: {  	_ =	shalt  }

// kernel: kernel.25.cloned.1.call-start
scs
__scs_entry_jumppad:
0x0: {  	(pc) =	sbr.rel $0x88, $3  }
0x1: {  	(tag) =	ssettag $0x0;
	lr =	simm.s32 $0x1  }
0x2: {  	[smem:$0x3F1F] =	sst lr;
	_ =	strace $0xD0000000  }
0x3: {  	_ = 	snop  }
0x4: {  	_ = 	snop  }
0x5: {  	_ = 	snop  }
0x6: {  	_ = 	snop  }
0x7: {  	_ = 	snop  }
__scs_overlays_trampoline_lowered:
0x8: {  	[smem:$0x3F2E] =	sst s0  }
0x9: {  	[smem:$0x3F2F] =	sst s1  }
0xa: {  	[smem:$0x3F30] =	sst s2  }
0xb: {  	[smem:$0x3F31] =	sst s3  }
0xc: {  	[smem:$0x3F32] =	sst s4  }
0xd: {  	[smem:$0x3F33] =	sst s5  }
0xe: {  	[smem:$0x3F34] =	sst s6  }
0xf: {  	[smem:$0x3F35] =	sst s7  }
0x10: {  	[smem:$0x3F36] =	sst s8  }
0x11: {  	[smem:$0x3F37] =	sst s9;
	s0 =	simm.s32 @!p0 $0x0  }
0x12: {  	s1 =	sld [smem:$0x3F1D];
	s0 =	simm.s32 @p0 $0x1  }
0x13: {  	[smem:$0x3F38] =	sst s0;
	s0 =	simm.s32 @!p1 $0x0  }
0x14: {  	s2 =	sld [smem:$0x3F1C];
	s0 =	simm.s32 @p1 $0x1  }
0x15: {  	[smem:$0x3F39] =	sst s0;
	s0 =	simm.s32 @!p2 $0x0  }
0x16: {  	s3 =	sld [smem:$0x3FDB];
	s0 =	simm.s32 @p2 $0x1  }
0x17: {  	s4 =	simm.s32 $0x1BF5;
	[smem:$0x3F3B] =	sst s0  }
0x18: {  	s0 =	sld [smem:$0x3F1E];
	_ =	swait.ge [sflag:s4], $0x0  }
0x19: {  	s7 =	sld [smem:$0x3F1F]  }
0x1a: {  	s8 =	sadd.s32 $0xFFFFE003, lr  }
0x1b: {  	s9 =	sadd.s32 $0xFFFFFEF7, lr;
	s5 =	simm.s32 $0xFFFFFFFF;
	p2 =	slt.u32 s8, $0xFFFFF086  }
0x1c: {  	p1 =	slt.u32 s9, $0xF7A;
	s5 =	simm.s32 @!p2 $0x0  }
0x1d: {  	s5 =	simm.s32 @p1 $0x1;
	p0 =	seq.s32 s7, s2  }
0x1e: {  	s7 =	smul.u32 @!p0 $0xF7A, s2;
	p2 =	seq.s32 @!p0 s5, $0x0  }
0x1f: {  	s9 =	smul.u32 $0xF7A, s1;
	s8 =	simm.s32 @!p0 $0x1BF5;
	p2 =	por !p2, p0  }
0x20: {  	[sflag:s8] =	ssyncset.s32 @!p0 $0xFFFFF086;
	s6 =	sadd.s32 @!p0 s3, s7;
	s7 =	simm.s32 @!p0 $0x108  }
0x21: {  	s3 =	sadd.s32 s3, s9;
	s6 =	sadd.s32 @!p0 $0x88, s6;
	s7 =	simm.s32 @p2 $0x1082  }
0x22: {  	[simem:s7], [sflag:s8] =	dma.local @!p0 [hbm:s6], $0xF7A  }
0x23: {  	s9 =	sor.u32 $0xD0000000, s2;
	s6 =	simm.s32 $0x108;
	_ =	swait.ge @!p0 [sflag:s8], $0x0  }
0x24: {  	s3 =	sadd.s32 $0x88, s3;
	s6 =	simm.s32 @!p1 $0x1082;
	[sflag:s4] =	ssyncset.s32 $0xFFFFF086  }
0x25: {  	[simem:s6], [sflag:s4] =	dma.local [hbm:s3], $0xF7A  }
0x26: {  	[smem:$0x3F1F] =	sst s1;
	(tag) =	ssettag s2;
	_ =	strace s9  }
0x27: {  	s1 =	sld [smem:$0x3F2F]  }
0x28: {  	s2 =	sld [smem:$0x3F30]  }
0x29: {  	s4 =	sld [smem:$0x3F32]  }
0x2a: {  	p0 =	seq.s32 s5, $0x0;
	s5 =	sld [smem:$0x3F33]  }
0x2b: {  	s6 =	sld [smem:$0x3F34]  }
0x2c: {  	s7 =	sld [smem:$0x3F35]  }
0x2d: {  	s3 =	simm.s32 $0x108;
	s8 =	sld [smem:$0x3F36]  }
0x2e: {  	s3 =	simm.s32 @!p0 $0x1082;
	s9 =	sld [smem:$0x3F37]  }
0x2f: {  	lr =	sadd.s32 s0, s3;
	s0 =	sld [smem:$0x3F2E]  }
0x30: {  	s3 =	sld [smem:$0x3F31]  }
0x31: {  	[smem:$0x3F3A] =	sst s10  }
0x32: {  	s10 =	sld [smem:$0x3F38];
	_ =	sdelay $0x3  }
0x33: {  	p0 =	seq.s32 s10, $0x1;
	s10 =	sld [smem:$0x3F3A];
	_ =	sdelay $0x3  }
0x34: {  	[smem:$0x3F3A] =	sst s10  }
0x35: {  	s10 =	sld [smem:$0x3F39];
	_ =	sdelay $0x3  }
0x36: {  	p1 =	seq.s32 s10, $0x1;
	s10 =	sld [smem:$0x3F3A];
	_ =	sdelay $0x3  }
0x37: {  	[smem:$0x3F3A] =	sst s10  }
0x38: {  	s10 =	sld [smem:$0x3F3B]  }
0x39: {  	_ = 	snop;
	(pc) =	sbr.ind lr, $3  }
0x3a: {  	_ = 	snop  }
0x3b: {  	_ = 	snop  }
0x3c: {  	p2 =	seq.s32 s10, $0x1;
	s10 =	sld [smem:$0x3F3A]  }
0x3d: {  	_ =	shalt  }
0x3e: {  	_ =	shalt  }
0x3f: {  	_ =	shalt  }
0x40: {  	_ =	shalt  }
0x41: {  	_ =	shalt  }
0x42: {  	_ =	shalt  }
0x43: {  	_ =	shalt  }
0x44: {  	_ =	shalt  }
0x45: {  	_ =	shalt  }
0x46: {  	_ =	shalt  }
0x47: {  	_ =	shalt  }
0x48: {  	_ =	shalt  }
0x49: {  	_ =	shalt  }
0x4a: {  	_ =	shalt  }
0x4b: {  	_ =	shalt  }
0x4c: {  	_ =	shalt  }
0x4d: {  	_ =	shalt  }
0x4e: {  	_ =	shalt  }
0x4f: {  	_ =	shalt  }
0x50: {  	_ =	shalt  }
0x51: {  	_ =	shalt  }
0x52: {  	_ =	shalt  }
0x53: {  	_ =	shalt  }
0x54: {  	_ =	shalt  }
0x55: {  	_ =	shalt  }
0x56: {  	_ =	shalt  }
0x57: {  	_ =	shalt  }
0x58: {  	_ =	shalt  }
0x59: {  	_ =	shalt  }
0x5a: {  	_ =	shalt  }
0x5b: {  	_ =	shalt  }
0x5c: {  	_ =	shalt  }
0x5d: {  	_ =	shalt  }
0x5e: {  	_ =	shalt  }
0x5f: {  	_ =	shalt  }
0x60: {  	_ =	shalt  }
0x61: {  	_ =	shalt  }
0x62: {  	_ =	shalt  }
0x63: {  	_ =	shalt  }
0x64: {  	_ =	shalt  }
0x65: {  	_ =	shalt  }
0x66: {  	_ =	shalt  }
0x67: {  	_ =	shalt  }
0x68: {  	_ =	shalt  }
0x69: {  	_ =	shalt  }
0x6a: {  	_ =	shalt  }
0x6b: {  	_ =	shalt  }
0x6c: {  	_ =	shalt  }
0x6d: {  	_ =	shalt  }
0x6e: {  	_ =	shalt  }
0x6f: {  	_ =	shalt  }
0x70: {  	_ =	shalt  }
0x71: {  	_ =	shalt  }
0x72: {  	_ =	shalt  }
0x73: {  	_ =	shalt  }
0x74: {  	_ =	shalt  }
0x75: {  	_ =	shalt  }
0x76: {  	_ =	shalt  }
0x77: {  	_ =	shalt  }
0x78: {  	_ =	shalt  }
0x79: {  	_ =	shalt  }
0x7a: {  	_ =	shalt  }
0x7b: {  	_ =	shalt  }
0x7c: {  	_ =	shalt  }
0x7d: {  	_ =	shalt  }
0x7e: {  	_ =	shalt  }
0x7f: {  	_ =	shalt  }
0x80: {  	_ =	shalt  }
0x81: {  	_ =	shalt  }
0x82: {  	_ =	shalt  }
0x83: {  	_ =	shalt  }
0x84: {  	_ =	shalt  }
0x85: {  	_ =	shalt  }
0x86: {  	_ =	shalt  }
0x87: {  	_ =	shalt  }
.Lfunc_end0:
.L_simem_size_0:
called_computation.3_lowered:
.L_overlay_start_0:
0x88: {  	s2 =	sld [smem:$0x3FD9]  }
0x89: {  	s3 =	sld [smem:$0x3FFE];
	_ =	sdelay $0x1  }
0x8a: {  	s1 =	srdreg.scid  }
0x8b: {  	s0 =	sand.u32 $0x1, s1  }
0x8c: {  	s16 =	sshll.u32 s0, $0xA;
	s2 =	sadd.s32 s3, s2  }
0x8d: {  	s2 =	sadd.s32 s2, s16  }
0x8e: {  	[smem:$0x3F46] =	sst s2  }
0x8f: {  	_ = 	snop  }
0x90: {  	(tm) =	ssettm $0x1  }
0x91: {  	s17 =	sld [smem:$0x3FFB];
	_ =	sdelay $0x3  }
0x92: {  	_ =	strace s17  }
0x93: {  	s2 =	sld [smem:$0x3FFC];
	_ =	sdelay $0x3  }
0x94: {  	_ =	strace s2  }
0x95: {  	s2 =	sld [smem:$0x3FFD];
	_ =	sdelay $0x3  }
0x96: {  	_ =	strace s2  }
0x97: {  	_ =	strace $0x8FFFFFFF  }
0x98: {  	s18 =	sld [smem:$0x3FDB];
	_ =	sdelay $0x1  }
0x99: {  	s19 =	simm.s32 $_scs_section_size  }
0x9a: {  	s4 =	simm.s32 $_size__tile_overlayer_lowered;
	s5 =	simm.s32 $_tile_overlayer_lowered  }
0x9b: {  	s22 =	simm.s32 $0x1BFF;
	s21 =	sshll.u32 s5, $0x1;
	s2 =	sadd.s32 s19, s18  }
0x9c: {  	s6 =	simm.s32 $0x0;
	s20 =	sshll.u32 s4, $0x1;
	s4 =	sadd.s32 s21, s2  }
0x9d: {  	[timem:s6], [sflag:s22] =	dma.local [hbm:s4], s20  }
0x9e: {  	_ =	swait.ge [sflag:s22], s20  }
0x9f: {  	s3 =	ssub.s32 $0x0, s20;
	[sflag:s22] =	ssyncset.done $0x0  }
0xa0: {  	[sflag:s22] =	ssyncadd.s32 s3;
	_ =	sdelay $0x1  }
0xa1: {  	s23 =	simm.s32 $0x1B8B  }
0xa2: {  	_ =	swait.ge [sflag:s23], $0x1  }
0xa3: {  	[sflag:s23] =	ssyncset.done $0x0  }
0xa4: {  	s25 =	simm.s32 $0x1B8E;
	s24 =	sld [smem:$0x3FFE];
	[sflag:s23] =	ssyncadd.s32 $0xFFFFFFFF  }
0xa5: {  	s26 =	simm.s32 $execute0_lowered;
	[smem:$0x3FD2] =	sst s25  }
0xa6: {  	s4 =	sshll.u32 s26, $0x1;
	_ =	strace $0x8000004F;
	[dreg:$0x1] =	wrdreg $0xFFFFFFFF  }
0xa7: {  	s28 =	simm.s32 $_size_execute0_lowered;
	s2 =	sadd.s32 s2, s4;
	[dreg:$0x0] =	wrdreg $0x0  }
0xa8: {  	s4 =	sshll.u32 s28, $0x1;
	[dreg:$0x2] =	wrdreg s2  }
0xa9: {  	[dreg:$0x3] =	wrdreg s4  }
0xaa: {  	[dreg:$0x4] =	wrdreg $0xC0  }
0xab: {  	_ =	task [dreg:s6], $0x5FFFF  }
0xac: {  	[dreg:$0x1] =	wrdreg $0xFFFFFFFF  }
0xad: {  	[dreg:$0x0] =	wrdreg $0x60  }
0xae: {  	[dreg:$0x2] =	wrdreg s24  }
0xaf: {  	[dreg:$0x3] =	wrdreg $0x68000  }
0xb0: {  	[dreg:$0x4] =	wrdreg $0x9  }
0xb1: {  	_ =	task.clear_ibuf [dreg:s6], $0x5FFFF;
	_ =	strace $0x9000004F  }
0xb2: {  	s29 =	simm.s32 $0x9;
	_ =	strace $0x80000051  }
0xb3: {  	_ =	swait.ge [sflag:s29], $0x1  }
0xb4: {  	[sflag:s29] =	ssyncadd.s32 $0xFFFFFFFF  }
0xb5: {  	_ =	strace $0x90000051  }
0xb6: {  	_ =	sfence  }
0xb7: {  	s30 =	sld [smem:$0x0];
	_ =	sdelay $0x2  }
0xb8: {  	s31 =	sshll.u32 s1, $0xD;
	s1 =	sshrl.u32 s1, $0x2  }
0xb9: {  	s3 =	sand.u32 $0x4000, s31;
	s1 =	sadd.s32 s1, s30  }
0xba: {  	s0 =	sor.u32 s3, s0;
	s1 =	sshll.u32 s1, $0x11  }
0xbb: {  	s0 =	sor.u32 s1, s0  }
0xbc: {  	s0 =	sadd.s32 $0x8F2B, s0  }
0xbd: {  	[sflag:s0] =	ssyncadd.remote.s32 $0x1  }
0xbe: {  	_ =	sfence.sel $0xFFFF  }
0xbf: {  	[dreg:$0x0] =	wrdreg $0xFFFFFFFF;
	(pc) =	sbr.abs _section_cstart, $3  }
0xc0: {  	[dreg:$0x1] =	wrdreg $0xFFFFFFFF  }
0xc1: {  	_ =	task.clear_ibuf [dreg:s6], $0x2FFFF;
	_ =	strace $0x9FFFFFFF  }
0xc2: {  	(tm) =	ssettm $0x7FFFFFFF  }
0xc3: {  	_ =	shalt  }
tec
execute0_lowered:
.L_overlay_start_1:
0x0: {  	(tag) =	ssettag $0x1  }
0x1: {  	s4 =	rddreg [dreg:$0x0]  }
0x2: {  	s2 =	rddreg [dreg:$0x1]  }
0x3: {  	s0 =	rddreg [dreg:$0x2]  }
0x4: {  	s3 =	simm.s32 $0x0;
	s5 =	srdreg.scid;
	s1 =	stileid.u32  }
0x5: {  	s12 =	simm.s32 $0x4000;
	s13 =	simm.s32 $0x50;
	s15 =	smul.u32 $0x3E80, s1  }
0x6: {  	[smem:$0x7FF] =	sst s3;
	s5 =	sand.u32 $0x1, s5;
	s29 =	smul.u32 $0x7D000, s1  }
0x7: {  	s6 =	sshll.u32 s1, $0xC;
	s31 =	smul.u32 $0x4E200, s1;
	p0 =	sgt.u32 s1, $0x9  }
0x8: {  	s7 =	sshll.u32 s5, $0xB;
	s8 =	smul.u32 $0x27100, s5;
	_ =	strace $0x80000050  }
0x9: {  	s5 =	ssub.s32 $0x2, s5;
	s6 =	sor.u32 s7, s6;
	s9 =	sadd.s32 s15, s4  }
0xa: {  	s30 =	sshrl.u32 s5, $0x1;
	s7 =	sshrl.u32 s29, $0x2;
	s6 =	sadd.s32 s6, s4  }
0xb: {  	s8 =	sadd.s32 s8, s4;
	s10 =	ssub.s32 s5, s30;
	s11 =	sadd.s32 s7, s2  }
0xc: {  	s4 =	sadd.s32 $0x72000, s9;
	s9 =	sshll.u32 @!p0 s1, $0x6;
	s5 =	sadd.s32 $0x13E00, s6  }
0xd: {  	s14 =	sadd.s32 $0x23E00, s8;
	s16 =	sadd.s32 $0xF8D400, s8;
	s8 =	sadd.s32 s31, s8  }
0xe: {  	s6 =	smax.u32 s10, $0x1;
	s9 =	sor.u32 @!p0 $0x1C01, s9;
	s10 =	sshrl.u32 @!p0 s11, $0x3  }
0xf: {  	s11 =	simm.s32 $0x1;
	s7 =	sadd.s32 $0xAAB400, s8;
	s8 =	sadd.s32 $0x1903A00, s8  }
0x10: {  	s14 =	sadd.s32 @!p0 s15, s14;
	s15 =	sadd.s32 @!p0 s15, s16;
	s16 =	simm.s32 $0x0  }
.LBB2_1:
0x11: {  	[spmem:s10], [sflag:s9] =	dma.local @!p0 [hbm:s4], $0x3E80  }
0x12: {  	s17 =	simm.s32 @!p0 $0x1  }
0x13: {  	_ =	swait.ge @!p0 [sflag:s17], $0x3E80  }
0x14: {  	[sflag:s17] =	ssyncset.done @!p0 $0x0  }
0x15: {  	[sflag:s17] =	ssyncadd.s32 @!p0 $0xFFFFC180  }
0x16: {  	[bflag:$0x0] =	sbarrier.arrive $0xFFFF  }
0x17: {  	[tilespmem:s3], [sflag:$0x1] =	stream.linear.gather [hbm4b:s5+s3], $0x3E80, $0x38;
	[tilespmem:$0x1A080] =	vst v63  }
0x18: {  	_ =	swait.ge [sflag:s11], $0x3E80  }
0x19: {  	[sflag:s11] =	ssyncset.done $0x0  }
0x1a: {  	[sflag:s11] =	ssyncadd.s32 $0xFFFFC180  }
0x1b: {  	[tilespmem:s12], [sflag:$0x1] =	stream.linear.gather [hbm4b:s7+s3], $0x2800, $0x38;
	[tilespmem:$0x1A080] =	vst v63  }
0x1c: {  	_ =	swait.ge [sflag:s11], $0x2800  }
0x1d: {  	[sflag:s11] =	ssyncset.done $0x0  }
0x1e: {  	s31 =	simm.s32 $0x0;
	[sflag:s11] =	ssyncadd.s32 $0xFFFFD800  }
0x1f: {  	[spmem:s2] =	stream.indirect.scatter.add.f32 [tilespmem:s12], [sflag:$0x1], $0x80, s31, s13, $0xb8;
	[tilespmem:$0x1A080] =	vst v63  }
0x20: {  	_ =	swait.ge [sflag:s11], $0x2800  }
0x21: {  	s18 =	smov.u32 s7;
	s17 =	simm.s32 $0x200;
	[sflag:s11] =	ssyncset.done $0x0  }
.LBB2_2:
0x22: {  	p1 =	sne.s32 s17, $0xF800;
	[sflag:s11] =	ssyncadd.s32 $0xFFFFD800;
	s18 =	sadd.s32 $0x500, s18  }
0x23: {  	[tilespmem:s12], [sflag:$0x1] =	stream.linear.gather [hbm4b:s18+s3], $0x2800, $0x38;
	[tilespmem:$0x1A080] =	vst v63  }
0x24: {  	s19 =	smov.u32 s17;
	s17 =	sadd.s32 $0x200, s17;
	_ =	swait.ge [sflag:s11], $0x2800  }
.Ltmp0:
0x25: {  	[sflag:s11] =	ssyncset.done $0x0;
	(pc) =	sbr.rel @p1 .LBB2_2-.Ltmp0, $4  }
0x26: {  	s19 =	sshra.s32 s19, $0x2;
	[sflag:s11] =	ssyncadd.s32 $0xFFFFD800  }
0x27: {  	[spmem:s2] =	stream.indirect.scatter.add.f32 [tilespmem:s12], [sflag:$0x1], $0x80, s19, s13, $0xb8;
	[tilespmem:$0x1A080] =	vst v63  }
0x28: {  	_ =	swait.ge [sflag:s11], $0x2800  }
0x29: {  	[sflag:s11] =	ssyncset.done $0x0  }
0x2a: {  	[sflag:s11] =	ssyncadd.s32 $0xFFFFD800  }
0x2b: {  	s17 =	simm.s32 @!p0 $0x1;
	[bflag:$0x0] =	sbarrier.arrive $0xFFFF  }
0x2c: {  	[hbm:s14], [sflag:s9] =	dma.local @!p0 [spmem:s10], $0x3E80  }
0x2d: {  	_ =	swait.ge @!p0 [sflag:s17], $0x3E80  }
0x2e: {  	[sflag:s17] =	ssyncset.done @!p0 $0x0  }
0x2f: {  	[sflag:s17] =	ssyncadd.s32 @!p0 $0xFFFFC180  }
0x30: {  	[spmem:s10], [sflag:s9] =	dma.local @!p0 [hbm:s4], $0x3E80  }
0x31: {  	_ =	swait.ge @!p0 [sflag:s17], $0x3E80  }
0x32: {  	[sflag:s17] =	ssyncset.done @!p0 $0x0  }
0x33: {  	[sflag:s17] =	ssyncadd.s32 @!p0 $0xFFFFC180  }
0x34: {  	[bflag:$0x0] =	sbarrier.arrive $0xFFFF  }
0x35: {  	[tilespmem:s12], [sflag:$0x1] =	stream.linear.gather [hbm4b:s8+s3], $0x2800, $0x38;
	[tilespmem:$0x1A080] =	vst v63  }
0x36: {  	_ =	swait.ge [sflag:s11], $0x2800  }
0x37: {  	[sflag:s11] =	ssyncset.done $0x0  }
0x38: {  	s31 =	simm.s32 $0x0;
	[sflag:s11] =	ssyncadd.s32 $0xFFFFD800  }
0x39: {  	[spmem:s2] =	stream.indirect.scatter.add.f32 [tilespmem:s12], [sflag:$0x1], $0x80, s31, s13, $0xb8;
	[tilespmem:$0x1A080] =	vst v63  }
0x3a: {  	_ =	swait.ge [sflag:s11], $0x2800  }
0x3b: {  	s18 =	smov.u32 s8;
	s17 =	simm.s32 $0x200;
	[sflag:s11] =	ssyncset.done $0x0  }
.LBB2_4:
0x3c: {  	p1 =	sne.s32 s17, $0xF800;
	[sflag:s11] =	ssyncadd.s32 $0xFFFFD800;
	s18 =	sadd.s32 $0x500, s18  }
0x3d: {  	[tilespmem:s12], [sflag:$0x1] =	stream.linear.gather [hbm4b:s18+s3], $0x2800, $0x38;
	[tilespmem:$0x1A080] =	vst v63  }
0x3e: {  	s19 =	smov.u32 s17;
	s17 =	sadd.s32 $0x200, s17;
	_ =	swait.ge [sflag:s11], $0x2800  }
.Ltmp1:
0x3f: {  	[sflag:s11] =	ssyncset.done $0x0;
	(pc) =	sbr.rel @p1 .LBB2_4-.Ltmp1, $4  }
0x40: {  	s19 =	sshra.s32 s19, $0x2;
	[sflag:s11] =	ssyncadd.s32 $0xFFFFD800  }
0x41: {  	[spmem:s2] =	stream.indirect.scatter.add.f32 [tilespmem:s12], [sflag:$0x1], $0x80, s19, s13, $0xb8;
	[tilespmem:$0x1A080] =	vst v63  }
0x42: {  	_ =	swait.ge [sflag:s11], $0x2800  }
0x43: {  	[sflag:s11] =	ssyncset.done $0x0  }
0x44: {  	s16 =	sadd.s32 $0x1, s16  }
0x45: {  	[sflag:s11] =	ssyncadd.s32 $0xFFFFD800;
	p1 =	sne.s32 s16, s6  }
.Ltmp2:
0x46: {  	s17 =	simm.s32 @!p0 $0x1;
	[bflag:$0x0] =	sbarrier.arrive $0xFFFF;
	(pc) =	sbr.rel @p1 .LBB2_1-.Ltmp2, $4  }
0x47: {  	[hbm:s15], [sflag:s9] =	dma.local @!p0 [spmem:s10], $0x3E80  }
0x48: {  	_ =	swait.ge @!p0 [sflag:s17], $0x3E80  }
0x49: {  	[sflag:s17] =	ssyncset.done @!p0 $0x0  }
0x4a: {  	[sflag:s17] =	ssyncadd.s32 @!p0 $0xFFFFC180  }
0x4b: {  	_ =	sfence.sel $0x180000  }
0x4c: {  	[bflag:$0x0] =	sbarrier.arrive $0xFFFF  }
0x4d: {  	p0 =	sne.s32 s1, $0x0;
	_ =	strace $0x90000050  }
0x4e: {  	s0 =	sadd.s32 @!p0 $0x100000, s0;
	[bflag:$0x2] =	sbarrier.arrive $0xFFFF  }
0x4f: {  	[sflag:s0] =	ssyncadd.tile.s32 @!p0 $0x1;
	_ =	shalt  }
.Lfunc_end2:
_tile_overlayer_lowered:
.L_overlay_start_2:
0x50: {  	(tag) =	ssettag $0x2  }
0x51: {  	s0 =	rddreg [dreg:$0x0];
	s2 =	stileid.u32  }
0x52: {  	s1 =	rddreg [dreg:$0x1];
	p0 =	sne.s32 s2, $0x0  }
0x53: {  	s3 =	rddreg [dreg:$0x2];
	[bflag:$0x3] =	sbarrier.arrive $0xFFFF;
	s2 =	simm.s32 @!p0 $0x1C01  }
0x54: {  	[timem:s3], [sflag:s2] =	dma.local @!p0 [hbm:s0], s1  }
0x55: {  	s0 =	simm.s32 @!p0 $0x1  }
0x56: {  	_ =	swait.ge @!p0 [sflag:s0], s1  }
0x57: {  	s1 =	ssub.s32 @!p0 $0x0, s1;
	[sflag:s0] =	ssyncset.done @!p0 $0x0  }
0x58: {  	[sflag:s0] =	ssyncadd.s32 @!p0 s1  }
0x59: {  	[bflag:$0x3] =	sbarrier.arrive $0xFFFF  }
0x5a: {  	_ =	shalt  }

// kernel: kernel.28.cloned.1.call-start
scs
__scs_entry_jumppad:
0x0: {  	(pc) =	sbr.rel $0x88, $3  }
0x1: {  	(tag) =	ssettag $0x0;
	lr =	simm.s32 $0x1  }
0x2: {  	[smem:$0x3F1F] =	sst lr;
	_ =	strace $0xD0000000  }
0x3: {  	_ = 	snop  }
0x4: {  	_ = 	snop  }
0x5: {  	_ = 	snop  }
0x6: {  	_ = 	snop  }
0x7: {  	_ = 	snop  }
__scs_overlays_trampoline_lowered:
0x8: {  	[smem:$0x3F2E] =	sst s0  }
0x9: {  	[smem:$0x3F2F] =	sst s1  }
0xa: {  	[smem:$0x3F30] =	sst s2  }
0xb: {  	[smem:$0x3F31] =	sst s3  }
0xc: {  	[smem:$0x3F32] =	sst s4  }
0xd: {  	[smem:$0x3F33] =	sst s5  }
0xe: {  	[smem:$0x3F34] =	sst s6  }
0xf: {  	[smem:$0x3F35] =	sst s7  }
0x10: {  	[smem:$0x3F36] =	sst s8  }
0x11: {  	[smem:$0x3F37] =	sst s9;
	s0 =	simm.s32 @!p0 $0x0  }
0x12: {  	s1 =	sld [smem:$0x3F1D];
	s0 =	simm.s32 @p0 $0x1  }
0x13: {  	[smem:$0x3F38] =	sst s0;
	s0 =	simm.s32 @!p1 $0x0  }
0x14: {  	s2 =	sld [smem:$0x3F1C];
	s0 =	simm.s32 @p1 $0x1  }
0x15: {  	[smem:$0x3F39] =	sst s0;
	s0 =	simm.s32 @!p2 $0x0  }
0x16: {  	s3 =	sld [smem:$0x3FDB];
	s0 =	simm.s32 @p2 $0x1  }
0x17: {  	s4 =	simm.s32 $0x1BF5;
	[smem:$0x3F3B] =	sst s0  }
0x18: {  	s0 =	sld [smem:$0x3F1E];
	_ =	swait.ge [sflag:s4], $0x0  }
0x19: {  	s7 =	sld [smem:$0x3F1F]  }
0x1a: {  	s8 =	sadd.s32 $0xFFFFE003, lr  }
0x1b: {  	s9 =	sadd.s32 $0xFFFFFEF7, lr;
	s5 =	simm.s32 $0xFFFFFFFF;
	p2 =	slt.u32 s8, $0xFFFFF086  }
0x1c: {  	p1 =	slt.u32 s9, $0xF7A;
	s5 =	simm.s32 @!p2 $0x0  }
0x1d: {  	s5 =	simm.s32 @p1 $0x1;
	p0 =	seq.s32 s7, s2  }
0x1e: {  	s7 =	smul.u32 @!p0 $0xF7A, s2;
	p2 =	seq.s32 @!p0 s5, $0x0  }
0x1f: {  	s9 =	smul.u32 $0xF7A, s1;
	s8 =	simm.s32 @!p0 $0x1BF5;
	p2 =	por !p2, p0  }
0x20: {  	[sflag:s8] =	ssyncset.s32 @!p0 $0xFFFFF086;
	s6 =	sadd.s32 @!p0 s3, s7;
	s7 =	simm.s32 @!p0 $0x108  }
0x21: {  	s3 =	sadd.s32 s3, s9;
	s6 =	sadd.s32 @!p0 $0x88, s6;
	s7 =	simm.s32 @p2 $0x1082  }
0x22: {  	[simem:s7], [sflag:s8] =	dma.local @!p0 [hbm:s6], $0xF7A  }
0x23: {  	s9 =	sor.u32 $0xD0000000, s2;
	s6 =	simm.s32 $0x108;
	_ =	swait.ge @!p0 [sflag:s8], $0x0  }
0x24: {  	s3 =	sadd.s32 $0x88, s3;
	s6 =	simm.s32 @!p1 $0x1082;
	[sflag:s4] =	ssyncset.s32 $0xFFFFF086  }
0x25: {  	[simem:s6], [sflag:s4] =	dma.local [hbm:s3], $0xF7A  }
0x26: {  	[smem:$0x3F1F] =	sst s1;
	(tag) =	ssettag s2;
	_ =	strace s9  }
0x27: {  	s1 =	sld [smem:$0x3F2F]  }
0x28: {  	s2 =	sld [smem:$0x3F30]  }
0x29: {  	s4 =	sld [smem:$0x3F32]  }
0x2a: {  	p0 =	seq.s32 s5, $0x0;
	s5 =	sld [smem:$0x3F33]  }
0x2b: {  	s6 =	sld [smem:$0x3F34]  }
0x2c: {  	s7 =	sld [smem:$0x3F35]  }
0x2d: {  	s3 =	simm.s32 $0x108;
	s8 =	sld [smem:$0x3F36]  }
0x2e: {  	s3 =	simm.s32 @!p0 $0x1082;
	s9 =	sld [smem:$0x3F37]  }
0x2f: {  	lr =	sadd.s32 s0, s3;
	s0 =	sld [smem:$0x3F2E]  }
0x30: {  	s3 =	sld [smem:$0x3F31]  }
0x31: {  	[smem:$0x3F3A] =	sst s10  }
0x32: {  	s10 =	sld [smem:$0x3F38];
	_ =	sdelay $0x3  }
0x33: {  	p0 =	seq.s32 s10, $0x1;
	s10 =	sld [smem:$0x3F3A];
	_ =	sdelay $0x3  }
0x34: {  	[smem:$0x3F3A] =	sst s10  }
0x35: {  	s10 =	sld [smem:$0x3F39];
	_ =	sdelay $0x3  }
0x36: {  	p1 =	seq.s32 s10, $0x1;
	s10 =	sld [smem:$0x3F3A];
	_ =	sdelay $0x3  }
0x37: {  	[smem:$0x3F3A] =	sst s10  }
0x38: {  	s10 =	sld [smem:$0x3F3B]  }
0x39: {  	_ = 	snop;
	(pc) =	sbr.ind lr, $3  }
0x3a: {  	_ = 	snop  }
0x3b: {  	_ = 	snop  }
0x3c: {  	p2 =	seq.s32 s10, $0x1;
	s10 =	sld [smem:$0x3F3A]  }
0x3d: {  	_ =	shalt  }
0x3e: {  	_ =	shalt  }
0x3f: {  	_ =	shalt  }
0x40: {  	_ =	shalt  }
0x41: {  	_ =	shalt  }
0x42: {  	_ =	shalt  }
0x43: {  	_ =	shalt  }
0x44: {  	_ =	shalt  }
0x45: {  	_ =	shalt  }
0x46: {  	_ =	shalt  }
0x47: {  	_ =	shalt  }
0x48: {  	_ =	shalt  }
0x49: {  	_ =	shalt  }
0x4a: {  	_ =	shalt  }
0x4b: {  	_ =	shalt  }
0x4c: {  	_ =	shalt  }
0x4d: {  	_ =	shalt  }
0x4e: {  	_ =	shalt  }
0x4f: {  	_ =	shalt  }
0x50: {  	_ =	shalt  }
0x51: {  	_ =	shalt  }
0x52: {  	_ =	shalt  }
0x53: {  	_ =	shalt  }
0x54: {  	_ =	shalt  }
0x55: {  	_ =	shalt  }
0x56: {  	_ =	shalt  }
0x57: {  	_ =	shalt  }
0x58: {  	_ =	shalt  }
0x59: {  	_ =	shalt  }
0x5a: {  	_ =	shalt  }
0x5b: {  	_ =	shalt  }
0x5c: {  	_ =	shalt  }
0x5d: {  	_ =	shalt  }
0x5e: {  	_ =	shalt  }
0x5f: {  	_ =	shalt  }
0x60: {  	_ =	shalt  }
0x61: {  	_ =	shalt  }
0x62: {  	_ =	shalt  }
0x63: {  	_ =	shalt  }
0x64: {  	_ =	shalt  }
0x65: {  	_ =	shalt  }
0x66: {  	_ =	shalt  }
0x67: {  	_ =	shalt  }
0x68: {  	_ =	shalt  }
0x69: {  	_ =	shalt  }
0x6a: {  	_ =	shalt  }
0x6b: {  	_ =	shalt  }
0x6c: {  	_ =	shalt  }
0x6d: {  	_ =	shalt  }
0x6e: {  	_ =	shalt  }
0x6f: {  	_ =	shalt  }
0x70: {  	_ =	shalt  }
0x71: {  	_ =	shalt  }
0x72: {  	_ =	shalt  }
0x73: {  	_ =	shalt  }
0x74: {  	_ =	shalt  }
0x75: {  	_ =	shalt  }
0x76: {  	_ =	shalt  }
0x77: {  	_ =	shalt  }
0x78: {  	_ =	shalt  }
0x79: {  	_ =	shalt  }
0x7a: {  	_ =	shalt  }
0x7b: {  	_ =	shalt  }
0x7c: {  	_ =	shalt  }
0x7d: {  	_ =	shalt  }
0x7e: {  	_ =	shalt  }
0x7f: {  	_ =	shalt  }
0x80: {  	_ =	shalt  }
0x81: {  	_ =	shalt  }
0x82: {  	_ =	shalt  }
0x83: {  	_ =	shalt  }
0x84: {  	_ =	shalt  }
0x85: {  	_ =	shalt  }
0x86: {  	_ =	shalt  }
0x87: {  	_ =	shalt  }
.Lfunc_end0:
.L_simem_size_0:
called_computation.4_lowered:
.L_overlay_start_0:
0x88: {  	s2 =	sld [smem:$0x3FD9]  }
0x89: {  	s3 =	sld [smem:$0x3FFE];
	_ =	sdelay $0x1  }
0x8a: {  	s1 =	srdreg.scid  }
0x8b: {  	s0 =	sand.u32 $0x1, s1  }
0x8c: {  	s17 =	sshll.u32 s0, $0xA;
	s2 =	sadd.s32 s3, s2  }
0x8d: {  	s2 =	sadd.s32 s2, s17  }
0x8e: {  	[smem:$0x3F46] =	sst s2  }
0x8f: {  	_ = 	snop  }
0x90: {  	s2 =	sld [smem:$0x3FD0];
	(tm) =	ssettm $0x1  }
0x91: {  	s18 =	sld [smem:$0x3FFB];
	_ =	sdelay $0x3  }
0x92: {  	_ =	strace s18  }
0x93: {  	s3 =	sld [smem:$0x3FFC];
	_ =	sdelay $0x3  }
0x94: {  	_ =	strace s3  }
0x95: {  	s3 =	sld [smem:$0x3FFD];
	_ =	sdelay $0x3  }
0x96: {  	_ =	strace s3  }
0x97: {  	_ =	strace $0x8FFFFFFF  }
0x98: {  	s19 =	sld [smem:$0x3FDB];
	_ =	sdelay $0x1  }
0x99: {  	s4 =	simm.s32 $_scs_section_size  }
0x9a: {  	s5 =	simm.s32 $_size__tile_overlayer_lowered;
	s6 =	simm.s32 $_tile_overlayer_lowered  }
0x9b: {  	s22 =	simm.s32 $0x1BFF;
	s21 =	sshll.u32 s6, $0x1;
	s3 =	sadd.s32 s4, s19  }
0x9c: {  	s7 =	simm.s32 $0x0;
	s20 =	sshll.u32 s5, $0x1;
	s5 =	sadd.s32 s21, s3  }
0x9d: {  	[timem:s7], [sflag:s22] =	dma.local [hbm:s5], s20  }
0x9e: {  	_ =	swait.ge [sflag:s22], s20  }
0x9f: {  	s4 =	ssub.s32 $0x0, s20;
	[sflag:s22] =	ssyncset.done $0x0  }
0xa0: {  	[sflag:s22] =	ssyncadd.s32 s4;
	_ =	sdelay $0x1  }
0xa1: {  	s23 =	simm.s32 $0x1B8B  }
0xa2: {  	_ =	swait.ge [sflag:s23], $0x1  }
0xa3: {  	[sflag:s23] =	ssyncset.done $0x0  }
0xa4: {  	s25 =	simm.s32 $0x1B8E;
	s24 =	sld [smem:$0x3FFE];
	[sflag:s23] =	ssyncadd.s32 $0xFFFFFFFF  }
0xa5: {  	s26 =	simm.s32 $execute0_lowered;
	[smem:$0x3FD2] =	sst s25  }
0xa6: {  	s5 =	sshll.u32 s26, $0x1;
	_ =	strace $0x80000052;
	[dreg:$0x1] =	wrdreg $0xFFFFFFFF  }
0xa7: {  	s28 =	simm.s32 $_size_execute0_lowered;
	s3 =	sadd.s32 s3, s5;
	[dreg:$0x0] =	wrdreg $0x0  }
0xa8: {  	s5 =	sshll.u32 s28, $0x1;
	[dreg:$0x2] =	wrdreg s3  }
0xa9: {  	[dreg:$0x3] =	wrdreg s5  }
0xaa: {  	[dreg:$0x4] =	wrdreg $0xC0  }
0xab: {  	_ =	task [dreg:s7], $0x5FFFF  }
0xac: {  	[dreg:$0x1] =	wrdreg $0xFFFFFFFF  }
0xad: {  	[dreg:$0x0] =	wrdreg $0x60  }
0xae: {  	[dreg:$0x2] =	wrdreg s24  }
0xaf: {  	[dreg:$0x3] =	wrdreg s2  }
0xb0: {  	[dreg:$0x4] =	wrdreg $0x9  }
0xb1: {  	_ =	task.clear_ibuf [dreg:s7], $0x5FFFF;
	_ =	strace $0x90000052  }
0xb2: {  	s29 =	simm.s32 $0x9;
	_ =	strace $0x80000054  }
0xb3: {  	_ =	swait.ge [sflag:s29], $0x1  }
0xb4: {  	[sflag:s29] =	ssyncadd.s32 $0xFFFFFFFF  }
0xb5: {  	_ =	strace $0x90000054  }
0xb6: {  	_ =	sfence  }
0xb7: {  	s30 =	sld [smem:$0x0];
	_ =	sdelay $0x2  }
0xb8: {  	s31 =	sshll.u32 s1, $0xD;
	s1 =	sshrl.u32 s1, $0x2  }
0xb9: {  	s3 =	sand.u32 $0x4000, s31;
	s1 =	sadd.s32 s1, s30  }
0xba: {  	s0 =	sor.u32 s3, s0;
	s1 =	sshll.u32 s1, $0x11  }
0xbb: {  	s0 =	sor.u32 s1, s0  }
0xbc: {  	s0 =	sadd.s32 $0x8F2B, s0  }
0xbd: {  	[sflag:s0] =	ssyncadd.remote.s32 $0x1  }
0xbe: {  	_ =	sfence.sel $0xFFFF  }
0xbf: {  	[dreg:$0x0] =	wrdreg $0xFFFFFFFF;
	(pc) =	sbr.abs _section_cstart, $3  }
0xc0: {  	[dreg:$0x1] =	wrdreg $0xFFFFFFFF  }
0xc1: {  	_ =	task.clear_ibuf [dreg:s7], $0x2FFFF;
	_ =	strace $0x9FFFFFFF  }
0xc2: {  	(tm) =	ssettm $0x7FFFFFFF  }
0xc3: {  	_ =	shalt  }
tec
execute0_lowered:
.L_overlay_start_1:
0x0: {  	(tag) =	ssettag $0x1  }
0x1: {  	s4 =	rddreg [dreg:$0x0]  }
0x2: {  	s5 =	rddreg [dreg:$0x1]  }
0x3: {  	s0 =	rddreg [dreg:$0x2];
	s1 =	simm.s32 $0x0  }
0x4: {  	s6 =	srdreg.scid;
	s2 =	stileid.u32;
	s11 =	simm.s32 $0x50  }
0x5: {  	s12 =	simm.s32 $0x8000;
	s13 =	simm.s32 $0xA800;
	s14 =	simm.s32 $0x1  }
0x6: {  	s15 =	simm.s32 $0x2;
	s16 =	simm.s32 $0x0;
	[smem:$0x7FF] =	sst s1  }
0x7: {  	s3 =	sadd.s32 $0x23E00, s4;
	s6 =	sand.u32 $0x1, s6;
	s7 =	sshll.u32 s2, $0xC  }
0x8: {  	s9 =	smul.u32 $0x4E200, s2;
	_ =	strace $0x80000053;
	s8 =	sshll.u32 s6, $0xB  }
0x9: {  	s30 =	ssub.s32 $0x2, s6;
	s6 =	smul.u32 $0x27100, s6;
	s7 =	sor.u32 s8, s7  }
0xa: {  	s9 =	sadd.s32 s9, s4;
	s31 =	sshrl.u32 s30, $0x1;
	s10 =	sadd.s32 s7, s4  }
0xb: {  	s8 =	ssub.s32 s30, s31;
	s4 =	sadd.s32 s5, s7;
	s9 =	sadd.s32 s6, s9  }
0xc: {  	s5 =	sadd.s32 $0x13E00, s10;
	s6 =	smax.u32 s8, $0x1;
	s7 =	sadd.s32 $0xE7400, s9  }
0xd: {  	s8 =	sadd.s32 $0x5C9400, s9;
	s9 =	simm.s32 $0x3;
	s10 =	simm.s32 $0x4000  }
.LBB2_1:
0xe: {  	[tilespmem:s1], [sflag:$0x3] =	stream.linear.gather [hbm4b:s4+s1], $0x3E80, $0x38;
	[tilespmem:$0xD000] =	vst v63  }
0xf: {  	_ =	swait.ge [sflag:s9], $0x3E80  }
0x10: {  	[sflag:s9] =	ssyncset.done $0x0  }
0x11: {  	[sflag:s9] =	ssyncadd.s32 $0xFFFFC180  }
0x12: {  	[tilespmem:s10], [sflag:$0x3] =	stream.linear.gather [hbm4b:s5+s1], $0x3E80, $0x38;
	[tilespmem:$0xD000] =	vst v63  }
0x13: {  	_ =	swait.ge [sflag:s9], $0x3E80  }
0x14: {  	[sflag:s9] =	ssyncset.done $0x0  }
0x15: {  	s17 =	simm.s32 $0x0;
	[sflag:s9] =	ssyncadd.s32 $0xFFFFC180  }
0x16: {  	[tilespmem:s12], [sflag:$0x1] =	stream.indirect.gather [hbm4b:s3+s11], $0x80, s17, s11, $0xb8;
	[tilespmem:$0xD000] =	vst v63  }
0x17: {  	s31 =	simm.s32 $0x4000  }
0x18: {  	[tilespmem:s13], [sflag:$0x2] =	stream.indirect.gather [hbm4b:s3+s11], $0x80, s31, s11, $0xb8;
	[tilespmem:$0xD000] =	vst v63  }
0x19: {  	_ =	swait.ge [sflag:s14], $0x2800  }
0x1a: {  	[sflag:s14] =	ssyncset.done $0x0  }
0x1b: {  	[sflag:s14] =	ssyncadd.s32 $0xFFFFD800  }
0x1c: {  	[hbm4b:s7+s1] =	stream.linear.scatter [tilespmem:s12], [sflag:$0x3], $0x2800, $0x38;
	[tilespmem:$0xD000] =	vst v63  }
0x1d: {  	_ =	swait.ge [sflag:s9], $0x2800  }
0x1e: {  	[sflag:s9] =	ssyncset.done $0x0  }
0x1f: {  	[sflag:s9] =	ssyncadd.s32 $0xFFFFD800  }
0x20: {  	_ =	swait.ge [sflag:s15], $0x2800  }
0x21: {  	[sflag:s15] =	ssyncset.done $0x0  }
0x22: {  	[sflag:s15] =	ssyncadd.s32 $0xFFFFD800  }
0x23: {  	[hbm4b:s8+s1] =	stream.linear.scatter [tilespmem:s13], [sflag:$0x3], $0x2800, $0x38;
	[tilespmem:$0xD000] =	vst v63  }
0x24: {  	s19 =	simm.s32 $0x200;
	s20 =	simm.s32 $0x400;
	_ =	swait.ge [sflag:s9], $0x2800  }
0x25: {  	s18 =	sadd.s32 $0x500, s7;
	s17 =	sadd.s32 $0x500, s8;
	[sflag:s9] =	ssyncset.done $0x0  }
.LBB2_2:
0x26: {  	s21 =	sshra.s32 s19, $0x2  }
0x27: {  	[sflag:s9] =	ssyncadd.s32 $0xFFFFD800;
	s19 =	smov.u32 s20;
	s22 =	sadd.s32 $0x200, s20  }
0x28: {  	[tilespmem:s12], [sflag:$0x1] =	stream.indirect.gather [hbm4b:s3+s11], $0x80, s21, s11, $0xb8;
	[tilespmem:$0xD000] =	vst v63  }
0x29: {  	p0 =	sne.s32 s20, $0xF800;
	s20 =	sadd.s32 $0x4000, s21  }
0x2a: {  	[tilespmem:s13], [sflag:$0x2] =	stream.indirect.gather [hbm4b:s3+s11], $0x80, s20, s11, $0xb8;
	[tilespmem:$0xD000] =	vst v63  }
0x2b: {  	_ =	swait.ge [sflag:s14], $0x2800  }
0x2c: {  	[sflag:s14] =	ssyncset.done $0x0  }
0x2d: {  	[sflag:s14] =	ssyncadd.s32 $0xFFFFD800  }
0x2e: {  	[hbm4b:s18+s1] =	stream.linear.scatter [tilespmem:s12], [sflag:$0x3], $0x2800, $0x38;
	[tilespmem:$0xD000] =	vst v63  }
0x2f: {  	_ =	swait.ge [sflag:s9], $0x2800  }
0x30: {  	[sflag:s9] =	ssyncset.done $0x0  }
0x31: {  	[sflag:s9] =	ssyncadd.s32 $0xFFFFD800  }
0x32: {  	_ =	swait.ge [sflag:s15], $0x2800  }
.Ltmp0:
0x33: {  	[sflag:s15] =	ssyncset.done $0x0;
	(pc) =	sbr.rel @p0 .LBB2_2-.Ltmp0, $4  }
0x34: {  	[sflag:s15] =	ssyncadd.s32 $0xFFFFD800  }
0x35: {  	[hbm4b:s17+s1] =	stream.linear.scatter [tilespmem:s13], [sflag:$0x3], $0x2800, $0x38;
	[tilespmem:$0xD000] =	vst v63  }
0x36: {  	s20 =	smov.u32 s22;
	_ =	swait.ge [sflag:s9], $0x2800  }
0x37: {  	s18 =	sadd.s32 $0x500, s18;
	s17 =	sadd.s32 $0x500, s17;
	[sflag:s9] =	ssyncset.done $0x0  }
0x38: {  	s19 =	sshra.s32 s19, $0x2;
	[sflag:s9] =	ssyncadd.s32 $0xFFFFD800  }
0x39: {  	[tilespmem:s12], [sflag:$0x1] =	stream.indirect.gather [hbm4b:s3+s11], $0x80, s19, s11, $0xb8;
	[tilespmem:$0xD000] =	vst v63  }
0x3a: {  	s19 =	sadd.s32 $0x4000, s19  }
0x3b: {  	[tilespmem:s13], [sflag:$0x2] =	stream.indirect.gather [hbm4b:s3+s11], $0x80, s19, s11, $0xb8;
	[tilespmem:$0xD000] =	vst v63  }
0x3c: {  	_ =	swait.ge [sflag:s14], $0x2800  }
0x3d: {  	[sflag:s14] =	ssyncset.done $0x0  }
0x3e: {  	[sflag:s14] =	ssyncadd.s32 $0xFFFFD800  }
0x3f: {  	[hbm4b:s18+s1] =	stream.linear.scatter [tilespmem:s12], [sflag:$0x3], $0x2800, $0x38;
	[tilespmem:$0xD000] =	vst v63  }
0x40: {  	_ =	swait.ge [sflag:s9], $0x2800  }
0x41: {  	[sflag:s9] =	ssyncset.done $0x0  }
0x42: {  	[sflag:s9] =	ssyncadd.s32 $0xFFFFD800  }
0x43: {  	s16 =	sadd.s32 $0x1, s16;
	_ =	swait.ge [sflag:s15], $0x2800  }
0x44: {  	p0 =	sne.s32 s16, s6;
	[sflag:s15] =	ssyncset.done $0x0  }
.Ltmp1:
0x45: {  	[sflag:s15] =	ssyncadd.s32 $0xFFFFD800;
	(pc) =	sbr.rel @p0 .LBB2_1-.Ltmp1, $4  }
0x46: {  	[hbm4b:s17+s1] =	stream.linear.scatter [tilespmem:s13], [sflag:$0x3], $0x2800, $0x38;
	[tilespmem:$0xD000] =	vst v63  }
0x47: {  	_ =	swait.ge [sflag:s9], $0x2800  }
0x48: {  	[sflag:s9] =	ssyncset.done $0x0  }
0x49: {  	[sflag:s9] =	ssyncadd.s32 $0xFFFFD800  }
0x4a: {  	_ =	sfence.sel $0x180000  }
0x4b: {  	[bflag:$0x0] =	sbarrier.arrive $0xFFFF  }
0x4c: {  	p0 =	sne.s32 s2, $0x0;
	_ =	strace $0x90000053  }
0x4d: {  	s0 =	sadd.s32 @!p0 $0x100000, s0;
	[bflag:$0x2] =	sbarrier.arrive $0xFFFF  }
0x4e: {  	[sflag:s0] =	ssyncadd.tile.s32 @!p0 $0x1;
	_ =	shalt  }
.Lfunc_end2:
_tile_overlayer_lowered:
.L_overlay_start_2:
0x4f: {  	(tag) =	ssettag $0x2  }
0x50: {  	s0 =	rddreg [dreg:$0x0];
	s2 =	stileid.u32  }
0x51: {  	s1 =	rddreg [dreg:$0x1];
	p0 =	sne.s32 s2, $0x0  }
0x52: {  	s3 =	rddreg [dreg:$0x2];
	[bflag:$0x3] =	sbarrier.arrive $0xFFFF;
	s2 =	simm.s32 @!p0 $0x1C03  }
0x53: {  	[timem:s3], [sflag:s2] =	dma.local @!p0 [hbm:s0], s1  }
0x54: {  	s0 =	simm.s32 @!p0 $0x3  }
0x55: {  	_ =	swait.ge @!p0 [sflag:s0], s1  }
0x56: {  	s1 =	ssub.s32 @!p0 $0x0, s1;
	[sflag:s0] =	ssyncset.done @!p0 $0x0  }
0x57: {  	[sflag:s0] =	ssyncadd.s32 @!p0 s1  }
0x58: {  	[bflag:$0x3] =	sbarrier.arrive $0xFFFF  }
0x59: {  	_ =	shalt  }

// kernel: kernel.31.cloned.1.call-start
scs
__scs_entry_jumppad:
0x0: {  	(pc) =	sbr.rel $0x88, $3  }
0x1: {  	(tag) =	ssettag $0x0;
	lr =	simm.s32 $0x1  }
0x2: {  	[smem:$0x3F1F] =	sst lr;
	_ =	strace $0xD0000000  }
0x3: {  	_ = 	snop  }
0x4: {  	_ = 	snop  }
0x5: {  	_ = 	snop  }
0x6: {  	_ = 	snop  }
0x7: {  	_ = 	snop  }
__scs_overlays_trampoline_lowered:
0x8: {  	[smem:$0x3F2E] =	sst s0  }
0x9: {  	[smem:$0x3F2F] =	sst s1  }
0xa: {  	[smem:$0x3F30] =	sst s2  }
0xb: {  	[smem:$0x3F31] =	sst s3  }
0xc: {  	[smem:$0x3F32] =	sst s4  }
0xd: {  	[smem:$0x3F33] =	sst s5  }
0xe: {  	[smem:$0x3F34] =	sst s6  }
0xf: {  	[smem:$0x3F35] =	sst s7  }
0x10: {  	[smem:$0x3F36] =	sst s8  }
0x11: {  	[smem:$0x3F37] =	sst s9;
	s0 =	simm.s32 @!p0 $0x0  }
0x12: {  	s1 =	sld [smem:$0x3F1D];
	s0 =	simm.s32 @p0 $0x1  }
0x13: {  	[smem:$0x3F38] =	sst s0;
	s0 =	simm.s32 @!p1 $0x0  }
0x14: {  	s2 =	sld [smem:$0x3F1C];
	s0 =	simm.s32 @p1 $0x1  }
0x15: {  	[smem:$0x3F39] =	sst s0;
	s0 =	simm.s32 @!p2 $0x0  }
0x16: {  	s3 =	sld [smem:$0x3FDB];
	s0 =	simm.s32 @p2 $0x1  }
0x17: {  	s4 =	simm.s32 $0x1BF5;
	[smem:$0x3F3B] =	sst s0  }
0x18: {  	s0 =	sld [smem:$0x3F1E];
	_ =	swait.ge [sflag:s4], $0x0  }
0x19: {  	s7 =	sld [smem:$0x3F1F]  }
0x1a: {  	s8 =	sadd.s32 $0xFFFFE003, lr  }
0x1b: {  	s9 =	sadd.s32 $0xFFFFFEF7, lr;
	s5 =	simm.s32 $0xFFFFFFFF;
	p2 =	slt.u32 s8, $0xFFFFF086  }
0x1c: {  	p1 =	slt.u32 s9, $0xF7A;
	s5 =	simm.s32 @!p2 $0x0  }
0x1d: {  	s5 =	simm.s32 @p1 $0x1;
	p0 =	seq.s32 s7, s2  }
0x1e: {  	s7 =	smul.u32 @!p0 $0xF7A, s2;
	p2 =	seq.s32 @!p0 s5, $0x0  }
0x1f: {  	s9 =	smul.u32 $0xF7A, s1;
	s8 =	simm.s32 @!p0 $0x1BF5;
	p2 =	por !p2, p0  }
0x20: {  	[sflag:s8] =	ssyncset.s32 @!p0 $0xFFFFF086;
	s6 =	sadd.s32 @!p0 s3, s7;
	s7 =	simm.s32 @!p0 $0x108  }
0x21: {  	s3 =	sadd.s32 s3, s9;
	s6 =	sadd.s32 @!p0 $0x88, s6;
	s7 =	simm.s32 @p2 $0x1082  }
0x22: {  	[simem:s7], [sflag:s8] =	dma.local @!p0 [hbm:s6], $0xF7A  }
0x23: {  	s9 =	sor.u32 $0xD0000000, s2;
	s6 =	simm.s32 $0x108;
	_ =	swait.ge @!p0 [sflag:s8], $0x0  }
0x24: {  	s3 =	sadd.s32 $0x88, s3;
	s6 =	simm.s32 @!p1 $0x1082;
	[sflag:s4] =	ssyncset.s32 $0xFFFFF086  }
0x25: {  	[simem:s6], [sflag:s4] =	dma.local [hbm:s3], $0xF7A  }
0x26: {  	[smem:$0x3F1F] =	sst s1;
	(tag) =	ssettag s2;
	_ =	strace s9  }
0x27: {  	s1 =	sld [smem:$0x3F2F]  }
0x28: {  	s2 =	sld [smem:$0x3F30]  }
0x29: {  	s4 =	sld [smem:$0x3F32]  }
0x2a: {  	p0 =	seq.s32 s5, $0x0;
	s5 =	sld [smem:$0x3F33]  }
0x2b: {  	s6 =	sld [smem:$0x3F34]  }
0x2c: {  	s7 =	sld [smem:$0x3F35]  }
0x2d: {  	s3 =	simm.s32 $0x108;
	s8 =	sld [smem:$0x3F36]  }
0x2e: {  	s3 =	simm.s32 @!p0 $0x1082;
	s9 =	sld [smem:$0x3F37]  }
0x2f: {  	lr =	sadd.s32 s0, s3;
	s0 =	sld [smem:$0x3F2E]  }
0x30: {  	s3 =	sld [smem:$0x3F31]  }
0x31: {  	[smem:$0x3F3A] =	sst s10  }
0x32: {  	s10 =	sld [smem:$0x3F38];
	_ =	sdelay $0x3  }
0x33: {  	p0 =	seq.s32 s10, $0x1;
	s10 =	sld [smem:$0x3F3A];
	_ =	sdelay $0x3  }
0x34: {  	[smem:$0x3F3A] =	sst s10  }
0x35: {  	s10 =	sld [smem:$0x3F39];
	_ =	sdelay $0x3  }
0x36: {  	p1 =	seq.s32 s10, $0x1;
	s10 =	sld [smem:$0x3F3A];
	_ =	sdelay $0x3  }
0x37: {  	[smem:$0x3F3A] =	sst s10  }
0x38: {  	s10 =	sld [smem:$0x3F3B]  }
0x39: {  	_ = 	snop;
	(pc) =	sbr.ind lr, $3  }
0x3a: {  	_ = 	snop  }
0x3b: {  	_ = 	snop  }
0x3c: {  	p2 =	seq.s32 s10, $0x1;
	s10 =	sld [smem:$0x3F3A]  }
0x3d: {  	_ =	shalt  }
0x3e: {  	_ =	shalt  }
0x3f: {  	_ =	shalt  }
0x40: {  	_ =	shalt  }
0x41: {  	_ =	shalt  }
0x42: {  	_ =	shalt  }
0x43: {  	_ =	shalt  }
0x44: {  	_ =	shalt  }
0x45: {  	_ =	shalt  }
0x46: {  	_ =	shalt  }
0x47: {  	_ =	shalt  }
0x48: {  	_ =	shalt  }
0x49: {  	_ =	shalt  }
0x4a: {  	_ =	shalt  }
0x4b: {  	_ =	shalt  }
0x4c: {  	_ =	shalt  }
0x4d: {  	_ =	shalt  }
0x4e: {  	_ =	shalt  }
0x4f: {  	_ =	shalt  }
0x50: {  	_ =	shalt  }
0x51: {  	_ =	shalt  }
0x52: {  	_ =	shalt  }
0x53: {  	_ =	shalt  }
0x54: {  	_ =	shalt  }
0x55: {  	_ =	shalt  }
0x56: {  	_ =	shalt  }
0x57: {  	_ =	shalt  }
0x58: {  	_ =	shalt  }
0x59: {  	_ =	shalt  }
0x5a: {  	_ =	shalt  }
0x5b: {  	_ =	shalt  }
0x5c: {  	_ =	shalt  }
0x5d: {  	_ =	shalt  }
0x5e: {  	_ =	shalt  }
0x5f: {  	_ =	shalt  }
0x60: {  	_ =	shalt  }
0x61: {  	_ =	shalt  }
0x62: {  	_ =	shalt  }
0x63: {  	_ =	shalt  }
0x64: {  	_ =	shalt  }
0x65: {  	_ =	shalt  }
0x66: {  	_ =	shalt  }
0x67: {  	_ =	shalt  }
0x68: {  	_ =	shalt  }
0x69: {  	_ =	shalt  }
0x6a: {  	_ =	shalt  }
0x6b: {  	_ =	shalt  }
0x6c: {  	_ =	shalt  }
0x6d: {  	_ =	shalt  }
0x6e: {  	_ =	shalt  }
0x6f: {  	_ =	shalt  }
0x70: {  	_ =	shalt  }
0x71: {  	_ =	shalt  }
0x72: {  	_ =	shalt  }
0x73: {  	_ =	shalt  }
0x74: {  	_ =	shalt  }
0x75: {  	_ =	shalt  }
0x76: {  	_ =	shalt  }
0x77: {  	_ =	shalt  }
0x78: {  	_ =	shalt  }
0x79: {  	_ =	shalt  }
0x7a: {  	_ =	shalt  }
0x7b: {  	_ =	shalt  }
0x7c: {  	_ =	shalt  }
0x7d: {  	_ =	shalt  }
0x7e: {  	_ =	shalt  }
0x7f: {  	_ =	shalt  }
0x80: {  	_ =	shalt  }
0x81: {  	_ =	shalt  }
0x82: {  	_ =	shalt  }
0x83: {  	_ =	shalt  }
0x84: {  	_ =	shalt  }
0x85: {  	_ =	shalt  }
0x86: {  	_ =	shalt  }
0x87: {  	_ =	shalt  }
.Lfunc_end0:
.L_simem_size_0:
called_computation.5_lowered:
.L_overlay_start_0:
0x88: {  	s2 =	sld [smem:$0x3FD9]  }
0x89: {  	s3 =	sld [smem:$0x3FFE];
	_ =	sdelay $0x1  }
0x8a: {  	s1 =	srdreg.scid  }
0x8b: {  	s0 =	sand.u32 $0x1, s1  }
0x8c: {  	s16 =	sshll.u32 s0, $0xA;
	s2 =	sadd.s32 s3, s2  }
0x8d: {  	s2 =	sadd.s32 s2, s16  }
0x8e: {  	[smem:$0x3F46] =	sst s2  }
0x8f: {  	_ = 	snop  }
0x90: {  	(tm) =	ssettm $0x1  }
0x91: {  	s17 =	sld [smem:$0x3FFB];
	_ =	sdelay $0x3  }
0x92: {  	_ =	strace s17  }
0x93: {  	s2 =	sld [smem:$0x3FFC];
	_ =	sdelay $0x3  }
0x94: {  	_ =	strace s2  }
0x95: {  	s2 =	sld [smem:$0x3FFD];
	_ =	sdelay $0x3  }
0x96: {  	_ =	strace s2  }
0x97: {  	_ =	strace $0x8FFFFFFF  }
0x98: {  	s18 =	sld [smem:$0x3FDB];
	_ =	sdelay $0x1  }
0x99: {  	s19 =	simm.s32 $_scs_section_size  }
0x9a: {  	s4 =	simm.s32 $_size__tile_overlayer_lowered;
	s5 =	simm.s32 $_tile_overlayer_lowered  }
0x9b: {  	s22 =	simm.s32 $0x1BFF;
	s21 =	sshll.u32 s5, $0x1;
	s2 =	sadd.s32 s19, s18  }
0x9c: {  	s6 =	simm.s32 $0x0;
	s20 =	sshll.u32 s4, $0x1;
	s4 =	sadd.s32 s21, s2  }
0x9d: {  	[timem:s6], [sflag:s22] =	dma.local [hbm:s4], s20  }
0x9e: {  	_ =	swait.ge [sflag:s22], s20  }
0x9f: {  	s3 =	ssub.s32 $0x0, s20;
	[sflag:s22] =	ssyncset.done $0x0  }
0xa0: {  	[sflag:s22] =	ssyncadd.s32 s3;
	_ =	sdelay $0x1  }
0xa1: {  	s23 =	simm.s32 $0x1B8B  }
0xa2: {  	_ =	swait.ge [sflag:s23], $0x1  }
0xa3: {  	[sflag:s23] =	ssyncset.done $0x0  }
0xa4: {  	s25 =	simm.s32 $0x1B8E;
	s24 =	sld [smem:$0x3FFE];
	[sflag:s23] =	ssyncadd.s32 $0xFFFFFFFF  }
0xa5: {  	s26 =	simm.s32 $execute0_lowered;
	[smem:$0x3FD2] =	sst s25  }
0xa6: {  	s4 =	sshll.u32 s26, $0x1;
	_ =	strace $0x80000055;
	[dreg:$0x1] =	wrdreg $0xFFFFFFFF  }
0xa7: {  	s28 =	simm.s32 $_size_execute0_lowered;
	s2 =	sadd.s32 s2, s4;
	[dreg:$0x0] =	wrdreg $0x0  }
0xa8: {  	s4 =	sshll.u32 s28, $0x1;
	[dreg:$0x2] =	wrdreg s2  }
0xa9: {  	[dreg:$0x3] =	wrdreg s4  }
0xaa: {  	[dreg:$0x4] =	wrdreg $0xC0  }
0xab: {  	_ =	task [dreg:s6], $0x5FFFF  }
0xac: {  	[dreg:$0x1] =	wrdreg $0xFFFFFFFF  }
0xad: {  	[dreg:$0x0] =	wrdreg $0x60  }
0xae: {  	[dreg:$0x2] =	wrdreg s24  }
0xaf: {  	[dreg:$0x3] =	wrdreg $0x68000  }
0xb0: {  	[dreg:$0x4] =	wrdreg $0x9  }
0xb1: {  	_ =	task.clear_ibuf [dreg:s6], $0x5FFFF;
	_ =	strace $0x90000055  }
0xb2: {  	s29 =	simm.s32 $0x9;
	_ =	strace $0x80000057  }
0xb3: {  	_ =	swait.ge [sflag:s29], $0x1  }
0xb4: {  	[sflag:s29] =	ssyncadd.s32 $0xFFFFFFFF  }
0xb5: {  	_ =	strace $0x90000057  }
0xb6: {  	_ =	sfence  }
0xb7: {  	s30 =	sld [smem:$0x0];
	_ =	sdelay $0x2  }
0xb8: {  	s31 =	sshll.u32 s1, $0xD;
	s1 =	sshrl.u32 s1, $0x2  }
0xb9: {  	s3 =	sand.u32 $0x4000, s31;
	s1 =	sadd.s32 s1, s30  }
0xba: {  	s0 =	sor.u32 s3, s0;
	s1 =	sshll.u32 s1, $0x11  }
0xbb: {  	s0 =	sor.u32 s1, s0  }
0xbc: {  	s0 =	sadd.s32 $0x8F2B, s0  }
0xbd: {  	[sflag:s0] =	ssyncadd.remote.s32 $0x1  }
0xbe: {  	_ =	sfence.sel $0xFFFF  }
0xbf: {  	[dreg:$0x0] =	wrdreg $0xFFFFFFFF;
	(pc) =	sbr.abs _section_cstart, $3  }
0xc0: {  	[dreg:$0x1] =	wrdreg $0xFFFFFFFF  }
0xc1: {  	_ =	task.clear_ibuf [dreg:s6], $0x2FFFF;
	_ =	strace $0x9FFFFFFF  }
0xc2: {  	(tm) =	ssettm $0x7FFFFFFF  }
0xc3: {  	_ =	shalt  }
tec
execute0_lowered:
.L_overlay_start_1:
0x0: {  	(tag) =	ssettag $0x1  }
0x1: {  	s4 =	rddreg [dreg:$0x0]  }
0x2: {  	s2 =	rddreg [dreg:$0x1]  }
0x3: {  	s0 =	rddreg [dreg:$0x2]  }
0x4: {  	s3 =	simm.s32 $0x0;
	s5 =	srdreg.scid;
	s1 =	stileid.u32  }
0x5: {  	s12 =	simm.s32 $0x4000;
	s13 =	simm.s32 $0x50;
	s15 =	smul.u32 $0x3E80, s1  }
0x6: {  	[smem:$0x7FF] =	sst s3;
	s5 =	sand.u32 $0x1, s5;
	s29 =	smul.u32 $0x7D000, s1  }
0x7: {  	s6 =	sshll.u32 s1, $0xC;
	s31 =	smul.u32 $0x4E200, s1;
	p0 =	sgt.u32 s1, $0x9  }
0x8: {  	s7 =	sshll.u32 s5, $0xB;
	s8 =	smul.u32 $0x27100, s5;
	_ =	strace $0x80000056  }
0x9: {  	s5 =	ssub.s32 $0x2, s5;
	s6 =	sor.u32 s7, s6;
	s9 =	sadd.s32 s15, s4  }
0xa: {  	s30 =	sshrl.u32 s5, $0x1;
	s7 =	sshrl.u32 s29, $0x2;
	s6 =	sadd.s32 s6, s4  }
0xb: {  	s8 =	sadd.s32 s8, s4;
	s10 =	ssub.s32 s5, s30;
	s11 =	sadd.s32 s7, s2  }
0xc: {  	s4 =	sadd.s32 $0x72000, s9;
	s9 =	sshll.u32 @!p0 s1, $0x6;
	s5 =	sadd.s32 $0x13E00, s6  }
0xd: {  	s14 =	sadd.s32 $0x23E00, s8;
	s16 =	sadd.s32 $0xF8D400, s8;
	s8 =	sadd.s32 s31, s8  }
0xe: {  	s6 =	smax.u32 s10, $0x1;
	s9 =	sor.u32 @!p0 $0x1C01, s9;
	s10 =	sshrl.u32 @!p0 s11, $0x3  }
0xf: {  	s11 =	simm.s32 $0x1;
	s7 =	sadd.s32 $0xAAB400, s8;
	s8 =	sadd.s32 $0x1903A00, s8  }
0x10: {  	s14 =	sadd.s32 @!p0 s15, s14;
	s15 =	sadd.s32 @!p0 s15, s16;
	s16 =	simm.s32 $0x0  }
.LBB2_1:
0x11: {  	[spmem:s10], [sflag:s9] =	dma.local @!p0 [hbm:s4], $0x3E80  }
0x12: {  	s17 =	simm.s32 @!p0 $0x1  }
0x13: {  	_ =	swait.ge @!p0 [sflag:s17], $0x3E80  }
0x14: {  	[sflag:s17] =	ssyncset.done @!p0 $0x0  }
0x15: {  	[sflag:s17] =	ssyncadd.s32 @!p0 $0xFFFFC180  }
0x16: {  	[bflag:$0x0] =	sbarrier.arrive $0xFFFF  }
0x17: {  	[tilespmem:s3], [sflag:$0x1] =	stream.linear.gather [hbm4b:s5+s3], $0x3E80, $0x38;
	[tilespmem:$0x1A080] =	vst v63  }
0x18: {  	_ =	swait.ge [sflag:s11], $0x3E80  }
0x19: {  	[sflag:s11] =	ssyncset.done $0x0  }
0x1a: {  	[sflag:s11] =	ssyncadd.s32 $0xFFFFC180  }
0x1b: {  	[tilespmem:s12], [sflag:$0x1] =	stream.linear.gather [hbm4b:s7+s3], $0x2800, $0x38;
	[tilespmem:$0x1A080] =	vst v63  }
0x1c: {  	_ =	swait.ge [sflag:s11], $0x2800  }
0x1d: {  	[sflag:s11] =	ssyncset.done $0x0  }
0x1e: {  	s31 =	simm.s32 $0x0;
	[sflag:s11] =	ssyncadd.s32 $0xFFFFD800  }
0x1f: {  	[spmem:s2] =	stream.indirect.scatter.add.f32 [tilespmem:s12], [sflag:$0x1], $0x80, s31, s13, $0xb8;
	[tilespmem:$0x1A080] =	vst v63  }
0x20: {  	_ =	swait.ge [sflag:s11], $0x2800  }
0x21: {  	s18 =	smov.u32 s7;
	s17 =	simm.s32 $0x200;
	[sflag:s11] =	ssyncset.done $0x0  }
.LBB2_2:
0x22: {  	p1 =	sne.s32 s17, $0xF800;
	[sflag:s11] =	ssyncadd.s32 $0xFFFFD800;
	s18 =	sadd.s32 $0x500, s18  }
0x23: {  	[tilespmem:s12], [sflag:$0x1] =	stream.linear.gather [hbm4b:s18+s3], $0x2800, $0x38;
	[tilespmem:$0x1A080] =	vst v63  }
0x24: {  	s19 =	smov.u32 s17;
	s17 =	sadd.s32 $0x200, s17;
	_ =	swait.ge [sflag:s11], $0x2800  }
.Ltmp0:
0x25: {  	[sflag:s11] =	ssyncset.done $0x0;
	(pc) =	sbr.rel @p1 .LBB2_2-.Ltmp0, $4  }
0x26: {  	s19 =	sshra.s32 s19, $0x2;
	[sflag:s11] =	ssyncadd.s32 $0xFFFFD800  }
0x27: {  	[spmem:s2] =	stream.indirect.scatter.add.f32 [tilespmem:s12], [sflag:$0x1], $0x80, s19, s13, $0xb8;
	[tilespmem:$0x1A080] =	vst v63  }
0x28: {  	_ =	swait.ge [sflag:s11], $0x2800  }
0x29: {  	[sflag:s11] =	ssyncset.done $0x0  }
0x2a: {  	[sflag:s11] =	ssyncadd.s32 $0xFFFFD800  }
0x2b: {  	s17 =	simm.s32 @!p0 $0x1;
	[bflag:$0x0] =	sbarrier.arrive $0xFFFF  }
0x2c: {  	[hbm:s14], [sflag:s9] =	dma.local @!p0 [spmem:s10], $0x3E80  }
0x2d: {  	_ =	swait.ge @!p0 [sflag:s17], $0x3E80  }
0x2e: {  	[sflag:s17] =	ssyncset.done @!p0 $0x0  }
0x2f: {  	[sflag:s17] =	ssyncadd.s32 @!p0 $0xFFFFC180  }
0x30: {  	[spmem:s10], [sflag:s9] =	dma.local @!p0 [hbm:s4], $0x3E80  }
0x31: {  	_ =	swait.ge @!p0 [sflag:s17], $0x3E80  }
0x32: {  	[sflag:s17] =	ssyncset.done @!p0 $0x0  }
0x33: {  	[sflag:s17] =	ssyncadd.s32 @!p0 $0xFFFFC180  }
0x34: {  	[bflag:$0x0] =	sbarrier.arrive $0xFFFF  }
0x35: {  	[tilespmem:s12], [sflag:$0x1] =	stream.linear.gather [hbm4b:s8+s3], $0x2800, $0x38;
	[tilespmem:$0x1A080] =	vst v63  }
0x36: {  	_ =	swait.ge [sflag:s11], $0x2800  }
0x37: {  	[sflag:s11] =	ssyncset.done $0x0  }
0x38: {  	s31 =	simm.s32 $0x0;
	[sflag:s11] =	ssyncadd.s32 $0xFFFFD800  }
0x39: {  	[spmem:s2] =	stream.indirect.scatter.add.f32 [tilespmem:s12], [sflag:$0x1], $0x80, s31, s13, $0xb8;
	[tilespmem:$0x1A080] =	vst v63  }
0x3a: {  	_ =	swait.ge [sflag:s11], $0x2800  }
0x3b: {  	s18 =	smov.u32 s8;
	s17 =	simm.s32 $0x200;
	[sflag:s11] =	ssyncset.done $0x0  }
.LBB2_4:
0x3c: {  	p1 =	sne.s32 s17, $0xF800;
	[sflag:s11] =	ssyncadd.s32 $0xFFFFD800;
	s18 =	sadd.s32 $0x500, s18  }
0x3d: {  	[tilespmem:s12], [sflag:$0x1] =	stream.linear.gather [hbm4b:s18+s3], $0x2800, $0x38;
	[tilespmem:$0x1A080] =	vst v63  }
0x3e: {  	s19 =	smov.u32 s17;
	s17 =	sadd.s32 $0x200, s17;
	_ =	swait.ge [sflag:s11], $0x2800  }
.Ltmp1:
0x3f: {  	[sflag:s11] =	ssyncset.done $0x0;
	(pc) =	sbr.rel @p1 .LBB2_4-.Ltmp1, $4  }
0x40: {  	s19 =	sshra.s32 s19, $0x2;
	[sflag:s11] =	ssyncadd.s32 $0xFFFFD800  }
0x41: {  	[spmem:s2] =	stream.indirect.scatter.add.f32 [tilespmem:s12], [sflag:$0x1], $0x80, s19, s13, $0xb8;
	[tilespmem:$0x1A080] =	vst v63  }
0x42: {  	_ =	swait.ge [sflag:s11], $0x2800  }
0x43: {  	[sflag:s11] =	ssyncset.done $0x0  }
0x44: {  	s16 =	sadd.s32 $0x1, s16  }
0x45: {  	[sflag:s11] =	ssyncadd.s32 $0xFFFFD800;
	p1 =	sne.s32 s16, s6  }
.Ltmp2:
0x46: {  	s17 =	simm.s32 @!p0 $0x1;
	[bflag:$0x0] =	sbarrier.arrive $0xFFFF;
	(pc) =	sbr.rel @p1 .LBB2_1-.Ltmp2, $4  }
0x47: {  	[hbm:s15], [sflag:s9] =	dma.local @!p0 [spmem:s10], $0x3E80  }
0x48: {  	_ =	swait.ge @!p0 [sflag:s17], $0x3E80  }
0x49: {  	[sflag:s17] =	ssyncset.done @!p0 $0x0  }
0x4a: {  	[sflag:s17] =	ssyncadd.s32 @!p0 $0xFFFFC180  }
0x4b: {  	_ =	sfence.sel $0x180000  }
0x4c: {  	[bflag:$0x0] =	sbarrier.arrive $0xFFFF  }
0x4d: {  	p0 =	sne.s32 s1, $0x0;
	_ =	strace $0x90000056  }
0x4e: {  	s0 =	sadd.s32 @!p0 $0x100000, s0;
	[bflag:$0x2] =	sbarrier.arrive $0xFFFF  }
0x4f: {  	[sflag:s0] =	ssyncadd.tile.s32 @!p0 $0x1;
	_ =	shalt  }
.Lfunc_end2:
_tile_overlayer_lowered:
.L_overlay_start_2:
0x50: {  	(tag) =	ssettag $0x2  }
0x51: {  	s0 =	rddreg [dreg:$0x0];
	s2 =	stileid.u32  }
0x52: {  	s1 =	rddreg [dreg:$0x1];
	p0 =	sne.s32 s2, $0x0  }
0x53: {  	s3 =	rddreg [dreg:$0x2];
	[bflag:$0x3] =	sbarrier.arrive $0xFFFF;
	s2 =	simm.s32 @!p0 $0x1C01  }
0x54: {  	[timem:s3], [sflag:s2] =	dma.local @!p0 [hbm:s0], s1  }
0x55: {  	s0 =	simm.s32 @!p0 $0x1  }
0x56: {  	_ =	swait.ge @!p0 [sflag:s0], s1  }
0x57: {  	s1 =	ssub.s32 @!p0 $0x0, s1;
	[sflag:s0] =	ssyncset.done @!p0 $0x0  }
0x58: {  	[sflag:s0] =	ssyncadd.s32 @!p0 s1  }
0x59: {  	[bflag:$0x3] =	sbarrier.arrive $0xFFFF  }
0x5a: {  	_ =	shalt  }

</sc_bundles>
